<compile_context>
chip_gen: v7x
topology: tpu7x:2x2x1
jax: 0.10.2.dev20260603
libtpu: 0.0.44.dev20260713+nightly
codegen_flags: <defaults>
</compile_context>

<pallas_src>
import functools

import jax
import jax.numpy as jnp
from jax import lax
from jax.experimental import pallas as pl
from jax.experimental.pallas import tpu as pltpu
from jax.experimental.pallas import tpu_sc as plsc

VOCAB = 1000000
EMBED = 64
B = 16384
NEG = 20

NC, NS, L = 2, 16, 16
NW = NC * NS
BPW = B // NW
CB = 32
NCHUNK = BPW // CB
NIDX_ROWS = CB * NEG // 128


def _sc_body(context_hbm, cemb_hbm, pos_hbm, neg_hbm,
             pos_out, neg_out,
             pidx0, nidx0, c0, p0, n0,
             pidx1, nidx1, c1, p1, n1,
             pos_sv, neg_sv, sem0, sem1):
    wid = lax.axis_index("s") * NC + lax.axis_index("c")
    lane = lax.iota(jnp.int32, L)
    last_lane = lane == (L - 1)
    set0 = (pidx0, nidx0, c0, p0, n0, sem0)
    set1 = (pidx1, nidx1, c1, p1, n1, sem1)

    def issue(ch, bufs):
        pidx, nidx, c_rows, p_rows, n_rows, sem = bufs
        base = wid * BPW + ch * CB
        pltpu.sync_copy(pos_hbm.at[pl.ds(base, CB)], pidx)
        pltpu.sync_copy(neg_hbm.at[pl.ds(base * NEG, CB * NEG)], nidx)
        pltpu.async_copy(cemb_hbm.at[pl.ds(base, CB), :], c_rows, sem)
        pltpu.async_copy(context_hbm.at[pidx], p_rows, sem)
        for j in range(NIDX_ROWS):
            pltpu.async_copy(context_hbm.at[nidx.at[pl.ds(j * 128, 128)]],
                             n_rows.at[pl.ds(j * 128, 128), :], sem)

    def wait_bufs(bufs):
        pidx, nidx, c_rows, p_rows, n_rows, sem = bufs
        pltpu.make_async_copy(cemb_hbm.at[pl.ds(0, CB), :], c_rows, sem).wait()
        pltpu.make_async_copy(cemb_hbm.at[pl.ds(0, CB), :], p_rows, sem).wait()
        pltpu.make_async_copy(cemb_hbm.at[pl.ds(0, CB * NEG), :],
                              n_rows, sem).wait()

    perms = tuple(lane ^ st for st in (8, 4, 2, 1))

    def _allsum(s):
        for perm in perms:
            s = s + jnp.take_along_axis(s, perm, axis=0)
        return s

    def compute(ch, bufs):
        _, _, c_rows, p_rows, n_rows, _ = bufs
        base = wid * BPW + ch * CB
        zero = jnp.zeros((L,), jnp.float32)

        def group_body(g, carry2):
            def elem_body(ii, acc):
                accp, accn = acc
                i = g * L + ii
                cvs = tuple(c_rows[i, pl.ds(db * L, L)]
                            for db in range(EMBED // L))
                pvs = tuple(p_rows[i, pl.ds(db * L, L)]
                            for db in range(EMBED // L))
                s = cvs[0] * pvs[0]
                for db in range(1, EMBED // L):
                    s = s + cvs[db] * pvs[db]
                sel = lane == ii
                accp = jnp.where(sel, _allsum(s), accp)
                new_accn = []
                for k in range(NEG):
                    r = i * NEG + k
                    s2 = n_rows[r, pl.ds(0, L)] * cvs[0]
                    for db in range(1, EMBED // L):
                        s2 = s2 + n_rows[r, pl.ds(db * L, L)] * cvs[db]
                    new_accn.append(jnp.where(sel, _allsum(s2), accn[k]))
                return accp, tuple(new_accn)

            accp, accn = lax.fori_loop(0, L, elem_body,
                                       (zero, (zero,) * NEG))
            pos_sv[pl.ds(g * L, L)] = accp
            grow = (g * L + lane) * NEG
            for k in range(NEG):
                plsc.store_scatter(neg_sv, [grow + k], accn[k])
            return carry2

        lax.fori_loop(0, CB // L, group_body, 0)
        pltpu.sync_copy(pos_sv, pos_out.at[pl.ds(base, CB)])
        pltpu.sync_copy(neg_sv, neg_out.at[pl.ds(base * NEG, CB * NEG)])

    issue(0, set0)

    def pair_body(h, carry):
        ch0 = 2 * h
        issue(ch0 + 1, set1)
        wait_bufs(set0)
        compute(ch0, set0)
        issue(lax.min(ch0 + 2, NCHUNK - 1), set0)
        wait_bufs(set1)
        compute(ch0 + 1, set1)
        return carry

    lax.fori_loop(0, NCHUNK // 2, pair_body, 0)
    wait_bufs(set0)


@functools.lru_cache(maxsize=None)
def _build_sc_scores():
  return functools.partial(
    pl.kernel,
    out_type=(jax.ShapeDtypeStruct((B,), jnp.float32),
              jax.ShapeDtypeStruct((B * NEG,), jnp.float32)),
    mesh=plsc.VectorSubcoreMesh(core_axis_name="c", subcore_axis_name="s",
                                num_cores=NC, num_subcores=NS),
    compiler_params=pltpu.CompilerParams(needs_layout_passes=False,
                                         use_tc_tiling_on_sc=False),
    scratch_types=(
        [pltpu.VMEM((CB,), jnp.int32),
         pltpu.VMEM((CB * NEG,), jnp.int32),
         pltpu.VMEM((CB, EMBED), jnp.float32),
         pltpu.VMEM((CB, EMBED), jnp.float32),
         pltpu.VMEM((CB * NEG, EMBED), jnp.float32)] * 2
        + [pltpu.VMEM((CB,), jnp.float32),
           pltpu.VMEM((CB * NEG,), jnp.float32),
           pltpu.SemaphoreType.DMA,
           pltpu.SemaphoreType.DMA]
    ),
  )(_sc_body)


def _loss_body(pos_ref, neg_ref, out_ref):
    eps = 1e-07
    ps = pos_ref[...]
    ns = neg_ref[...]
    pos_loss = -jnp.log(jax.nn.sigmoid(ps) + eps)
    neg_loss = -jnp.log(jax.nn.sigmoid(-ns) + eps)
    out_ref[0, 0] = (jnp.sum(pos_loss) / float(B)
                     + jnp.sum(neg_loss) / float(B * NEG))


_tc_loss = pl.pallas_call(
    _loss_body,
    out_shape=jax.ShapeDtypeStruct((1, 1), jnp.float32),
    out_specs=pl.BlockSpec(memory_space=pltpu.SMEM),
)


def kernel(c, pos, neg, center_w, context_w):
    c = c.astype(jnp.int32)
    pos = pos.astype(jnp.int32)
    negf = neg.astype(jnp.int32).reshape(B * NEG)
    c_emb = jnp.take(center_w, c, axis=0)
    pos_s, neg_s = _build_sc_scores()(context_w, c_emb, pos, negf)
    loss = _tc_loss(pos_s.reshape(B // 128, 128),
                    neg_s.reshape(B * NEG // 128, 128))
    return loss[0, 0]

# --- scband reference (transcript-rebuilt; emitter-appended) ---
"""Pipeline reference for scband-skip-gram-17523466568008 (READ-ONLY COPY).

The authoritative reference and input builder live on the scoring server;
editing this copy changes nothing except your own understanding.
"""

import jax, jax.numpy as jnp
import numpy as np

VOCAB = 1000000
EMBED = 64
B = 16384
NEG = 20

def setup_inputs(seed: int = 0) -> dict:
    key = jax.random.key(seed)
    k1, k2, k3, k4 = jax.random.split(key, 4)
    c = jax.random.randint(k1, (B,), 0, VOCAB, dtype=jnp.int64) if jax.config.jax_enable_x64 else jax.random.randint(k1, (B,), 0, VOCAB).astype(jnp.int32)
    pos = jax.random.randint(k2, (B,), 0, VOCAB).astype(c.dtype)
    neg = jax.random.randint(k3, (B, NEG), 0, VOCAB).astype(c.dtype)
    # xavier uniform for center: bound = sqrt(6/(fan_in+fan_out))
    bound = float(np.sqrt(6.0 / (VOCAB + EMBED)))
    center_w = jax.random.uniform(k4, (VOCAB, EMBED), minval=-bound, maxval=bound, dtype=jnp.float32)
    context_w = jnp.zeros((VOCAB, EMBED), dtype=jnp.float32)
    return {"c": c, "pos": pos, "neg": neg, "center_w": center_w, "context_w": context_w}

def reference(c, pos, neg, center_w, context_w):
    c_emb = jnp.take(center_w, c, axis=0)          # [B, D]
    p_emb = jnp.take(context_w, pos, axis=0)       # [B, D]
    n_emb = jnp.take(context_w, neg, axis=0)       # [B, K, D]
    pos_score = jnp.sum(c_emb * p_emb, axis=1)     # [B]
    neg_score = jnp.einsum('bkd,bd->bk', n_emb, c_emb)  # [B, K]
    pos_loss = -jnp.log(jax.nn.sigmoid(pos_score) + 1e-07).mean()
    neg_loss = -jnp.log(jax.nn.sigmoid(-neg_score) + 1e-07).mean()
    return pos_loss + neg_loss

if __name__ == "__main__":
    import jax
    _d = setup_inputs()
    print(jax.jit(kernel)(*tuple(_d.values())))

</pallas_src>

<mosaic_0001>
#map = affine_map<(d0, d1) -> (0, 0)>
#map1 = affine_map<(d0, d1) -> (0)>
module attributes {stable_mosaic.version = 14 : i64} {
  func.func @_sc_body(%arg0: i32, %arg1: i32, %arg2: memref<1000000x64xf32, #tpu.memory_space<hbm>>, %arg3: memref<16384x64xf32, #tpu.memory_space<hbm>>, %arg4: memref<16384xi32, #tpu.memory_space<hbm>>, %arg5: memref<327680xi32, #tpu.memory_space<hbm>>, %arg6: memref<16384xf32, #tpu.memory_space<hbm>>, %arg7: memref<327680xf32, #tpu.memory_space<hbm>>, %arg8: memref<32xi32, #tpu.memory_space<vmem>>, %arg9: memref<640xi32, #tpu.memory_space<vmem>>, %arg10: memref<32x64xf32, #tpu.memory_space<vmem>>, %arg11: memref<32x64xf32, #tpu.memory_space<vmem>>, %arg12: memref<640x64xf32, #tpu.memory_space<vmem>>, %arg13: memref<32xi32, #tpu.memory_space<vmem>>, %arg14: memref<640xi32, #tpu.memory_space<vmem>>, %arg15: memref<32x64xf32, #tpu.memory_space<vmem>>, %arg16: memref<32x64xf32, #tpu.memory_space<vmem>>, %arg17: memref<640x64xf32, #tpu.memory_space<vmem>>, %arg18: memref<32xf32, #tpu.memory_space<vmem>>, %arg19: memref<640xf32, #tpu.memory_space<vmem>>, %arg20: memref<!tpu.dma_semaphore, #tpu.memory_space<semaphore_mem>>, %arg21: memref<!tpu.dma_semaphore, #tpu.memory_space<semaphore_mem>>) attributes {dimension_semantics = [#tpu.dimension_semantics<core_parallel>, #tpu.dimension_semantics<subcore_parallel>], iteration_bounds = array<i64: 2, 16>, scalar_prefetch = 0 : i64, scratch_operands = 14 : i64, tpu.core_type = #tpu.core_type<sc_vector_subcore>, window_params = [{transform_indices = #map}, {transform_indices = #map}, {transform_indices = #map1}, {transform_indices = #map1}, {transform_indices = #map1}, {transform_indices = #map1}]} {
    %mul3A = arith.constant 2 : i32
    %mul3A_0 = arith.muli %arg1, %mul3A : i32
    %add3A = arith.addi %mul3A_0, %arg0 : i32
    %iota3A = tpu.iota {dimensions = array<i32: 0>} : vector<16xi32>
    %eq3A = arith.constant 15 : i32
    %eq3A_1 = vector.broadcast %eq3A : i32 to vector<16xi32>
    %eq3A_2 = arith.cmpi eq, %iota3A, %eq3A_1 : vector<16xi32>
    %xor3A = arith.constant 8 : i32
    %xor3A_3 = vector.broadcast %xor3A : i32 to vector<16xi32>
    %xor3A_4 = arith.xori %iota3A, %xor3A_3 : vector<16xi32>
    %xor3A_5 = arith.constant 4 : i32
    %xor3A_6 = vector.broadcast %xor3A_5 : i32 to vector<16xi32>
    %xor3A_7 = arith.xori %iota3A, %xor3A_6 : vector<16xi32>
    %xor3A_8 = arith.constant 2 : i32
    %xor3A_9 = vector.broadcast %xor3A_8 : i32 to vector<16xi32>
    %xor3A_10 = arith.xori %iota3A, %xor3A_9 : vector<16xi32>
    %xor3A_11 = arith.constant 1 : i32
    %xor3A_12 = vector.broadcast %xor3A_11 : i32 to vector<16xi32>
    %xor3A_13 = arith.xori %iota3A, %xor3A_12 : vector<16xi32>
    %mul3A_14 = arith.constant 512 : i32
    %mul3A_15 = arith.muli %add3A, %mul3A_14 : i32
    %add3A_16 = arith.constant 0 : i32
    %add3A_17 = arith.addi %mul3A_15, %add3A_16 : i32
    "tpu.region"() ({
      %run_scoped3A = tpu.sem_alloc : memref<!tpu.dma_semaphore, #tpu.memory_space<semaphore_mem>>
      %dma_start3A_88 = tpu.memref_slice %arg4[%add3A_17] : memref<16384xi32, #tpu.memory_space<hbm>> -> memref<32xi32, #tpu.memory_space<hbm>>
      %dma_start3A_89 = tpu.memref_slice %arg4[%add3A_17] : memref<16384xi32, #tpu.memory_space<hbm>> -> memref<32xi32, #tpu.memory_space<hbm>>
      tpu.enqueue_dma source(%dma_start3A_89 : memref<32xi32, #tpu.memory_space<hbm>>) target(%arg8 : memref<32xi32, #tpu.memory_space<vmem>>) target_semaphore(%run_scoped3A : memref<!tpu.dma_semaphore, #tpu.memory_space<semaphore_mem>>)
      %dma_wait3A_90 = tpu.memref_slice %arg4[%add3A_17] : memref<16384xi32, #tpu.memory_space<hbm>> -> memref<32xi32, #tpu.memory_space<hbm>>
      %dma_wait3A_91 = tpu.memref_slice %arg4[%add3A_17] : memref<16384xi32, #tpu.memory_space<hbm>> -> memref<32xi32, #tpu.memory_space<hbm>>
      tpu.wait_dma2 semaphore(%run_scoped3A : memref<!tpu.dma_semaphore, #tpu.memory_space<semaphore_mem>>) src(%dma_wait3A_91 : memref<32xi32, #tpu.memory_space<hbm>>) dst(%arg8 : memref<32xi32, #tpu.memory_space<vmem>>)
      tpu.yield
    }) : () -> ()
    %mul3A_18 = arith.constant 20 : i32
    %mul3A_19 = arith.muli %add3A_17, %mul3A_18 : i32
    "tpu.region"() ({
      %run_scoped3A = tpu.sem_alloc : memref<!tpu.dma_semaphore, #tpu.memory_space<semaphore_mem>>
      %dma_start3A_88 = tpu.memref_slice %arg5[%mul3A_19] : memref<327680xi32, #tpu.memory_space<hbm>> -> memref<640xi32, #tpu.memory_space<hbm>>
      %dma_start3A_89 = tpu.memref_slice %arg5[%mul3A_19] : memref<327680xi32, #tpu.memory_space<hbm>> -> memref<640xi32, #tpu.memory_space<hbm>>
      tpu.enqueue_dma source(%dma_start3A_89 : memref<640xi32, #tpu.memory_space<hbm>>) target(%arg9 : memref<640xi32, #tpu.memory_space<vmem>>) target_semaphore(%run_scoped3A : memref<!tpu.dma_semaphore, #tpu.memory_space<semaphore_mem>>)
      %dma_wait3A_90 = tpu.memref_slice %arg5[%mul3A_19] : memref<327680xi32, #tpu.memory_space<hbm>> -> memref<640xi32, #tpu.memory_space<hbm>>
      %dma_wait3A_91 = tpu.memref_slice %arg5[%mul3A_19] : memref<327680xi32, #tpu.memory_space<hbm>> -> memref<640xi32, #tpu.memory_space<hbm>>
      tpu.wait_dma2 semaphore(%run_scoped3A : memref<!tpu.dma_semaphore, #tpu.memory_space<semaphore_mem>>) src(%dma_wait3A_91 : memref<640xi32, #tpu.memory_space<hbm>>) dst(%arg9 : memref<640xi32, #tpu.memory_space<vmem>>)
      tpu.yield
    }) : () -> ()
    %dma_start3A = arith.constant 0 : i32
    %dma_start3A_20 = tpu.memref_slice %arg3[%add3A_17, %dma_start3A] : memref<16384x64xf32, #tpu.memory_space<hbm>> -> memref<32x64xf32, #tpu.memory_space<hbm>>
    %dma_start3A_21 = arith.constant 0 : i32
    %dma_start3A_22 = tpu.memref_slice %arg3[%add3A_17, %dma_start3A_21] : memref<16384x64xf32, #tpu.memory_space<hbm>> -> memref<32x64xf32, #tpu.memory_space<hbm>>
    tpu.enqueue_dma source(%dma_start3A_22 : memref<32x64xf32, #tpu.memory_space<hbm>>) target(%arg10 : memref<32x64xf32, #tpu.memory_space<vmem>>) target_semaphore(%arg20 : memref<!tpu.dma_semaphore, #tpu.memory_space<semaphore_mem>>)
    %dma_start3A_23 = arith.constant 0 : i32
    %dma_start3A_24 = arith.constant 0 : i32
    %dma_start3A_25 = tpu.memref_slice %arg2[%dma_start3A_23, %dma_start3A_24] : memref<1000000x64xf32, #tpu.memory_space<hbm>> -> memref<1000000x64xf32, #tpu.memory_space<hbm>>
    tpu.enqueue_indirect_dma source(%dma_start3A_25 : memref<1000000x64xf32, #tpu.memory_space<hbm>>) target(%arg11 : memref<32x64xf32, #tpu.memory_space<vmem>>) offsets(%arg8 : memref<32xi32, #tpu.memory_space<vmem>>) semaphore(%arg20 : memref<!tpu.dma_semaphore, #tpu.memory_space<semaphore_mem>>)
    %dma_start3A_26 = arith.constant 0 : i32
    %dma_start3A_27 = arith.constant 0 : i32
    %dma_start3A_28 = tpu.memref_slice %arg12[%dma_start3A_26, %dma_start3A_27] : memref<640x64xf32, #tpu.memory_space<vmem>> -> memref<128x64xf32, #tpu.memory_space<vmem>>
    %dma_start3A_29 = arith.constant 0 : i32
    %dma_start3A_30 = tpu.memref_slice %arg9[%dma_start3A_29] : memref<640xi32, #tpu.memory_space<vmem>> -> memref<128xi32, #tpu.memory_space<vmem>>
    %dma_start3A_31 = arith.constant 0 : i32
    %dma_start3A_32 = arith.constant 0 : i32
    %dma_start3A_33 = tpu.memref_slice %arg2[%dma_start3A_31, %dma_start3A_32] : memref<1000000x64xf32, #tpu.memory_space<hbm>> -> memref<1000000x64xf32, #tpu.memory_space<hbm>>
    tpu.enqueue_indirect_dma source(%dma_start3A_33 : memref<1000000x64xf32, #tpu.memory_space<hbm>>) target(%dma_start3A_28 : memref<128x64xf32, #tpu.memory_space<vmem>>) offsets(%dma_start3A_30 : memref<128xi32, #tpu.memory_space<vmem>>) semaphore(%arg20 : memref<!tpu.dma_semaphore, #tpu.memory_space<semaphore_mem>>)
    %dma_start3A_34 = arith.constant 128 : i32
    %dma_start3A_35 = arith.constant 0 : i32
    %dma_start3A_36 = tpu.memref_slice %arg12[%dma_start3A_34, %dma_start3A_35] : memref<640x64xf32, #tpu.memory_space<vmem>> -> memref<128x64xf32, #tpu.memory_space<vmem>>
    %dma_start3A_37 = arith.constant 128 : i32
    %dma_start3A_38 = tpu.memref_slice %arg9[%dma_start3A_37] : memref<640xi32, #tpu.memory_space<vmem>> -> memref<128xi32, #tpu.memory_space<vmem>>
    %dma_start3A_39 = arith.constant 0 : i32
    %dma_start3A_40 = arith.constant 0 : i32
    %dma_start3A_41 = tpu.memref_slice %arg2[%dma_start3A_39, %dma_start3A_40] : memref<1000000x64xf32, #tpu.memory_space<hbm>> -> memref<1000000x64xf32, #tpu.memory_space<hbm>>
    tpu.enqueue_indirect_dma source(%dma_start3A_41 : memref<1000000x64xf32, #tpu.memory_space<hbm>>) target(%dma_start3A_36 : memref<128x64xf32, #tpu.memory_space<vmem>>) offsets(%dma_start3A_38 : memref<128xi32, #tpu.memory_space<vmem>>) semaphore(%arg20 : memref<!tpu.dma_semaphore, #tpu.memory_space<semaphore_mem>>)
    %dma_start3A_42 = arith.constant 256 : i32
    %dma_start3A_43 = arith.constant 0 : i32
    %dma_start3A_44 = tpu.memref_slice %arg12[%dma_start3A_42, %dma_start3A_43] : memref<640x64xf32, #tpu.memory_space<vmem>> -> memref<128x64xf32, #tpu.memory_space<vmem>>
    %dma_start3A_45 = arith.constant 256 : i32
    %dma_start3A_46 = tpu.memref_slice %arg9[%dma_start3A_45] : memref<640xi32, #tpu.memory_space<vmem>> -> memref<128xi32, #tpu.memory_space<vmem>>
    %dma_start3A_47 = arith.constant 0 : i32
    %dma_start3A_48 = arith.constant 0 : i32
    %dma_start3A_49 = tpu.memref_slice %arg2[%dma_start3A_47, %dma_start3A_48] : memref<1000000x64xf32, #tpu.memory_space<hbm>> -> memref<1000000x64xf32, #tpu.memory_space<hbm>>
    tpu.enqueue_indirect_dma source(%dma_start3A_49 : memref<1000000x64xf32, #tpu.memory_space<hbm>>) target(%dma_start3A_44 : memref<128x64xf32, #tpu.memory_space<vmem>>) offsets(%dma_start3A_46 : memref<128xi32, #tpu.memory_space<vmem>>) semaphore(%arg20 : memref<!tpu.dma_semaphore, #tpu.memory_space<semaphore_mem>>)
    %dma_start3A_50 = arith.constant 384 : i32
    %dma_start3A_51 = arith.constant 0 : i32
    %dma_start3A_52 = tpu.memref_slice %arg12[%dma_start3A_50, %dma_start3A_51] : memref<640x64xf32, #tpu.memory_space<vmem>> -> memref<128x64xf32, #tpu.memory_space<vmem>>
    %dma_start3A_53 = arith.constant 384 : i32
    %dma_start3A_54 = tpu.memref_slice %arg9[%dma_start3A_53] : memref<640xi32, #tpu.memory_space<vmem>> -> memref<128xi32, #tpu.memory_space<vmem>>
    %dma_start3A_55 = arith.constant 0 : i32
    %dma_start3A_56 = arith.constant 0 : i32
    %dma_start3A_57 = tpu.memref_slice %arg2[%dma_start3A_55, %dma_start3A_56] : memref<1000000x64xf32, #tpu.memory_space<hbm>> -> memref<1000000x64xf32, #tpu.memory_space<hbm>>
    tpu.enqueue_indirect_dma source(%dma_start3A_57 : memref<1000000x64xf32, #tpu.memory_space<hbm>>) target(%dma_start3A_52 : memref<128x64xf32, #tpu.memory_space<vmem>>) offsets(%dma_start3A_54 : memref<128xi32, #tpu.memory_space<vmem>>) semaphore(%arg20 : memref<!tpu.dma_semaphore, #tpu.memory_space<semaphore_mem>>)
    %dma_start3A_58 = arith.constant 512 : i32
    %dma_start3A_59 = arith.constant 0 : i32
    %dma_start3A_60 = tpu.memref_slice %arg12[%dma_start3A_58, %dma_start3A_59] : memref<640x64xf32, #tpu.memory_space<vmem>> -> memref<128x64xf32, #tpu.memory_space<vmem>>
    %dma_start3A_61 = arith.constant 512 : i32
    %dma_start3A_62 = tpu.memref_slice %arg9[%dma_start3A_61] : memref<640xi32, #tpu.memory_space<vmem>> -> memref<128xi32, #tpu.memory_space<vmem>>
    %dma_start3A_63 = arith.constant 0 : i32
    %dma_start3A_64 = arith.constant 0 : i32
    %dma_start3A_65 = tpu.memref_slice %arg2[%dma_start3A_63, %dma_start3A_64] : memref<1000000x64xf32, #tpu.memory_space<hbm>> -> memref<1000000x64xf32, #tpu.memory_space<hbm>>
    tpu.enqueue_indirect_dma source(%dma_start3A_65 : memref<1000000x64xf32, #tpu.memory_space<hbm>>) target(%dma_start3A_60 : memref<128x64xf32, #tpu.memory_space<vmem>>) offsets(%dma_start3A_62 : memref<128xi32, #tpu.memory_space<vmem>>) semaphore(%arg20 : memref<!tpu.dma_semaphore, #tpu.memory_space<semaphore_mem>>)
    %scan3A = arith.constant 0 : i32
    %scan3A_66 = arith.constant 0 : i32
    %scan3A_67 = arith.constant 8 : i32
    %scan3A_68 = arith.addi %scan3A_66, %scan3A_67 : i32
    %scan3A_69 = arith.constant 1 : i32
    scf.for %scan3A_88 = %scan3A_66 to %scan3A_68 step %scan3A_69  : i32 {
      %mul3A_89 = arith.constant 2 : i32
      %mul3A_90 = arith.muli %mul3A_89, %scan3A_88 : i32
      %add3A_91 = arith.constant 1 : i32
      %add3A_92 = arith.addi %mul3A_90, %add3A_91 : i32
      %mul3A_93 = arith.constant 512 : i32
      %mul3A_94 = arith.muli %add3A, %mul3A_93 : i32
      %mul3A_95 = arith.constant 32 : i32
      %mul3A_96 = arith.muli %add3A_92, %mul3A_95 : i32
      %add3A_97 = arith.addi %mul3A_94, %mul3A_96 : i32
      "tpu.region"() ({
        %run_scoped3A = tpu.sem_alloc : memref<!tpu.dma_semaphore, #tpu.memory_space<semaphore_mem>>
        %dma_start3A_271 = tpu.memref_slice %arg4[%add3A_97] : memref<16384xi32, #tpu.memory_space<hbm>> -> memref<32xi32, #tpu.memory_space<hbm>>
        %dma_start3A_272 = tpu.memref_slice %arg4[%add3A_97] : memref<16384xi32, #tpu.memory_space<hbm>> -> memref<32xi32, #tpu.memory_space<hbm>>
        tpu.enqueue_dma source(%dma_start3A_272 : memref<32xi32, #tpu.memory_space<hbm>>) target(%arg13 : memref<32xi32, #tpu.memory_space<vmem>>) target_semaphore(%run_scoped3A : memref<!tpu.dma_semaphore, #tpu.memory_space<semaphore_mem>>)
        %dma_wait3A_273 = tpu.memref_slice %arg4[%add3A_97] : memref<16384xi32, #tpu.memory_space<hbm>> -> memref<32xi32, #tpu.memory_space<hbm>>
        %dma_wait3A_274 = tpu.memref_slice %arg4[%add3A_97] : memref<16384xi32, #tpu.memory_space<hbm>> -> memref<32xi32, #tpu.memory_space<hbm>>
        tpu.wait_dma2 semaphore(%run_scoped3A : memref<!tpu.dma_semaphore, #tpu.memory_space<semaphore_mem>>) src(%dma_wait3A_274 : memref<32xi32, #tpu.memory_space<hbm>>) dst(%arg13 : memref<32xi32, #tpu.memory_space<vmem>>)
        tpu.yield
      }) : () -> ()
      %mul3A_98 = arith.constant 20 : i32
      %mul3A_99 = arith.muli %add3A_97, %mul3A_98 : i32
      "tpu.region"() ({
        %run_scoped3A = tpu.sem_alloc : memref<!tpu.dma_semaphore, #tpu.memory_space<semaphore_mem>>
        %dma_start3A_271 = tpu.memref_slice %arg5[%mul3A_99] : memref<327680xi32, #tpu.memory_space<hbm>> -> memref<640xi32, #tpu.memory_space<hbm>>
        %dma_start3A_272 = tpu.memref_slice %arg5[%mul3A_99] : memref<327680xi32, #tpu.memory_space<hbm>> -> memref<640xi32, #tpu.memory_space<hbm>>
        tpu.enqueue_dma source(%dma_start3A_272 : memref<640xi32, #tpu.memory_space<hbm>>) target(%arg14 : memref<640xi32, #tpu.memory_space<vmem>>) target_semaphore(%run_scoped3A : memref<!tpu.dma_semaphore, #tpu.memory_space<semaphore_mem>>)
        %dma_wait3A_273 = tpu.memref_slice %arg5[%mul3A_99] : memref<327680xi32, #tpu.memory_space<hbm>> -> memref<640xi32, #tpu.memory_space<hbm>>
        %dma_wait3A_274 = tpu.memref_slice %arg5[%mul3A_99] : memref<327680xi32, #tpu.memory_space<hbm>> -> memref<640xi32, #tpu.memory_space<hbm>>
        tpu.wait_dma2 semaphore(%run_scoped3A : memref<!tpu.dma_semaphore, #tpu.memory_space<semaphore_mem>>) src(%dma_wait3A_274 : memref<640xi32, #tpu.memory_space<hbm>>) dst(%arg14 : memref<640xi32, #tpu.memory_space<vmem>>)
        tpu.yield
      }) : () -> ()
      %dma_start3A_100 = arith.constant 0 : i32
      %dma_start3A_101 = tpu.memref_slice %arg3[%add3A_97, %dma_start3A_100] : memref<16384x64xf32, #tpu.memory_space<hbm>> -> memref<32x64xf32, #tpu.memory_space<hbm>>
      %dma_start3A_102 = arith.constant 0 : i32
      %dma_start3A_103 = tpu.memref_slice %arg3[%add3A_97, %dma_start3A_102] : memref<16384x64xf32, #tpu.memory_space<hbm>> -> memref<32x64xf32, #tpu.memory_space<hbm>>
      tpu.enqueue_dma source(%dma_start3A_103 : memref<32x64xf32, #tpu.memory_space<hbm>>) target(%arg15 : memref<32x64xf32, #tpu.memory_space<vmem>>) target_semaphore(%arg21 : memref<!tpu.dma_semaphore, #tpu.memory_space<semaphore_mem>>)
      %dma_start3A_104 = arith.constant 0 : i32
      %dma_start3A_105 = arith.constant 0 : i32
      %dma_start3A_106 = tpu.memref_slice %arg2[%dma_start3A_104, %dma_start3A_105] : memref<1000000x64xf32, #tpu.memory_space<hbm>> -> memref<1000000x64xf32, #tpu.memory_space<hbm>>
      tpu.enqueue_indirect_dma source(%dma_start3A_106 : memref<1000000x64xf32, #tpu.memory_space<hbm>>) target(%arg16 : memref<32x64xf32, #tpu.memory_space<vmem>>) offsets(%arg13 : memref<32xi32, #tpu.memory_space<vmem>>) semaphore(%arg21 : memref<!tpu.dma_semaphore, #tpu.memory_space<semaphore_mem>>)
      %dma_start3A_107 = arith.constant 0 : i32
      %dma_start3A_108 = arith.constant 0 : i32
      %dma_start3A_109 = tpu.memref_slice %arg17[%dma_start3A_107, %dma_start3A_108] : memref<640x64xf32, #tpu.memory_space<vmem>> -> memref<128x64xf32, #tpu.memory_space<vmem>>
      %dma_start3A_110 = arith.constant 0 : i32
      %dma_start3A_111 = tpu.memref_slice %arg14[%dma_start3A_110] : memref<640xi32, #tpu.memory_space<vmem>> -> memref<128xi32, #tpu.memory_space<vmem>>
      %dma_start3A_112 = arith.constant 0 : i32
      %dma_start3A_113 = arith.constant 0 : i32
      %dma_start3A_114 = tpu.memref_slice %arg2[%dma_start3A_112, %dma_start3A_113] : memref<1000000x64xf32, #tpu.memory_space<hbm>> -> memref<1000000x64xf32, #tpu.memory_space<hbm>>
      tpu.enqueue_indirect_dma source(%dma_start3A_114 : memref<1000000x64xf32, #tpu.memory_space<hbm>>) target(%dma_start3A_109 : memref<128x64xf32, #tpu.memory_space<vmem>>) offsets(%dma_start3A_111 : memref<128xi32, #tpu.memory_space<vmem>>) semaphore(%arg21 : memref<!tpu.dma_semaphore, #tpu.memory_space<semaphore_mem>>)
      %dma_start3A_115 = arith.constant 128 : i32
      %dma_start3A_116 = arith.constant 0 : i32
      %dma_start3A_117 = tpu.memref_slice %arg17[%dma_start3A_115, %dma_start3A_116] : memref<640x64xf32, #tpu.memory_space<vmem>> -> memref<128x64xf32, #tpu.memory_space<vmem>>
      %dma_start3A_118 = arith.constant 128 : i32
      %dma_start3A_119 = tpu.memref_slice %arg14[%dma_start3A_118] : memref<640xi32, #tpu.memory_space<vmem>> -> memref<128xi32, #tpu.memory_space<vmem>>
      %dma_start3A_120 = arith.constant 0 : i32
      %dma_start3A_121 = arith.constant 0 : i32
      %dma_start3A_122 = tpu.memref_slice %arg2[%dma_start3A_120, %dma_start3A_121] : memref<1000000x64xf32, #tpu.memory_space<hbm>> -> memref<1000000x64xf32, #tpu.memory_space<hbm>>
      tpu.enqueue_indirect_dma source(%dma_start3A_122 : memref<1000000x64xf32, #tpu.memory_space<hbm>>) target(%dma_start3A_117 : memref<128x64xf32, #tpu.memory_space<vmem>>) offsets(%dma_start3A_119 : memref<128xi32, #tpu.memory_space<vmem>>) semaphore(%arg21 : memref<!tpu.dma_semaphore, #tpu.memory_space<semaphore_mem>>)
      %dma_start3A_123 = arith.constant 256 : i32
      %dma_start3A_124 = arith.constant 0 : i32
      %dma_start3A_125 = tpu.memref_slice %arg17[%dma_start3A_123, %dma_start3A_124] : memref<640x64xf32, #tpu.memory_space<vmem>> -> memref<128x64xf32, #tpu.memory_space<vmem>>
      %dma_start3A_126 = arith.constant 256 : i32
      %dma_start3A_127 = tpu.memref_slice %arg14[%dma_start3A_126] : memref<640xi32, #tpu.memory_space<vmem>> -> memref<128xi32, #tpu.memory_space<vmem>>
      %dma_start3A_128 = arith.constant 0 : i32
      %dma_start3A_129 = arith.constant 0 : i32
      %dma_start3A_130 = tpu.memref_slice %arg2[%dma_start3A_128, %dma_start3A_129] : memref<1000000x64xf32, #tpu.memory_space<hbm>> -> memref<1000000x64xf32, #tpu.memory_space<hbm>>
      tpu.enqueue_indirect_dma source(%dma_start3A_130 : memref<1000000x64xf32, #tpu.memory_space<hbm>>) target(%dma_start3A_125 : memref<128x64xf32, #tpu.memory_space<vmem>>) offsets(%dma_start3A_127 : memref<128xi32, #tpu.memory_space<vmem>>) semaphore(%arg21 : memref<!tpu.dma_semaphore, #tpu.memory_space<semaphore_mem>>)
      %dma_start3A_131 = arith.constant 384 : i32
      %dma_start3A_132 = arith.constant 0 : i32
      %dma_start3A_133 = tpu.memref_slice %arg17[%dma_start3A_131, %dma_start3A_132] : memref<640x64xf32, #tpu.memory_space<vmem>> -> memref<128x64xf32, #tpu.memory_space<vmem>>
      %dma_start3A_134 = arith.constant 384 : i32
      %dma_start3A_135 = tpu.memref_slice %arg14[%dma_start3A_134] : memref<640xi32, #tpu.memory_space<vmem>> -> memref<128xi32, #tpu.memory_space<vmem>>
      %dma_start3A_136 = arith.constant 0 : i32
      %dma_start3A_137 = arith.constant 0 : i32
      %dma_start3A_138 = tpu.memref_slice %arg2[%dma_start3A_136, %dma_start3A_137] : memref<1000000x64xf32, #tpu.memory_space<hbm>> -> memref<1000000x64xf32, #tpu.memory_space<hbm>>
      tpu.enqueue_indirect_dma source(%dma_start3A_138 : memref<1000000x64xf32, #tpu.memory_space<hbm>>) target(%dma_start3A_133 : memref<128x64xf32, #tpu.memory_space<vmem>>) offsets(%dma_start3A_135 : memref<128xi32, #tpu.memory_space<vmem>>) semaphore(%arg21 : memref<!tpu.dma_semaphore, #tpu.memory_space<semaphore_mem>>)
      %dma_start3A_139 = arith.constant 512 : i32
      %dma_start3A_140 = arith.constant 0 : i32
      %dma_start3A_141 = tpu.memref_slice %arg17[%dma_start3A_139, %dma_start3A_140] : memref<640x64xf32, #tpu.memory_space<vmem>> -> memref<128x64xf32, #tpu.memory_space<vmem>>
      %dma_start3A_142 = arith.constant 512 : i32
      %dma_start3A_143 = tpu.memref_slice %arg14[%dma_start3A_142] : memref<640xi32, #tpu.memory_space<vmem>> -> memref<128xi32, #tpu.memory_space<vmem>>
      %dma_start3A_144 = arith.constant 0 : i32
      %dma_start3A_145 = arith.constant 0 : i32
      %dma_start3A_146 = tpu.memref_slice %arg2[%dma_start3A_144, %dma_start3A_145] : memref<1000000x64xf32, #tpu.memory_space<hbm>> -> memref<1000000x64xf32, #tpu.memory_space<hbm>>
      tpu.enqueue_indirect_dma source(%dma_start3A_146 : memref<1000000x64xf32, #tpu.memory_space<hbm>>) target(%dma_start3A_141 : memref<128x64xf32, #tpu.memory_space<vmem>>) offsets(%dma_start3A_143 : memref<128xi32, #tpu.memory_space<vmem>>) semaphore(%arg21 : memref<!tpu.dma_semaphore, #tpu.memory_space<semaphore_mem>>)
      %dma_wait3A_147 = arith.constant 0 : i32
      %dma_wait3A_148 = arith.constant 0 : i32
      %dma_wait3A_149 = tpu.memref_slice %arg3[%dma_wait3A_147, %dma_wait3A_148] : memref<16384x64xf32, #tpu.memory_space<hbm>> -> memref<32x64xf32, #tpu.memory_space<hbm>>
      %dma_wait3A_150 = arith.constant 0 : i32
      %dma_wait3A_151 = arith.constant 0 : i32
      %dma_wait3A_152 = tpu.memref_slice %arg3[%dma_wait3A_150, %dma_wait3A_151] : memref<16384x64xf32, #tpu.memory_space<hbm>> -> memref<32x64xf32, #tpu.memory_space<hbm>>
      tpu.wait_dma2 semaphore(%arg20 : memref<!tpu.dma_semaphore, #tpu.memory_space<semaphore_mem>>) src(%dma_wait3A_152 : memref<32x64xf32, #tpu.memory_space<hbm>>) dst(%arg10 : memref<32x64xf32, #tpu.memory_space<vmem>>)
      %dma_wait3A_153 = arith.constant 0 : i32
      %dma_wait3A_154 = arith.constant 0 : i32
      %dma_wait3A_155 = tpu.memref_slice %arg3[%dma_wait3A_153, %dma_wait3A_154] : memref<16384x64xf32, #tpu.memory_space<hbm>> -> memref<32x64xf32, #tpu.memory_space<hbm>>
      %dma_wait3A_156 = arith.constant 0 : i32
      %dma_wait3A_157 = arith.constant 0 : i32
      %dma_wait3A_158 = tpu.memref_slice %arg3[%dma_wait3A_156, %dma_wait3A_157] : memref<16384x64xf32, #tpu.memory_space<hbm>> -> memref<32x64xf32, #tpu.memory_space<hbm>>
      tpu.wait_dma2 semaphore(%arg20 : memref<!tpu.dma_semaphore, #tpu.memory_space<semaphore_mem>>) src(%dma_wait3A_158 : memref<32x64xf32, #tpu.memory_space<hbm>>) dst(%arg11 : memref<32x64xf32, #tpu.memory_space<vmem>>)
      %dma_wait3A_159 = arith.constant 0 : i32
      %dma_wait3A_160 = arith.constant 0 : i32
      %dma_wait3A_161 = tpu.memref_slice %arg3[%dma_wait3A_159, %dma_wait3A_160] : memref<16384x64xf32, #tpu.memory_space<hbm>> -> memref<640x64xf32, #tpu.memory_space<hbm>>
      %dma_wait3A_162 = arith.constant 0 : i32
      %dma_wait3A_163 = arith.constant 0 : i32
      %dma_wait3A_164 = tpu.memref_slice %arg3[%dma_wait3A_162, %dma_wait3A_163] : memref<16384x64xf32, #tpu.memory_space<hbm>> -> memref<640x64xf32, #tpu.memory_space<hbm>>
      tpu.wait_dma2 semaphore(%arg20 : memref<!tpu.dma_semaphore, #tpu.memory_space<semaphore_mem>>) src(%dma_wait3A_164 : memref<640x64xf32, #tpu.memory_space<hbm>>) dst(%arg12 : memref<640x64xf32, #tpu.memory_space<vmem>>)
      %mul3A_165 = arith.constant 512 : i32
      %mul3A_166 = arith.muli %add3A, %mul3A_165 : i32
      %mul3A_167 = arith.constant 32 : i32
      %mul3A_168 = arith.muli %mul3A_90, %mul3A_167 : i32
      %add3A_169 = arith.addi %mul3A_166, %mul3A_168 : i32
      %broadcast_in_dim3A = arith.constant 0.000000e+00 : f32
      %broadcast_in_dim3A_170 = vector.broadcast %broadcast_in_dim3A : f32 to vector<16xf32>
      %scan3A_171 = arith.constant 0 : i32
      %scan3A_172 = arith.constant 0 : i32
      %scan3A_173 = arith.constant 2 : i32
      %scan3A_174 = arith.addi %scan3A_172, %scan3A_173 : i32
      %scan3A_175 = arith.constant 1 : i32
      scf.for %scan3A_271 = %scan3A_172 to %scan3A_174 step %scan3A_175  : i32 {
        %scan3A_272 = arith.constant 0 : i32
        %scan3A_273 = arith.constant 16 : i32
        %scan3A_274 = arith.addi %scan3A_272, %scan3A_273 : i32
        %scan3A_275 = arith.constant 1 : i32
        %scan3A_276:21 = scf.for %scan3A_348 = %scan3A_272 to %scan3A_274 step %scan3A_275 iter_args(%scan3A_349 = %broadcast_in_dim3A_170, %scan3A_350 = %broadcast_in_dim3A_170, %scan3A_351 = %broadcast_in_dim3A_170, %scan3A_352 = %broadcast_in_dim3A_170, %scan3A_353 = %broadcast_in_dim3A_170, %scan3A_354 = %broadcast_in_dim3A_170, %scan3A_355 = %broadcast_in_dim3A_170, %scan3A_356 = %broadcast_in_dim3A_170, %scan3A_357 = %broadcast_in_dim3A_170, %scan3A_358 = %broadcast_in_dim3A_170, %scan3A_359 = %broadcast_in_dim3A_170, %scan3A_360 = %broadcast_in_dim3A_170, %scan3A_361 = %broadcast_in_dim3A_170, %scan3A_362 = %broadcast_in_dim3A_170, %scan3A_363 = %broadcast_in_dim3A_170, %scan3A_364 = %broadcast_in_dim3A_170, %scan3A_365 = %broadcast_in_dim3A_170, %scan3A_366 = %broadcast_in_dim3A_170, %scan3A_367 = %broadcast_in_dim3A_170, %scan3A_368 = %broadcast_in_dim3A_170, %scan3A_369 = %broadcast_in_dim3A_170) -> (vector<16xf32>, vector<16xf32>, vector<16xf32>, vector<16xf32>, vector<16xf32>, vector<16xf32>, vector<16xf32>, vector<16xf32>, vector<16xf32>, vector<16xf32>, vector<16xf32>, vector<16xf32>, vector<16xf32>, vector<16xf32>, vector<16xf32>, vector<16xf32>, vector<16xf32>, vector<16xf32>, vector<16xf32>, vector<16xf32>, vector<16xf32>)  : i32 {
          %mul3A_370 = arith.constant 16 : i32
          %mul3A_371 = arith.muli %scan3A_271, %mul3A_370 : i32
          %add3A_372 = arith.addi %mul3A_371, %scan3A_348 : i32
          %get3A = arith.index_cast %add3A_372 : i32 to index
          %get3A_373 = arith.constant 0 : index
          %get3A_374 = tpu.vector_load %arg10[%get3A, %get3A_373] {strides = array<i32>} : memref<32x64xf32, #tpu.memory_space<vmem>>, vector<16xf32>,
          %get3A_375 = arith.index_cast %add3A_372 : i32 to index
          %get3A_376 = arith.constant 16 : index
          %get3A_377 = tpu.vector_load %arg10[%get3A_375, %get3A_376] {strides = array<i32>} : memref<32x64xf32, #tpu.memory_space<vmem>>, vector<16xf32>,
          %get3A_378 = arith.index_cast %add3A_372 : i32 to index
          %get3A_379 = arith.constant 32 : index
          %get3A_380 = tpu.vector_load %arg10[%get3A_378, %get3A_379] {strides = array<i32>} : memref<32x64xf32, #tpu.memory_space<vmem>>, vector<16xf32>,
          %get3A_381 = arith.index_cast %add3A_372 : i32 to index
          %get3A_382 = arith.constant 48 : index
          %get3A_383 = tpu.vector_load %arg10[%get3A_381, %get3A_382] {strides = array<i32>} : memref<32x64xf32, #tpu.memory_space<vmem>>, vector<16xf32>,
          %get3A_384 = arith.index_cast %add3A_372 : i32 to index
          %get3A_385 = arith.constant 0 : index
          %get3A_386 = tpu.vector_load %arg11[%get3A_384, %get3A_385] {strides = array<i32>} : memref<32x64xf32, #tpu.memory_space<vmem>>, vector<16xf32>,
          %get3A_387 = arith.index_cast %add3A_372 : i32 to index
          %get3A_388 = arith.constant 16 : index
          %get3A_389 = tpu.vector_load %arg11[%get3A_387, %get3A_388] {strides = array<i32>} : memref<32x64xf32, #tpu.memory_space<vmem>>, vector<16xf32>,
          %get3A_390 = arith.index_cast %add3A_372 : i32 to index
          %get3A_391 = arith.constant 32 : index
          %get3A_392 = tpu.vector_load %arg11[%get3A_390, %get3A_391] {strides = array<i32>} : memref<32x64xf32, #tpu.memory_space<vmem>>, vector<16xf32>,
          %get3A_393 = arith.index_cast %add3A_372 : i32 to index
          %get3A_394 = arith.constant 48 : index
          %get3A_395 = tpu.vector_load %arg11[%get3A_393, %get3A_394] {strides = array<i32>} : memref<32x64xf32, #tpu.memory_space<vmem>>, vector<16xf32>,
          %mul3A_396 = arith.mulf %get3A_374, %get3A_386 : vector<16xf32>
          %mul3A_397 = arith.mulf %get3A_377, %get3A_389 : vector<16xf32>
          %add3A_398 = arith.addf %mul3A_396, %mul3A_397 : vector<16xf32>
          %mul3A_399 = arith.mulf %get3A_380, %get3A_392 : vector<16xf32>
          %add3A_400 = arith.addf %add3A_398, %mul3A_399 : vector<16xf32>
          %mul3A_401 = arith.mulf %get3A_383, %get3A_395 : vector<16xf32>
          %add3A_402 = arith.addf %add3A_400, %mul3A_401 : vector<16xf32>
          %eq3A_403 = vector.broadcast %scan3A_348 : i32 to vector<16xi32>
          %eq3A_404 = arith.cmpi eq, %iota3A, %eq3A_403 : vector<16xi32>
          %lt3A = arith.constant 0 : i32
          %lt3A_405 = vector.broadcast %lt3A : i32 to vector<16xi32>
          %lt3A_406 = arith.cmpi slt, %xor3A_4, %lt3A_405 : vector<16xi32>
          %add3A_407 = arith.constant 16 : i32
          %add3A_408 = vector.broadcast %add3A_407 : i32 to vector<16xi32>
          %add3A_409 = arith.addi %xor3A_4, %add3A_408 : vector<16xi32>
          %select_n3A = arith.select %lt3A_406, %add3A_409, %xor3A_4 : vector<16xi1>, vector<16xi32>
          %reshape3A = vector.shape_cast %select_n3A : vector<16xi32> to vector<16x1xi32>
          %gather3A = vector.shape_cast %reshape3A : vector<16x1xi32> to vector<16xi32>
          %gather3A_410 = tpu.dynamic_gather %add3A_402[%gather3A] in [0] : vector<16xf32>, vector<16xi32> -> vector<16xf32>
          %add3A_411 = arith.addf %add3A_402, %gather3A_410 : vector<16xf32>
          %lt3A_412 = arith.constant 0 : i32
          %lt3A_413 = vector.broadcast %lt3A_412 : i32 to vector<16xi32>
          %lt3A_414 = arith.cmpi slt, %xor3A_7, %lt3A_413 : vector<16xi32>
          %add3A_415 = arith.constant 16 : i32
          %add3A_416 = vector.broadcast %add3A_415 : i32 to vector<16xi32>
          %add3A_417 = arith.addi %xor3A_7, %add3A_416 : vector<16xi32>
          %select_n3A_418 = arith.select %lt3A_414, %add3A_417, %xor3A_7 : vector<16xi1>, vector<16xi32>
          %reshape3A_419 = vector.shape_cast %select_n3A_418 : vector<16xi32> to vector<16x1xi32>
          %gather3A_420 = vector.shape_cast %reshape3A_419 : vector<16x1xi32> to vector<16xi32>
          %gather3A_421 = tpu.dynamic_gather %add3A_411[%gather3A_420] in [0] : vector<16xf32>, vector<16xi32> -> vector<16xf32>
          %add3A_422 = arith.addf %add3A_411, %gather3A_421 : vector<16xf32>
          %lt3A_423 = arith.constant 0 : i32
          %lt3A_424 = vector.broadcast %lt3A_423 : i32 to vector<16xi32>
          %lt3A_425 = arith.cmpi slt, %xor3A_10, %lt3A_424 : vector<16xi32>
          %add3A_426 = arith.constant 16 : i32
          %add3A_427 = vector.broadcast %add3A_426 : i32 to vector<16xi32>
          %add3A_428 = arith.addi %xor3A_10, %add3A_427 : vector<16xi32>
          %select_n3A_429 = arith.select %lt3A_425, %add3A_428, %xor3A_10 : vector<16xi1>, vector<16xi32>
          %reshape3A_430 = vector.shape_cast %select_n3A_429 : vector<16xi32> to vector<16x1xi32>
          %gather3A_431 = vector.shape_cast %reshape3A_430 : vector<16x1xi32> to vector<16xi32>
          %gather3A_432 = tpu.dynamic_gather %add3A_422[%gather3A_431] in [0] : vector<16xf32>, vector<16xi32> -> vector<16xf32>
          %add3A_433 = arith.addf %add3A_422, %gather3A_432 : vector<16xf32>
          %lt3A_434 = arith.constant 0 : i32
          %lt3A_435 = vector.broadcast %lt3A_434 : i32 to vector<16xi32>
          %lt3A_436 = arith.cmpi slt, %xor3A_13, %lt3A_435 : vector<16xi32>
          %add3A_437 = arith.constant 16 : i32
          %add3A_438 = vector.broadcast %add3A_437 : i32 to vector<16xi32>
          %add3A_439 = arith.addi %xor3A_13, %add3A_438 : vector<16xi32>
          %select_n3A_440 = arith.select %lt3A_436, %add3A_439, %xor3A_13 : vector<16xi1>, vector<16xi32>
          %reshape3A_441 = vector.shape_cast %select_n3A_440 : vector<16xi32> to vector<16x1xi32>
          %gather3A_442 = vector.shape_cast %reshape3A_441 : vector<16x1xi32> to vector<16xi32>
          %gather3A_443 = tpu.dynamic_gather %add3A_433[%gather3A_442] in [0] : vector<16xf32>, vector<16xi32> -> vector<16xf32>
          %add3A_444 = arith.addf %add3A_433, %gather3A_443 : vector<16xf32>
          %select_n3A_445 = arith.select %eq3A_404, %add3A_444, %scan3A_349 : vector<16xi1>, vector<16xf32>
          %mul3A_446 = arith.constant 20 : i32
          %mul3A_447 = arith.muli %add3A_372, %mul3A_446 : i32
          %add3A_448 = arith.constant 0 : i32
          %add3A_449 = arith.addi %mul3A_447, %add3A_448 : i32
          %get3A_450 = arith.index_cast %add3A_449 : i32 to index
          %get3A_451 = arith.constant 0 : index
          %get3A_452 = tpu.vector_load %arg12[%get3A_450, %get3A_451] {strides = array<i32>} : memref<640x64xf32, #tpu.memory_space<vmem>>, vector<16xf32>,
          %mul3A_453 = arith.mulf %get3A_452, %get3A_374 : vector<16xf32>
          %get3A_454 = arith.index_cast %add3A_449 : i32 to index
          %get3A_455 = arith.constant 16 : index
          %get3A_456 = tpu.vector_load %arg12[%get3A_454, %get3A_455] {strides = array<i32>} : memref<640x64xf32, #tpu.memory_space<vmem>>, vector<16xf32>,
          %mul3A_457 = arith.mulf %get3A_456, %get3A_377 : vector<16xf32>
          %add3A_458 = arith.addf %mul3A_453, %mul3A_457 : vector<16xf32>
          %get3A_459 = arith.index_cast %add3A_449 : i32 to index
          %get3A_460 = arith.constant 32 : index
          %get3A_461 = tpu.vector_load %arg12[%get3A_459, %get3A_460] {strides = array<i32>} : memref<640x64xf32, #tpu.memory_space<vmem>>, vector<16xf32>,
          %mul3A_462 = arith.mulf %get3A_461, %get3A_380 : vector<16xf32>
          %add3A_463 = arith.addf %add3A_458, %mul3A_462 : vector<16xf32>
          %get3A_464 = arith.index_cast %add3A_449 : i32 to index
          %get3A_465 = arith.constant 48 : index
          %get3A_466 = tpu.vector_load %arg12[%get3A_464, %get3A_465] {strides = array<i32>} : memref<640x64xf32, #tpu.memory_space<vmem>>, vector<16xf32>,
          %mul3A_467 = arith.mulf %get3A_466, %get3A_383 : vector<16xf32>
          %add3A_468 = arith.addf %add3A_463, %mul3A_467 : vector<16xf32>
          %lt3A_469 = arith.constant 0 : i32
          %lt3A_470 = vector.broadcast %lt3A_469 : i32 to vector<16xi32>
          %lt3A_471 = arith.cmpi slt, %xor3A_4, %lt3A_470 : vector<16xi32>
          %add3A_472 = arith.constant 16 : i32
          %add3A_473 = vector.broadcast %add3A_472 : i32 to vector<16xi32>
          %add3A_474 = arith.addi %xor3A_4, %add3A_473 : vector<16xi32>
          %select_n3A_475 = arith.select %lt3A_471, %add3A_474, %xor3A_4 : vector<16xi1>, vector<16xi32>
          %reshape3A_476 = vector.shape_cast %select_n3A_475 : vector<16xi32> to vector<16x1xi32>
          %gather3A_477 = vector.shape_cast %reshape3A_476 : vector<16x1xi32> to vector<16xi32>
          %gather3A_478 = tpu.dynamic_gather %add3A_468[%gather3A_477] in [0] : vector<16xf32>, vector<16xi32> -> vector<16xf32>
          %add3A_479 = arith.addf %add3A_468, %gather3A_478 : vector<16xf32>
          %lt3A_480 = arith.constant 0 : i32
          %lt3A_481 = vector.broadcast %lt3A_480 : i32 to vector<16xi32>
          %lt3A_482 = arith.cmpi slt, %xor3A_7, %lt3A_481 : vector<16xi32>
          %add3A_483 = arith.constant 16 : i32
          %add3A_484 = vector.broadcast %add3A_483 : i32 to vector<16xi32>
          %add3A_485 = arith.addi %xor3A_7, %add3A_484 : vector<16xi32>
          %select_n3A_486 = arith.select %lt3A_482, %add3A_485, %xor3A_7 : vector<16xi1>, vector<16xi32>
          %reshape3A_487 = vector.shape_cast %select_n3A_486 : vector<16xi32> to vector<16x1xi32>
          %gather3A_488 = vector.shape_cast %reshape3A_487 : vector<16x1xi32> to vector<16xi32>
          %gather3A_489 = tpu.dynamic_gather %add3A_479[%gather3A_488] in [0] : vector<16xf32>, vector<16xi32> -> vector<16xf32>
          %add3A_490 = arith.addf %add3A_479, %gather3A_489 : vector<16xf32>
          %lt3A_491 = arith.constant 0 : i32
          %lt3A_492 = vector.broadcast %lt3A_491 : i32 to vector<16xi32>
          %lt3A_493 = arith.cmpi slt, %xor3A_10, %lt3A_492 : vector<16xi32>
          %add3A_494 = arith.constant 16 : i32
          %add3A_495 = vector.broadcast %add3A_494 : i32 to vector<16xi32>
          %add3A_496 = arith.addi %xor3A_10, %add3A_495 : vector<16xi32>
          %select_n3A_497 = arith.select %lt3A_493, %add3A_496, %xor3A_10 : vector<16xi1>, vector<16xi32>
          %reshape3A_498 = vector.shape_cast %select_n3A_497 : vector<16xi32> to vector<16x1xi32>
          %gather3A_499 = vector.shape_cast %reshape3A_498 : vector<16x1xi32> to vector<16xi32>
          %gather3A_500 = tpu.dynamic_gather %add3A_490[%gather3A_499] in [0] : vector<16xf32>, vector<16xi32> -> vector<16xf32>
          %add3A_501 = arith.addf %add3A_490, %gather3A_500 : vector<16xf32>
          %lt3A_502 = arith.constant 0 : i32
          %lt3A_503 = vector.broadcast %lt3A_502 : i32 to vector<16xi32>
          %lt3A_504 = arith.cmpi slt, %xor3A_13, %lt3A_503 : vector<16xi32>
          %add3A_505 = arith.constant 16 : i32
          %add3A_506 = vector.broadcast %add3A_505 : i32 to vector<16xi32>
          %add3A_507 = arith.addi %xor3A_13, %add3A_506 : vector<16xi32>
          %select_n3A_508 = arith.select %lt3A_504, %add3A_507, %xor3A_13 : vector<16xi1>, vector<16xi32>
          %reshape3A_509 = vector.shape_cast %select_n3A_508 : vector<16xi32> to vector<16x1xi32>
          %gather3A_510 = vector.shape_cast %reshape3A_509 : vector<16x1xi32> to vector<16xi32>
          %gather3A_511 = tpu.dynamic_gather %add3A_501[%gather3A_510] in [0] : vector<16xf32>, vector<16xi32> -> vector<16xf32>
          %add3A_512 = arith.addf %add3A_501, %gather3A_511 : vector<16xf32>
          %select_n3A_513 = arith.select %eq3A_404, %add3A_512, %scan3A_350 : vector<16xi1>, vector<16xf32>
          %mul3A_514 = arith.constant 20 : i32
          %mul3A_515 = arith.muli %add3A_372, %mul3A_514 : i32
          %add3A_516 = arith.constant 1 : i32
          %add3A_517 = arith.addi %mul3A_515, %add3A_516 : i32
          %get3A_518 = arith.index_cast %add3A_517 : i32 to index
          %get3A_519 = arith.constant 0 : index
          %get3A_520 = tpu.vector_load %arg12[%get3A_518, %get3A_519] {strides = array<i32>} : memref<640x64xf32, #tpu.memory_space<vmem>>, vector<16xf32>,
          %mul3A_521 = arith.mulf %get3A_520, %get3A_374 : vector<16xf32>
          %get3A_522 = arith.index_cast %add3A_517 : i32 to index
          %get3A_523 = arith.constant 16 : index
          %get3A_524 = tpu.vector_load %arg12[%get3A_522, %get3A_523] {strides = array<i32>} : memref<640x64xf32, #tpu.memory_space<vmem>>, vector<16xf32>,
          %mul3A_525 = arith.mulf %get3A_524, %get3A_377 : vector<16xf32>
          %add3A_526 = arith.addf %mul3A_521, %mul3A_525 : vector<16xf32>
          %get3A_527 = arith.index_cast %add3A_517 : i32 to index
          %get3A_528 = arith.constant 32 : index
          %get3A_529 = tpu.vector_load %arg12[%get3A_527, %get3A_528] {strides = array<i32>} : memref<640x64xf32, #tpu.memory_space<vmem>>, vector<16xf32>,
          %mul3A_530 = arith.mulf %get3A_529, %get3A_380 : vector<16xf32>
          %add3A_531 = arith.addf %add3A_526, %mul3A_530 : vector<16xf32>
          %get3A_532 = arith.index_cast %add3A_517 : i32 to index
          %get3A_533 = arith.constant 48 : index
          %get3A_534 = tpu.vector_load %arg12[%get3A_532, %get3A_533] {strides = array<i32>} : memref<640x64xf32, #tpu.memory_space<vmem>>, vector<16xf32>,
          %mul3A_535 = arith.mulf %get3A_534, %get3A_383 : vector<16xf32>
          %add3A_536 = arith.addf %add3A_531, %mul3A_535 : vector<16xf32>
          %lt3A_537 = arith.constant 0 : i32
          %lt3A_538 = vector.broadcast %lt3A_537 : i32 to vector<16xi32>
          %lt3A_539 = arith.cmpi slt, %xor3A_4, %lt3A_538 : vector<16xi32>
          %add3A_540 = arith.constant 16 : i32
          %add3A_541 = vector.broadcast %add3A_540 : i32 to vector<16xi32>
          %add3A_542 = arith.addi %xor3A_4, %add3A_541 : vector<16xi32>
          %select_n3A_543 = arith.select %lt3A_539, %add3A_542, %xor3A_4 : vector<16xi1>, vector<16xi32>
          %reshape3A_544 = vector.shape_cast %select_n3A_543 : vector<16xi32> to vector<16x1xi32>
          %gather3A_545 = vector.shape_cast %reshape3A_544 : vector<16x1xi32> to vector<16xi32>
          %gather3A_546 = tpu.dynamic_gather %add3A_536[%gather3A_545] in [0] : vector<16xf32>, vector<16xi32> -> vector<16xf32>
          %add3A_547 = arith.addf %add3A_536, %gather3A_546 : vector<16xf32>
          %lt3A_548 = arith.constant 0 : i32
          %lt3A_549 = vector.broadcast %lt3A_548 : i32 to vector<16xi32>
          %lt3A_550 = arith.cmpi slt, %xor3A_7, %lt3A_549 : vector<16xi32>
          %add3A_551 = arith.constant 16 : i32
          %add3A_552 = vector.broadcast %add3A_551 : i32 to vector<16xi32>
          %add3A_553 = arith.addi %xor3A_7, %add3A_552 : vector<16xi32>
          %select_n3A_554 = arith.select %lt3A_550, %add3A_553, %xor3A_7 : vector<16xi1>, vector<16xi32>
          %reshape3A_555 = vector.shape_cast %select_n3A_554 : vector<16xi32> to vector<16x1xi32>
          %gather3A_556 = vector.shape_cast %reshape3A_555 : vector<16x1xi32> to vector<16xi32>
          %gather3A_557 = tpu.dynamic_gather %add3A_547[%gather3A_556] in [0] : vector<16xf32>, vector<16xi32> -> vector<16xf32>
          %add3A_558 = arith.addf %add3A_547, %gather3A_557 : vector<16xf32>
          %lt3A_559 = arith.constant 0 : i32
          %lt3A_560 = vector.broadcast %lt3A_559 : i32 to vector<16xi32>
          %lt3A_561 = arith.cmpi slt, %xor3A_10, %lt3A_560 : vector<16xi32>
          %add3A_562 = arith.constant 16 : i32
          %add3A_563 = vector.broadcast %add3A_562 : i32 to vector<16xi32>
          %add3A_564 = arith.addi %xor3A_10, %add3A_563 : vector<16xi32>
          %select_n3A_565 = arith.select %lt3A_561, %add3A_564, %xor3A_10 : vector<16xi1>, vector<16xi32>
          %reshape3A_566 = vector.shape_cast %select_n3A_565 : vector<16xi32> to vector<16x1xi32>
          %gather3A_567 = vector.shape_cast %reshape3A_566 : vector<16x1xi32> to vector<16xi32>
          %gather3A_568 = tpu.dynamic_gather %add3A_558[%gather3A_567] in [0] : vector<16xf32>, vector<16xi32> -> vector<16xf32>
          %add3A_569 = arith.addf %add3A_558, %gather3A_568 : vector<16xf32>
          %lt3A_570 = arith.constant 0 : i32
          %lt3A_571 = vector.broadcast %lt3A_570 : i32 to vector<16xi32>
          %lt3A_572 = arith.cmpi slt, %xor3A_13, %lt3A_571 : vector<16xi32>
          %add3A_573 = arith.constant 16 : i32
          %add3A_574 = vector.broadcast %add3A_573 : i32 to vector<16xi32>
          %add3A_575 = arith.addi %xor3A_13, %add3A_574 : vector<16xi32>
          %select_n3A_576 = arith.select %lt3A_572, %add3A_575, %xor3A_13 : vector<16xi1>, vector<16xi32>
          %reshape3A_577 = vector.shape_cast %select_n3A_576 : vector<16xi32> to vector<16x1xi32>
          %gather3A_578 = vector.shape_cast %reshape3A_577 : vector<16x1xi32> to vector<16xi32>
          %gather3A_579 = tpu.dynamic_gather %add3A_569[%gather3A_578] in [0] : vector<16xf32>, vector<16xi32> -> vector<16xf32>
          %add3A_580 = arith.addf %add3A_569, %gather3A_579 : vector<16xf32>
          %select_n3A_581 = arith.select %eq3A_404, %add3A_580, %scan3A_351 : vector<16xi1>, vector<16xf32>
          %mul3A_582 = arith.constant 20 : i32
          %mul3A_583 = arith.muli %add3A_372, %mul3A_582 : i32
          %add3A_584 = arith.constant 2 : i32
          %add3A_585 = arith.addi %mul3A_583, %add3A_584 : i32
          %get3A_586 = arith.index_cast %add3A_585 : i32 to index
          %get3A_587 = arith.constant 0 : index
          %get3A_588 = tpu.vector_load %arg12[%get3A_586, %get3A_587] {strides = array<i32>} : memref<640x64xf32, #tpu.memory_space<vmem>>, vector<16xf32>,
          %mul3A_589 = arith.mulf %get3A_588, %get3A_374 : vector<16xf32>
          %get3A_590 = arith.index_cast %add3A_585 : i32 to index
          %get3A_591 = arith.constant 16 : index
          %get3A_592 = tpu.vector_load %arg12[%get3A_590, %get3A_591] {strides = array<i32>} : memref<640x64xf32, #tpu.memory_space<vmem>>, vector<16xf32>,
          %mul3A_593 = arith.mulf %get3A_592, %get3A_377 : vector<16xf32>
          %add3A_594 = arith.addf %mul3A_589, %mul3A_593 : vector<16xf32>
          %get3A_595 = arith.index_cast %add3A_585 : i32 to index
          %get3A_596 = arith.constant 32 : index
          %get3A_597 = tpu.vector_load %arg12[%get3A_595, %get3A_596] {strides = array<i32>} : memref<640x64xf32, #tpu.memory_space<vmem>>, vector<16xf32>,
          %mul3A_598 = arith.mulf %get3A_597, %get3A_380 : vector<16xf32>
          %add3A_599 = arith.addf %add3A_594, %mul3A_598 : vector<16xf32>
          %get3A_600 = arith.index_cast %add3A_585 : i32 to index
          %get3A_601 = arith.constant 48 : index
          %get3A_602 = tpu.vector_load %arg12[%get3A_600, %get3A_601] {strides = array<i32>} : memref<640x64xf32, #tpu.memory_space<vmem>>, vector<16xf32>,
          %mul3A_603 = arith.mulf %get3A_602, %get3A_383 : vector<16xf32>
          %add3A_604 = arith.addf %add3A_599, %mul3A_603 : vector<16xf32>
          %lt3A_605 = arith.constant 0 : i32
          %lt3A_606 = vector.broadcast %lt3A_605 : i32 to vector<16xi32>
          %lt3A_607 = arith.cmpi slt, %xor3A_4, %lt3A_606 : vector<16xi32>
          %add3A_608 = arith.constant 16 : i32
          %add3A_609 = vector.broadcast %add3A_608 : i32 to vector<16xi32>
          %add3A_610 = arith.addi %xor3A_4, %add3A_609 : vector<16xi32>
          %select_n3A_611 = arith.select %lt3A_607, %add3A_610, %xor3A_4 : vector<16xi1>, vector<16xi32>
          %reshape3A_612 = vector.shape_cast %select_n3A_611 : vector<16xi32> to vector<16x1xi32>
          %gather3A_613 = vector.shape_cast %reshape3A_612 : vector<16x1xi32> to vector<16xi32>
          %gather3A_614 = tpu.dynamic_gather %add3A_604[%gather3A_613] in [0] : vector<16xf32>, vector<16xi32> -> vector<16xf32>
          %add3A_615 = arith.addf %add3A_604, %gather3A_614 : vector<16xf32>
          %lt3A_616 = arith.constant 0 : i32
          %lt3A_617 = vector.broadcast %lt3A_616 : i32 to vector<16xi32>
          %lt3A_618 = arith.cmpi slt, %xor3A_7, %lt3A_617 : vector<16xi32>
          %add3A_619 = arith.constant 16 : i32
          %add3A_620 = vector.broadcast %add3A_619 : i32 to vector<16xi32>
          %add3A_621 = arith.addi %xor3A_7, %add3A_620 : vector<16xi32>
          %select_n3A_622 = arith.select %lt3A_618, %add3A_621, %xor3A_7 : vector<16xi1>, vector<16xi32>
          %reshape3A_623 = vector.shape_cast %select_n3A_622 : vector<16xi32> to vector<16x1xi32>
          %gather3A_624 = vector.shape_cast %reshape3A_623 : vector<16x1xi32> to vector<16xi32>
          %gather3A_625 = tpu.dynamic_gather %add3A_615[%gather3A_624] in [0] : vector<16xf32>, vector<16xi32> -> vector<16xf32>
          %add3A_626 = arith.addf %add3A_615, %gather3A_625 : vector<16xf32>
          %lt3A_627 = arith.constant 0 : i32
          %lt3A_628 = vector.broadcast %lt3A_627 : i32 to vector<16xi32>
          %lt3A_629 = arith.cmpi slt, %xor3A_10, %lt3A_628 : vector<16xi32>
          %add3A_630 = arith.constant 16 : i32
          %add3A_631 = vector.broadcast %add3A_630 : i32 to vector<16xi32>
          %add3A_632 = arith.addi %xor3A_10, %add3A_631 : vector<16xi32>
          %select_n3A_633 = arith.select %lt3A_629, %add3A_632, %xor3A_10 : vector<16xi1>, vector<16xi32>
          %reshape3A_634 = vector.shape_cast %select_n3A_633 : vector<16xi32> to vector<16x1xi32>
          %gather3A_635 = vector.shape_cast %reshape3A_634 : vector<16x1xi32> to vector<16xi32>
          %gather3A_636 = tpu.dynamic_gather %add3A_626[%gather3A_635] in [0] : vector<16xf32>, vector<16xi32> -> vector<16xf32>
          %add3A_637 = arith.addf %add3A_626, %gather3A_636 : vector<16xf32>
          %lt3A_638 = arith.constant 0 : i32
          %lt3A_639 = vector.broadcast %lt3A_638 : i32 to vector<16xi32>
          %lt3A_640 = arith.cmpi slt, %xor3A_13, %lt3A_639 : vector<16xi32>
          %add3A_641 = arith.constant 16 : i32
          %add3A_642 = vector.broadcast %add3A_641 : i32 to vector<16xi32>
          %add3A_643 = arith.addi %xor3A_13, %add3A_642 : vector<16xi32>
          %select_n3A_644 = arith.select %lt3A_640, %add3A_643, %xor3A_13 : vector<16xi1>, vector<16xi32>
          %reshape3A_645 = vector.shape_cast %select_n3A_644 : vector<16xi32> to vector<16x1xi32>
          %gather3A_646 = vector.shape_cast %reshape3A_645 : vector<16x1xi32> to vector<16xi32>
          %gather3A_647 = tpu.dynamic_gather %add3A_637[%gather3A_646] in [0] : vector<16xf32>, vector<16xi32> -> vector<16xf32>
          %add3A_648 = arith.addf %add3A_637, %gather3A_647 : vector<16xf32>
          %select_n3A_649 = arith.select %eq3A_404, %add3A_648, %scan3A_352 : vector<16xi1>, vector<16xf32>
          %mul3A_650 = arith.constant 20 : i32
          %mul3A_651 = arith.muli %add3A_372, %mul3A_650 : i32
          %add3A_652 = arith.constant 3 : i32
          %add3A_653 = arith.addi %mul3A_651, %add3A_652 : i32
          %get3A_654 = arith.index_cast %add3A_653 : i32 to index
          %get3A_655 = arith.constant 0 : index
          %get3A_656 = tpu.vector_load %arg12[%get3A_654, %get3A_655] {strides = array<i32>} : memref<640x64xf32, #tpu.memory_space<vmem>>, vector<16xf32>,
          %mul3A_657 = arith.mulf %get3A_656, %get3A_374 : vector<16xf32>
          %get3A_658 = arith.index_cast %add3A_653 : i32 to index
          %get3A_659 = arith.constant 16 : index
          %get3A_660 = tpu.vector_load %arg12[%get3A_658, %get3A_659] {strides = array<i32>} : memref<640x64xf32, #tpu.memory_space<vmem>>, vector<16xf32>,
          %mul3A_661 = arith.mulf %get3A_660, %get3A_377 : vector<16xf32>
          %add3A_662 = arith.addf %mul3A_657, %mul3A_661 : vector<16xf32>
          %get3A_663 = arith.index_cast %add3A_653 : i32 to index
          %get3A_664 = arith.constant 32 : index
          %get3A_665 = tpu.vector_load %arg12[%get3A_663, %get3A_664] {strides = array<i32>} : memref<640x64xf32, #tpu.memory_space<vmem>>, vector<16xf32>,
          %mul3A_666 = arith.mulf %get3A_665, %get3A_380 : vector<16xf32>
          %add3A_667 = arith.addf %add3A_662, %mul3A_666 : vector<16xf32>
          %get3A_668 = arith.index_cast %add3A_653 : i32 to index
          %get3A_669 = arith.constant 48 : index
          %get3A_670 = tpu.vector_load %arg12[%get3A_668, %get3A_669] {strides = array<i32>} : memref<640x64xf32, #tpu.memory_space<vmem>>, vector<16xf32>,
          %mul3A_671 = arith.mulf %get3A_670, %get3A_383 : vector<16xf32>
          %add3A_672 = arith.addf %add3A_667, %mul3A_671 : vector<16xf32>
          %lt3A_673 = arith.constant 0 : i32
          %lt3A_674 = vector.broadcast %lt3A_673 : i32 to vector<16xi32>
          %lt3A_675 = arith.cmpi slt, %xor3A_4, %lt3A_674 : vector<16xi32>
          %add3A_676 = arith.constant 16 : i32
          %add3A_677 = vector.broadcast %add3A_676 : i32 to vector<16xi32>
          %add3A_678 = arith.addi %xor3A_4, %add3A_677 : vector<16xi32>
          %select_n3A_679 = arith.select %lt3A_675, %add3A_678, %xor3A_4 : vector<16xi1>, vector<16xi32>
          %reshape3A_680 = vector.shape_cast %select_n3A_679 : vector<16xi32> to vector<16x1xi32>
          %gather3A_681 = vector.shape_cast %reshape3A_680 : vector<16x1xi32> to vector<16xi32>
          %gather3A_682 = tpu.dynamic_gather %add3A_672[%gather3A_681] in [0] : vector<16xf32>, vector<16xi32> -> vector<16xf32>
          %add3A_683 = arith.addf %add3A_672, %gather3A_682 : vector<16xf32>
          %lt3A_684 = arith.constant 0 : i32
          %lt3A_685 = vector.broadcast %lt3A_684 : i32 to vector<16xi32>
          %lt3A_686 = arith.cmpi slt, %xor3A_7, %lt3A_685 : vector<16xi32>
          %add3A_687 = arith.constant 16 : i32
          %add3A_688 = vector.broadcast %add3A_687 : i32 to vector<16xi32>
          %add3A_689 = arith.addi %xor3A_7, %add3A_688 : vector<16xi32>
          %select_n3A_690 = arith.select %lt3A_686, %add3A_689, %xor3A_7 : vector<16xi1>, vector<16xi32>
          %reshape3A_691 = vector.shape_cast %select_n3A_690 : vector<16xi32> to vector<16x1xi32>
          %gather3A_692 = vector.shape_cast %reshape3A_691 : vector<16x1xi32> to vector<16xi32>
          %gather3A_693 = tpu.dynamic_gather %add3A_683[%gather3A_692] in [0] : vector<16xf32>, vector<16xi32> -> vector<16xf32>
          %add3A_694 = arith.addf %add3A_683, %gather3A_693 : vector<16xf32>
          %lt3A_695 = arith.constant 0 : i32
          %lt3A_696 = vector.broadcast %lt3A_695 : i32 to vector<16xi32>
          %lt3A_697 = arith.cmpi slt, %xor3A_10, %lt3A_696 : vector<16xi32>
          %add3A_698 = arith.constant 16 : i32
          %add3A_699 = vector.broadcast %add3A_698 : i32 to vector<16xi32>
          %add3A_700 = arith.addi %xor3A_10, %add3A_699 : vector<16xi32>
          %select_n3A_701 = arith.select %lt3A_697, %add3A_700, %xor3A_10 : vector<16xi1>, vector<16xi32>
          %reshape3A_702 = vector.shape_cast %select_n3A_701 : vector<16xi32> to vector<16x1xi32>
          %gather3A_703 = vector.shape_cast %reshape3A_702 : vector<16x1xi32> to vector<16xi32>
          %gather3A_704 = tpu.dynamic_gather %add3A_694[%gather3A_703] in [0] : vector<16xf32>, vector<16xi32> -> vector<16xf32>
          %add3A_705 = arith.addf %add3A_694, %gather3A_704 : vector<16xf32>
          %lt3A_706 = arith.constant 0 : i32
          %lt3A_707 = vector.broadcast %lt3A_706 : i32 to vector<16xi32>
          %lt3A_708 = arith.cmpi slt, %xor3A_13, %lt3A_707 : vector<16xi32>
          %add3A_709 = arith.constant 16 : i32
          %add3A_710 = vector.broadcast %add3A_709 : i32 to vector<16xi32>
          %add3A_711 = arith.addi %xor3A_13, %add3A_710 : vector<16xi32>
          %select_n3A_712 = arith.select %lt3A_708, %add3A_711, %xor3A_13 : vector<16xi1>, vector<16xi32>
          %reshape3A_713 = vector.shape_cast %select_n3A_712 : vector<16xi32> to vector<16x1xi32>
          %gather3A_714 = vector.shape_cast %reshape3A_713 : vector<16x1xi32> to vector<16xi32>
          %gather3A_715 = tpu.dynamic_gather %add3A_705[%gather3A_714] in [0] : vector<16xf32>, vector<16xi32> -> vector<16xf32>
          %add3A_716 = arith.addf %add3A_705, %gather3A_715 : vector<16xf32>
          %select_n3A_717 = arith.select %eq3A_404, %add3A_716, %scan3A_353 : vector<16xi1>, vector<16xf32>
          %mul3A_718 = arith.constant 20 : i32
          %mul3A_719 = arith.muli %add3A_372, %mul3A_718 : i32
          %add3A_720 = arith.constant 4 : i32
          %add3A_721 = arith.addi %mul3A_719, %add3A_720 : i32
          %get3A_722 = arith.index_cast %add3A_721 : i32 to index
          %get3A_723 = arith.constant 0 : index
          %get3A_724 = tpu.vector_load %arg12[%get3A_722, %get3A_723] {strides = array<i32>} : memref<640x64xf32, #tpu.memory_space<vmem>>, vector<16xf32>,
          %mul3A_725 = arith.mulf %get3A_724, %get3A_374 : vector<16xf32>
          %get3A_726 = arith.index_cast %add3A_721 : i32 to index
          %get3A_727 = arith.constant 16 : index
          %get3A_728 = tpu.vector_load %arg12[%get3A_726, %get3A_727] {strides = array<i32>} : memref<640x64xf32, #tpu.memory_space<vmem>>, vector<16xf32>,
          %mul3A_729 = arith.mulf %get3A_728, %get3A_377 : vector<16xf32>
          %add3A_730 = arith.addf %mul3A_725, %mul3A_729 : vector<16xf32>
          %get3A_731 = arith.index_cast %add3A_721 : i32 to index
          %get3A_732 = arith.constant 32 : index
          %get3A_733 = tpu.vector_load %arg12[%get3A_731, %get3A_732] {strides = array<i32>} : memref<640x64xf32, #tpu.memory_space<vmem>>, vector<16xf32>,
          %mul3A_734 = arith.mulf %get3A_733, %get3A_380 : vector<16xf32>
          %add3A_735 = arith.addf %add3A_730, %mul3A_734 : vector<16xf32>
          %get3A_736 = arith.index_cast %add3A_721 : i32 to index
          %get3A_737 = arith.constant 48 : index
          %get3A_738 = tpu.vector_load %arg12[%get3A_736, %get3A_737] {strides = array<i32>} : memref<640x64xf32, #tpu.memory_space<vmem>>, vector<16xf32>,
          %mul3A_739 = arith.mulf %get3A_738, %get3A_383 : vector<16xf32>
          %add3A_740 = arith.addf %add3A_735, %mul3A_739 : vector<16xf32>
          %lt3A_741 = arith.constant 0 : i32
          %lt3A_742 = vector.broadcast %lt3A_741 : i32 to vector<16xi32>
          %lt3A_743 = arith.cmpi slt, %xor3A_4, %lt3A_742 : vector<16xi32>
          %add3A_744 = arith.constant 16 : i32
          %add3A_745 = vector.broadcast %add3A_744 : i32 to vector<16xi32>
          %add3A_746 = arith.addi %xor3A_4, %add3A_745 : vector<16xi32>
          %select_n3A_747 = arith.select %lt3A_743, %add3A_746, %xor3A_4 : vector<16xi1>, vector<16xi32>
          %reshape3A_748 = vector.shape_cast %select_n3A_747 : vector<16xi32> to vector<16x1xi32>
          %gather3A_749 = vector.shape_cast %reshape3A_748 : vector<16x1xi32> to vector<16xi32>
          %gather3A_750 = tpu.dynamic_gather %add3A_740[%gather3A_749] in [0] : vector<16xf32>, vector<16xi32> -> vector<16xf32>
          %add3A_751 = arith.addf %add3A_740, %gather3A_750 : vector<16xf32>
          %lt3A_752 = arith.constant 0 : i32
          %lt3A_753 = vector.broadcast %lt3A_752 : i32 to vector<16xi32>
          %lt3A_754 = arith.cmpi slt, %xor3A_7, %lt3A_753 : vector<16xi32>
          %add3A_755 = arith.constant 16 : i32
          %add3A_756 = vector.broadcast %add3A_755 : i32 to vector<16xi32>
          %add3A_757 = arith.addi %xor3A_7, %add3A_756 : vector<16xi32>
          %select_n3A_758 = arith.select %lt3A_754, %add3A_757, %xor3A_7 : vector<16xi1>, vector<16xi32>
          %reshape3A_759 = vector.shape_cast %select_n3A_758 : vector<16xi32> to vector<16x1xi32>
          %gather3A_760 = vector.shape_cast %reshape3A_759 : vector<16x1xi32> to vector<16xi32>
          %gather3A_761 = tpu.dynamic_gather %add3A_751[%gather3A_760] in [0] : vector<16xf32>, vector<16xi32> -> vector<16xf32>
          %add3A_762 = arith.addf %add3A_751, %gather3A_761 : vector<16xf32>
          %lt3A_763 = arith.constant 0 : i32
          %lt3A_764 = vector.broadcast %lt3A_763 : i32 to vector<16xi32>
          %lt3A_765 = arith.cmpi slt, %xor3A_10, %lt3A_764 : vector<16xi32>
          %add3A_766 = arith.constant 16 : i32
          %add3A_767 = vector.broadcast %add3A_766 : i32 to vector<16xi32>
          %add3A_768 = arith.addi %xor3A_10, %add3A_767 : vector<16xi32>
          %select_n3A_769 = arith.select %lt3A_765, %add3A_768, %xor3A_10 : vector<16xi1>, vector<16xi32>
          %reshape3A_770 = vector.shape_cast %select_n3A_769 : vector<16xi32> to vector<16x1xi32>
          %gather3A_771 = vector.shape_cast %reshape3A_770 : vector<16x1xi32> to vector<16xi32>
          %gather3A_772 = tpu.dynamic_gather %add3A_762[%gather3A_771] in [0] : vector<16xf32>, vector<16xi32> -> vector<16xf32>
          %add3A_773 = arith.addf %add3A_762, %gather3A_772 : vector<16xf32>
          %lt3A_774 = arith.constant 0 : i32
          %lt3A_775 = vector.broadcast %lt3A_774 : i32 to vector<16xi32>
          %lt3A_776 = arith.cmpi slt, %xor3A_13, %lt3A_775 : vector<16xi32>
          %add3A_777 = arith.constant 16 : i32
          %add3A_778 = vector.broadcast %add3A_777 : i32 to vector<16xi32>
          %add3A_779 = arith.addi %xor3A_13, %add3A_778 : vector<16xi32>
          %select_n3A_780 = arith.select %lt3A_776, %add3A_779, %xor3A_13 : vector<16xi1>, vector<16xi32>
          %reshape3A_781 = vector.shape_cast %select_n3A_780 : vector<16xi32> to vector<16x1xi32>
          %gather3A_782 = vector.shape_cast %reshape3A_781 : vector<16x1xi32> to vector<16xi32>
          %gather3A_783 = tpu.dynamic_gather %add3A_773[%gather3A_782] in [0] : vector<16xf32>, vector<16xi32> -> vector<16xf32>
          %add3A_784 = arith.addf %add3A_773, %gather3A_783 : vector<16xf32>
          %select_n3A_785 = arith.select %eq3A_404, %add3A_784, %scan3A_354 : vector<16xi1>, vector<16xf32>
          %mul3A_786 = arith.constant 20 : i32
          %mul3A_787 = arith.muli %add3A_372, %mul3A_786 : i32
          %add3A_788 = arith.constant 5 : i32
          %add3A_789 = arith.addi %mul3A_787, %add3A_788 : i32
          %get3A_790 = arith.index_cast %add3A_789 : i32 to index
          %get3A_791 = arith.constant 0 : index
          %get3A_792 = tpu.vector_load %arg12[%get3A_790, %get3A_791] {strides = array<i32>} : memref<640x64xf32, #tpu.memory_space<vmem>>, vector<16xf32>,
          %mul3A_793 = arith.mulf %get3A_792, %get3A_374 : vector<16xf32>
          %get3A_794 = arith.index_cast %add3A_789 : i32 to index
          %get3A_795 = arith.constant 16 : index
          %get3A_796 = tpu.vector_load %arg12[%get3A_794, %get3A_795] {strides = array<i32>} : memref<640x64xf32, #tpu.memory_space<vmem>>, vector<16xf32>,
          %mul3A_797 = arith.mulf %get3A_796, %get3A_377 : vector<16xf32>
          %add3A_798 = arith.addf %mul3A_793, %mul3A_797 : vector<16xf32>
          %get3A_799 = arith.index_cast %add3A_789 : i32 to index
          %get3A_800 = arith.constant 32 : index
          %get3A_801 = tpu.vector_load %arg12[%get3A_799, %get3A_800] {strides = array<i32>} : memref<640x64xf32, #tpu.memory_space<vmem>>, vector<16xf32>,
          %mul3A_802 = arith.mulf %get3A_801, %get3A_380 : vector<16xf32>
          %add3A_803 = arith.addf %add3A_798, %mul3A_802 : vector<16xf32>
          %get3A_804 = arith.index_cast %add3A_789 : i32 to index
          %get3A_805 = arith.constant 48 : index
          %get3A_806 = tpu.vector_load %arg12[%get3A_804, %get3A_805] {strides = array<i32>} : memref<640x64xf32, #tpu.memory_space<vmem>>, vector<16xf32>,
          %mul3A_807 = arith.mulf %get3A_806, %get3A_383 : vector<16xf32>
          %add3A_808 = arith.addf %add3A_803, %mul3A_807 : vector<16xf32>
          %lt3A_809 = arith.constant 0 : i32
          %lt3A_810 = vector.broadcast %lt3A_809 : i32 to vector<16xi32>
          %lt3A_811 = arith.cmpi slt, %xor3A_4, %lt3A_810 : vector<16xi32>
          %add3A_812 = arith.constant 16 : i32
          %add3A_813 = vector.broadcast %add3A_812 : i32 to vector<16xi32>
          %add3A_814 = arith.addi %xor3A_4, %add3A_813 : vector<16xi32>
          %select_n3A_815 = arith.select %lt3A_811, %add3A_814, %xor3A_4 : vector<16xi1>, vector<16xi32>
          %reshape3A_816 = vector.shape_cast %select_n3A_815 : vector<16xi32> to vector<16x1xi32>
          %gather3A_817 = vector.shape_cast %reshape3A_816 : vector<16x1xi32> to vector<16xi32>
          %gather3A_818 = tpu.dynamic_gather %add3A_808[%gather3A_817] in [0] : vector<16xf32>, vector<16xi32> -> vector<16xf32>
          %add3A_819 = arith.addf %add3A_808, %gather3A_818 : vector<16xf32>
          %lt3A_820 = arith.constant 0 : i32
          %lt3A_821 = vector.broadcast %lt3A_820 : i32 to vector<16xi32>
          %lt3A_822 = arith.cmpi slt, %xor3A_7, %lt3A_821 : vector<16xi32>
          %add3A_823 = arith.constant 16 : i32
          %add3A_824 = vector.broadcast %add3A_823 : i32 to vector<16xi32>
          %add3A_825 = arith.addi %xor3A_7, %add3A_824 : vector<16xi32>
          %select_n3A_826 = arith.select %lt3A_822, %add3A_825, %xor3A_7 : vector<16xi1>, vector<16xi32>
          %reshape3A_827 = vector.shape_cast %select_n3A_826 : vector<16xi32> to vector<16x1xi32>
          %gather3A_828 = vector.shape_cast %reshape3A_827 : vector<16x1xi32> to vector<16xi32>
          %gather3A_829 = tpu.dynamic_gather %add3A_819[%gather3A_828] in [0] : vector<16xf32>, vector<16xi32> -> vector<16xf32>
          %add3A_830 = arith.addf %add3A_819, %gather3A_829 : vector<16xf32>
          %lt3A_831 = arith.constant 0 : i32
          %lt3A_832 = vector.broadcast %lt3A_831 : i32 to vector<16xi32>
          %lt3A_833 = arith.cmpi slt, %xor3A_10, %lt3A_832 : vector<16xi32>
          %add3A_834 = arith.constant 16 : i32
          %add3A_835 = vector.broadcast %add3A_834 : i32 to vector<16xi32>
          %add3A_836 = arith.addi %xor3A_10, %add3A_835 : vector<16xi32>
          %select_n3A_837 = arith.select %lt3A_833, %add3A_836, %xor3A_10 : vector<16xi1>, vector<16xi32>
          %reshape3A_838 = vector.shape_cast %select_n3A_837 : vector<16xi32> to vector<16x1xi32>
          %gather3A_839 = vector.shape_cast %reshape3A_838 : vector<16x1xi32> to vector<16xi32>
          %gather3A_840 = tpu.dynamic_gather %add3A_830[%gather3A_839] in [0] : vector<16xf32>, vector<16xi32> -> vector<16xf32>
          %add3A_841 = arith.addf %add3A_830, %gather3A_840 : vector<16xf32>
          %lt3A_842 = arith.constant 0 : i32
          %lt3A_843 = vector.broadcast %lt3A_842 : i32 to vector<16xi32>
          %lt3A_844 = arith.cmpi slt, %xor3A_13, %lt3A_843 : vector<16xi32>
          %add3A_845 = arith.constant 16 : i32
          %add3A_846 = vector.broadcast %add3A_845 : i32 to vector<16xi32>
          %add3A_847 = arith.addi %xor3A_13, %add3A_846 : vector<16xi32>
          %select_n3A_848 = arith.select %lt3A_844, %add3A_847, %xor3A_13 : vector<16xi1>, vector<16xi32>
          %reshape3A_849 = vector.shape_cast %select_n3A_848 : vector<16xi32> to vector<16x1xi32>
          %gather3A_850 = vector.shape_cast %reshape3A_849 : vector<16x1xi32> to vector<16xi32>
          %gather3A_851 = tpu.dynamic_gather %add3A_841[%gather3A_850] in [0] : vector<16xf32>, vector<16xi32> -> vector<16xf32>
          %add3A_852 = arith.addf %add3A_841, %gather3A_851 : vector<16xf32>
          %select_n3A_853 = arith.select %eq3A_404, %add3A_852, %scan3A_355 : vector<16xi1>, vector<16xf32>
          %mul3A_854 = arith.constant 20 : i32
          %mul3A_855 = arith.muli %add3A_372, %mul3A_854 : i32
          %add3A_856 = arith.constant 6 : i32
          %add3A_857 = arith.addi %mul3A_855, %add3A_856 : i32
          %get3A_858 = arith.index_cast %add3A_857 : i32 to index
          %get3A_859 = arith.constant 0 : index
          %get3A_860 = tpu.vector_load %arg12[%get3A_858, %get3A_859] {strides = array<i32>} : memref<640x64xf32, #tpu.memory_space<vmem>>, vector<16xf32>,
          %mul3A_861 = arith.mulf %get3A_860, %get3A_374 : vector<16xf32>
          %get3A_862 = arith.index_cast %add3A_857 : i32 to index
          %get3A_863 = arith.constant 16 : index
          %get3A_864 = tpu.vector_load %arg12[%get3A_862, %get3A_863] {strides = array<i32>} : memref<640x64xf32, #tpu.memory_space<vmem>>, vector<16xf32>,
          %mul3A_865 = arith.mulf %get3A_864, %get3A_377 : vector<16xf32>
          %add3A_866 = arith.addf %mul3A_861, %mul3A_865 : vector<16xf32>
          %get3A_867 = arith.index_cast %add3A_857 : i32 to index
          %get3A_868 = arith.constant 32 : index
          %get3A_869 = tpu.vector_load %arg12[%get3A_867, %get3A_868] {strides = array<i32>} : memref<640x64xf32, #tpu.memory_space<vmem>>, vector<16xf32>,
          %mul3A_870 = arith.mulf %get3A_869, %get3A_380 : vector<16xf32>
          %add3A_871 = arith.addf %add3A_866, %mul3A_870 : vector<16xf32>
          %get3A_872 = arith.index_cast %add3A_857 : i32 to index
          %get3A_873 = arith.constant 48 : index
          %get3A_874 = tpu.vector_load %arg12[%get3A_872, %get3A_873] {strides = array<i32>} : memref<640x64xf32, #tpu.memory_space<vmem>>, vector<16xf32>,
          %mul3A_875 = arith.mulf %get3A_874, %get3A_383 : vector<16xf32>
          %add3A_876 = arith.addf %add3A_871, %mul3A_875 : vector<16xf32>
          %lt3A_877 = arith.constant 0 : i32
          %lt3A_878 = vector.broadcast %lt3A_877 : i32 to vector<16xi32>
          %lt3A_879 = arith.cmpi slt, %xor3A_4, %lt3A_878 : vector<16xi32>
          %add3A_880 = arith.constant 16 : i32
          %add3A_881 = vector.broadcast %add3A_880 : i32 to vector<16xi32>
          %add3A_882 = arith.addi %xor3A_4, %add3A_881 : vector<16xi32>
          %select_n3A_883 = arith.select %lt3A_879, %add3A_882, %xor3A_4 : vector<16xi1>, vector<16xi32>
          %reshape3A_884 = vector.shape_cast %select_n3A_883 : vector<16xi32> to vector<16x1xi32>
          %gather3A_885 = vector.shape_cast %reshape3A_884 : vector<16x1xi32> to vector<16xi32>
          %gather3A_886 = tpu.dynamic_gather %add3A_876[%gather3A_885] in [0] : vector<16xf32>, vector<16xi32> -> vector<16xf32>
          %add3A_887 = arith.addf %add3A_876, %gather3A_886 : vector<16xf32>
          %lt3A_888 = arith.constant 0 : i32
          %lt3A_889 = vector.broadcast %lt3A_888 : i32 to vector<16xi32>
          %lt3A_890 = arith.cmpi slt, %xor3A_7, %lt3A_889 : vector<16xi32>
          %add3A_891 = arith.constant 16 : i32
          %add3A_892 = vector.broadcast %add3A_891 : i32 to vector<16xi32>
          %add3A_893 = arith.addi %xor3A_7, %add3A_892 : vector<16xi32>
          %select_n3A_894 = arith.select %lt3A_890, %add3A_893, %xor3A_7 : vector<16xi1>, vector<16xi32>
          %reshape3A_895 = vector.shape_cast %select_n3A_894 : vector<16xi32> to vector<16x1xi32>
          %gather3A_896 = vector.shape_cast %reshape3A_895 : vector<16x1xi32> to vector<16xi32>
          %gather3A_897 = tpu.dynamic_gather %add3A_887[%gather3A_896] in [0] : vector<16xf32>, vector<16xi32> -> vector<16xf32>
          %add3A_898 = arith.addf %add3A_887, %gather3A_897 : vector<16xf32>
          %lt3A_899 = arith.constant 0 : i32
          %lt3A_900 = vector.broadcast %lt3A_899 : i32 to vector<16xi32>
          %lt3A_901 = arith.cmpi slt, %xor3A_10, %lt3A_900 : vector<16xi32>
          %add3A_902 = arith.constant 16 : i32
          %add3A_903 = vector.broadcast %add3A_902 : i32 to vector<16xi32>
          %add3A_904 = arith.addi %xor3A_10, %add3A_903 : vector<16xi32>
          %select_n3A_905 = arith.select %lt3A_901, %add3A_904, %xor3A_10 : vector<16xi1>, vector<16xi32>
          %reshape3A_906 = vector.shape_cast %select_n3A_905 : vector<16xi32> to vector<16x1xi32>
          %gather3A_907 = vector.shape_cast %reshape3A_906 : vector<16x1xi32> to vector<16xi32>
          %gather3A_908 = tpu.dynamic_gather %add3A_898[%gather3A_907] in [0] : vector<16xf32>, vector<16xi32> -> vector<16xf32>
          %add3A_909 = arith.addf %add3A_898, %gather3A_908 : vector<16xf32>
          %lt3A_910 = arith.constant 0 : i32
          %lt3A_911 = vector.broadcast %lt3A_910 : i32 to vector<16xi32>
          %lt3A_912 = arith.cmpi slt, %xor3A_13, %lt3A_911 : vector<16xi32>
          %add3A_913 = arith.constant 16 : i32
          %add3A_914 = vector.broadcast %add3A_913 : i32 to vector<16xi32>
          %add3A_915 = arith.addi %xor3A_13, %add3A_914 : vector<16xi32>
          %select_n3A_916 = arith.select %lt3A_912, %add3A_915, %xor3A_13 : vector<16xi1>, vector<16xi32>
          %reshape3A_917 = vector.shape_cast %select_n3A_916 : vector<16xi32> to vector<16x1xi32>
          %gather3A_918 = vector.shape_cast %reshape3A_917 : vector<16x1xi32> to vector<16xi32>
          %gather3A_919 = tpu.dynamic_gather %add3A_909[%gather3A_918] in [0] : vector<16xf32>, vector<16xi32> -> vector<16xf32>
          %add3A_920 = arith.addf %add3A_909, %gather3A_919 : vector<16xf32>
          %select_n3A_921 = arith.select %eq3A_404, %add3A_920, %scan3A_356 : vector<16xi1>, vector<16xf32>
          %mul3A_922 = arith.constant 20 : i32
          %mul3A_923 = arith.muli %add3A_372, %mul3A_922 : i32
          %add3A_924 = arith.constant 7 : i32
          %add3A_925 = arith.addi %mul3A_923, %add3A_924 : i32
          %get3A_926 = arith.index_cast %add3A_925 : i32 to index
          %get3A_927 = arith.constant 0 : index
          %get3A_928 = tpu.vector_load %arg12[%get3A_926, %get3A_927] {strides = array<i32>} : memref<640x64xf32, #tpu.memory_space<vmem>>, vector<16xf32>,
          %mul3A_929 = arith.mulf %get3A_928, %get3A_374 : vector<16xf32>
          %get3A_930 = arith.index_cast %add3A_925 : i32 to index
          %get3A_931 = arith.constant 16 : index
          %get3A_932 = tpu.vector_load %arg12[%get3A_930, %get3A_931] {strides = array<i32>} : memref<640x64xf32, #tpu.memory_space<vmem>>, vector<16xf32>,
          %mul3A_933 = arith.mulf %get3A_932, %get3A_377 : vector<16xf32>
          %add3A_934 = arith.addf %mul3A_929, %mul3A_933 : vector<16xf32>
          %get3A_935 = arith.index_cast %add3A_925 : i32 to index
          %get3A_936 = arith.constant 32 : index
          %get3A_937 = tpu.vector_load %arg12[%get3A_935, %get3A_936] {strides = array<i32>} : memref<640x64xf32, #tpu.memory_space<vmem>>, vector<16xf32>,
          %mul3A_938 = arith.mulf %get3A_937, %get3A_380 : vector<16xf32>
          %add3A_939 = arith.addf %add3A_934, %mul3A_938 : vector<16xf32>
          %get3A_940 = arith.index_cast %add3A_925 : i32 to index
          %get3A_941 = arith.constant 48 : index
          %get3A_942 = tpu.vector_load %arg12[%get3A_940, %get3A_941] {strides = array<i32>} : memref<640x64xf32, #tpu.memory_space<vmem>>, vector<16xf32>,
          %mul3A_943 = arith.mulf %get3A_942, %get3A_383 : vector<16xf32>
          %add3A_944 = arith.addf %add3A_939, %mul3A_943 : vector<16xf32>
          %lt3A_945 = arith.constant 0 : i32
          %lt3A_946 = vector.broadcast %lt3A_945 : i32 to vector<16xi32>
          %lt3A_947 = arith.cmpi slt, %xor3A_4, %lt3A_946 : vector<16xi32>
          %add3A_948 = arith.constant 16 : i32
          %add3A_949 = vector.broadcast %add3A_948 : i32 to vector<16xi32>
          %add3A_950 = arith.addi %xor3A_4, %add3A_949 : vector<16xi32>
          %select_n3A_951 = arith.select %lt3A_947, %add3A_950, %xor3A_4 : vector<16xi1>, vector<16xi32>
          %reshape3A_952 = vector.shape_cast %select_n3A_951 : vector<16xi32> to vector<16x1xi32>
          %gather3A_953 = vector.shape_cast %reshape3A_952 : vector<16x1xi32> to vector<16xi32>
          %gather3A_954 = tpu.dynamic_gather %add3A_944[%gather3A_953] in [0] : vector<16xf32>, vector<16xi32> -> vector<16xf32>
          %add3A_955 = arith.addf %add3A_944, %gather3A_954 : vector<16xf32>
          %lt3A_956 = arith.constant 0 : i32
          %lt3A_957 = vector.broadcast %lt3A_956 : i32 to vector<16xi32>
          %lt3A_958 = arith.cmpi slt, %xor3A_7, %lt3A_957 : vector<16xi32>
          %add3A_959 = arith.constant 16 : i32
          %add3A_960 = vector.broadcast %add3A_959 : i32 to vector<16xi32>
          %add3A_961 = arith.addi %xor3A_7, %add3A_960 : vector<16xi32>
          %select_n3A_962 = arith.select %lt3A_958, %add3A_961, %xor3A_7 : vector<16xi1>, vector<16xi32>
          %reshape3A_963 = vector.shape_cast %select_n3A_962 : vector<16xi32> to vector<16x1xi32>
          %gather3A_964 = vector.shape_cast %reshape3A_963 : vector<16x1xi32> to vector<16xi32>
          %gather3A_965 = tpu.dynamic_gather %add3A_955[%gather3A_964] in [0] : vector<16xf32>, vector<16xi32> -> vector<16xf32>
          %add3A_966 = arith.addf %add3A_955, %gather3A_965 : vector<16xf32>
          %lt3A_967 = arith.constant 0 : i32
          %lt3A_968 = vector.broadcast %lt3A_967 : i32 to vector<16xi32>
          %lt3A_969 = arith.cmpi slt, %xor3A_10, %lt3A_968 : vector<16xi32>
          %add3A_970 = arith.constant 16 : i32
          %add3A_971 = vector.broadcast %add3A_970 : i32 to vector<16xi32>
          %add3A_972 = arith.addi %xor3A_10, %add3A_971 : vector<16xi32>
          %select_n3A_973 = arith.select %lt3A_969, %add3A_972, %xor3A_10 : vector<16xi1>, vector<16xi32>
          %reshape3A_974 = vector.shape_cast %select_n3A_973 : vector<16xi32> to vector<16x1xi32>
          %gather3A_975 = vector.shape_cast %reshape3A_974 : vector<16x1xi32> to vector<16xi32>
          %gather3A_976 = tpu.dynamic_gather %add3A_966[%gather3A_975] in [0] : vector<16xf32>, vector<16xi32> -> vector<16xf32>
          %add3A_977 = arith.addf %add3A_966, %gather3A_976 : vector<16xf32>
          %lt3A_978 = arith.constant 0 : i32
          %lt3A_979 = vector.broadcast %lt3A_978 : i32 to vector<16xi32>
          %lt3A_980 = arith.cmpi slt, %xor3A_13, %lt3A_979 : vector<16xi32>
          %add3A_981 = arith.constant 16 : i32
          %add3A_982 = vector.broadcast %add3A_981 : i32 to vector<16xi32>
          %add3A_983 = arith.addi %xor3A_13, %add3A_982 : vector<16xi32>
          %select_n3A_984 = arith.select %lt3A_980, %add3A_983, %xor3A_13 : vector<16xi1>, vector<16xi32>
          %reshape3A_985 = vector.shape_cast %select_n3A_984 : vector<16xi32> to vector<16x1xi32>
          %gather3A_986 = vector.shape_cast %reshape3A_985 : vector<16x1xi32> to vector<16xi32>
          %gather3A_987 = tpu.dynamic_gather %add3A_977[%gather3A_986] in [0] : vector<16xf32>, vector<16xi32> -> vector<16xf32>
          %add3A_988 = arith.addf %add3A_977, %gather3A_987 : vector<16xf32>
          %select_n3A_989 = arith.select %eq3A_404, %add3A_988, %scan3A_357 : vector<16xi1>, vector<16xf32>
          %mul3A_990 = arith.constant 20 : i32
          %mul3A_991 = arith.muli %add3A_372, %mul3A_990 : i32
          %add3A_992 = arith.constant 8 : i32
          %add3A_993 = arith.addi %mul3A_991, %add3A_992 : i32
          %get3A_994 = arith.index_cast %add3A_993 : i32 to index
          %get3A_995 = arith.constant 0 : index
          %get3A_996 = tpu.vector_load %arg12[%get3A_994, %get3A_995] {strides = array<i32>} : memref<640x64xf32, #tpu.memory_space<vmem>>, vector<16xf32>,
          %mul3A_997 = arith.mulf %get3A_996, %get3A_374 : vector<16xf32>
          %get3A_998 = arith.index_cast %add3A_993 : i32 to index
          %get3A_999 = arith.constant 16 : index
          %get3A_1000 = tpu.vector_load %arg12[%get3A_998, %get3A_999] {strides = array<i32>} : memref<640x64xf32, #tpu.memory_space<vmem>>, vector<16xf32>,
          %mul3A_1001 = arith.mulf %get3A_1000, %get3A_377 : vector<16xf32>
          %add3A_1002 = arith.addf %mul3A_997, %mul3A_1001 : vector<16xf32>
          %get3A_1003 = arith.index_cast %add3A_993 : i32 to index
          %get3A_1004 = arith.constant 32 : index
          %get3A_1005 = tpu.vector_load %arg12[%get3A_1003, %get3A_1004] {strides = array<i32>} : memref<640x64xf32, #tpu.memory_space<vmem>>, vector<16xf32>,
          %mul3A_1006 = arith.mulf %get3A_1005, %get3A_380 : vector<16xf32>
          %add3A_1007 = arith.addf %add3A_1002, %mul3A_1006 : vector<16xf32>
          %get3A_1008 = arith.index_cast %add3A_993 : i32 to index
          %get3A_1009 = arith.constant 48 : index
          %get3A_1010 = tpu.vector_load %arg12[%get3A_1008, %get3A_1009] {strides = array<i32>} : memref<640x64xf32, #tpu.memory_space<vmem>>, vector<16xf32>,
          %mul3A_1011 = arith.mulf %get3A_1010, %get3A_383 : vector<16xf32>
          %add3A_1012 = arith.addf %add3A_1007, %mul3A_1011 : vector<16xf32>
          %lt3A_1013 = arith.constant 0 : i32
          %lt3A_1014 = vector.broadcast %lt3A_1013 : i32 to vector<16xi32>
          %lt3A_1015 = arith.cmpi slt, %xor3A_4, %lt3A_1014 : vector<16xi32>
          %add3A_1016 = arith.constant 16 : i32
          %add3A_1017 = vector.broadcast %add3A_1016 : i32 to vector<16xi32>
          %add3A_1018 = arith.addi %xor3A_4, %add3A_1017 : vector<16xi32>
          %select_n3A_1019 = arith.select %lt3A_1015, %add3A_1018, %xor3A_4 : vector<16xi1>, vector<16xi32>
          %reshape3A_1020 = vector.shape_cast %select_n3A_1019 : vector<16xi32> to vector<16x1xi32>
          %gather3A_1021 = vector.shape_cast %reshape3A_1020 : vector<16x1xi32> to vector<16xi32>
          %gather3A_1022 = tpu.dynamic_gather %add3A_1012[%gather3A_1021] in [0] : vector<16xf32>, vector<16xi32> -> vector<16xf32>
          %add3A_1023 = arith.addf %add3A_1012, %gather3A_1022 : vector<16xf32>
          %lt3A_1024 = arith.constant 0 : i32
          %lt3A_1025 = vector.broadcast %lt3A_1024 : i32 to vector<16xi32>
          %lt3A_1026 = arith.cmpi slt, %xor3A_7, %lt3A_1025 : vector<16xi32>
          %add3A_1027 = arith.constant 16 : i32
          %add3A_1028 = vector.broadcast %add3A_1027 : i32 to vector<16xi32>
          %add3A_1029 = arith.addi %xor3A_7, %add3A_1028 : vector<16xi32>
          %select_n3A_1030 = arith.select %lt3A_1026, %add3A_1029, %xor3A_7 : vector<16xi1>, vector<16xi32>
          %reshape3A_1031 = vector.shape_cast %select_n3A_1030 : vector<16xi32> to vector<16x1xi32>
          %gather3A_1032 = vector.shape_cast %reshape3A_1031 : vector<16x1xi32> to vector<16xi32>
          %gather3A_1033 = tpu.dynamic_gather %add3A_1023[%gather3A_1032] in [0] : vector<16xf32>, vector<16xi32> -> vector<16xf32>
          %add3A_1034 = arith.addf %add3A_1023, %gather3A_1033 : vector<16xf32>
          %lt3A_1035 = arith.constant 0 : i32
          %lt3A_1036 = vector.broadcast %lt3A_1035 : i32 to vector<16xi32>
          %lt3A_1037 = arith.cmpi slt, %xor3A_10, %lt3A_1036 : vector<16xi32>
          %add3A_1038 = arith.constant 16 : i32
          %add3A_1039 = vector.broadcast %add3A_1038 : i32 to vector<16xi32>
          %add3A_1040 = arith.addi %xor3A_10, %add3A_1039 : vector<16xi32>
          %select_n3A_1041 = arith.select %lt3A_1037, %add3A_1040, %xor3A_10 : vector<16xi1>, vector<16xi32>
          %reshape3A_1042 = vector.shape_cast %select_n3A_1041 : vector<16xi32> to vector<16x1xi32>
          %gather3A_1043 = vector.shape_cast %reshape3A_1042 : vector<16x1xi32> to vector<16xi32>
          %gather3A_1044 = tpu.dynamic_gather %add3A_1034[%gather3A_1043] in [0] : vector<16xf32>, vector<16xi32> -> vector<16xf32>
          %add3A_1045 = arith.addf %add3A_1034, %gather3A_1044 : vector<16xf32>
          %lt3A_1046 = arith.constant 0 : i32
          %lt3A_1047 = vector.broadcast %lt3A_1046 : i32 to vector<16xi32>
          %lt3A_1048 = arith.cmpi slt, %xor3A_13, %lt3A_1047 : vector<16xi32>
          %add3A_1049 = arith.constant 16 : i32
          %add3A_1050 = vector.broadcast %add3A_1049 : i32 to vector<16xi32>
          %add3A_1051 = arith.addi %xor3A_13, %add3A_1050 : vector<16xi32>
          %select_n3A_1052 = arith.select %lt3A_1048, %add3A_1051, %xor3A_13 : vector<16xi1>, vector<16xi32>
          %reshape3A_1053 = vector.shape_cast %select_n3A_1052 : vector<16xi32> to vector<16x1xi32>
          %gather3A_1054 = vector.shape_cast %reshape3A_1053 : vector<16x1xi32> to vector<16xi32>
          %gather3A_1055 = tpu.dynamic_gather %add3A_1045[%gather3A_1054] in [0] : vector<16xf32>, vector<16xi32> -> vector<16xf32>
          %add3A_1056 = arith.addf %add3A_1045, %gather3A_1055 : vector<16xf32>
          %select_n3A_1057 = arith.select %eq3A_404, %add3A_1056, %scan3A_358 : vector<16xi1>, vector<16xf32>
          %mul3A_1058 = arith.constant 20 : i32
          %mul3A_1059 = arith.muli %add3A_372, %mul3A_1058 : i32
          %add3A_1060 = arith.constant 9 : i32
          %add3A_1061 = arith.addi %mul3A_1059, %add3A_1060 : i32
          %get3A_1062 = arith.index_cast %add3A_1061 : i32 to index
          %get3A_1063 = arith.constant 0 : index
          %get3A_1064 = tpu.vector_load %arg12[%get3A_1062, %get3A_1063] {strides = array<i32>} : memref<640x64xf32, #tpu.memory_space<vmem>>, vector<16xf32>,
          %mul3A_1065 = arith.mulf %get3A_1064, %get3A_374 : vector<16xf32>
          %get3A_1066 = arith.index_cast %add3A_1061 : i32 to index
          %get3A_1067 = arith.constant 16 : index
          %get3A_1068 = tpu.vector_load %arg12[%get3A_1066, %get3A_1067] {strides = array<i32>} : memref<640x64xf32, #tpu.memory_space<vmem>>, vector<16xf32>,
          %mul3A_1069 = arith.mulf %get3A_1068, %get3A_377 : vector<16xf32>
          %add3A_1070 = arith.addf %mul3A_1065, %mul3A_1069 : vector<16xf32>
          %get3A_1071 = arith.index_cast %add3A_1061 : i32 to index
          %get3A_1072 = arith.constant 32 : index
          %get3A_1073 = tpu.vector_load %arg12[%get3A_1071, %get3A_1072] {strides = array<i32>} : memref<640x64xf32, #tpu.memory_space<vmem>>, vector<16xf32>,
          %mul3A_1074 = arith.mulf %get3A_1073, %get3A_380 : vector<16xf32>
          %add3A_1075 = arith.addf %add3A_1070, %mul3A_1074 : vector<16xf32>
          %get3A_1076 = arith.index_cast %add3A_1061 : i32 to index
          %get3A_1077 = arith.constant 48 : index
          %get3A_1078 = tpu.vector_load %arg12[%get3A_1076, %get3A_1077] {strides = array<i32>} : memref<640x64xf32, #tpu.memory_space<vmem>>, vector<16xf32>,
          %mul3A_1079 = arith.mulf %get3A_1078, %get3A_383 : vector<16xf32>
          %add3A_1080 = arith.addf %add3A_1075, %mul3A_1079 : vector<16xf32>
          %lt3A_1081 = arith.constant 0 : i32
          %lt3A_1082 = vector.broadcast %lt3A_1081 : i32 to vector<16xi32>
          %lt3A_1083 = arith.cmpi slt, %xor3A_4, %lt3A_1082 : vector<16xi32>
          %add3A_1084 = arith.constant 16 : i32
          %add3A_1085 = vector.broadcast %add3A_1084 : i32 to vector<16xi32>
          %add3A_1086 = arith.addi %xor3A_4, %add3A_1085 : vector<16xi32>
          %select_n3A_1087 = arith.select %lt3A_1083, %add3A_1086, %xor3A_4 : vector<16xi1>, vector<16xi32>
          %reshape3A_1088 = vector.shape_cast %select_n3A_1087 : vector<16xi32> to vector<16x1xi32>
          %gather3A_1089 = vector.shape_cast %reshape3A_1088 : vector<16x1xi32> to vector<16xi32>
          %gather3A_1090 = tpu.dynamic_gather %add3A_1080[%gather3A_1089] in [0] : vector<16xf32>, vector<16xi32> -> vector<16xf32>
          %add3A_1091 = arith.addf %add3A_1080, %gather3A_1090 : vector<16xf32>
          %lt3A_1092 = arith.constant 0 : i32
          %lt3A_1093 = vector.broadcast %lt3A_1092 : i32 to vector<16xi32>
          %lt3A_1094 = arith.cmpi slt, %xor3A_7, %lt3A_1093 : vector<16xi32>
          %add3A_1095 = arith.constant 16 : i32
          %add3A_1096 = vector.broadcast %add3A_1095 : i32 to vector<16xi32>
          %add3A_1097 = arith.addi %xor3A_7, %add3A_1096 : vector<16xi32>
          %select_n3A_1098 = arith.select %lt3A_1094, %add3A_1097, %xor3A_7 : vector<16xi1>, vector<16xi32>
          %reshape3A_1099 = vector.shape_cast %select_n3A_1098 : vector<16xi32> to vector<16x1xi32>
          %gather3A_1100 = vector.shape_cast %reshape3A_1099 : vector<16x1xi32> to vector<16xi32>
          %gather3A_1101 = tpu.dynamic_gather %add3A_1091[%gather3A_1100] in [0] : vector<16xf32>, vector<16xi32> -> vector<16xf32>
          %add3A_1102 = arith.addf %add3A_1091, %gather3A_1101 : vector<16xf32>
          %lt3A_1103 = arith.constant 0 : i32
          %lt3A_1104 = vector.broadcast %lt3A_1103 : i32 to vector<16xi32>
          %lt3A_1105 = arith.cmpi slt, %xor3A_10, %lt3A_1104 : vector<16xi32>
          %add3A_1106 = arith.constant 16 : i32
          %add3A_1107 = vector.broadcast %add3A_1106 : i32 to vector<16xi32>
          %add3A_1108 = arith.addi %xor3A_10, %add3A_1107 : vector<16xi32>
          %select_n3A_1109 = arith.select %lt3A_1105, %add3A_1108, %xor3A_10 : vector<16xi1>, vector<16xi32>
          %reshape3A_1110 = vector.shape_cast %select_n3A_1109 : vector<16xi32> to vector<16x1xi32>
          %gather3A_1111 = vector.shape_cast %reshape3A_1110 : vector<16x1xi32> to vector<16xi32>
          %gather3A_1112 = tpu.dynamic_gather %add3A_1102[%gather3A_1111] in [0] : vector<16xf32>, vector<16xi32> -> vector<16xf32>
          %add3A_1113 = arith.addf %add3A_1102, %gather3A_1112 : vector<16xf32>
          %lt3A_1114 = arith.constant 0 : i32
          %lt3A_1115 = vector.broadcast %lt3A_1114 : i32 to vector<16xi32>
          %lt3A_1116 = arith.cmpi slt, %xor3A_13, %lt3A_1115 : vector<16xi32>
          %add3A_1117 = arith.constant 16 : i32
          %add3A_1118 = vector.broadcast %add3A_1117 : i32 to vector<16xi32>
          %add3A_1119 = arith.addi %xor3A_13, %add3A_1118 : vector<16xi32>
          %select_n3A_1120 = arith.select %lt3A_1116, %add3A_1119, %xor3A_13 : vector<16xi1>, vector<16xi32>
          %reshape3A_1121 = vector.shape_cast %select_n3A_1120 : vector<16xi32> to vector<16x1xi32>
          %gather3A_1122 = vector.shape_cast %reshape3A_1121 : vector<16x1xi32> to vector<16xi32>
          %gather3A_1123 = tpu.dynamic_gather %add3A_1113[%gather3A_1122] in [0] : vector<16xf32>, vector<16xi32> -> vector<16xf32>
          %add3A_1124 = arith.addf %add3A_1113, %gather3A_1123 : vector<16xf32>
          %select_n3A_1125 = arith.select %eq3A_404, %add3A_1124, %scan3A_359 : vector<16xi1>, vector<16xf32>
          %mul3A_1126 = arith.constant 20 : i32
          %mul3A_1127 = arith.muli %add3A_372, %mul3A_1126 : i32
          %add3A_1128 = arith.constant 10 : i32
          %add3A_1129 = arith.addi %mul3A_1127, %add3A_1128 : i32
          %get3A_1130 = arith.index_cast %add3A_1129 : i32 to index
          %get3A_1131 = arith.constant 0 : index
          %get3A_1132 = tpu.vector_load %arg12[%get3A_1130, %get3A_1131] {strides = array<i32>} : memref<640x64xf32, #tpu.memory_space<vmem>>, vector<16xf32>,
          %mul3A_1133 = arith.mulf %get3A_1132, %get3A_374 : vector<16xf32>
          %get3A_1134 = arith.index_cast %add3A_1129 : i32 to index
          %get3A_1135 = arith.constant 16 : index
          %get3A_1136 = tpu.vector_load %arg12[%get3A_1134, %get3A_1135] {strides = array<i32>} : memref<640x64xf32, #tpu.memory_space<vmem>>, vector<16xf32>,
          %mul3A_1137 = arith.mulf %get3A_1136, %get3A_377 : vector<16xf32>
          %add3A_1138 = arith.addf %mul3A_1133, %mul3A_1137 : vector<16xf32>
          %get3A_1139 = arith.index_cast %add3A_1129 : i32 to index
          %get3A_1140 = arith.constant 32 : index
          %get3A_1141 = tpu.vector_load %arg12[%get3A_1139, %get3A_1140] {strides = array<i32>} : memref<640x64xf32, #tpu.memory_space<vmem>>, vector<16xf32>,
          %mul3A_1142 = arith.mulf %get3A_1141, %get3A_380 : vector<16xf32>
          %add3A_1143 = arith.addf %add3A_1138, %mul3A_1142 : vector<16xf32>
          %get3A_1144 = arith.index_cast %add3A_1129 : i32 to index
          %get3A_1145 = arith.constant 48 : index
          %get3A_1146 = tpu.vector_load %arg12[%get3A_1144, %get3A_1145] {strides = array<i32>} : memref<640x64xf32, #tpu.memory_space<vmem>>, vector<16xf32>,
          %mul3A_1147 = arith.mulf %get3A_1146, %get3A_383 : vector<16xf32>
          %add3A_1148 = arith.addf %add3A_1143, %mul3A_1147 : vector<16xf32>
          %lt3A_1149 = arith.constant 0 : i32
          %lt3A_1150 = vector.broadcast %lt3A_1149 : i32 to vector<16xi32>
          %lt3A_1151 = arith.cmpi slt, %xor3A_4, %lt3A_1150 : vector<16xi32>
          %add3A_1152 = arith.constant 16 : i32
          %add3A_1153 = vector.broadcast %add3A_1152 : i32 to vector<16xi32>
          %add3A_1154 = arith.addi %xor3A_4, %add3A_1153 : vector<16xi32>
          %select_n3A_1155 = arith.select %lt3A_1151, %add3A_1154, %xor3A_4 : vector<16xi1>, vector<16xi32>
          %reshape3A_1156 = vector.shape_cast %select_n3A_1155 : vector<16xi32> to vector<16x1xi32>
          %gather3A_1157 = vector.shape_cast %reshape3A_1156 : vector<16x1xi32> to vector<16xi32>
          %gather3A_1158 = tpu.dynamic_gather %add3A_1148[%gather3A_1157] in [0] : vector<16xf32>, vector<16xi32> -> vector<16xf32>
          %add3A_1159 = arith.addf %add3A_1148, %gather3A_1158 : vector<16xf32>
          %lt3A_1160 = arith.constant 0 : i32
          %lt3A_1161 = vector.broadcast %lt3A_1160 : i32 to vector<16xi32>
          %lt3A_1162 = arith.cmpi slt, %xor3A_7, %lt3A_1161 : vector<16xi32>
          %add3A_1163 = arith.constant 16 : i32
          %add3A_1164 = vector.broadcast %add3A_1163 : i32 to vector<16xi32>
          %add3A_1165 = arith.addi %xor3A_7, %add3A_1164 : vector<16xi32>
          %select_n3A_1166 = arith.select %lt3A_1162, %add3A_1165, %xor3A_7 : vector<16xi1>, vector<16xi32>
          %reshape3A_1167 = vector.shape_cast %select_n3A_1166 : vector<16xi32> to vector<16x1xi32>
          %gather3A_1168 = vector.shape_cast %reshape3A_1167 : vector<16x1xi32> to vector<16xi32>
          %gather3A_1169 = tpu.dynamic_gather %add3A_1159[%gather3A_1168] in [0] : vector<16xf32>, vector<16xi32> -> vector<16xf32>
          %add3A_1170 = arith.addf %add3A_1159, %gather3A_1169 : vector<16xf32>
          %lt3A_1171 = arith.constant 0 : i32
          %lt3A_1172 = vector.broadcast %lt3A_1171 : i32 to vector<16xi32>
          %lt3A_1173 = arith.cmpi slt, %xor3A_10, %lt3A_1172 : vector<16xi32>
          %add3A_1174 = arith.constant 16 : i32
          %add3A_1175 = vector.broadcast %add3A_1174 : i32 to vector<16xi32>
          %add3A_1176 = arith.addi %xor3A_10, %add3A_1175 : vector<16xi32>
          %select_n3A_1177 = arith.select %lt3A_1173, %add3A_1176, %xor3A_10 : vector<16xi1>, vector<16xi32>
          %reshape3A_1178 = vector.shape_cast %select_n3A_1177 : vector<16xi32> to vector<16x1xi32>
          %gather3A_1179 = vector.shape_cast %reshape3A_1178 : vector<16x1xi32> to vector<16xi32>
          %gather3A_1180 = tpu.dynamic_gather %add3A_1170[%gather3A_1179] in [0] : vector<16xf32>, vector<16xi32> -> vector<16xf32>
          %add3A_1181 = arith.addf %add3A_1170, %gather3A_1180 : vector<16xf32>
          %lt3A_1182 = arith.constant 0 : i32
          %lt3A_1183 = vector.broadcast %lt3A_1182 : i32 to vector<16xi32>
          %lt3A_1184 = arith.cmpi slt, %xor3A_13, %lt3A_1183 : vector<16xi32>
          %add3A_1185 = arith.constant 16 : i32
          %add3A_1186 = vector.broadcast %add3A_1185 : i32 to vector<16xi32>
          %add3A_1187 = arith.addi %xor3A_13, %add3A_1186 : vector<16xi32>
          %select_n3A_1188 = arith.select %lt3A_1184, %add3A_1187, %xor3A_13 : vector<16xi1>, vector<16xi32>
          %reshape3A_1189 = vector.shape_cast %select_n3A_1188 : vector<16xi32> to vector<16x1xi32>
          %gather3A_1190 = vector.shape_cast %reshape3A_1189 : vector<16x1xi32> to vector<16xi32>
          %gather3A_1191 = tpu.dynamic_gather %add3A_1181[%gather3A_1190] in [0] : vector<16xf32>, vector<16xi32> -> vector<16xf32>
          %add3A_1192 = arith.addf %add3A_1181, %gather3A_1191 : vector<16xf32>
          %select_n3A_1193 = arith.select %eq3A_404, %add3A_1192, %scan3A_360 : vector<16xi1>, vector<16xf32>
          %mul3A_1194 = arith.constant 20 : i32
          %mul3A_1195 = arith.muli %add3A_372, %mul3A_1194 : i32
          %add3A_1196 = arith.constant 11 : i32
          %add3A_1197 = arith.addi %mul3A_1195, %add3A_1196 : i32
          %get3A_1198 = arith.index_cast %add3A_1197 : i32 to index
          %get3A_1199 = arith.constant 0 : index
          %get3A_1200 = tpu.vector_load %arg12[%get3A_1198, %get3A_1199] {strides = array<i32>} : memref<640x64xf32, #tpu.memory_space<vmem>>, vector<16xf32>,
          %mul3A_1201 = arith.mulf %get3A_1200, %get3A_374 : vector<16xf32>
          %get3A_1202 = arith.index_cast %add3A_1197 : i32 to index
          %get3A_1203 = arith.constant 16 : index
          %get3A_1204 = tpu.vector_load %arg12[%get3A_1202, %get3A_1203] {strides = array<i32>} : memref<640x64xf32, #tpu.memory_space<vmem>>, vector<16xf32>,
          %mul3A_1205 = arith.mulf %get3A_1204, %get3A_377 : vector<16xf32>
          %add3A_1206 = arith.addf %mul3A_1201, %mul3A_1205 : vector<16xf32>
          %get3A_1207 = arith.index_cast %add3A_1197 : i32 to index
          %get3A_1208 = arith.constant 32 : index
          %get3A_1209 = tpu.vector_load %arg12[%get3A_1207, %get3A_1208] {strides = array<i32>} : memref<640x64xf32, #tpu.memory_space<vmem>>, vector<16xf32>,
          %mul3A_1210 = arith.mulf %get3A_1209, %get3A_380 : vector<16xf32>
          %add3A_1211 = arith.addf %add3A_1206, %mul3A_1210 : vector<16xf32>
          %get3A_1212 = arith.index_cast %add3A_1197 : i32 to index
          %get3A_1213 = arith.constant 48 : index
          %get3A_1214 = tpu.vector_load %arg12[%get3A_1212, %get3A_1213] {strides = array<i32>} : memref<640x64xf32, #tpu.memory_space<vmem>>, vector<16xf32>,
          %mul3A_1215 = arith.mulf %get3A_1214, %get3A_383 : vector<16xf32>
          %add3A_1216 = arith.addf %add3A_1211, %mul3A_1215 : vector<16xf32>
          %lt3A_1217 = arith.constant 0 : i32
          %lt3A_1218 = vector.broadcast %lt3A_1217 : i32 to vector<16xi32>
          %lt3A_1219 = arith.cmpi slt, %xor3A_4, %lt3A_1218 : vector<16xi32>
          %add3A_1220 = arith.constant 16 : i32
          %add3A_1221 = vector.broadcast %add3A_1220 : i32 to vector<16xi32>
          %add3A_1222 = arith.addi %xor3A_4, %add3A_1221 : vector<16xi32>
          %select_n3A_1223 = arith.select %lt3A_1219, %add3A_1222, %xor3A_4 : vector<16xi1>, vector<16xi32>
          %reshape3A_1224 = vector.shape_cast %select_n3A_1223 : vector<16xi32> to vector<16x1xi32>
          %gather3A_1225 = vector.shape_cast %reshape3A_1224 : vector<16x1xi32> to vector<16xi32>
          %gather3A_1226 = tpu.dynamic_gather %add3A_1216[%gather3A_1225] in [0] : vector<16xf32>, vector<16xi32> -> vector<16xf32>
          %add3A_1227 = arith.addf %add3A_1216, %gather3A_1226 : vector<16xf32>
          %lt3A_1228 = arith.constant 0 : i32
          %lt3A_1229 = vector.broadcast %lt3A_1228 : i32 to vector<16xi32>
          %lt3A_1230 = arith.cmpi slt, %xor3A_7, %lt3A_1229 : vector<16xi32>
          %add3A_1231 = arith.constant 16 : i32
          %add3A_1232 = vector.broadcast %add3A_1231 : i32 to vector<16xi32>
          %add3A_1233 = arith.addi %xor3A_7, %add3A_1232 : vector<16xi32>
          %select_n3A_1234 = arith.select %lt3A_1230, %add3A_1233, %xor3A_7 : vector<16xi1>, vector<16xi32>
          %reshape3A_1235 = vector.shape_cast %select_n3A_1234 : vector<16xi32> to vector<16x1xi32>
          %gather3A_1236 = vector.shape_cast %reshape3A_1235 : vector<16x1xi32> to vector<16xi32>
          %gather3A_1237 = tpu.dynamic_gather %add3A_1227[%gather3A_1236] in [0] : vector<16xf32>, vector<16xi32> -> vector<16xf32>
          %add3A_1238 = arith.addf %add3A_1227, %gather3A_1237 : vector<16xf32>
          %lt3A_1239 = arith.constant 0 : i32
          %lt3A_1240 = vector.broadcast %lt3A_1239 : i32 to vector<16xi32>
          %lt3A_1241 = arith.cmpi slt, %xor3A_10, %lt3A_1240 : vector<16xi32>
          %add3A_1242 = arith.constant 16 : i32
          %add3A_1243 = vector.broadcast %add3A_1242 : i32 to vector<16xi32>
          %add3A_1244 = arith.addi %xor3A_10, %add3A_1243 : vector<16xi32>
          %select_n3A_1245 = arith.select %lt3A_1241, %add3A_1244, %xor3A_10 : vector<16xi1>, vector<16xi32>
          %reshape3A_1246 = vector.shape_cast %select_n3A_1245 : vector<16xi32> to vector<16x1xi32>
          %gather3A_1247 = vector.shape_cast %reshape3A_1246 : vector<16x1xi32> to vector<16xi32>
          %gather3A_1248 = tpu.dynamic_gather %add3A_1238[%gather3A_1247] in [0] : vector<16xf32>, vector<16xi32> -> vector<16xf32>
          %add3A_1249 = arith.addf %add3A_1238, %gather3A_1248 : vector<16xf32>
          %lt3A_1250 = arith.constant 0 : i32
          %lt3A_1251 = vector.broadcast %lt3A_1250 : i32 to vector<16xi32>
          %lt3A_1252 = arith.cmpi slt, %xor3A_13, %lt3A_1251 : vector<16xi32>
          %add3A_1253 = arith.constant 16 : i32
          %add3A_1254 = vector.broadcast %add3A_1253 : i32 to vector<16xi32>
          %add3A_1255 = arith.addi %xor3A_13, %add3A_1254 : vector<16xi32>
          %select_n3A_1256 = arith.select %lt3A_1252, %add3A_1255, %xor3A_13 : vector<16xi1>, vector<16xi32>
          %reshape3A_1257 = vector.shape_cast %select_n3A_1256 : vector<16xi32> to vector<16x1xi32>
          %gather3A_1258 = vector.shape_cast %reshape3A_1257 : vector<16x1xi32> to vector<16xi32>
          %gather3A_1259 = tpu.dynamic_gather %add3A_1249[%gather3A_1258] in [0] : vector<16xf32>, vector<16xi32> -> vector<16xf32>
          %add3A_1260 = arith.addf %add3A_1249, %gather3A_1259 : vector<16xf32>
          %select_n3A_1261 = arith.select %eq3A_404, %add3A_1260, %scan3A_361 : vector<16xi1>, vector<16xf32>
          %mul3A_1262 = arith.constant 20 : i32
          %mul3A_1263 = arith.muli %add3A_372, %mul3A_1262 : i32
          %add3A_1264 = arith.constant 12 : i32
          %add3A_1265 = arith.addi %mul3A_1263, %add3A_1264 : i32
          %get3A_1266 = arith.index_cast %add3A_1265 : i32 to index
          %get3A_1267 = arith.constant 0 : index
          %get3A_1268 = tpu.vector_load %arg12[%get3A_1266, %get3A_1267] {strides = array<i32>} : memref<640x64xf32, #tpu.memory_space<vmem>>, vector<16xf32>,
          %mul3A_1269 = arith.mulf %get3A_1268, %get3A_374 : vector<16xf32>
          %get3A_1270 = arith.index_cast %add3A_1265 : i32 to index
          %get3A_1271 = arith.constant 16 : index
          %get3A_1272 = tpu.vector_load %arg12[%get3A_1270, %get3A_1271] {strides = array<i32>} : memref<640x64xf32, #tpu.memory_space<vmem>>, vector<16xf32>,
          %mul3A_1273 = arith.mulf %get3A_1272, %get3A_377 : vector<16xf32>
          %add3A_1274 = arith.addf %mul3A_1269, %mul3A_1273 : vector<16xf32>
          %get3A_1275 = arith.index_cast %add3A_1265 : i32 to index
          %get3A_1276 = arith.constant 32 : index
          %get3A_1277 = tpu.vector_load %arg12[%get3A_1275, %get3A_1276] {strides = array<i32>} : memref<640x64xf32, #tpu.memory_space<vmem>>, vector<16xf32>,
          %mul3A_1278 = arith.mulf %get3A_1277, %get3A_380 : vector<16xf32>
          %add3A_1279 = arith.addf %add3A_1274, %mul3A_1278 : vector<16xf32>
          %get3A_1280 = arith.index_cast %add3A_1265 : i32 to index
          %get3A_1281 = arith.constant 48 : index
          %get3A_1282 = tpu.vector_load %arg12[%get3A_1280, %get3A_1281] {strides = array<i32>} : memref<640x64xf32, #tpu.memory_space<vmem>>, vector<16xf32>,
          %mul3A_1283 = arith.mulf %get3A_1282, %get3A_383 : vector<16xf32>
          %add3A_1284 = arith.addf %add3A_1279, %mul3A_1283 : vector<16xf32>
          %lt3A_1285 = arith.constant 0 : i32
          %lt3A_1286 = vector.broadcast %lt3A_1285 : i32 to vector<16xi32>
          %lt3A_1287 = arith.cmpi slt, %xor3A_4, %lt3A_1286 : vector<16xi32>
          %add3A_1288 = arith.constant 16 : i32
          %add3A_1289 = vector.broadcast %add3A_1288 : i32 to vector<16xi32>
          %add3A_1290 = arith.addi %xor3A_4, %add3A_1289 : vector<16xi32>
          %select_n3A_1291 = arith.select %lt3A_1287, %add3A_1290, %xor3A_4 : vector<16xi1>, vector<16xi32>
          %reshape3A_1292 = vector.shape_cast %select_n3A_1291 : vector<16xi32> to vector<16x1xi32>
          %gather3A_1293 = vector.shape_cast %reshape3A_1292 : vector<16x1xi32> to vector<16xi32>
          %gather3A_1294 = tpu.dynamic_gather %add3A_1284[%gather3A_1293] in [0] : vector<16xf32>, vector<16xi32> -> vector<16xf32>
          %add3A_1295 = arith.addf %add3A_1284, %gather3A_1294 : vector<16xf32>
          %lt3A_1296 = arith.constant 0 : i32
          %lt3A_1297 = vector.broadcast %lt3A_1296 : i32 to vector<16xi32>
          %lt3A_1298 = arith.cmpi slt, %xor3A_7, %lt3A_1297 : vector<16xi32>
          %add3A_1299 = arith.constant 16 : i32
          %add3A_1300 = vector.broadcast %add3A_1299 : i32 to vector<16xi32>
          %add3A_1301 = arith.addi %xor3A_7, %add3A_1300 : vector<16xi32>
          %select_n3A_1302 = arith.select %lt3A_1298, %add3A_1301, %xor3A_7 : vector<16xi1>, vector<16xi32>
          %reshape3A_1303 = vector.shape_cast %select_n3A_1302 : vector<16xi32> to vector<16x1xi32>
          %gather3A_1304 = vector.shape_cast %reshape3A_1303 : vector<16x1xi32> to vector<16xi32>
          %gather3A_1305 = tpu.dynamic_gather %add3A_1295[%gather3A_1304] in [0] : vector<16xf32>, vector<16xi32> -> vector<16xf32>
          %add3A_1306 = arith.addf %add3A_1295, %gather3A_1305 : vector<16xf32>
          %lt3A_1307 = arith.constant 0 : i32
          %lt3A_1308 = vector.broadcast %lt3A_1307 : i32 to vector<16xi32>
          %lt3A_1309 = arith.cmpi slt, %xor3A_10, %lt3A_1308 : vector<16xi32>
          %add3A_1310 = arith.constant 16 : i32
          %add3A_1311 = vector.broadcast %add3A_1310 : i32 to vector<16xi32>
          %add3A_1312 = arith.addi %xor3A_10, %add3A_1311 : vector<16xi32>
          %select_n3A_1313 = arith.select %lt3A_1309, %add3A_1312, %xor3A_10 : vector<16xi1>, vector<16xi32>
          %reshape3A_1314 = vector.shape_cast %select_n3A_1313 : vector<16xi32> to vector<16x1xi32>
          %gather3A_1315 = vector.shape_cast %reshape3A_1314 : vector<16x1xi32> to vector<16xi32>
          %gather3A_1316 = tpu.dynamic_gather %add3A_1306[%gather3A_1315] in [0] : vector<16xf32>, vector<16xi32> -> vector<16xf32>
          %add3A_1317 = arith.addf %add3A_1306, %gather3A_1316 : vector<16xf32>
          %lt3A_1318 = arith.constant 0 : i32
          %lt3A_1319 = vector.broadcast %lt3A_1318 : i32 to vector<16xi32>
          %lt3A_1320 = arith.cmpi slt, %xor3A_13, %lt3A_1319 : vector<16xi32>
          %add3A_1321 = arith.constant 16 : i32
          %add3A_1322 = vector.broadcast %add3A_1321 : i32 to vector<16xi32>
          %add3A_1323 = arith.addi %xor3A_13, %add3A_1322 : vector<16xi32>
          %select_n3A_1324 = arith.select %lt3A_1320, %add3A_1323, %xor3A_13 : vector<16xi1>, vector<16xi32>
          %reshape3A_1325 = vector.shape_cast %select_n3A_1324 : vector<16xi32> to vector<16x1xi32>
          %gather3A_1326 = vector.shape_cast %reshape3A_1325 : vector<16x1xi32> to vector<16xi32>
          %gather3A_1327 = tpu.dynamic_gather %add3A_1317[%gather3A_1326] in [0] : vector<16xf32>, vector<16xi32> -> vector<16xf32>
          %add3A_1328 = arith.addf %add3A_1317, %gather3A_1327 : vector<16xf32>
          %select_n3A_1329 = arith.select %eq3A_404, %add3A_1328, %scan3A_362 : vector<16xi1>, vector<16xf32>
          %mul3A_1330 = arith.constant 20 : i32
          %mul3A_1331 = arith.muli %add3A_372, %mul3A_1330 : i32
          %add3A_1332 = arith.constant 13 : i32
          %add3A_1333 = arith.addi %mul3A_1331, %add3A_1332 : i32
          %get3A_1334 = arith.index_cast %add3A_1333 : i32 to index
          %get3A_1335 = arith.constant 0 : index
          %get3A_1336 = tpu.vector_load %arg12[%get3A_1334, %get3A_1335] {strides = array<i32>} : memref<640x64xf32, #tpu.memory_space<vmem>>, vector<16xf32>,
          %mul3A_1337 = arith.mulf %get3A_1336, %get3A_374 : vector<16xf32>
          %get3A_1338 = arith.index_cast %add3A_1333 : i32 to index
          %get3A_1339 = arith.constant 16 : index
          %get3A_1340 = tpu.vector_load %arg12[%get3A_1338, %get3A_1339] {strides = array<i32>} : memref<640x64xf32, #tpu.memory_space<vmem>>, vector<16xf32>,
          %mul3A_1341 = arith.mulf %get3A_1340, %get3A_377 : vector<16xf32>
          %add3A_1342 = arith.addf %mul3A_1337, %mul3A_1341 : vector<16xf32>
          %get3A_1343 = arith.index_cast %add3A_1333 : i32 to index
          %get3A_1344 = arith.constant 32 : index
          %get3A_1345 = tpu.vector_load %arg12[%get3A_1343, %get3A_1344] {strides = array<i32>} : memref<640x64xf32, #tpu.memory_space<vmem>>, vector<16xf32>,
          %mul3A_1346 = arith.mulf %get3A_1345, %get3A_380 : vector<16xf32>
          %add3A_1347 = arith.addf %add3A_1342, %mul3A_1346 : vector<16xf32>
          %get3A_1348 = arith.index_cast %add3A_1333 : i32 to index
          %get3A_1349 = arith.constant 48 : index
          %get3A_1350 = tpu.vector_load %arg12[%get3A_1348, %get3A_1349] {strides = array<i32>} : memref<640x64xf32, #tpu.memory_space<vmem>>, vector<16xf32>,
          %mul3A_1351 = arith.mulf %get3A_1350, %get3A_383 : vector<16xf32>
          %add3A_1352 = arith.addf %add3A_1347, %mul3A_1351 : vector<16xf32>
          %lt3A_1353 = arith.constant 0 : i32
          %lt3A_1354 = vector.broadcast %lt3A_1353 : i32 to vector<16xi32>
          %lt3A_1355 = arith.cmpi slt, %xor3A_4, %lt3A_1354 : vector<16xi32>
          %add3A_1356 = arith.constant 16 : i32
          %add3A_1357 = vector.broadcast %add3A_1356 : i32 to vector<16xi32>
          %add3A_1358 = arith.addi %xor3A_4, %add3A_1357 : vector<16xi32>
          %select_n3A_1359 = arith.select %lt3A_1355, %add3A_1358, %xor3A_4 : vector<16xi1>, vector<16xi32>
          %reshape3A_1360 = vector.shape_cast %select_n3A_1359 : vector<16xi32> to vector<16x1xi32>
          %gather3A_1361 = vector.shape_cast %reshape3A_1360 : vector<16x1xi32> to vector<16xi32>
          %gather3A_1362 = tpu.dynamic_gather %add3A_1352[%gather3A_1361] in [0] : vector<16xf32>, vector<16xi32> -> vector<16xf32>
          %add3A_1363 = arith.addf %add3A_1352, %gather3A_1362 : vector<16xf32>
          %lt3A_1364 = arith.constant 0 : i32
          %lt3A_1365 = vector.broadcast %lt3A_1364 : i32 to vector<16xi32>
          %lt3A_1366 = arith.cmpi slt, %xor3A_7, %lt3A_1365 : vector<16xi32>
          %add3A_1367 = arith.constant 16 : i32
          %add3A_1368 = vector.broadcast %add3A_1367 : i32 to vector<16xi32>
          %add3A_1369 = arith.addi %xor3A_7, %add3A_1368 : vector<16xi32>
          %select_n3A_1370 = arith.select %lt3A_1366, %add3A_1369, %xor3A_7 : vector<16xi1>, vector<16xi32>
          %reshape3A_1371 = vector.shape_cast %select_n3A_1370 : vector<16xi32> to vector<16x1xi32>
          %gather3A_1372 = vector.shape_cast %reshape3A_1371 : vector<16x1xi32> to vector<16xi32>
          %gather3A_1373 = tpu.dynamic_gather %add3A_1363[%gather3A_1372] in [0] : vector<16xf32>, vector<16xi32> -> vector<16xf32>
          %add3A_1374 = arith.addf %add3A_1363, %gather3A_1373 : vector<16xf32>
          %lt3A_1375 = arith.constant 0 : i32
          %lt3A_1376 = vector.broadcast %lt3A_1375 : i32 to vector<16xi32>
          %lt3A_1377 = arith.cmpi slt, %xor3A_10, %lt3A_1376 : vector<16xi32>
          %add3A_1378 = arith.constant 16 : i32
          %add3A_1379 = vector.broadcast %add3A_1378 : i32 to vector<16xi32>
          %add3A_1380 = arith.addi %xor3A_10, %add3A_1379 : vector<16xi32>
          %select_n3A_1381 = arith.select %lt3A_1377, %add3A_1380, %xor3A_10 : vector<16xi1>, vector<16xi32>
          %reshape3A_1382 = vector.shape_cast %select_n3A_1381 : vector<16xi32> to vector<16x1xi32>
          %gather3A_1383 = vector.shape_cast %reshape3A_1382 : vector<16x1xi32> to vector<16xi32>
          %gather3A_1384 = tpu.dynamic_gather %add3A_1374[%gather3A_1383] in [0] : vector<16xf32>, vector<16xi32> -> vector<16xf32>
          %add3A_1385 = arith.addf %add3A_1374, %gather3A_1384 : vector<16xf32>
          %lt3A_1386 = arith.constant 0 : i32
          %lt3A_1387 = vector.broadcast %lt3A_1386 : i32 to vector<16xi32>
          %lt3A_1388 = arith.cmpi slt, %xor3A_13, %lt3A_1387 : vector<16xi32>
          %add3A_1389 = arith.constant 16 : i32
          %add3A_1390 = vector.broadcast %add3A_1389 : i32 to vector<16xi32>
          %add3A_1391 = arith.addi %xor3A_13, %add3A_1390 : vector<16xi32>
          %select_n3A_1392 = arith.select %lt3A_1388, %add3A_1391, %xor3A_13 : vector<16xi1>, vector<16xi32>
          %reshape3A_1393 = vector.shape_cast %select_n3A_1392 : vector<16xi32> to vector<16x1xi32>
          %gather3A_1394 = vector.shape_cast %reshape3A_1393 : vector<16x1xi32> to vector<16xi32>
          %gather3A_1395 = tpu.dynamic_gather %add3A_1385[%gather3A_1394] in [0] : vector<16xf32>, vector<16xi32> -> vector<16xf32>
          %add3A_1396 = arith.addf %add3A_1385, %gather3A_1395 : vector<16xf32>
          %select_n3A_1397 = arith.select %eq3A_404, %add3A_1396, %scan3A_363 : vector<16xi1>, vector<16xf32>
          %mul3A_1398 = arith.constant 20 : i32
          %mul3A_1399 = arith.muli %add3A_372, %mul3A_1398 : i32
          %add3A_1400 = arith.constant 14 : i32
          %add3A_1401 = arith.addi %mul3A_1399, %add3A_1400 : i32
          %get3A_1402 = arith.index_cast %add3A_1401 : i32 to index
          %get3A_1403 = arith.constant 0 : index
          %get3A_1404 = tpu.vector_load %arg12[%get3A_1402, %get3A_1403] {strides = array<i32>} : memref<640x64xf32, #tpu.memory_space<vmem>>, vector<16xf32>,
          %mul3A_1405 = arith.mulf %get3A_1404, %get3A_374 : vector<16xf32>
          %get3A_1406 = arith.index_cast %add3A_1401 : i32 to index
          %get3A_1407 = arith.constant 16 : index
          %get3A_1408 = tpu.vector_load %arg12[%get3A_1406, %get3A_1407] {strides = array<i32>} : memref<640x64xf32, #tpu.memory_space<vmem>>, vector<16xf32>,
          %mul3A_1409 = arith.mulf %get3A_1408, %get3A_377 : vector<16xf32>
          %add3A_1410 = arith.addf %mul3A_1405, %mul3A_1409 : vector<16xf32>
          %get3A_1411 = arith.index_cast %add3A_1401 : i32 to index
          %get3A_1412 = arith.constant 32 : index
          %get3A_1413 = tpu.vector_load %arg12[%get3A_1411, %get3A_1412] {strides = array<i32>} : memref<640x64xf32, #tpu.memory_space<vmem>>, vector<16xf32>,
          %mul3A_1414 = arith.mulf %get3A_1413, %get3A_380 : vector<16xf32>
          %add3A_1415 = arith.addf %add3A_1410, %mul3A_1414 : vector<16xf32>
          %get3A_1416 = arith.index_cast %add3A_1401 : i32 to index
          %get3A_1417 = arith.constant 48 : index
          %get3A_1418 = tpu.vector_load %arg12[%get3A_1416, %get3A_1417] {strides = array<i32>} : memref<640x64xf32, #tpu.memory_space<vmem>>, vector<16xf32>,
          %mul3A_1419 = arith.mulf %get3A_1418, %get3A_383 : vector<16xf32>
          %add3A_1420 = arith.addf %add3A_1415, %mul3A_1419 : vector<16xf32>
          %lt3A_1421 = arith.constant 0 : i32
          %lt3A_1422 = vector.broadcast %lt3A_1421 : i32 to vector<16xi32>
          %lt3A_1423 = arith.cmpi slt, %xor3A_4, %lt3A_1422 : vector<16xi32>
          %add3A_1424 = arith.constant 16 : i32
          %add3A_1425 = vector.broadcast %add3A_1424 : i32 to vector<16xi32>
          %add3A_1426 = arith.addi %xor3A_4, %add3A_1425 : vector<16xi32>
          %select_n3A_1427 = arith.select %lt3A_1423, %add3A_1426, %xor3A_4 : vector<16xi1>, vector<16xi32>
          %reshape3A_1428 = vector.shape_cast %select_n3A_1427 : vector<16xi32> to vector<16x1xi32>
          %gather3A_1429 = vector.shape_cast %reshape3A_1428 : vector<16x1xi32> to vector<16xi32>
          %gather3A_1430 = tpu.dynamic_gather %add3A_1420[%gather3A_1429] in [0] : vector<16xf32>, vector<16xi32> -> vector<16xf32>
          %add3A_1431 = arith.addf %add3A_1420, %gather3A_1430 : vector<16xf32>
          %lt3A_1432 = arith.constant 0 : i32
          %lt3A_1433 = vector.broadcast %lt3A_1432 : i32 to vector<16xi32>
          %lt3A_1434 = arith.cmpi slt, %xor3A_7, %lt3A_1433 : vector<16xi32>
          %add3A_1435 = arith.constant 16 : i32
          %add3A_1436 = vector.broadcast %add3A_1435 : i32 to vector<16xi32>
          %add3A_1437 = arith.addi %xor3A_7, %add3A_1436 : vector<16xi32>
          %select_n3A_1438 = arith.select %lt3A_1434, %add3A_1437, %xor3A_7 : vector<16xi1>, vector<16xi32>
          %reshape3A_1439 = vector.shape_cast %select_n3A_1438 : vector<16xi32> to vector<16x1xi32>
          %gather3A_1440 = vector.shape_cast %reshape3A_1439 : vector<16x1xi32> to vector<16xi32>
          %gather3A_1441 = tpu.dynamic_gather %add3A_1431[%gather3A_1440] in [0] : vector<16xf32>, vector<16xi32> -> vector<16xf32>
          %add3A_1442 = arith.addf %add3A_1431, %gather3A_1441 : vector<16xf32>
          %lt3A_1443 = arith.constant 0 : i32
          %lt3A_1444 = vector.broadcast %lt3A_1443 : i32 to vector<16xi32>
          %lt3A_1445 = arith.cmpi slt, %xor3A_10, %lt3A_1444 : vector<16xi32>
          %add3A_1446 = arith.constant 16 : i32
          %add3A_1447 = vector.broadcast %add3A_1446 : i32 to vector<16xi32>
          %add3A_1448 = arith.addi %xor3A_10, %add3A_1447 : vector<16xi32>
          %select_n3A_1449 = arith.select %lt3A_1445, %add3A_1448, %xor3A_10 : vector<16xi1>, vector<16xi32>
          %reshape3A_1450 = vector.shape_cast %select_n3A_1449 : vector<16xi32> to vector<16x1xi32>
          %gather3A_1451 = vector.shape_cast %reshape3A_1450 : vector<16x1xi32> to vector<16xi32>
          %gather3A_1452 = tpu.dynamic_gather %add3A_1442[%gather3A_1451] in [0] : vector<16xf32>, vector<16xi32> -> vector<16xf32>
          %add3A_1453 = arith.addf %add3A_1442, %gather3A_1452 : vector<16xf32>
          %lt3A_1454 = arith.constant 0 : i32
          %lt3A_1455 = vector.broadcast %lt3A_1454 : i32 to vector<16xi32>
          %lt3A_1456 = arith.cmpi slt, %xor3A_13, %lt3A_1455 : vector<16xi32>
          %add3A_1457 = arith.constant 16 : i32
          %add3A_1458 = vector.broadcast %add3A_1457 : i32 to vector<16xi32>
          %add3A_1459 = arith.addi %xor3A_13, %add3A_1458 : vector<16xi32>
          %select_n3A_1460 = arith.select %lt3A_1456, %add3A_1459, %xor3A_13 : vector<16xi1>, vector<16xi32>
          %reshape3A_1461 = vector.shape_cast %select_n3A_1460 : vector<16xi32> to vector<16x1xi32>
          %gather3A_1462 = vector.shape_cast %reshape3A_1461 : vector<16x1xi32> to vector<16xi32>
          %gather3A_1463 = tpu.dynamic_gather %add3A_1453[%gather3A_1462] in [0] : vector<16xf32>, vector<16xi32> -> vector<16xf32>
          %add3A_1464 = arith.addf %add3A_1453, %gather3A_1463 : vector<16xf32>
          %select_n3A_1465 = arith.select %eq3A_404, %add3A_1464, %scan3A_364 : vector<16xi1>, vector<16xf32>
          %mul3A_1466 = arith.constant 20 : i32
          %mul3A_1467 = arith.muli %add3A_372, %mul3A_1466 : i32
          %add3A_1468 = arith.constant 15 : i32
          %add3A_1469 = arith.addi %mul3A_1467, %add3A_1468 : i32
          %get3A_1470 = arith.index_cast %add3A_1469 : i32 to index
          %get3A_1471 = arith.constant 0 : index
          %get3A_1472 = tpu.vector_load %arg12[%get3A_1470, %get3A_1471] {strides = array<i32>} : memref<640x64xf32, #tpu.memory_space<vmem>>, vector<16xf32>,
          %mul3A_1473 = arith.mulf %get3A_1472, %get3A_374 : vector<16xf32>
          %get3A_1474 = arith.index_cast %add3A_1469 : i32 to index
          %get3A_1475 = arith.constant 16 : index
          %get3A_1476 = tpu.vector_load %arg12[%get3A_1474, %get3A_1475] {strides = array<i32>} : memref<640x64xf32, #tpu.memory_space<vmem>>, vector<16xf32>,
          %mul3A_1477 = arith.mulf %get3A_1476, %get3A_377 : vector<16xf32>
          %add3A_1478 = arith.addf %mul3A_1473, %mul3A_1477 : vector<16xf32>
          %get3A_1479 = arith.index_cast %add3A_1469 : i32 to index
          %get3A_1480 = arith.constant 32 : index
          %get3A_1481 = tpu.vector_load %arg12[%get3A_1479, %get3A_1480] {strides = array<i32>} : memref<640x64xf32, #tpu.memory_space<vmem>>, vector<16xf32>,
          %mul3A_1482 = arith.mulf %get3A_1481, %get3A_380 : vector<16xf32>
          %add3A_1483 = arith.addf %add3A_1478, %mul3A_1482 : vector<16xf32>
          %get3A_1484 = arith.index_cast %add3A_1469 : i32 to index
          %get3A_1485 = arith.constant 48 : index
          %get3A_1486 = tpu.vector_load %arg12[%get3A_1484, %get3A_1485] {strides = array<i32>} : memref<640x64xf32, #tpu.memory_space<vmem>>, vector<16xf32>,
          %mul3A_1487 = arith.mulf %get3A_1486, %get3A_383 : vector<16xf32>
          %add3A_1488 = arith.addf %add3A_1483, %mul3A_1487 : vector<16xf32>
          %lt3A_1489 = arith.constant 0 : i32
          %lt3A_1490 = vector.broadcast %lt3A_1489 : i32 to vector<16xi32>
          %lt3A_1491 = arith.cmpi slt, %xor3A_4, %lt3A_1490 : vector<16xi32>
          %add3A_1492 = arith.constant 16 : i32
          %add3A_1493 = vector.broadcast %add3A_1492 : i32 to vector<16xi32>
          %add3A_1494 = arith.addi %xor3A_4, %add3A_1493 : vector<16xi32>
          %select_n3A_1495 = arith.select %lt3A_1491, %add3A_1494, %xor3A_4 : vector<16xi1>, vector<16xi32>
          %reshape3A_1496 = vector.shape_cast %select_n3A_1495 : vector<16xi32> to vector<16x1xi32>
          %gather3A_1497 = vector.shape_cast %reshape3A_1496 : vector<16x1xi32> to vector<16xi32>
          %gather3A_1498 = tpu.dynamic_gather %add3A_1488[%gather3A_1497] in [0] : vector<16xf32>, vector<16xi32> -> vector<16xf32>
          %add3A_1499 = arith.addf %add3A_1488, %gather3A_1498 : vector<16xf32>
          %lt3A_1500 = arith.constant 0 : i32
          %lt3A_1501 = vector.broadcast %lt3A_1500 : i32 to vector<16xi32>
          %lt3A_1502 = arith.cmpi slt, %xor3A_7, %lt3A_1501 : vector<16xi32>
          %add3A_1503 = arith.constant 16 : i32
          %add3A_1504 = vector.broadcast %add3A_1503 : i32 to vector<16xi32>
          %add3A_1505 = arith.addi %xor3A_7, %add3A_1504 : vector<16xi32>
          %select_n3A_1506 = arith.select %lt3A_1502, %add3A_1505, %xor3A_7 : vector<16xi1>, vector<16xi32>
          %reshape3A_1507 = vector.shape_cast %select_n3A_1506 : vector<16xi32> to vector<16x1xi32>
          %gather3A_1508 = vector.shape_cast %reshape3A_1507 : vector<16x1xi32> to vector<16xi32>
          %gather3A_1509 = tpu.dynamic_gather %add3A_1499[%gather3A_1508] in [0] : vector<16xf32>, vector<16xi32> -> vector<16xf32>
          %add3A_1510 = arith.addf %add3A_1499, %gather3A_1509 : vector<16xf32>
          %lt3A_1511 = arith.constant 0 : i32
          %lt3A_1512 = vector.broadcast %lt3A_1511 : i32 to vector<16xi32>
          %lt3A_1513 = arith.cmpi slt, %xor3A_10, %lt3A_1512 : vector<16xi32>
          %add3A_1514 = arith.constant 16 : i32
          %add3A_1515 = vector.broadcast %add3A_1514 : i32 to vector<16xi32>
          %add3A_1516 = arith.addi %xor3A_10, %add3A_1515 : vector<16xi32>
          %select_n3A_1517 = arith.select %lt3A_1513, %add3A_1516, %xor3A_10 : vector<16xi1>, vector<16xi32>
          %reshape3A_1518 = vector.shape_cast %select_n3A_1517 : vector<16xi32> to vector<16x1xi32>
          %gather3A_1519 = vector.shape_cast %reshape3A_1518 : vector<16x1xi32> to vector<16xi32>
          %gather3A_1520 = tpu.dynamic_gather %add3A_1510[%gather3A_1519] in [0] : vector<16xf32>, vector<16xi32> -> vector<16xf32>
          %add3A_1521 = arith.addf %add3A_1510, %gather3A_1520 : vector<16xf32>
          %lt3A_1522 = arith.constant 0 : i32
          %lt3A_1523 = vector.broadcast %lt3A_1522 : i32 to vector<16xi32>
          %lt3A_1524 = arith.cmpi slt, %xor3A_13, %lt3A_1523 : vector<16xi32>
          %add3A_1525 = arith.constant 16 : i32
          %add3A_1526 = vector.broadcast %add3A_1525 : i32 to vector<16xi32>
          %add3A_1527 = arith.addi %xor3A_13, %add3A_1526 : vector<16xi32>
          %select_n3A_1528 = arith.select %lt3A_1524, %add3A_1527, %xor3A_13 : vector<16xi1>, vector<16xi32>
          %reshape3A_1529 = vector.shape_cast %select_n3A_1528 : vector<16xi32> to vector<16x1xi32>
          %gather3A_1530 = vector.shape_cast %reshape3A_1529 : vector<16x1xi32> to vector<16xi32>
          %gather3A_1531 = tpu.dynamic_gather %add3A_1521[%gather3A_1530] in [0] : vector<16xf32>, vector<16xi32> -> vector<16xf32>
          %add3A_1532 = arith.addf %add3A_1521, %gather3A_1531 : vector<16xf32>
          %select_n3A_1533 = arith.select %eq3A_404, %add3A_1532, %scan3A_365 : vector<16xi1>, vector<16xf32>
          %mul3A_1534 = arith.constant 20 : i32
          %mul3A_1535 = arith.muli %add3A_372, %mul3A_1534 : i32
          %add3A_1536 = arith.constant 16 : i32
          %add3A_1537 = arith.addi %mul3A_1535, %add3A_1536 : i32
          %get3A_1538 = arith.index_cast %add3A_1537 : i32 to index
          %get3A_1539 = arith.constant 0 : index
          %get3A_1540 = tpu.vector_load %arg12[%get3A_1538, %get3A_1539] {strides = array<i32>} : memref<640x64xf32, #tpu.memory_space<vmem>>, vector<16xf32>,
          %mul3A_1541 = arith.mulf %get3A_1540, %get3A_374 : vector<16xf32>
          %get3A_1542 = arith.index_cast %add3A_1537 : i32 to index
          %get3A_1543 = arith.constant 16 : index
          %get3A_1544 = tpu.vector_load %arg12[%get3A_1542, %get3A_1543] {strides = array<i32>} : memref<640x64xf32, #tpu.memory_space<vmem>>, vector<16xf32>,
          %mul3A_1545 = arith.mulf %get3A_1544, %get3A_377 : vector<16xf32>
          %add3A_1546 = arith.addf %mul3A_1541, %mul3A_1545 : vector<16xf32>
          %get3A_1547 = arith.index_cast %add3A_1537 : i32 to index
          %get3A_1548 = arith.constant 32 : index
          %get3A_1549 = tpu.vector_load %arg12[%get3A_1547, %get3A_1548] {strides = array<i32>} : memref<640x64xf32, #tpu.memory_space<vmem>>, vector<16xf32>,
          %mul3A_1550 = arith.mulf %get3A_1549, %get3A_380 : vector<16xf32>
          %add3A_1551 = arith.addf %add3A_1546, %mul3A_1550 : vector<16xf32>
          %get3A_1552 = arith.index_cast %add3A_1537 : i32 to index
          %get3A_1553 = arith.constant 48 : index
          %get3A_1554 = tpu.vector_load %arg12[%get3A_1552, %get3A_1553] {strides = array<i32>} : memref<640x64xf32, #tpu.memory_space<vmem>>, vector<16xf32>,
          %mul3A_1555 = arith.mulf %get3A_1554, %get3A_383 : vector<16xf32>
          %add3A_1556 = arith.addf %add3A_1551, %mul3A_1555 : vector<16xf32>
          %lt3A_1557 = arith.constant 0 : i32
          %lt3A_1558 = vector.broadcast %lt3A_1557 : i32 to vector<16xi32>
          %lt3A_1559 = arith.cmpi slt, %xor3A_4, %lt3A_1558 : vector<16xi32>
          %add3A_1560 = arith.constant 16 : i32
          %add3A_1561 = vector.broadcast %add3A_1560 : i32 to vector<16xi32>
          %add3A_1562 = arith.addi %xor3A_4, %add3A_1561 : vector<16xi32>
          %select_n3A_1563 = arith.select %lt3A_1559, %add3A_1562, %xor3A_4 : vector<16xi1>, vector<16xi32>
          %reshape3A_1564 = vector.shape_cast %select_n3A_1563 : vector<16xi32> to vector<16x1xi32>
          %gather3A_1565 = vector.shape_cast %reshape3A_1564 : vector<16x1xi32> to vector<16xi32>
          %gather3A_1566 = tpu.dynamic_gather %add3A_1556[%gather3A_1565] in [0] : vector<16xf32>, vector<16xi32> -> vector<16xf32>
          %add3A_1567 = arith.addf %add3A_1556, %gather3A_1566 : vector<16xf32>
          %lt3A_1568 = arith.constant 0 : i32
          %lt3A_1569 = vector.broadcast %lt3A_1568 : i32 to vector<16xi32>
          %lt3A_1570 = arith.cmpi slt, %xor3A_7, %lt3A_1569 : vector<16xi32>
          %add3A_1571 = arith.constant 16 : i32
          %add3A_1572 = vector.broadcast %add3A_1571 : i32 to vector<16xi32>
          %add3A_1573 = arith.addi %xor3A_7, %add3A_1572 : vector<16xi32>
          %select_n3A_1574 = arith.select %lt3A_1570, %add3A_1573, %xor3A_7 : vector<16xi1>, vector<16xi32>
          %reshape3A_1575 = vector.shape_cast %select_n3A_1574 : vector<16xi32> to vector<16x1xi32>
          %gather3A_1576 = vector.shape_cast %reshape3A_1575 : vector<16x1xi32> to vector<16xi32>
          %gather3A_1577 = tpu.dynamic_gather %add3A_1567[%gather3A_1576] in [0] : vector<16xf32>, vector<16xi32> -> vector<16xf32>
          %add3A_1578 = arith.addf %add3A_1567, %gather3A_1577 : vector<16xf32>
          %lt3A_1579 = arith.constant 0 : i32
          %lt3A_1580 = vector.broadcast %lt3A_1579 : i32 to vector<16xi32>
          %lt3A_1581 = arith.cmpi slt, %xor3A_10, %lt3A_1580 : vector<16xi32>
          %add3A_1582 = arith.constant 16 : i32
          %add3A_1583 = vector.broadcast %add3A_1582 : i32 to vector<16xi32>
          %add3A_1584 = arith.addi %xor3A_10, %add3A_1583 : vector<16xi32>
          %select_n3A_1585 = arith.select %lt3A_1581, %add3A_1584, %xor3A_10 : vector<16xi1>, vector<16xi32>
          %reshape3A_1586 = vector.shape_cast %select_n3A_1585 : vector<16xi32> to vector<16x1xi32>
          %gather3A_1587 = vector.shape_cast %reshape3A_1586 : vector<16x1xi32> to vector<16xi32>
          %gather3A_1588 = tpu.dynamic_gather %add3A_1578[%gather3A_1587] in [0] : vector<16xf32>, vector<16xi32> -> vector<16xf32>
          %add3A_1589 = arith.addf %add3A_1578, %gather3A_1588 : vector<16xf32>
          %lt3A_1590 = arith.constant 0 : i32
          %lt3A_1591 = vector.broadcast %lt3A_1590 : i32 to vector<16xi32>
          %lt3A_1592 = arith.cmpi slt, %xor3A_13, %lt3A_1591 : vector<16xi32>
          %add3A_1593 = arith.constant 16 : i32
          %add3A_1594 = vector.broadcast %add3A_1593 : i32 to vector<16xi32>
          %add3A_1595 = arith.addi %xor3A_13, %add3A_1594 : vector<16xi32>
          %select_n3A_1596 = arith.select %lt3A_1592, %add3A_1595, %xor3A_13 : vector<16xi1>, vector<16xi32>
          %reshape3A_1597 = vector.shape_cast %select_n3A_1596 : vector<16xi32> to vector<16x1xi32>
          %gather3A_1598 = vector.shape_cast %reshape3A_1597 : vector<16x1xi32> to vector<16xi32>
          %gather3A_1599 = tpu.dynamic_gather %add3A_1589[%gather3A_1598] in [0] : vector<16xf32>, vector<16xi32> -> vector<16xf32>
          %add3A_1600 = arith.addf %add3A_1589, %gather3A_1599 : vector<16xf32>
          %select_n3A_1601 = arith.select %eq3A_404, %add3A_1600, %scan3A_366 : vector<16xi1>, vector<16xf32>
          %mul3A_1602 = arith.constant 20 : i32
          %mul3A_1603 = arith.muli %add3A_372, %mul3A_1602 : i32
          %add3A_1604 = arith.constant 17 : i32
          %add3A_1605 = arith.addi %mul3A_1603, %add3A_1604 : i32
          %get3A_1606 = arith.index_cast %add3A_1605 : i32 to index
          %get3A_1607 = arith.constant 0 : index
          %get3A_1608 = tpu.vector_load %arg12[%get3A_1606, %get3A_1607] {strides = array<i32>} : memref<640x64xf32, #tpu.memory_space<vmem>>, vector<16xf32>,
          %mul3A_1609 = arith.mulf %get3A_1608, %get3A_374 : vector<16xf32>
          %get3A_1610 = arith.index_cast %add3A_1605 : i32 to index
          %get3A_1611 = arith.constant 16 : index
          %get3A_1612 = tpu.vector_load %arg12[%get3A_1610, %get3A_1611] {strides = array<i32>} : memref<640x64xf32, #tpu.memory_space<vmem>>, vector<16xf32>,
          %mul3A_1613 = arith.mulf %get3A_1612, %get3A_377 : vector<16xf32>
          %add3A_1614 = arith.addf %mul3A_1609, %mul3A_1613 : vector<16xf32>
          %get3A_1615 = arith.index_cast %add3A_1605 : i32 to index
          %get3A_1616 = arith.constant 32 : index
          %get3A_1617 = tpu.vector_load %arg12[%get3A_1615, %get3A_1616] {strides = array<i32>} : memref<640x64xf32, #tpu.memory_space<vmem>>, vector<16xf32>,
          %mul3A_1618 = arith.mulf %get3A_1617, %get3A_380 : vector<16xf32>
          %add3A_1619 = arith.addf %add3A_1614, %mul3A_1618 : vector<16xf32>
          %get3A_1620 = arith.index_cast %add3A_1605 : i32 to index
          %get3A_1621 = arith.constant 48 : index
          %get3A_1622 = tpu.vector_load %arg12[%get3A_1620, %get3A_1621] {strides = array<i32>} : memref<640x64xf32, #tpu.memory_space<vmem>>, vector<16xf32>,
          %mul3A_1623 = arith.mulf %get3A_1622, %get3A_383 : vector<16xf32>
          %add3A_1624 = arith.addf %add3A_1619, %mul3A_1623 : vector<16xf32>
          %lt3A_1625 = arith.constant 0 : i32
          %lt3A_1626 = vector.broadcast %lt3A_1625 : i32 to vector<16xi32>
          %lt3A_1627 = arith.cmpi slt, %xor3A_4, %lt3A_1626 : vector<16xi32>
          %add3A_1628 = arith.constant 16 : i32
          %add3A_1629 = vector.broadcast %add3A_1628 : i32 to vector<16xi32>
          %add3A_1630 = arith.addi %xor3A_4, %add3A_1629 : vector<16xi32>
          %select_n3A_1631 = arith.select %lt3A_1627, %add3A_1630, %xor3A_4 : vector<16xi1>, vector<16xi32>
          %reshape3A_1632 = vector.shape_cast %select_n3A_1631 : vector<16xi32> to vector<16x1xi32>
          %gather3A_1633 = vector.shape_cast %reshape3A_1632 : vector<16x1xi32> to vector<16xi32>
          %gather3A_1634 = tpu.dynamic_gather %add3A_1624[%gather3A_1633] in [0] : vector<16xf32>, vector<16xi32> -> vector<16xf32>
          %add3A_1635 = arith.addf %add3A_1624, %gather3A_1634 : vector<16xf32>
          %lt3A_1636 = arith.constant 0 : i32
          %lt3A_1637 = vector.broadcast %lt3A_1636 : i32 to vector<16xi32>
          %lt3A_1638 = arith.cmpi slt, %xor3A_7, %lt3A_1637 : vector<16xi32>
          %add3A_1639 = arith.constant 16 : i32
          %add3A_1640 = vector.broadcast %add3A_1639 : i32 to vector<16xi32>
          %add3A_1641 = arith.addi %xor3A_7, %add3A_1640 : vector<16xi32>
          %select_n3A_1642 = arith.select %lt3A_1638, %add3A_1641, %xor3A_7 : vector<16xi1>, vector<16xi32>
          %reshape3A_1643 = vector.shape_cast %select_n3A_1642 : vector<16xi32> to vector<16x1xi32>
          %gather3A_1644 = vector.shape_cast %reshape3A_1643 : vector<16x1xi32> to vector<16xi32>
          %gather3A_1645 = tpu.dynamic_gather %add3A_1635[%gather3A_1644] in [0] : vector<16xf32>, vector<16xi32> -> vector<16xf32>
          %add3A_1646 = arith.addf %add3A_1635, %gather3A_1645 : vector<16xf32>
          %lt3A_1647 = arith.constant 0 : i32
          %lt3A_1648 = vector.broadcast %lt3A_1647 : i32 to vector<16xi32>
          %lt3A_1649 = arith.cmpi slt, %xor3A_10, %lt3A_1648 : vector<16xi32>
          %add3A_1650 = arith.constant 16 : i32
          %add3A_1651 = vector.broadcast %add3A_1650 : i32 to vector<16xi32>
          %add3A_1652 = arith.addi %xor3A_10, %add3A_1651 : vector<16xi32>
          %select_n3A_1653 = arith.select %lt3A_1649, %add3A_1652, %xor3A_10 : vector<16xi1>, vector<16xi32>
          %reshape3A_1654 = vector.shape_cast %select_n3A_1653 : vector<16xi32> to vector<16x1xi32>
          %gather3A_1655 = vector.shape_cast %reshape3A_1654 : vector<16x1xi32> to vector<16xi32>
          %gather3A_1656 = tpu.dynamic_gather %add3A_1646[%gather3A_1655] in [0] : vector<16xf32>, vector<16xi32> -> vector<16xf32>
          %add3A_1657 = arith.addf %add3A_1646, %gather3A_1656 : vector<16xf32>
          %lt3A_1658 = arith.constant 0 : i32
          %lt3A_1659 = vector.broadcast %lt3A_1658 : i32 to vector<16xi32>
          %lt3A_1660 = arith.cmpi slt, %xor3A_13, %lt3A_1659 : vector<16xi32>
          %add3A_1661 = arith.constant 16 : i32
          %add3A_1662 = vector.broadcast %add3A_1661 : i32 to vector<16xi32>
          %add3A_1663 = arith.addi %xor3A_13, %add3A_1662 : vector<16xi32>
          %select_n3A_1664 = arith.select %lt3A_1660, %add3A_1663, %xor3A_13 : vector<16xi1>, vector<16xi32>
          %reshape3A_1665 = vector.shape_cast %select_n3A_1664 : vector<16xi32> to vector<16x1xi32>
          %gather3A_1666 = vector.shape_cast %reshape3A_1665 : vector<16x1xi32> to vector<16xi32>
          %gather3A_1667 = tpu.dynamic_gather %add3A_1657[%gather3A_1666] in [0] : vector<16xf32>, vector<16xi32> -> vector<16xf32>
          %add3A_1668 = arith.addf %add3A_1657, %gather3A_1667 : vector<16xf32>
          %select_n3A_1669 = arith.select %eq3A_404, %add3A_1668, %scan3A_367 : vector<16xi1>, vector<16xf32>
          %mul3A_1670 = arith.constant 20 : i32
          %mul3A_1671 = arith.muli %add3A_372, %mul3A_1670 : i32
          %add3A_1672 = arith.constant 18 : i32
          %add3A_1673 = arith.addi %mul3A_1671, %add3A_1672 : i32
          %get3A_1674 = arith.index_cast %add3A_1673 : i32 to index
          %get3A_1675 = arith.constant 0 : index
          %get3A_1676 = tpu.vector_load %arg12[%get3A_1674, %get3A_1675] {strides = array<i32>} : memref<640x64xf32, #tpu.memory_space<vmem>>, vector<16xf32>,
          %mul3A_1677 = arith.mulf %get3A_1676, %get3A_374 : vector<16xf32>
          %get3A_1678 = arith.index_cast %add3A_1673 : i32 to index
          %get3A_1679 = arith.constant 16 : index
          %get3A_1680 = tpu.vector_load %arg12[%get3A_1678, %get3A_1679] {strides = array<i32>} : memref<640x64xf32, #tpu.memory_space<vmem>>, vector<16xf32>,
          %mul3A_1681 = arith.mulf %get3A_1680, %get3A_377 : vector<16xf32>
          %add3A_1682 = arith.addf %mul3A_1677, %mul3A_1681 : vector<16xf32>
          %get3A_1683 = arith.index_cast %add3A_1673 : i32 to index
          %get3A_1684 = arith.constant 32 : index
          %get3A_1685 = tpu.vector_load %arg12[%get3A_1683, %get3A_1684] {strides = array<i32>} : memref<640x64xf32, #tpu.memory_space<vmem>>, vector<16xf32>,
          %mul3A_1686 = arith.mulf %get3A_1685, %get3A_380 : vector<16xf32>
          %add3A_1687 = arith.addf %add3A_1682, %mul3A_1686 : vector<16xf32>
          %get3A_1688 = arith.index_cast %add3A_1673 : i32 to index
          %get3A_1689 = arith.constant 48 : index
          %get3A_1690 = tpu.vector_load %arg12[%get3A_1688, %get3A_1689] {strides = array<i32>} : memref<640x64xf32, #tpu.memory_space<vmem>>, vector<16xf32>,
          %mul3A_1691 = arith.mulf %get3A_1690, %get3A_383 : vector<16xf32>
          %add3A_1692 = arith.addf %add3A_1687, %mul3A_1691 : vector<16xf32>
          %lt3A_1693 = arith.constant 0 : i32
          %lt3A_1694 = vector.broadcast %lt3A_1693 : i32 to vector<16xi32>
          %lt3A_1695 = arith.cmpi slt, %xor3A_4, %lt3A_1694 : vector<16xi32>
          %add3A_1696 = arith.constant 16 : i32
          %add3A_1697 = vector.broadcast %add3A_1696 : i32 to vector<16xi32>
          %add3A_1698 = arith.addi %xor3A_4, %add3A_1697 : vector<16xi32>
          %select_n3A_1699 = arith.select %lt3A_1695, %add3A_1698, %xor3A_4 : vector<16xi1>, vector<16xi32>
          %reshape3A_1700 = vector.shape_cast %select_n3A_1699 : vector<16xi32> to vector<16x1xi32>
          %gather3A_1701 = vector.shape_cast %reshape3A_1700 : vector<16x1xi32> to vector<16xi32>
          %gather3A_1702 = tpu.dynamic_gather %add3A_1692[%gather3A_1701] in [0] : vector<16xf32>, vector<16xi32> -> vector<16xf32>
          %add3A_1703 = arith.addf %add3A_1692, %gather3A_1702 : vector<16xf32>
          %lt3A_1704 = arith.constant 0 : i32
          %lt3A_1705 = vector.broadcast %lt3A_1704 : i32 to vector<16xi32>
          %lt3A_1706 = arith.cmpi slt, %xor3A_7, %lt3A_1705 : vector<16xi32>
          %add3A_1707 = arith.constant 16 : i32
          %add3A_1708 = vector.broadcast %add3A_1707 : i32 to vector<16xi32>
          %add3A_1709 = arith.addi %xor3A_7, %add3A_1708 : vector<16xi32>
          %select_n3A_1710 = arith.select %lt3A_1706, %add3A_1709, %xor3A_7 : vector<16xi1>, vector<16xi32>
          %reshape3A_1711 = vector.shape_cast %select_n3A_1710 : vector<16xi32> to vector<16x1xi32>
          %gather3A_1712 = vector.shape_cast %reshape3A_1711 : vector<16x1xi32> to vector<16xi32>
          %gather3A_1713 = tpu.dynamic_gather %add3A_1703[%gather3A_1712] in [0] : vector<16xf32>, vector<16xi32> -> vector<16xf32>
          %add3A_1714 = arith.addf %add3A_1703, %gather3A_1713 : vector<16xf32>
          %lt3A_1715 = arith.constant 0 : i32
          %lt3A_1716 = vector.broadcast %lt3A_1715 : i32 to vector<16xi32>
          %lt3A_1717 = arith.cmpi slt, %xor3A_10, %lt3A_1716 : vector<16xi32>
          %add3A_1718 = arith.constant 16 : i32
          %add3A_1719 = vector.broadcast %add3A_1718 : i32 to vector<16xi32>
          %add3A_1720 = arith.addi %xor3A_10, %add3A_1719 : vector<16xi32>
          %select_n3A_1721 = arith.select %lt3A_1717, %add3A_1720, %xor3A_10 : vector<16xi1>, vector<16xi32>
          %reshape3A_1722 = vector.shape_cast %select_n3A_1721 : vector<16xi32> to vector<16x1xi32>
          %gather3A_1723 = vector.shape_cast %reshape3A_1722 : vector<16x1xi32> to vector<16xi32>
          %gather3A_1724 = tpu.dynamic_gather %add3A_1714[%gather3A_1723] in [0] : vector<16xf32>, vector<16xi32> -> vector<16xf32>
          %add3A_1725 = arith.addf %add3A_1714, %gather3A_1724 : vector<16xf32>
          %lt3A_1726 = arith.constant 0 : i32
          %lt3A_1727 = vector.broadcast %lt3A_1726 : i32 to vector<16xi32>
          %lt3A_1728 = arith.cmpi slt, %xor3A_13, %lt3A_1727 : vector<16xi32>
          %add3A_1729 = arith.constant 16 : i32
          %add3A_1730 = vector.broadcast %add3A_1729 : i32 to vector<16xi32>
          %add3A_1731 = arith.addi %xor3A_13, %add3A_1730 : vector<16xi32>
          %select_n3A_1732 = arith.select %lt3A_1728, %add3A_1731, %xor3A_13 : vector<16xi1>, vector<16xi32>
          %reshape3A_1733 = vector.shape_cast %select_n3A_1732 : vector<16xi32> to vector<16x1xi32>
          %gather3A_1734 = vector.shape_cast %reshape3A_1733 : vector<16x1xi32> to vector<16xi32>
          %gather3A_1735 = tpu.dynamic_gather %add3A_1725[%gather3A_1734] in [0] : vector<16xf32>, vector<16xi32> -> vector<16xf32>
          %add3A_1736 = arith.addf %add3A_1725, %gather3A_1735 : vector<16xf32>
          %select_n3A_1737 = arith.select %eq3A_404, %add3A_1736, %scan3A_368 : vector<16xi1>, vector<16xf32>
          %mul3A_1738 = arith.constant 20 : i32
          %mul3A_1739 = arith.muli %add3A_372, %mul3A_1738 : i32
          %add3A_1740 = arith.constant 19 : i32
          %add3A_1741 = arith.addi %mul3A_1739, %add3A_1740 : i32
          %get3A_1742 = arith.index_cast %add3A_1741 : i32 to index
          %get3A_1743 = arith.constant 0 : index
          %get3A_1744 = tpu.vector_load %arg12[%get3A_1742, %get3A_1743] {strides = array<i32>} : memref<640x64xf32, #tpu.memory_space<vmem>>, vector<16xf32>,
          %mul3A_1745 = arith.mulf %get3A_1744, %get3A_374 : vector<16xf32>
          %get3A_1746 = arith.index_cast %add3A_1741 : i32 to index
          %get3A_1747 = arith.constant 16 : index
          %get3A_1748 = tpu.vector_load %arg12[%get3A_1746, %get3A_1747] {strides = array<i32>} : memref<640x64xf32, #tpu.memory_space<vmem>>, vector<16xf32>,
          %mul3A_1749 = arith.mulf %get3A_1748, %get3A_377 : vector<16xf32>
          %add3A_1750 = arith.addf %mul3A_1745, %mul3A_1749 : vector<16xf32>
          %get3A_1751 = arith.index_cast %add3A_1741 : i32 to index
          %get3A_1752 = arith.constant 32 : index
          %get3A_1753 = tpu.vector_load %arg12[%get3A_1751, %get3A_1752] {strides = array<i32>} : memref<640x64xf32, #tpu.memory_space<vmem>>, vector<16xf32>,
          %mul3A_1754 = arith.mulf %get3A_1753, %get3A_380 : vector<16xf32>
          %add3A_1755 = arith.addf %add3A_1750, %mul3A_1754 : vector<16xf32>
          %get3A_1756 = arith.index_cast %add3A_1741 : i32 to index
          %get3A_1757 = arith.constant 48 : index
          %get3A_1758 = tpu.vector_load %arg12[%get3A_1756, %get3A_1757] {strides = array<i32>} : memref<640x64xf32, #tpu.memory_space<vmem>>, vector<16xf32>,
          %mul3A_1759 = arith.mulf %get3A_1758, %get3A_383 : vector<16xf32>
          %add3A_1760 = arith.addf %add3A_1755, %mul3A_1759 : vector<16xf32>
          %lt3A_1761 = arith.constant 0 : i32
          %lt3A_1762 = vector.broadcast %lt3A_1761 : i32 to vector<16xi32>
          %lt3A_1763 = arith.cmpi slt, %xor3A_4, %lt3A_1762 : vector<16xi32>
          %add3A_1764 = arith.constant 16 : i32
          %add3A_1765 = vector.broadcast %add3A_1764 : i32 to vector<16xi32>
          %add3A_1766 = arith.addi %xor3A_4, %add3A_1765 : vector<16xi32>
          %select_n3A_1767 = arith.select %lt3A_1763, %add3A_1766, %xor3A_4 : vector<16xi1>, vector<16xi32>
          %reshape3A_1768 = vector.shape_cast %select_n3A_1767 : vector<16xi32> to vector<16x1xi32>
          %gather3A_1769 = vector.shape_cast %reshape3A_1768 : vector<16x1xi32> to vector<16xi32>
          %gather3A_1770 = tpu.dynamic_gather %add3A_1760[%gather3A_1769] in [0] : vector<16xf32>, vector<16xi32> -> vector<16xf32>
          %add3A_1771 = arith.addf %add3A_1760, %gather3A_1770 : vector<16xf32>
          %lt3A_1772 = arith.constant 0 : i32
          %lt3A_1773 = vector.broadcast %lt3A_1772 : i32 to vector<16xi32>
          %lt3A_1774 = arith.cmpi slt, %xor3A_7, %lt3A_1773 : vector<16xi32>
          %add3A_1775 = arith.constant 16 : i32
          %add3A_1776 = vector.broadcast %add3A_1775 : i32 to vector<16xi32>
          %add3A_1777 = arith.addi %xor3A_7, %add3A_1776 : vector<16xi32>
          %select_n3A_1778 = arith.select %lt3A_1774, %add3A_1777, %xor3A_7 : vector<16xi1>, vector<16xi32>
          %reshape3A_1779 = vector.shape_cast %select_n3A_1778 : vector<16xi32> to vector<16x1xi32>
          %gather3A_1780 = vector.shape_cast %reshape3A_1779 : vector<16x1xi32> to vector<16xi32>
          %gather3A_1781 = tpu.dynamic_gather %add3A_1771[%gather3A_1780] in [0] : vector<16xf32>, vector<16xi32> -> vector<16xf32>
          %add3A_1782 = arith.addf %add3A_1771, %gather3A_1781 : vector<16xf32>
          %lt3A_1783 = arith.constant 0 : i32
          %lt3A_1784 = vector.broadcast %lt3A_1783 : i32 to vector<16xi32>
          %lt3A_1785 = arith.cmpi slt, %xor3A_10, %lt3A_1784 : vector<16xi32>
          %add3A_1786 = arith.constant 16 : i32
          %add3A_1787 = vector.broadcast %add3A_1786 : i32 to vector<16xi32>
          %add3A_1788 = arith.addi %xor3A_10, %add3A_1787 : vector<16xi32>
          %select_n3A_1789 = arith.select %lt3A_1785, %add3A_1788, %xor3A_10 : vector<16xi1>, vector<16xi32>
          %reshape3A_1790 = vector.shape_cast %select_n3A_1789 : vector<16xi32> to vector<16x1xi32>
          %gather3A_1791 = vector.shape_cast %reshape3A_1790 : vector<16x1xi32> to vector<16xi32>
          %gather3A_1792 = tpu.dynamic_gather %add3A_1782[%gather3A_1791] in [0] : vector<16xf32>, vector<16xi32> -> vector<16xf32>
          %add3A_1793 = arith.addf %add3A_1782, %gather3A_1792 : vector<16xf32>
          %lt3A_1794 = arith.constant 0 : i32
          %lt3A_1795 = vector.broadcast %lt3A_1794 : i32 to vector<16xi32>
          %lt3A_1796 = arith.cmpi slt, %xor3A_13, %lt3A_1795 : vector<16xi32>
          %add3A_1797 = arith.constant 16 : i32
          %add3A_1798 = vector.broadcast %add3A_1797 : i32 to vector<16xi32>
          %add3A_1799 = arith.addi %xor3A_13, %add3A_1798 : vector<16xi32>
          %select_n3A_1800 = arith.select %lt3A_1796, %add3A_1799, %xor3A_13 : vector<16xi1>, vector<16xi32>
          %reshape3A_1801 = vector.shape_cast %select_n3A_1800 : vector<16xi32> to vector<16x1xi32>
          %gather3A_1802 = vector.shape_cast %reshape3A_1801 : vector<16x1xi32> to vector<16xi32>
          %gather3A_1803 = tpu.dynamic_gather %add3A_1793[%gather3A_1802] in [0] : vector<16xf32>, vector<16xi32> -> vector<16xf32>
          %add3A_1804 = arith.addf %add3A_1793, %gather3A_1803 : vector<16xf32>
          %select_n3A_1805 = arith.select %eq3A_404, %add3A_1804, %scan3A_369 : vector<16xi1>, vector<16xf32>
          scf.yield %select_n3A_445, %select_n3A_513, %select_n3A_581, %select_n3A_649, %select_n3A_717, %select_n3A_785, %select_n3A_853, %select_n3A_921, %select_n3A_989, %select_n3A_1057, %select_n3A_1125, %select_n3A_1193, %select_n3A_1261, %select_n3A_1329, %select_n3A_1397, %select_n3A_1465, %select_n3A_1533, %select_n3A_1601, %select_n3A_1669, %select_n3A_1737, %select_n3A_1805 : vector<16xf32>, vector<16xf32>, vector<16xf32>, vector<16xf32>, vector<16xf32>, vector<16xf32>, vector<16xf32>, vector<16xf32>, vector<16xf32>, vector<16xf32>, vector<16xf32>, vector<16xf32>, vector<16xf32>, vector<16xf32>, vector<16xf32>, vector<16xf32>, vector<16xf32>, vector<16xf32>, vector<16xf32>, vector<16xf32>, vector<16xf32>
        }
        %scan3A_277 = arith.constant 16 : i32
        %mul3A_278 = arith.constant 16 : i32
        %mul3A_279 = arith.muli %scan3A_271, %mul3A_278 : i32
        %swap3A = arith.index_cast %mul3A_279 : i32 to index
        %swap3A_280 = tpu.vector_load %arg18[%swap3A] {strides = array<i32>} : memref<32xf32, #tpu.memory_space<vmem>>, vector<16xf32>,
        tpu.vector_store %arg18[%swap3A], %scan3A_276#0 {strides = array<i32>} : memref<32xf32, #tpu.memory_space<vmem>>, vector<16xf32>,
        %mul3A_281 = arith.constant 16 : i32
        %mul3A_282 = arith.muli %scan3A_271, %mul3A_281 : i32
        %add3A_283 = vector.broadcast %mul3A_282 : i32 to vector<16xi32>
        %add3A_284 = arith.addi %add3A_283, %iota3A : vector<16xi32>
        %mul3A_285 = arith.constant 20 : i32
        %mul3A_286 = vector.broadcast %mul3A_285 : i32 to vector<16xi32>
        %mul3A_287 = arith.muli %add3A_284, %mul3A_286 : vector<16xi32>
        %add3A_288 = arith.constant 0 : i32
        %add3A_289 = vector.broadcast %add3A_288 : i32 to vector<16xi32>
        %add3A_290 = arith.addi %mul3A_287, %add3A_289 : vector<16xi32>
        tpu.vector_store_idx %arg19[%add3A_290], %scan3A_276#1 : memref<640xf32, #tpu.memory_space<vmem>>[vector<16xi32>], vector<16xf32>,
        %add3A_291 = arith.constant 1 : i32
        %add3A_292 = vector.broadcast %add3A_291 : i32 to vector<16xi32>
        %add3A_293 = arith.addi %mul3A_287, %add3A_292 : vector<16xi32>
        tpu.vector_store_idx %arg19[%add3A_293], %scan3A_276#2 : memref<640xf32, #tpu.memory_space<vmem>>[vector<16xi32>], vector<16xf32>,
        %add3A_294 = arith.constant 2 : i32
        %add3A_295 = vector.broadcast %add3A_294 : i32 to vector<16xi32>
        %add3A_296 = arith.addi %mul3A_287, %add3A_295 : vector<16xi32>
        tpu.vector_store_idx %arg19[%add3A_296], %scan3A_276#3 : memref<640xf32, #tpu.memory_space<vmem>>[vector<16xi32>], vector<16xf32>,
        %add3A_297 = arith.constant 3 : i32
        %add3A_298 = vector.broadcast %add3A_297 : i32 to vector<16xi32>
        %add3A_299 = arith.addi %mul3A_287, %add3A_298 : vector<16xi32>
        tpu.vector_store_idx %arg19[%add3A_299], %scan3A_276#4 : memref<640xf32, #tpu.memory_space<vmem>>[vector<16xi32>], vector<16xf32>,
        %add3A_300 = arith.constant 4 : i32
        %add3A_301 = vector.broadcast %add3A_300 : i32 to vector<16xi32>
        %add3A_302 = arith.addi %mul3A_287, %add3A_301 : vector<16xi32>
        tpu.vector_store_idx %arg19[%add3A_302], %scan3A_276#5 : memref<640xf32, #tpu.memory_space<vmem>>[vector<16xi32>], vector<16xf32>,
        %add3A_303 = arith.constant 5 : i32
        %add3A_304 = vector.broadcast %add3A_303 : i32 to vector<16xi32>
        %add3A_305 = arith.addi %mul3A_287, %add3A_304 : vector<16xi32>
        tpu.vector_store_idx %arg19[%add3A_305], %scan3A_276#6 : memref<640xf32, #tpu.memory_space<vmem>>[vector<16xi32>], vector<16xf32>,
        %add3A_306 = arith.constant 6 : i32
        %add3A_307 = vector.broadcast %add3A_306 : i32 to vector<16xi32>
        %add3A_308 = arith.addi %mul3A_287, %add3A_307 : vector<16xi32>
        tpu.vector_store_idx %arg19[%add3A_308], %scan3A_276#7 : memref<640xf32, #tpu.memory_space<vmem>>[vector<16xi32>], vector<16xf32>,
        %add3A_309 = arith.constant 7 : i32
        %add3A_310 = vector.broadcast %add3A_309 : i32 to vector<16xi32>
        %add3A_311 = arith.addi %mul3A_287, %add3A_310 : vector<16xi32>
        tpu.vector_store_idx %arg19[%add3A_311], %scan3A_276#8 : memref<640xf32, #tpu.memory_space<vmem>>[vector<16xi32>], vector<16xf32>,
        %add3A_312 = arith.constant 8 : i32
        %add3A_313 = vector.broadcast %add3A_312 : i32 to vector<16xi32>
        %add3A_314 = arith.addi %mul3A_287, %add3A_313 : vector<16xi32>
        tpu.vector_store_idx %arg19[%add3A_314], %scan3A_276#9 : memref<640xf32, #tpu.memory_space<vmem>>[vector<16xi32>], vector<16xf32>,
        %add3A_315 = arith.constant 9 : i32
        %add3A_316 = vector.broadcast %add3A_315 : i32 to vector<16xi32>
        %add3A_317 = arith.addi %mul3A_287, %add3A_316 : vector<16xi32>
        tpu.vector_store_idx %arg19[%add3A_317], %scan3A_276#10 : memref<640xf32, #tpu.memory_space<vmem>>[vector<16xi32>], vector<16xf32>,
        %add3A_318 = arith.constant 10 : i32
        %add3A_319 = vector.broadcast %add3A_318 : i32 to vector<16xi32>
        %add3A_320 = arith.addi %mul3A_287, %add3A_319 : vector<16xi32>
        tpu.vector_store_idx %arg19[%add3A_320], %scan3A_276#11 : memref<640xf32, #tpu.memory_space<vmem>>[vector<16xi32>], vector<16xf32>,
        %add3A_321 = arith.constant 11 : i32
        %add3A_322 = vector.broadcast %add3A_321 : i32 to vector<16xi32>
        %add3A_323 = arith.addi %mul3A_287, %add3A_322 : vector<16xi32>
        tpu.vector_store_idx %arg19[%add3A_323], %scan3A_276#12 : memref<640xf32, #tpu.memory_space<vmem>>[vector<16xi32>], vector<16xf32>,
        %add3A_324 = arith.constant 12 : i32
        %add3A_325 = vector.broadcast %add3A_324 : i32 to vector<16xi32>
        %add3A_326 = arith.addi %mul3A_287, %add3A_325 : vector<16xi32>
        tpu.vector_store_idx %arg19[%add3A_326], %scan3A_276#13 : memref<640xf32, #tpu.memory_space<vmem>>[vector<16xi32>], vector<16xf32>,
        %add3A_327 = arith.constant 13 : i32
        %add3A_328 = vector.broadcast %add3A_327 : i32 to vector<16xi32>
        %add3A_329 = arith.addi %mul3A_287, %add3A_328 : vector<16xi32>
        tpu.vector_store_idx %arg19[%add3A_329], %scan3A_276#14 : memref<640xf32, #tpu.memory_space<vmem>>[vector<16xi32>], vector<16xf32>,
        %add3A_330 = arith.constant 14 : i32
        %add3A_331 = vector.broadcast %add3A_330 : i32 to vector<16xi32>
        %add3A_332 = arith.addi %mul3A_287, %add3A_331 : vector<16xi32>
        tpu.vector_store_idx %arg19[%add3A_332], %scan3A_276#15 : memref<640xf32, #tpu.memory_space<vmem>>[vector<16xi32>], vector<16xf32>,
        %add3A_333 = arith.constant 15 : i32
        %add3A_334 = vector.broadcast %add3A_333 : i32 to vector<16xi32>
        %add3A_335 = arith.addi %mul3A_287, %add3A_334 : vector<16xi32>
        tpu.vector_store_idx %arg19[%add3A_335], %scan3A_276#16 : memref<640xf32, #tpu.memory_space<vmem>>[vector<16xi32>], vector<16xf32>,
        %add3A_336 = arith.constant 16 : i32
        %add3A_337 = vector.broadcast %add3A_336 : i32 to vector<16xi32>
        %add3A_338 = arith.addi %mul3A_287, %add3A_337 : vector<16xi32>
        tpu.vector_store_idx %arg19[%add3A_338], %scan3A_276#17 : memref<640xf32, #tpu.memory_space<vmem>>[vector<16xi32>], vector<16xf32>,
        %add3A_339 = arith.constant 17 : i32
        %add3A_340 = vector.broadcast %add3A_339 : i32 to vector<16xi32>
        %add3A_341 = arith.addi %mul3A_287, %add3A_340 : vector<16xi32>
        tpu.vector_store_idx %arg19[%add3A_341], %scan3A_276#18 : memref<640xf32, #tpu.memory_space<vmem>>[vector<16xi32>], vector<16xf32>,
        %add3A_342 = arith.constant 18 : i32
        %add3A_343 = vector.broadcast %add3A_342 : i32 to vector<16xi32>
        %add3A_344 = arith.addi %mul3A_287, %add3A_343 : vector<16xi32>
        tpu.vector_store_idx %arg19[%add3A_344], %scan3A_276#19 : memref<640xf32, #tpu.memory_space<vmem>>[vector<16xi32>], vector<16xf32>,
        %add3A_345 = arith.constant 19 : i32
        %add3A_346 = vector.broadcast %add3A_345 : i32 to vector<16xi32>
        %add3A_347 = arith.addi %mul3A_287, %add3A_346 : vector<16xi32>
        tpu.vector_store_idx %arg19[%add3A_347], %scan3A_276#20 : memref<640xf32, #tpu.memory_space<vmem>>[vector<16xi32>], vector<16xf32>,
      }
      %scan3A_176 = arith.constant 2 : i32
      "tpu.region"() ({
        %run_scoped3A = tpu.sem_alloc : memref<!tpu.dma_semaphore, #tpu.memory_space<semaphore_mem>>
        %dma_start3A_271 = tpu.memref_slice %arg6[%add3A_169] : memref<16384xf32, #tpu.memory_space<hbm>> -> memref<32xf32, #tpu.memory_space<hbm>>
        %dma_start3A_272 = tpu.memref_slice %arg6[%add3A_169] : memref<16384xf32, #tpu.memory_space<hbm>> -> memref<32xf32, #tpu.memory_space<hbm>>
        tpu.enqueue_dma source(%arg18 : memref<32xf32, #tpu.memory_space<vmem>>) target(%dma_start3A_272 : memref<32xf32, #tpu.memory_space<hbm>>) target_semaphore(%run_scoped3A : memref<!tpu.dma_semaphore, #tpu.memory_space<semaphore_mem>>)
        %dma_wait3A_273 = tpu.memref_slice %arg6[%add3A_169] : memref<16384xf32, #tpu.memory_space<hbm>> -> memref<32xf32, #tpu.memory_space<hbm>>
        %dma_wait3A_274 = tpu.memref_slice %arg6[%add3A_169] : memref<16384xf32, #tpu.memory_space<hbm>> -> memref<32xf32, #tpu.memory_space<hbm>>
        tpu.wait_dma2 semaphore(%run_scoped3A : memref<!tpu.dma_semaphore, #tpu.memory_space<semaphore_mem>>) src(%arg18 : memref<32xf32, #tpu.memory_space<vmem>>) dst(%dma_wait3A_274 : memref<32xf32, #tpu.memory_space<hbm>>)
        tpu.yield
      }) : () -> ()
      %mul3A_177 = arith.constant 20 : i32
      %mul3A_178 = arith.muli %add3A_169, %mul3A_177 : i32
      "tpu.region"() ({
        %run_scoped3A = tpu.sem_alloc : memref<!tpu.dma_semaphore, #tpu.memory_space<semaphore_mem>>
        %dma_start3A_271 = tpu.memref_slice %arg7[%mul3A_178] : memref<327680xf32, #tpu.memory_space<hbm>> -> memref<640xf32, #tpu.memory_space<hbm>>
        %dma_start3A_272 = tpu.memref_slice %arg7[%mul3A_178] : memref<327680xf32, #tpu.memory_space<hbm>> -> memref<640xf32, #tpu.memory_space<hbm>>
        tpu.enqueue_dma source(%arg19 : memref<640xf32, #tpu.memory_space<vmem>>) target(%dma_start3A_272 : memref<640xf32, #tpu.memory_space<hbm>>) target_semaphore(%run_scoped3A : memref<!tpu.dma_semaphore, #tpu.memory_space<semaphore_mem>>)
        %dma_wait3A_273 = tpu.memref_slice %arg7[%mul3A_178] : memref<327680xf32, #tpu.memory_space<hbm>> -> memref<640xf32, #tpu.memory_space<hbm>>
        %dma_wait3A_274 = tpu.memref_slice %arg7[%mul3A_178] : memref<327680xf32, #tpu.memory_space<hbm>> -> memref<640xf32, #tpu.memory_space<hbm>>
        tpu.wait_dma2 semaphore(%run_scoped3A : memref<!tpu.dma_semaphore, #tpu.memory_space<semaphore_mem>>) src(%arg19 : memref<640xf32, #tpu.memory_space<vmem>>) dst(%dma_wait3A_274 : memref<640xf32, #tpu.memory_space<hbm>>)
        tpu.yield
      }) : () -> ()
      %add3A_179 = arith.constant 2 : i32
      %add3A_180 = arith.addi %mul3A_90, %add3A_179 : i32
      %min3A = arith.constant 15 : i32
      %min3A_181 = arith.minsi %add3A_180, %min3A : i32
      %mul3A_182 = arith.constant 512 : i32
      %mul3A_183 = arith.muli %add3A, %mul3A_182 : i32
      %mul3A_184 = arith.constant 32 : i32
      %mul3A_185 = arith.muli %min3A_181, %mul3A_184 : i32
      %add3A_186 = arith.addi %mul3A_183, %mul3A_185 : i32
      "tpu.region"() ({
        %run_scoped3A = tpu.sem_alloc : memref<!tpu.dma_semaphore, #tpu.memory_space<semaphore_mem>>
        %dma_start3A_271 = tpu.memref_slice %arg4[%add3A_186] : memref<16384xi32, #tpu.memory_space<hbm>> -> memref<32xi32, #tpu.memory_space<hbm>>
        %dma_start3A_272 = tpu.memref_slice %arg4[%add3A_186] : memref<16384xi32, #tpu.memory_space<hbm>> -> memref<32xi32, #tpu.memory_space<hbm>>
        tpu.enqueue_dma source(%dma_start3A_272 : memref<32xi32, #tpu.memory_space<hbm>>) target(%arg8 : memref<32xi32, #tpu.memory_space<vmem>>) target_semaphore(%run_scoped3A : memref<!tpu.dma_semaphore, #tpu.memory_space<semaphore_mem>>)
        %dma_wait3A_273 = tpu.memref_slice %arg4[%add3A_186] : memref<16384xi32, #tpu.memory_space<hbm>> -> memref<32xi32, #tpu.memory_space<hbm>>
        %dma_wait3A_274 = tpu.memref_slice %arg4[%add3A_186] : memref<16384xi32, #tpu.memory_space<hbm>> -> memref<32xi32, #tpu.memory_space<hbm>>
        tpu.wait_dma2 semaphore(%run_scoped3A : memref<!tpu.dma_semaphore, #tpu.memory_space<semaphore_mem>>) src(%dma_wait3A_274 : memref<32xi32, #tpu.memory_space<hbm>>) dst(%arg8 : memref<32xi32, #tpu.memory_space<vmem>>)
        tpu.yield
      }) : () -> ()
      %mul3A_187 = arith.constant 20 : i32
      %mul3A_188 = arith.muli %add3A_186, %mul3A_187 : i32
      "tpu.region"() ({
        %run_scoped3A = tpu.sem_alloc : memref<!tpu.dma_semaphore, #tpu.memory_space<semaphore_mem>>
        %dma_start3A_271 = tpu.memref_slice %arg5[%mul3A_188] : memref<327680xi32, #tpu.memory_space<hbm>> -> memref<640xi32, #tpu.memory_space<hbm>>
        %dma_start3A_272 = tpu.memref_slice %arg5[%mul3A_188] : memref<327680xi32, #tpu.memory_space<hbm>> -> memref<640xi32, #tpu.memory_space<hbm>>
        tpu.enqueue_dma source(%dma_start3A_272 : memref<640xi32, #tpu.memory_space<hbm>>) target(%arg9 : memref<640xi32, #tpu.memory_space<vmem>>) target_semaphore(%run_scoped3A : memref<!tpu.dma_semaphore, #tpu.memory_space<semaphore_mem>>)
        %dma_wait3A_273 = tpu.memref_slice %arg5[%mul3A_188] : memref<327680xi32, #tpu.memory_space<hbm>> -> memref<640xi32, #tpu.memory_space<hbm>>
        %dma_wait3A_274 = tpu.memref_slice %arg5[%mul3A_188] : memref<327680xi32, #tpu.memory_space<hbm>> -> memref<640xi32, #tpu.memory_space<hbm>>
        tpu.wait_dma2 semaphore(%run_scoped3A : memref<!tpu.dma_semaphore, #tpu.memory_space<semaphore_mem>>) src(%dma_wait3A_274 : memref<640xi32, #tpu.memory_space<hbm>>) dst(%arg9 : memref<640xi32, #tpu.memory_space<vmem>>)
        tpu.yield
      }) : () -> ()
      %dma_start3A_189 = arith.constant 0 : i32
      %dma_start3A_190 = tpu.memref_slice %arg3[%add3A_186, %dma_start3A_189] : memref<16384x64xf32, #tpu.memory_space<hbm>> -> memref<32x64xf32, #tpu.memory_space<hbm>>
      %dma_start3A_191 = arith.constant 0 : i32
      %dma_start3A_192 = tpu.memref_slice %arg3[%add3A_186, %dma_start3A_191] : memref<16384x64xf32, #tpu.memory_space<hbm>> -> memref<32x64xf32, #tpu.memory_space<hbm>>
      tpu.enqueue_dma source(%dma_start3A_192 : memref<32x64xf32, #tpu.memory_space<hbm>>) target(%arg10 : memref<32x64xf32, #tpu.memory_space<vmem>>) target_semaphore(%arg20 : memref<!tpu.dma_semaphore, #tpu.memory_space<semaphore_mem>>)
      %dma_start3A_193 = arith.constant 0 : i32
      %dma_start3A_194 = arith.constant 0 : i32
      %dma_start3A_195 = tpu.memref_slice %arg2[%dma_start3A_193, %dma_start3A_194] : memref<1000000x64xf32, #tpu.memory_space<hbm>> -> memref<1000000x64xf32, #tpu.memory_space<hbm>>
      tpu.enqueue_indirect_dma source(%dma_start3A_195 : memref<1000000x64xf32, #tpu.memory_space<hbm>>) target(%arg11 : memref<32x64xf32, #tpu.memory_space<vmem>>) offsets(%arg8 : memref<32xi32, #tpu.memory_space<vmem>>) semaphore(%arg20 : memref<!tpu.dma_semaphore, #tpu.memory_space<semaphore_mem>>)
      %dma_start3A_196 = arith.constant 0 : i32
      %dma_start3A_197 = arith.constant 0 : i32
      %dma_start3A_198 = tpu.memref_slice %arg12[%dma_start3A_196, %dma_start3A_197] : memref<640x64xf32, #tpu.memory_space<vmem>> -> memref<128x64xf32, #tpu.memory_space<vmem>>
      %dma_start3A_199 = arith.constant 0 : i32
      %dma_start3A_200 = tpu.memref_slice %arg9[%dma_start3A_199] : memref<640xi32, #tpu.memory_space<vmem>> -> memref<128xi32, #tpu.memory_space<vmem>>
      %dma_start3A_201 = arith.constant 0 : i32
      %dma_start3A_202 = arith.constant 0 : i32
      %dma_start3A_203 = tpu.memref_slice %arg2[%dma_start3A_201, %dma_start3A_202] : memref<1000000x64xf32, #tpu.memory_space<hbm>> -> memref<1000000x64xf32, #tpu.memory_space<hbm>>
      tpu.enqueue_indirect_dma source(%dma_start3A_203 : memref<1000000x64xf32, #tpu.memory_space<hbm>>) target(%dma_start3A_198 : memref<128x64xf32, #tpu.memory_space<vmem>>) offsets(%dma_start3A_200 : memref<128xi32, #tpu.memory_space<vmem>>) semaphore(%arg20 : memref<!tpu.dma_semaphore, #tpu.memory_space<semaphore_mem>>)
      %dma_start3A_204 = arith.constant 128 : i32
      %dma_start3A_205 = arith.constant 0 : i32
      %dma_start3A_206 = tpu.memref_slice %arg12[%dma_start3A_204, %dma_start3A_205] : memref<640x64xf32, #tpu.memory_space<vmem>> -> memref<128x64xf32, #tpu.memory_space<vmem>>
      %dma_start3A_207 = arith.constant 128 : i32
      %dma_start3A_208 = tpu.memref_slice %arg9[%dma_start3A_207] : memref<640xi32, #tpu.memory_space<vmem>> -> memref<128xi32, #tpu.memory_space<vmem>>
      %dma_start3A_209 = arith.constant 0 : i32
      %dma_start3A_210 = arith.constant 0 : i32
      %dma_start3A_211 = tpu.memref_slice %arg2[%dma_start3A_209, %dma_start3A_210] : memref<1000000x64xf32, #tpu.memory_space<hbm>> -> memref<1000000x64xf32, #tpu.memory_space<hbm>>
      tpu.enqueue_indirect_dma source(%dma_start3A_211 : memref<1000000x64xf32, #tpu.memory_space<hbm>>) target(%dma_start3A_206 : memref<128x64xf32, #tpu.memory_space<vmem>>) offsets(%dma_start3A_208 : memref<128xi32, #tpu.memory_space<vmem>>) semaphore(%arg20 : memref<!tpu.dma_semaphore, #tpu.memory_space<semaphore_mem>>)
      %dma_start3A_212 = arith.constant 256 : i32
      %dma_start3A_213 = arith.constant 0 : i32
      %dma_start3A_214 = tpu.memref_slice %arg12[%dma_start3A_212, %dma_start3A_213] : memref<640x64xf32, #tpu.memory_space<vmem>> -> memref<128x64xf32, #tpu.memory_space<vmem>>
      %dma_start3A_215 = arith.constant 256 : i32
      %dma_start3A_216 = tpu.memref_slice %arg9[%dma_start3A_215] : memref<640xi32, #tpu.memory_space<vmem>> -> memref<128xi32, #tpu.memory_space<vmem>>
      %dma_start3A_217 = arith.constant 0 : i32
      %dma_start3A_218 = arith.constant 0 : i32
      %dma_start3A_219 = tpu.memref_slice %arg2[%dma_start3A_217, %dma_start3A_218] : memref<1000000x64xf32, #tpu.memory_space<hbm>> -> memref<1000000x64xf32, #tpu.memory_space<hbm>>
      tpu.enqueue_indirect_dma source(%dma_start3A_219 : memref<1000000x64xf32, #tpu.memory_space<hbm>>) target(%dma_start3A_214 : memref<128x64xf32, #tpu.memory_space<vmem>>) offsets(%dma_start3A_216 : memref<128xi32, #tpu.memory_space<vmem>>) semaphore(%arg20 : memref<!tpu.dma_semaphore, #tpu.memory_space<semaphore_mem>>)
      %dma_start3A_220 = arith.constant 384 : i32
      %dma_start3A_221 = arith.constant 0 : i32
      %dma_start3A_222 = tpu.memref_slice %arg12[%dma_start3A_220, %dma_start3A_221] : memref<640x64xf32, #tpu.memory_space<vmem>> -> memref<128x64xf32, #tpu.memory_space<vmem>>
      %dma_start3A_223 = arith.constant 384 : i32
      %dma_start3A_224 = tpu.memref_slice %arg9[%dma_start3A_223] : memref<640xi32, #tpu.memory_space<vmem>> -> memref<128xi32, #tpu.memory_space<vmem>>
      %dma_start3A_225 = arith.constant 0 : i32
      %dma_start3A_226 = arith.constant 0 : i32
      %dma_start3A_227 = tpu.memref_slice %arg2[%dma_start3A_225, %dma_start3A_226] : memref<1000000x64xf32, #tpu.memory_space<hbm>> -> memref<1000000x64xf32, #tpu.memory_space<hbm>>
      tpu.enqueue_indirect_dma source(%dma_start3A_227 : memref<1000000x64xf32, #tpu.memory_space<hbm>>) target(%dma_start3A_222 : memref<128x64xf32, #tpu.memory_space<vmem>>) offsets(%dma_start3A_224 : memref<128xi32, #tpu.memory_space<vmem>>) semaphore(%arg20 : memref<!tpu.dma_semaphore, #tpu.memory_space<semaphore_mem>>)
      %dma_start3A_228 = arith.constant 512 : i32
      %dma_start3A_229 = arith.constant 0 : i32
      %dma_start3A_230 = tpu.memref_slice %arg12[%dma_start3A_228, %dma_start3A_229] : memref<640x64xf32, #tpu.memory_space<vmem>> -> memref<128x64xf32, #tpu.memory_space<vmem>>
      %dma_start3A_231 = arith.constant 512 : i32
      %dma_start3A_232 = tpu.memref_slice %arg9[%dma_start3A_231] : memref<640xi32, #tpu.memory_space<vmem>> -> memref<128xi32, #tpu.memory_space<vmem>>
      %dma_start3A_233 = arith.constant 0 : i32
      %dma_start3A_234 = arith.constant 0 : i32
      %dma_start3A_235 = tpu.memref_slice %arg2[%dma_start3A_233, %dma_start3A_234] : memref<1000000x64xf32, #tpu.memory_space<hbm>> -> memref<1000000x64xf32, #tpu.memory_space<hbm>>
      tpu.enqueue_indirect_dma source(%dma_start3A_235 : memref<1000000x64xf32, #tpu.memory_space<hbm>>) target(%dma_start3A_230 : memref<128x64xf32, #tpu.memory_space<vmem>>) offsets(%dma_start3A_232 : memref<128xi32, #tpu.memory_space<vmem>>) semaphore(%arg20 : memref<!tpu.dma_semaphore, #tpu.memory_space<semaphore_mem>>)
      %dma_wait3A_236 = arith.constant 0 : i32
      %dma_wait3A_237 = arith.constant 0 : i32
      %dma_wait3A_238 = tpu.memref_slice %arg3[%dma_wait3A_236, %dma_wait3A_237] : memref<16384x64xf32, #tpu.memory_space<hbm>> -> memref<32x64xf32, #tpu.memory_space<hbm>>
      %dma_wait3A_239 = arith.constant 0 : i32
      %dma_wait3A_240 = arith.constant 0 : i32
      %dma_wait3A_241 = tpu.memref_slice %arg3[%dma_wait3A_239, %dma_wait3A_240] : memref<16384x64xf32, #tpu.memory_space<hbm>> -> memref<32x64xf32, #tpu.memory_space<hbm>>
      tpu.wait_dma2 semaphore(%arg21 : memref<!tpu.dma_semaphore, #tpu.memory_space<semaphore_mem>>) src(%dma_wait3A_241 : memref<32x64xf32, #tpu.memory_space<hbm>>) dst(%arg15 : memref<32x64xf32, #tpu.memory_space<vmem>>)
      %dma_wait3A_242 = arith.constant 0 : i32
      %dma_wait3A_243 = arith.constant 0 : i32
      %dma_wait3A_244 = tpu.memref_slice %arg3[%dma_wait3A_242, %dma_wait3A_243] : memref<16384x64xf32, #tpu.memory_space<hbm>> -> memref<32x64xf32, #tpu.memory_space<hbm>>
      %dma_wait3A_245 = arith.constant 0 : i32
      %dma_wait3A_246 = arith.constant 0 : i32
      %dma_wait3A_247 = tpu.memref_slice %arg3[%dma_wait3A_245, %dma_wait3A_246] : memref<16384x64xf32, #tpu.memory_space<hbm>> -> memref<32x64xf32, #tpu.memory_space<hbm>>
      tpu.wait_dma2 semaphore(%arg21 : memref<!tpu.dma_semaphore, #tpu.memory_space<semaphore_mem>>) src(%dma_wait3A_247 : memref<32x64xf32, #tpu.memory_space<hbm>>) dst(%arg16 : memref<32x64xf32, #tpu.memory_space<vmem>>)
      %dma_wait3A_248 = arith.constant 0 : i32
      %dma_wait3A_249 = arith.constant 0 : i32
      %dma_wait3A_250 = tpu.memref_slice %arg3[%dma_wait3A_248, %dma_wait3A_249] : memref<16384x64xf32, #tpu.memory_space<hbm>> -> memref<640x64xf32, #tpu.memory_space<hbm>>
      %dma_wait3A_251 = arith.constant 0 : i32
      %dma_wait3A_252 = arith.constant 0 : i32
      %dma_wait3A_253 = tpu.memref_slice %arg3[%dma_wait3A_251, %dma_wait3A_252] : memref<16384x64xf32, #tpu.memory_space<hbm>> -> memref<640x64xf32, #tpu.memory_space<hbm>>
      tpu.wait_dma2 semaphore(%arg21 : memref<!tpu.dma_semaphore, #tpu.memory_space<semaphore_mem>>) src(%dma_wait3A_253 : memref<640x64xf32, #tpu.memory_space<hbm>>) dst(%arg17 : memref<640x64xf32, #tpu.memory_space<vmem>>)
      %add3A_254 = arith.constant 1 : i32
      %add3A_255 = arith.addi %mul3A_90, %add3A_254 : i32
      %mul3A_256 = arith.constant 512 : i32
      %mul3A_257 = arith.muli %add3A, %mul3A_256 : i32
      %mul3A_258 = arith.constant 32 : i32
      %mul3A_259 = arith.muli %add3A_255, %mul3A_258 : i32
      %add3A_260 = arith.addi %mul3A_257, %mul3A_259 : i32
      %broadcast_in_dim3A_261 = arith.constant 0.000000e+00 : f32
      %broadcast_in_dim3A_262 = vector.broadcast %broadcast_in_dim3A_261 : f32 to vector<16xf32>
      %scan3A_263 = arith.constant 0 : i32
      %scan3A_264 = arith.constant 0 : i32
      %scan3A_265 = arith.constant 2 : i32
      %scan3A_266 = arith.addi %scan3A_264, %scan3A_265 : i32
      %scan3A_267 = arith.constant 1 : i32
      scf.for %scan3A_271 = %scan3A_264 to %scan3A_266 step %scan3A_267  : i32 {
        %scan3A_272 = arith.constant 0 : i32
        %scan3A_273 = arith.constant 16 : i32
        %scan3A_274 = arith.addi %scan3A_272, %scan3A_273 : i32
        %scan3A_275 = arith.constant 1 : i32
        %scan3A_276:21 = scf.for %scan3A_348 = %scan3A_272 to %scan3A_274 step %scan3A_275 iter_args(%scan3A_349 = %broadcast_in_dim3A_262, %scan3A_350 = %broadcast_in_dim3A_262, %scan3A_351 = %broadcast_in_dim3A_262, %scan3A_352 = %broadcast_in_dim3A_262, %scan3A_353 = %broadcast_in_dim3A_262, %scan3A_354 = %broadcast_in_dim3A_262, %scan3A_355 = %broadcast_in_dim3A_262, %scan3A_356 = %broadcast_in_dim3A_262, %scan3A_357 = %broadcast_in_dim3A_262, %scan3A_358 = %broadcast_in_dim3A_262, %scan3A_359 = %broadcast_in_dim3A_262, %scan3A_360 = %broadcast_in_dim3A_262, %scan3A_361 = %broadcast_in_dim3A_262, %scan3A_362 = %broadcast_in_dim3A_262, %scan3A_363 = %broadcast_in_dim3A_262, %scan3A_364 = %broadcast_in_dim3A_262, %scan3A_365 = %broadcast_in_dim3A_262, %scan3A_366 = %broadcast_in_dim3A_262, %scan3A_367 = %broadcast_in_dim3A_262, %scan3A_368 = %broadcast_in_dim3A_262, %scan3A_369 = %broadcast_in_dim3A_262) -> (vector<16xf32>, vector<16xf32>, vector<16xf32>, vector<16xf32>, vector<16xf32>, vector<16xf32>, vector<16xf32>, vector<16xf32>, vector<16xf32>, vector<16xf32>, vector<16xf32>, vector<16xf32>, vector<16xf32>, vector<16xf32>, vector<16xf32>, vector<16xf32>, vector<16xf32>, vector<16xf32>, vector<16xf32>, vector<16xf32>, vector<16xf32>)  : i32 {
          %mul3A_370 = arith.constant 16 : i32
          %mul3A_371 = arith.muli %scan3A_271, %mul3A_370 : i32
          %add3A_372 = arith.addi %mul3A_371, %scan3A_348 : i32
          %get3A = arith.index_cast %add3A_372 : i32 to index
          %get3A_373 = arith.constant 0 : index
          %get3A_374 = tpu.vector_load %arg15[%get3A, %get3A_373] {strides = array<i32>} : memref<32x64xf32, #tpu.memory_space<vmem>>, vector<16xf32>,
          %get3A_375 = arith.index_cast %add3A_372 : i32 to index
          %get3A_376 = arith.constant 16 : index
          %get3A_377 = tpu.vector_load %arg15[%get3A_375, %get3A_376] {strides = array<i32>} : memref<32x64xf32, #tpu.memory_space<vmem>>, vector<16xf32>,
          %get3A_378 = arith.index_cast %add3A_372 : i32 to index
          %get3A_379 = arith.constant 32 : index
          %get3A_380 = tpu.vector_load %arg15[%get3A_378, %get3A_379] {strides = array<i32>} : memref<32x64xf32, #tpu.memory_space<vmem>>, vector<16xf32>,
          %get3A_381 = arith.index_cast %add3A_372 : i32 to index
          %get3A_382 = arith.constant 48 : index
          %get3A_383 = tpu.vector_load %arg15[%get3A_381, %get3A_382] {strides = array<i32>} : memref<32x64xf32, #tpu.memory_space<vmem>>, vector<16xf32>,
          %get3A_384 = arith.index_cast %add3A_372 : i32 to index
          %get3A_385 = arith.constant 0 : index
          %get3A_386 = tpu.vector_load %arg16[%get3A_384, %get3A_385] {strides = array<i32>} : memref<32x64xf32, #tpu.memory_space<vmem>>, vector<16xf32>,
          %get3A_387 = arith.index_cast %add3A_372 : i32 to index
          %get3A_388 = arith.constant 16 : index
          %get3A_389 = tpu.vector_load %arg16[%get3A_387, %get3A_388] {strides = array<i32>} : memref<32x64xf32, #tpu.memory_space<vmem>>, vector<16xf32>,
          %get3A_390 = arith.index_cast %add3A_372 : i32 to index
          %get3A_391 = arith.constant 32 : index
          %get3A_392 = tpu.vector_load %arg16[%get3A_390, %get3A_391] {strides = array<i32>} : memref<32x64xf32, #tpu.memory_space<vmem>>, vector<16xf32>,
          %get3A_393 = arith.index_cast %add3A_372 : i32 to index
          %get3A_394 = arith.constant 48 : index
          %get3A_395 = tpu.vector_load %arg16[%get3A_393, %get3A_394] {strides = array<i32>} : memref<32x64xf32, #tpu.memory_space<vmem>>, vector<16xf32>,
          %mul3A_396 = arith.mulf %get3A_374, %get3A_386 : vector<16xf32>
          %mul3A_397 = arith.mulf %get3A_377, %get3A_389 : vector<16xf32>
          %add3A_398 = arith.addf %mul3A_396, %mul3A_397 : vector<16xf32>
          %mul3A_399 = arith.mulf %get3A_380, %get3A_392 : vector<16xf32>
          %add3A_400 = arith.addf %add3A_398, %mul3A_399 : vector<16xf32>
          %mul3A_401 = arith.mulf %get3A_383, %get3A_395 : vector<16xf32>
          %add3A_402 = arith.addf %add3A_400, %mul3A_401 : vector<16xf32>
          %eq3A_403 = vector.broadcast %scan3A_348 : i32 to vector<16xi32>
          %eq3A_404 = arith.cmpi eq, %iota3A, %eq3A_403 : vector<16xi32>
          %lt3A = arith.constant 0 : i32
          %lt3A_405 = vector.broadcast %lt3A : i32 to vector<16xi32>
          %lt3A_406 = arith.cmpi slt, %xor3A_4, %lt3A_405 : vector<16xi32>
          %add3A_407 = arith.constant 16 : i32
          %add3A_408 = vector.broadcast %add3A_407 : i32 to vector<16xi32>
          %add3A_409 = arith.addi %xor3A_4, %add3A_408 : vector<16xi32>
          %select_n3A = arith.select %lt3A_406, %add3A_409, %xor3A_4 : vector<16xi1>, vector<16xi32>
          %reshape3A = vector.shape_cast %select_n3A : vector<16xi32> to vector<16x1xi32>
          %gather3A = vector.shape_cast %reshape3A : vector<16x1xi32> to vector<16xi32>
          %gather3A_410 = tpu.dynamic_gather %add3A_402[%gather3A] in [0] : vector<16xf32>, vector<16xi32> -> vector<16xf32>
          %add3A_411 = arith.addf %add3A_402, %gather3A_410 : vector<16xf32>
          %lt3A_412 = arith.constant 0 : i32
          %lt3A_413 = vector.broadcast %lt3A_412 : i32 to vector<16xi32>
          %lt3A_414 = arith.cmpi slt, %xor3A_7, %lt3A_413 : vector<16xi32>
          %add3A_415 = arith.constant 16 : i32
          %add3A_416 = vector.broadcast %add3A_415 : i32 to vector<16xi32>
          %add3A_417 = arith.addi %xor3A_7, %add3A_416 : vector<16xi32>
          %select_n3A_418 = arith.select %lt3A_414, %add3A_417, %xor3A_7 : vector<16xi1>, vector<16xi32>
          %reshape3A_419 = vector.shape_cast %select_n3A_418 : vector<16xi32> to vector<16x1xi32>
          %gather3A_420 = vector.shape_cast %reshape3A_419 : vector<16x1xi32> to vector<16xi32>
          %gather3A_421 = tpu.dynamic_gather %add3A_411[%gather3A_420] in [0] : vector<16xf32>, vector<16xi32> -> vector<16xf32>
          %add3A_422 = arith.addf %add3A_411, %gather3A_421 : vector<16xf32>
          %lt3A_423 = arith.constant 0 : i32
          %lt3A_424 = vector.broadcast %lt3A_423 : i32 to vector<16xi32>
          %lt3A_425 = arith.cmpi slt, %xor3A_10, %lt3A_424 : vector<16xi32>
          %add3A_426 = arith.constant 16 : i32
          %add3A_427 = vector.broadcast %add3A_426 : i32 to vector<16xi32>
          %add3A_428 = arith.addi %xor3A_10, %add3A_427 : vector<16xi32>
          %select_n3A_429 = arith.select %lt3A_425, %add3A_428, %xor3A_10 : vector<16xi1>, vector<16xi32>
          %reshape3A_430 = vector.shape_cast %select_n3A_429 : vector<16xi32> to vector<16x1xi32>
          %gather3A_431 = vector.shape_cast %reshape3A_430 : vector<16x1xi32> to vector<16xi32>
          %gather3A_432 = tpu.dynamic_gather %add3A_422[%gather3A_431] in [0] : vector<16xf32>, vector<16xi32> -> vector<16xf32>
          %add3A_433 = arith.addf %add3A_422, %gather3A_432 : vector<16xf32>
          %lt3A_434 = arith.constant 0 : i32
          %lt3A_435 = vector.broadcast %lt3A_434 : i32 to vector<16xi32>
          %lt3A_436 = arith.cmpi slt, %xor3A_13, %lt3A_435 : vector<16xi32>
          %add3A_437 = arith.constant 16 : i32
          %add3A_438 = vector.broadcast %add3A_437 : i32 to vector<16xi32>
          %add3A_439 = arith.addi %xor3A_13, %add3A_438 : vector<16xi32>
          %select_n3A_440 = arith.select %lt3A_436, %add3A_439, %xor3A_13 : vector<16xi1>, vector<16xi32>
          %reshape3A_441 = vector.shape_cast %select_n3A_440 : vector<16xi32> to vector<16x1xi32>
          %gather3A_442 = vector.shape_cast %reshape3A_441 : vector<16x1xi32> to vector<16xi32>
          %gather3A_443 = tpu.dynamic_gather %add3A_433[%gather3A_442] in [0] : vector<16xf32>, vector<16xi32> -> vector<16xf32>
          %add3A_444 = arith.addf %add3A_433, %gather3A_443 : vector<16xf32>
          %select_n3A_445 = arith.select %eq3A_404, %add3A_444, %scan3A_349 : vector<16xi1>, vector<16xf32>
          %mul3A_446 = arith.constant 20 : i32
          %mul3A_447 = arith.muli %add3A_372, %mul3A_446 : i32
          %add3A_448 = arith.constant 0 : i32
          %add3A_449 = arith.addi %mul3A_447, %add3A_448 : i32
          %get3A_450 = arith.index_cast %add3A_449 : i32 to index
          %get3A_451 = arith.constant 0 : index
          %get3A_452 = tpu.vector_load %arg17[%get3A_450, %get3A_451] {strides = array<i32>} : memref<640x64xf32, #tpu.memory_space<vmem>>, vector<16xf32>,
          %mul3A_453 = arith.mulf %get3A_452, %get3A_374 : vector<16xf32>
          %get3A_454 = arith.index_cast %add3A_449 : i32 to index
          %get3A_455 = arith.constant 16 : index
          %get3A_456 = tpu.vector_load %arg17[%get3A_454, %get3A_455] {strides = array<i32>} : memref<640x64xf32, #tpu.memory_space<vmem>>, vector<16xf32>,
          %mul3A_457 = arith.mulf %get3A_456, %get3A_377 : vector<16xf32>
          %add3A_458 = arith.addf %mul3A_453, %mul3A_457 : vector<16xf32>
          %get3A_459 = arith.index_cast %add3A_449 : i32 to index
          %get3A_460 = arith.constant 32 : index
          %get3A_461 = tpu.vector_load %arg17[%get3A_459, %get3A_460] {strides = array<i32>} : memref<640x64xf32, #tpu.memory_space<vmem>>, vector<16xf32>,
          %mul3A_462 = arith.mulf %get3A_461, %get3A_380 : vector<16xf32>
          %add3A_463 = arith.addf %add3A_458, %mul3A_462 : vector<16xf32>
          %get3A_464 = arith.index_cast %add3A_449 : i32 to index
          %get3A_465 = arith.constant 48 : index
          %get3A_466 = tpu.vector_load %arg17[%get3A_464, %get3A_465] {strides = array<i32>} : memref<640x64xf32, #tpu.memory_space<vmem>>, vector<16xf32>,
          %mul3A_467 = arith.mulf %get3A_466, %get3A_383 : vector<16xf32>
          %add3A_468 = arith.addf %add3A_463, %mul3A_467 : vector<16xf32>
          %lt3A_469 = arith.constant 0 : i32
          %lt3A_470 = vector.broadcast %lt3A_469 : i32 to vector<16xi32>
          %lt3A_471 = arith.cmpi slt, %xor3A_4, %lt3A_470 : vector<16xi32>
          %add3A_472 = arith.constant 16 : i32
          %add3A_473 = vector.broadcast %add3A_472 : i32 to vector<16xi32>
          %add3A_474 = arith.addi %xor3A_4, %add3A_473 : vector<16xi32>
          %select_n3A_475 = arith.select %lt3A_471, %add3A_474, %xor3A_4 : vector<16xi1>, vector<16xi32>
          %reshape3A_476 = vector.shape_cast %select_n3A_475 : vector<16xi32> to vector<16x1xi32>
          %gather3A_477 = vector.shape_cast %reshape3A_476 : vector<16x1xi32> to vector<16xi32>
          %gather3A_478 = tpu.dynamic_gather %add3A_468[%gather3A_477] in [0] : vector<16xf32>, vector<16xi32> -> vector<16xf32>
          %add3A_479 = arith.addf %add3A_468, %gather3A_478 : vector<16xf32>
          %lt3A_480 = arith.constant 0 : i32
          %lt3A_481 = vector.broadcast %lt3A_480 : i32 to vector<16xi32>
          %lt3A_482 = arith.cmpi slt, %xor3A_7, %lt3A_481 : vector<16xi32>
          %add3A_483 = arith.constant 16 : i32
          %add3A_484 = vector.broadcast %add3A_483 : i32 to vector<16xi32>
          %add3A_485 = arith.addi %xor3A_7, %add3A_484 : vector<16xi32>
          %select_n3A_486 = arith.select %lt3A_482, %add3A_485, %xor3A_7 : vector<16xi1>, vector<16xi32>
          %reshape3A_487 = vector.shape_cast %select_n3A_486 : vector<16xi32> to vector<16x1xi32>
          %gather3A_488 = vector.shape_cast %reshape3A_487 : vector<16x1xi32> to vector<16xi32>
          %gather3A_489 = tpu.dynamic_gather %add3A_479[%gather3A_488] in [0] : vector<16xf32>, vector<16xi32> -> vector<16xf32>
          %add3A_490 = arith.addf %add3A_479, %gather3A_489 : vector<16xf32>
          %lt3A_491 = arith.constant 0 : i32
          %lt3A_492 = vector.broadcast %lt3A_491 : i32 to vector<16xi32>
          %lt3A_493 = arith.cmpi slt, %xor3A_10, %lt3A_492 : vector<16xi32>
          %add3A_494 = arith.constant 16 : i32
          %add3A_495 = vector.broadcast %add3A_494 : i32 to vector<16xi32>
          %add3A_496 = arith.addi %xor3A_10, %add3A_495 : vector<16xi32>
          %select_n3A_497 = arith.select %lt3A_493, %add3A_496, %xor3A_10 : vector<16xi1>, vector<16xi32>
          %reshape3A_498 = vector.shape_cast %select_n3A_497 : vector<16xi32> to vector<16x1xi32>
          %gather3A_499 = vector.shape_cast %reshape3A_498 : vector<16x1xi32> to vector<16xi32>
          %gather3A_500 = tpu.dynamic_gather %add3A_490[%gather3A_499] in [0] : vector<16xf32>, vector<16xi32> -> vector<16xf32>
          %add3A_501 = arith.addf %add3A_490, %gather3A_500 : vector<16xf32>
          %lt3A_502 = arith.constant 0 : i32
          %lt3A_503 = vector.broadcast %lt3A_502 : i32 to vector<16xi32>
          %lt3A_504 = arith.cmpi slt, %xor3A_13, %lt3A_503 : vector<16xi32>
          %add3A_505 = arith.constant 16 : i32
          %add3A_506 = vector.broadcast %add3A_505 : i32 to vector<16xi32>
          %add3A_507 = arith.addi %xor3A_13, %add3A_506 : vector<16xi32>
          %select_n3A_508 = arith.select %lt3A_504, %add3A_507, %xor3A_13 : vector<16xi1>, vector<16xi32>
          %reshape3A_509 = vector.shape_cast %select_n3A_508 : vector<16xi32> to vector<16x1xi32>
          %gather3A_510 = vector.shape_cast %reshape3A_509 : vector<16x1xi32> to vector<16xi32>
          %gather3A_511 = tpu.dynamic_gather %add3A_501[%gather3A_510] in [0] : vector<16xf32>, vector<16xi32> -> vector<16xf32>
          %add3A_512 = arith.addf %add3A_501, %gather3A_511 : vector<16xf32>
          %select_n3A_513 = arith.select %eq3A_404, %add3A_512, %scan3A_350 : vector<16xi1>, vector<16xf32>
          %mul3A_514 = arith.constant 20 : i32
          %mul3A_515 = arith.muli %add3A_372, %mul3A_514 : i32
          %add3A_516 = arith.constant 1 : i32
          %add3A_517 = arith.addi %mul3A_515, %add3A_516 : i32
          %get3A_518 = arith.index_cast %add3A_517 : i32 to index
          %get3A_519 = arith.constant 0 : index
          %get3A_520 = tpu.vector_load %arg17[%get3A_518, %get3A_519] {strides = array<i32>} : memref<640x64xf32, #tpu.memory_space<vmem>>, vector<16xf32>,
          %mul3A_521 = arith.mulf %get3A_520, %get3A_374 : vector<16xf32>
          %get3A_522 = arith.index_cast %add3A_517 : i32 to index
          %get3A_523 = arith.constant 16 : index
          %get3A_524 = tpu.vector_load %arg17[%get3A_522, %get3A_523] {strides = array<i32>} : memref<640x64xf32, #tpu.memory_space<vmem>>, vector<16xf32>,
          %mul3A_525 = arith.mulf %get3A_524, %get3A_377 : vector<16xf32>
          %add3A_526 = arith.addf %mul3A_521, %mul3A_525 : vector<16xf32>
          %get3A_527 = arith.index_cast %add3A_517 : i32 to index
          %get3A_528 = arith.constant 32 : index
          %get3A_529 = tpu.vector_load %arg17[%get3A_527, %get3A_528] {strides = array<i32>} : memref<640x64xf32, #tpu.memory_space<vmem>>, vector<16xf32>,
          %mul3A_530 = arith.mulf %get3A_529, %get3A_380 : vector<16xf32>
          %add3A_531 = arith.addf %add3A_526, %mul3A_530 : vector<16xf32>
          %get3A_532 = arith.index_cast %add3A_517 : i32 to index
          %get3A_533 = arith.constant 48 : index
          %get3A_534 = tpu.vector_load %arg17[%get3A_532, %get3A_533] {strides = array<i32>} : memref<640x64xf32, #tpu.memory_space<vmem>>, vector<16xf32>,
          %mul3A_535 = arith.mulf %get3A_534, %get3A_383 : vector<16xf32>
          %add3A_536 = arith.addf %add3A_531, %mul3A_535 : vector<16xf32>
          %lt3A_537 = arith.constant 0 : i32
          %lt3A_538 = vector.broadcast %lt3A_537 : i32 to vector<16xi32>
          %lt3A_539 = arith.cmpi slt, %xor3A_4, %lt3A_538 : vector<16xi32>
          %add3A_540 = arith.constant 16 : i32
          %add3A_541 = vector.broadcast %add3A_540 : i32 to vector<16xi32>
          %add3A_542 = arith.addi %xor3A_4, %add3A_541 : vector<16xi32>
          %select_n3A_543 = arith.select %lt3A_539, %add3A_542, %xor3A_4 : vector<16xi1>, vector<16xi32>
          %reshape3A_544 = vector.shape_cast %select_n3A_543 : vector<16xi32> to vector<16x1xi32>
          %gather3A_545 = vector.shape_cast %reshape3A_544 : vector<16x1xi32> to vector<16xi32>
          %gather3A_546 = tpu.dynamic_gather %add3A_536[%gather3A_545] in [0] : vector<16xf32>, vector<16xi32> -> vector<16xf32>
          %add3A_547 = arith.addf %add3A_536, %gather3A_546 : vector<16xf32>
          %lt3A_548 = arith.constant 0 : i32
          %lt3A_549 = vector.broadcast %lt3A_548 : i32 to vector<16xi32>
          %lt3A_550 = arith.cmpi slt, %xor3A_7, %lt3A_549 : vector<16xi32>
          %add3A_551 = arith.constant 16 : i32
          %add3A_552 = vector.broadcast %add3A_551 : i32 to vector<16xi32>
          %add3A_553 = arith.addi %xor3A_7, %add3A_552 : vector<16xi32>
          %select_n3A_554 = arith.select %lt3A_550, %add3A_553, %xor3A_7 : vector<16xi1>, vector<16xi32>
          %reshape3A_555 = vector.shape_cast %select_n3A_554 : vector<16xi32> to vector<16x1xi32>
          %gather3A_556 = vector.shape_cast %reshape3A_555 : vector<16x1xi32> to vector<16xi32>
          %gather3A_557 = tpu.dynamic_gather %add3A_547[%gather3A_556] in [0] : vector<16xf32>, vector<16xi32> -> vector<16xf32>
          %add3A_558 = arith.addf %add3A_547, %gather3A_557 : vector<16xf32>
          %lt3A_559 = arith.constant 0 : i32
          %lt3A_560 = vector.broadcast %lt3A_559 : i32 to vector<16xi32>
          %lt3A_561 = arith.cmpi slt, %xor3A_10, %lt3A_560 : vector<16xi32>
          %add3A_562 = arith.constant 16 : i32
          %add3A_563 = vector.broadcast %add3A_562 : i32 to vector<16xi32>
          %add3A_564 = arith.addi %xor3A_10, %add3A_563 : vector<16xi32>
          %select_n3A_565 = arith.select %lt3A_561, %add3A_564, %xor3A_10 : vector<16xi1>, vector<16xi32>
          %reshape3A_566 = vector.shape_cast %select_n3A_565 : vector<16xi32> to vector<16x1xi32>
          %gather3A_567 = vector.shape_cast %reshape3A_566 : vector<16x1xi32> to vector<16xi32>
          %gather3A_568 = tpu.dynamic_gather %add3A_558[%gather3A_567] in [0] : vector<16xf32>, vector<16xi32> -> vector<16xf32>
          %add3A_569 = arith.addf %add3A_558, %gather3A_568 : vector<16xf32>
          %lt3A_570 = arith.constant 0 : i32
          %lt3A_571 = vector.broadcast %lt3A_570 : i32 to vector<16xi32>
          %lt3A_572 = arith.cmpi slt, %xor3A_13, %lt3A_571 : vector<16xi32>
          %add3A_573 = arith.constant 16 : i32
          %add3A_574 = vector.broadcast %add3A_573 : i32 to vector<16xi32>
          %add3A_575 = arith.addi %xor3A_13, %add3A_574 : vector<16xi32>
          %select_n3A_576 = arith.select %lt3A_572, %add3A_575, %xor3A_13 : vector<16xi1>, vector<16xi32>
          %reshape3A_577 = vector.shape_cast %select_n3A_576 : vector<16xi32> to vector<16x1xi32>
          %gather3A_578 = vector.shape_cast %reshape3A_577 : vector<16x1xi32> to vector<16xi32>
          %gather3A_579 = tpu.dynamic_gather %add3A_569[%gather3A_578] in [0] : vector<16xf32>, vector<16xi32> -> vector<16xf32>
          %add3A_580 = arith.addf %add3A_569, %gather3A_579 : vector<16xf32>
          %select_n3A_581 = arith.select %eq3A_404, %add3A_580, %scan3A_351 : vector<16xi1>, vector<16xf32>
          %mul3A_582 = arith.constant 20 : i32
          %mul3A_583 = arith.muli %add3A_372, %mul3A_582 : i32
          %add3A_584 = arith.constant 2 : i32
          %add3A_585 = arith.addi %mul3A_583, %add3A_584 : i32
          %get3A_586 = arith.index_cast %add3A_585 : i32 to index
          %get3A_587 = arith.constant 0 : index
          %get3A_588 = tpu.vector_load %arg17[%get3A_586, %get3A_587] {strides = array<i32>} : memref<640x64xf32, #tpu.memory_space<vmem>>, vector<16xf32>,
          %mul3A_589 = arith.mulf %get3A_588, %get3A_374 : vector<16xf32>
          %get3A_590 = arith.index_cast %add3A_585 : i32 to index
          %get3A_591 = arith.constant 16 : index
          %get3A_592 = tpu.vector_load %arg17[%get3A_590, %get3A_591] {strides = array<i32>} : memref<640x64xf32, #tpu.memory_space<vmem>>, vector<16xf32>,
          %mul3A_593 = arith.mulf %get3A_592, %get3A_377 : vector<16xf32>
          %add3A_594 = arith.addf %mul3A_589, %mul3A_593 : vector<16xf32>
          %get3A_595 = arith.index_cast %add3A_585 : i32 to index
          %get3A_596 = arith.constant 32 : index
          %get3A_597 = tpu.vector_load %arg17[%get3A_595, %get3A_596] {strides = array<i32>} : memref<640x64xf32, #tpu.memory_space<vmem>>, vector<16xf32>,
          %mul3A_598 = arith.mulf %get3A_597, %get3A_380 : vector<16xf32>
          %add3A_599 = arith.addf %add3A_594, %mul3A_598 : vector<16xf32>
          %get3A_600 = arith.index_cast %add3A_585 : i32 to index
          %get3A_601 = arith.constant 48 : index
          %get3A_602 = tpu.vector_load %arg17[%get3A_600, %get3A_601] {strides = array<i32>} : memref<640x64xf32, #tpu.memory_space<vmem>>, vector<16xf32>,
          %mul3A_603 = arith.mulf %get3A_602, %get3A_383 : vector<16xf32>
          %add3A_604 = arith.addf %add3A_599, %mul3A_603 : vector<16xf32>
          %lt3A_605 = arith.constant 0 : i32
          %lt3A_606 = vector.broadcast %lt3A_605 : i32 to vector<16xi32>
          %lt3A_607 = arith.cmpi slt, %xor3A_4, %lt3A_606 : vector<16xi32>
          %add3A_608 = arith.constant 16 : i32
          %add3A_609 = vector.broadcast %add3A_608 : i32 to vector<16xi32>
          %add3A_610 = arith.addi %xor3A_4, %add3A_609 : vector<16xi32>
          %select_n3A_611 = arith.select %lt3A_607, %add3A_610, %xor3A_4 : vector<16xi1>, vector<16xi32>
          %reshape3A_612 = vector.shape_cast %select_n3A_611 : vector<16xi32> to vector<16x1xi32>
          %gather3A_613 = vector.shape_cast %reshape3A_612 : vector<16x1xi32> to vector<16xi32>
          %gather3A_614 = tpu.dynamic_gather %add3A_604[%gather3A_613] in [0] : vector<16xf32>, vector<16xi32> -> vector<16xf32>
          %add3A_615 = arith.addf %add3A_604, %gather3A_614 : vector<16xf32>
          %lt3A_616 = arith.constant 0 : i32
          %lt3A_617 = vector.broadcast %lt3A_616 : i32 to vector<16xi32>
          %lt3A_618 = arith.cmpi slt, %xor3A_7, %lt3A_617 : vector<16xi32>
          %add3A_619 = arith.constant 16 : i32
          %add3A_620 = vector.broadcast %add3A_619 : i32 to vector<16xi32>
          %add3A_621 = arith.addi %xor3A_7, %add3A_620 : vector<16xi32>
          %select_n3A_622 = arith.select %lt3A_618, %add3A_621, %xor3A_7 : vector<16xi1>, vector<16xi32>
          %reshape3A_623 = vector.shape_cast %select_n3A_622 : vector<16xi32> to vector<16x1xi32>
          %gather3A_624 = vector.shape_cast %reshape3A_623 : vector<16x1xi32> to vector<16xi32>
          %gather3A_625 = tpu.dynamic_gather %add3A_615[%gather3A_624] in [0] : vector<16xf32>, vector<16xi32> -> vector<16xf32>
          %add3A_626 = arith.addf %add3A_615, %gather3A_625 : vector<16xf32>
          %lt3A_627 = arith.constant 0 : i32
          %lt3A_628 = vector.broadcast %lt3A_627 : i32 to vector<16xi32>
          %lt3A_629 = arith.cmpi slt, %xor3A_10, %lt3A_628 : vector<16xi32>
          %add3A_630 = arith.constant 16 : i32
          %add3A_631 = vector.broadcast %add3A_630 : i32 to vector<16xi32>
          %add3A_632 = arith.addi %xor3A_10, %add3A_631 : vector<16xi32>
          %select_n3A_633 = arith.select %lt3A_629, %add3A_632, %xor3A_10 : vector<16xi1>, vector<16xi32>
          %reshape3A_634 = vector.shape_cast %select_n3A_633 : vector<16xi32> to vector<16x1xi32>
          %gather3A_635 = vector.shape_cast %reshape3A_634 : vector<16x1xi32> to vector<16xi32>
          %gather3A_636 = tpu.dynamic_gather %add3A_626[%gather3A_635] in [0] : vector<16xf32>, vector<16xi32> -> vector<16xf32>
          %add3A_637 = arith.addf %add3A_626, %gather3A_636 : vector<16xf32>
          %lt3A_638 = arith.constant 0 : i32
          %lt3A_639 = vector.broadcast %lt3A_638 : i32 to vector<16xi32>
          %lt3A_640 = arith.cmpi slt, %xor3A_13, %lt3A_639 : vector<16xi32>
          %add3A_641 = arith.constant 16 : i32
          %add3A_642 = vector.broadcast %add3A_641 : i32 to vector<16xi32>
          %add3A_643 = arith.addi %xor3A_13, %add3A_642 : vector<16xi32>
          %select_n3A_644 = arith.select %lt3A_640, %add3A_643, %xor3A_13 : vector<16xi1>, vector<16xi32>
          %reshape3A_645 = vector.shape_cast %select_n3A_644 : vector<16xi32> to vector<16x1xi32>
          %gather3A_646 = vector.shape_cast %reshape3A_645 : vector<16x1xi32> to vector<16xi32>
          %gather3A_647 = tpu.dynamic_gather %add3A_637[%gather3A_646] in [0] : vector<16xf32>, vector<16xi32> -> vector<16xf32>
          %add3A_648 = arith.addf %add3A_637, %gather3A_647 : vector<16xf32>
          %select_n3A_649 = arith.select %eq3A_404, %add3A_648, %scan3A_352 : vector<16xi1>, vector<16xf32>
          %mul3A_650 = arith.constant 20 : i32
          %mul3A_651 = arith.muli %add3A_372, %mul3A_650 : i32
          %add3A_652 = arith.constant 3 : i32
          %add3A_653 = arith.addi %mul3A_651, %add3A_652 : i32
          %get3A_654 = arith.index_cast %add3A_653 : i32 to index
          %get3A_655 = arith.constant 0 : index
          %get3A_656 = tpu.vector_load %arg17[%get3A_654, %get3A_655] {strides = array<i32>} : memref<640x64xf32, #tpu.memory_space<vmem>>, vector<16xf32>,
          %mul3A_657 = arith.mulf %get3A_656, %get3A_374 : vector<16xf32>
          %get3A_658 = arith.index_cast %add3A_653 : i32 to index
          %get3A_659 = arith.constant 16 : index
          %get3A_660 = tpu.vector_load %arg17[%get3A_658, %get3A_659] {strides = array<i32>} : memref<640x64xf32, #tpu.memory_space<vmem>>, vector<16xf32>,
          %mul3A_661 = arith.mulf %get3A_660, %get3A_377 : vector<16xf32>
          %add3A_662 = arith.addf %mul3A_657, %mul3A_661 : vector<16xf32>
          %get3A_663 = arith.index_cast %add3A_653 : i32 to index
          %get3A_664 = arith.constant 32 : index
          %get3A_665 = tpu.vector_load %arg17[%get3A_663, %get3A_664] {strides = array<i32>} : memref<640x64xf32, #tpu.memory_space<vmem>>, vector<16xf32>,
          %mul3A_666 = arith.mulf %get3A_665, %get3A_380 : vector<16xf32>
          %add3A_667 = arith.addf %add3A_662, %mul3A_666 : vector<16xf32>
          %get3A_668 = arith.index_cast %add3A_653 : i32 to index
          %get3A_669 = arith.constant 48 : index
          %get3A_670 = tpu.vector_load %arg17[%get3A_668, %get3A_669] {strides = array<i32>} : memref<640x64xf32, #tpu.memory_space<vmem>>, vector<16xf32>,
          %mul3A_671 = arith.mulf %get3A_670, %get3A_383 : vector<16xf32>
          %add3A_672 = arith.addf %add3A_667, %mul3A_671 : vector<16xf32>
          %lt3A_673 = arith.constant 0 : i32
          %lt3A_674 = vector.broadcast %lt3A_673 : i32 to vector<16xi32>
          %lt3A_675 = arith.cmpi slt, %xor3A_4, %lt3A_674 : vector<16xi32>
          %add3A_676 = arith.constant 16 : i32
          %add3A_677 = vector.broadcast %add3A_676 : i32 to vector<16xi32>
          %add3A_678 = arith.addi %xor3A_4, %add3A_677 : vector<16xi32>
          %select_n3A_679 = arith.select %lt3A_675, %add3A_678, %xor3A_4 : vector<16xi1>, vector<16xi32>
          %reshape3A_680 = vector.shape_cast %select_n3A_679 : vector<16xi32> to vector<16x1xi32>
          %gather3A_681 = vector.shape_cast %reshape3A_680 : vector<16x1xi32> to vector<16xi32>
          %gather3A_682 = tpu.dynamic_gather %add3A_672[%gather3A_681] in [0] : vector<16xf32>, vector<16xi32> -> vector<16xf32>
          %add3A_683 = arith.addf %add3A_672, %gather3A_682 : vector<16xf32>
          %lt3A_684 = arith.constant 0 : i32
          %lt3A_685 = vector.broadcast %lt3A_684 : i32 to vector<16xi32>
          %lt3A_686 = arith.cmpi slt, %xor3A_7, %lt3A_685 : vector<16xi32>
          %add3A_687 = arith.constant 16 : i32
          %add3A_688 = vector.broadcast %add3A_687 : i32 to vector<16xi32>
          %add3A_689 = arith.addi %xor3A_7, %add3A_688 : vector<16xi32>
          %select_n3A_690 = arith.select %lt3A_686, %add3A_689, %xor3A_7 : vector<16xi1>, vector<16xi32>
          %reshape3A_691 = vector.shape_cast %select_n3A_690 : vector<16xi32> to vector<16x1xi32>
          %gather3A_692 = vector.shape_cast %reshape3A_691 : vector<16x1xi32> to vector<16xi32>
          %gather3A_693 = tpu.dynamic_gather %add3A_683[%gather3A_692] in [0] : vector<16xf32>, vector<16xi32> -> vector<16xf32>
          %add3A_694 = arith.addf %add3A_683, %gather3A_693 : vector<16xf32>
          %lt3A_695 = arith.constant 0 : i32
          %lt3A_696 = vector.broadcast %lt3A_695 : i32 to vector<16xi32>
          %lt3A_697 = arith.cmpi slt, %xor3A_10, %lt3A_696 : vector<16xi32>
          %add3A_698 = arith.constant 16 : i32
          %add3A_699 = vector.broadcast %add3A_698 : i32 to vector<16xi32>
          %add3A_700 = arith.addi %xor3A_10, %add3A_699 : vector<16xi32>
          %select_n3A_701 = arith.select %lt3A_697, %add3A_700, %xor3A_10 : vector<16xi1>, vector<16xi32>
          %reshape3A_702 = vector.shape_cast %select_n3A_701 : vector<16xi32> to vector<16x1xi32>
          %gather3A_703 = vector.shape_cast %reshape3A_702 : vector<16x1xi32> to vector<16xi32>
          %gather3A_704 = tpu.dynamic_gather %add3A_694[%gather3A_703] in [0] : vector<16xf32>, vector<16xi32> -> vector<16xf32>
          %add3A_705 = arith.addf %add3A_694, %gather3A_704 : vector<16xf32>
          %lt3A_706 = arith.constant 0 : i32
          %lt3A_707 = vector.broadcast %lt3A_706 : i32 to vector<16xi32>
          %lt3A_708 = arith.cmpi slt, %xor3A_13, %lt3A_707 : vector<16xi32>
          %add3A_709 = arith.constant 16 : i32
          %add3A_710 = vector.broadcast %add3A_709 : i32 to vector<16xi32>
          %add3A_711 = arith.addi %xor3A_13, %add3A_710 : vector<16xi32>
          %select_n3A_712 = arith.select %lt3A_708, %add3A_711, %xor3A_13 : vector<16xi1>, vector<16xi32>
          %reshape3A_713 = vector.shape_cast %select_n3A_712 : vector<16xi32> to vector<16x1xi32>
          %gather3A_714 = vector.shape_cast %reshape3A_713 : vector<16x1xi32> to vector<16xi32>
          %gather3A_715 = tpu.dynamic_gather %add3A_705[%gather3A_714] in [0] : vector<16xf32>, vector<16xi32> -> vector<16xf32>
          %add3A_716 = arith.addf %add3A_705, %gather3A_715 : vector<16xf32>
          %select_n3A_717 = arith.select %eq3A_404, %add3A_716, %scan3A_353 : vector<16xi1>, vector<16xf32>
          %mul3A_718 = arith.constant 20 : i32
          %mul3A_719 = arith.muli %add3A_372, %mul3A_718 : i32
          %add3A_720 = arith.constant 4 : i32
          %add3A_721 = arith.addi %mul3A_719, %add3A_720 : i32
          %get3A_722 = arith.index_cast %add3A_721 : i32 to index
          %get3A_723 = arith.constant 0 : index
          %get3A_724 = tpu.vector_load %arg17[%get3A_722, %get3A_723] {strides = array<i32>} : memref<640x64xf32, #tpu.memory_space<vmem>>, vector<16xf32>,
          %mul3A_725 = arith.mulf %get3A_724, %get3A_374 : vector<16xf32>
          %get3A_726 = arith.index_cast %add3A_721 : i32 to index
          %get3A_727 = arith.constant 16 : index
          %get3A_728 = tpu.vector_load %arg17[%get3A_726, %get3A_727] {strides = array<i32>} : memref<640x64xf32, #tpu.memory_space<vmem>>, vector<16xf32>,
          %mul3A_729 = arith.mulf %get3A_728, %get3A_377 : vector<16xf32>
          %add3A_730 = arith.addf %mul3A_725, %mul3A_729 : vector<16xf32>
          %get3A_731 = arith.index_cast %add3A_721 : i32 to index
          %get3A_732 = arith.constant 32 : index
          %get3A_733 = tpu.vector_load %arg17[%get3A_731, %get3A_732] {strides = array<i32>} : memref<640x64xf32, #tpu.memory_space<vmem>>, vector<16xf32>,
          %mul3A_734 = arith.mulf %get3A_733, %get3A_380 : vector<16xf32>
          %add3A_735 = arith.addf %add3A_730, %mul3A_734 : vector<16xf32>
          %get3A_736 = arith.index_cast %add3A_721 : i32 to index
          %get3A_737 = arith.constant 48 : index
          %get3A_738 = tpu.vector_load %arg17[%get3A_736, %get3A_737] {strides = array<i32>} : memref<640x64xf32, #tpu.memory_space<vmem>>, vector<16xf32>,
          %mul3A_739 = arith.mulf %get3A_738, %get3A_383 : vector<16xf32>
          %add3A_740 = arith.addf %add3A_735, %mul3A_739 : vector<16xf32>
          %lt3A_741 = arith.constant 0 : i32
          %lt3A_742 = vector.broadcast %lt3A_741 : i32 to vector<16xi32>
          %lt3A_743 = arith.cmpi slt, %xor3A_4, %lt3A_742 : vector<16xi32>
          %add3A_744 = arith.constant 16 : i32
          %add3A_745 = vector.broadcast %add3A_744 : i32 to vector<16xi32>
          %add3A_746 = arith.addi %xor3A_4, %add3A_745 : vector<16xi32>
          %select_n3A_747 = arith.select %lt3A_743, %add3A_746, %xor3A_4 : vector<16xi1>, vector<16xi32>
          %reshape3A_748 = vector.shape_cast %select_n3A_747 : vector<16xi32> to vector<16x1xi32>
          %gather3A_749 = vector.shape_cast %reshape3A_748 : vector<16x1xi32> to vector<16xi32>
          %gather3A_750 = tpu.dynamic_gather %add3A_740[%gather3A_749] in [0] : vector<16xf32>, vector<16xi32> -> vector<16xf32>
          %add3A_751 = arith.addf %add3A_740, %gather3A_750 : vector<16xf32>
          %lt3A_752 = arith.constant 0 : i32
          %lt3A_753 = vector.broadcast %lt3A_752 : i32 to vector<16xi32>
          %lt3A_754 = arith.cmpi slt, %xor3A_7, %lt3A_753 : vector<16xi32>
          %add3A_755 = arith.constant 16 : i32
          %add3A_756 = vector.broadcast %add3A_755 : i32 to vector<16xi32>
          %add3A_757 = arith.addi %xor3A_7, %add3A_756 : vector<16xi32>
          %select_n3A_758 = arith.select %lt3A_754, %add3A_757, %xor3A_7 : vector<16xi1>, vector<16xi32>
          %reshape3A_759 = vector.shape_cast %select_n3A_758 : vector<16xi32> to vector<16x1xi32>
          %gather3A_760 = vector.shape_cast %reshape3A_759 : vector<16x1xi32> to vector<16xi32>
          %gather3A_761 = tpu.dynamic_gather %add3A_751[%gather3A_760] in [0] : vector<16xf32>, vector<16xi32> -> vector<16xf32>
          %add3A_762 = arith.addf %add3A_751, %gather3A_761 : vector<16xf32>
          %lt3A_763 = arith.constant 0 : i32
          %lt3A_764 = vector.broadcast %lt3A_763 : i32 to vector<16xi32>
          %lt3A_765 = arith.cmpi slt, %xor3A_10, %lt3A_764 : vector<16xi32>
          %add3A_766 = arith.constant 16 : i32
          %add3A_767 = vector.broadcast %add3A_766 : i32 to vector<16xi32>
          %add3A_768 = arith.addi %xor3A_10, %add3A_767 : vector<16xi32>
          %select_n3A_769 = arith.select %lt3A_765, %add3A_768, %xor3A_10 : vector<16xi1>, vector<16xi32>
          %reshape3A_770 = vector.shape_cast %select_n3A_769 : vector<16xi32> to vector<16x1xi32>
          %gather3A_771 = vector.shape_cast %reshape3A_770 : vector<16x1xi32> to vector<16xi32>
          %gather3A_772 = tpu.dynamic_gather %add3A_762[%gather3A_771] in [0] : vector<16xf32>, vector<16xi32> -> vector<16xf32>
          %add3A_773 = arith.addf %add3A_762, %gather3A_772 : vector<16xf32>
          %lt3A_774 = arith.constant 0 : i32
          %lt3A_775 = vector.broadcast %lt3A_774 : i32 to vector<16xi32>
          %lt3A_776 = arith.cmpi slt, %xor3A_13, %lt3A_775 : vector<16xi32>
          %add3A_777 = arith.constant 16 : i32
          %add3A_778 = vector.broadcast %add3A_777 : i32 to vector<16xi32>
          %add3A_779 = arith.addi %xor3A_13, %add3A_778 : vector<16xi32>
          %select_n3A_780 = arith.select %lt3A_776, %add3A_779, %xor3A_13 : vector<16xi1>, vector<16xi32>
          %reshape3A_781 = vector.shape_cast %select_n3A_780 : vector<16xi32> to vector<16x1xi32>
          %gather3A_782 = vector.shape_cast %reshape3A_781 : vector<16x1xi32> to vector<16xi32>
          %gather3A_783 = tpu.dynamic_gather %add3A_773[%gather3A_782] in [0] : vector<16xf32>, vector<16xi32> -> vector<16xf32>
          %add3A_784 = arith.addf %add3A_773, %gather3A_783 : vector<16xf32>
          %select_n3A_785 = arith.select %eq3A_404, %add3A_784, %scan3A_354 : vector<16xi1>, vector<16xf32>
          %mul3A_786 = arith.constant 20 : i32
          %mul3A_787 = arith.muli %add3A_372, %mul3A_786 : i32
          %add3A_788 = arith.constant 5 : i32
          %add3A_789 = arith.addi %mul3A_787, %add3A_788 : i32
          %get3A_790 = arith.index_cast %add3A_789 : i32 to index
          %get3A_791 = arith.constant 0 : index
          %get3A_792 = tpu.vector_load %arg17[%get3A_790, %get3A_791] {strides = array<i32>} : memref<640x64xf32, #tpu.memory_space<vmem>>, vector<16xf32>,
          %mul3A_793 = arith.mulf %get3A_792, %get3A_374 : vector<16xf32>
          %get3A_794 = arith.index_cast %add3A_789 : i32 to index
          %get3A_795 = arith.constant 16 : index
          %get3A_796 = tpu.vector_load %arg17[%get3A_794, %get3A_795] {strides = array<i32>} : memref<640x64xf32, #tpu.memory_space<vmem>>, vector<16xf32>,
          %mul3A_797 = arith.mulf %get3A_796, %get3A_377 : vector<16xf32>
          %add3A_798 = arith.addf %mul3A_793, %mul3A_797 : vector<16xf32>
          %get3A_799 = arith.index_cast %add3A_789 : i32 to index
          %get3A_800 = arith.constant 32 : index
          %get3A_801 = tpu.vector_load %arg17[%get3A_799, %get3A_800] {strides = array<i32>} : memref<640x64xf32, #tpu.memory_space<vmem>>, vector<16xf32>,
          %mul3A_802 = arith.mulf %get3A_801, %get3A_380 : vector<16xf32>
          %add3A_803 = arith.addf %add3A_798, %mul3A_802 : vector<16xf32>
          %get3A_804 = arith.index_cast %add3A_789 : i32 to index
          %get3A_805 = arith.constant 48 : index
          %get3A_806 = tpu.vector_load %arg17[%get3A_804, %get3A_805] {strides = array<i32>} : memref<640x64xf32, #tpu.memory_space<vmem>>, vector<16xf32>,
          %mul3A_807 = arith.mulf %get3A_806, %get3A_383 : vector<16xf32>
          %add3A_808 = arith.addf %add3A_803, %mul3A_807 : vector<16xf32>
          %lt3A_809 = arith.constant 0 : i32
          %lt3A_810 = vector.broadcast %lt3A_809 : i32 to vector<16xi32>
          %lt3A_811 = arith.cmpi slt, %xor3A_4, %lt3A_810 : vector<16xi32>
          %add3A_812 = arith.constant 16 : i32
          %add3A_813 = vector.broadcast %add3A_812 : i32 to vector<16xi32>
          %add3A_814 = arith.addi %xor3A_4, %add3A_813 : vector<16xi32>
          %select_n3A_815 = arith.select %lt3A_811, %add3A_814, %xor3A_4 : vector<16xi1>, vector<16xi32>
          %reshape3A_816 = vector.shape_cast %select_n3A_815 : vector<16xi32> to vector<16x1xi32>
          %gather3A_817 = vector.shape_cast %reshape3A_816 : vector<16x1xi32> to vector<16xi32>
          %gather3A_818 = tpu.dynamic_gather %add3A_808[%gather3A_817] in [0] : vector<16xf32>, vector<16xi32> -> vector<16xf32>
          %add3A_819 = arith.addf %add3A_808, %gather3A_818 : vector<16xf32>
          %lt3A_820 = arith.constant 0 : i32
          %lt3A_821 = vector.broadcast %lt3A_820 : i32 to vector<16xi32>
          %lt3A_822 = arith.cmpi slt, %xor3A_7, %lt3A_821 : vector<16xi32>
          %add3A_823 = arith.constant 16 : i32
          %add3A_824 = vector.broadcast %add3A_823 : i32 to vector<16xi32>
          %add3A_825 = arith.addi %xor3A_7, %add3A_824 : vector<16xi32>
          %select_n3A_826 = arith.select %lt3A_822, %add3A_825, %xor3A_7 : vector<16xi1>, vector<16xi32>
          %reshape3A_827 = vector.shape_cast %select_n3A_826 : vector<16xi32> to vector<16x1xi32>
          %gather3A_828 = vector.shape_cast %reshape3A_827 : vector<16x1xi32> to vector<16xi32>
          %gather3A_829 = tpu.dynamic_gather %add3A_819[%gather3A_828] in [0] : vector<16xf32>, vector<16xi32> -> vector<16xf32>
          %add3A_830 = arith.addf %add3A_819, %gather3A_829 : vector<16xf32>
          %lt3A_831 = arith.constant 0 : i32
          %lt3A_832 = vector.broadcast %lt3A_831 : i32 to vector<16xi32>
          %lt3A_833 = arith.cmpi slt, %xor3A_10, %lt3A_832 : vector<16xi32>
          %add3A_834 = arith.constant 16 : i32
          %add3A_835 = vector.broadcast %add3A_834 : i32 to vector<16xi32>
          %add3A_836 = arith.addi %xor3A_10, %add3A_835 : vector<16xi32>
          %select_n3A_837 = arith.select %lt3A_833, %add3A_836, %xor3A_10 : vector<16xi1>, vector<16xi32>
          %reshape3A_838 = vector.shape_cast %select_n3A_837 : vector<16xi32> to vector<16x1xi32>
          %gather3A_839 = vector.shape_cast %reshape3A_838 : vector<16x1xi32> to vector<16xi32>
          %gather3A_840 = tpu.dynamic_gather %add3A_830[%gather3A_839] in [0] : vector<16xf32>, vector<16xi32> -> vector<16xf32>
          %add3A_841 = arith.addf %add3A_830, %gather3A_840 : vector<16xf32>
          %lt3A_842 = arith.constant 0 : i32
          %lt3A_843 = vector.broadcast %lt3A_842 : i32 to vector<16xi32>
          %lt3A_844 = arith.cmpi slt, %xor3A_13, %lt3A_843 : vector<16xi32>
          %add3A_845 = arith.constant 16 : i32
          %add3A_846 = vector.broadcast %add3A_845 : i32 to vector<16xi32>
          %add3A_847 = arith.addi %xor3A_13, %add3A_846 : vector<16xi32>
          %select_n3A_848 = arith.select %lt3A_844, %add3A_847, %xor3A_13 : vector<16xi1>, vector<16xi32>
          %reshape3A_849 = vector.shape_cast %select_n3A_848 : vector<16xi32> to vector<16x1xi32>
          %gather3A_850 = vector.shape_cast %reshape3A_849 : vector<16x1xi32> to vector<16xi32>
          %gather3A_851 = tpu.dynamic_gather %add3A_841[%gather3A_850] in [0] : vector<16xf32>, vector<16xi32> -> vector<16xf32>
          %add3A_852 = arith.addf %add3A_841, %gather3A_851 : vector<16xf32>
          %select_n3A_853 = arith.select %eq3A_404, %add3A_852, %scan3A_355 : vector<16xi1>, vector<16xf32>
          %mul3A_854 = arith.constant 20 : i32
          %mul3A_855 = arith.muli %add3A_372, %mul3A_854 : i32
          %add3A_856 = arith.constant 6 : i32
          %add3A_857 = arith.addi %mul3A_855, %add3A_856 : i32
          %get3A_858 = arith.index_cast %add3A_857 : i32 to index
          %get3A_859 = arith.constant 0 : index
          %get3A_860 = tpu.vector_load %arg17[%get3A_858, %get3A_859] {strides = array<i32>} : memref<640x64xf32, #tpu.memory_space<vmem>>, vector<16xf32>,
          %mul3A_861 = arith.mulf %get3A_860, %get3A_374 : vector<16xf32>
          %get3A_862 = arith.index_cast %add3A_857 : i32 to index
          %get3A_863 = arith.constant 16 : index
          %get3A_864 = tpu.vector_load %arg17[%get3A_862, %get3A_863] {strides = array<i32>} : memref<640x64xf32, #tpu.memory_space<vmem>>, vector<16xf32>,
          %mul3A_865 = arith.mulf %get3A_864, %get3A_377 : vector<16xf32>
          %add3A_866 = arith.addf %mul3A_861, %mul3A_865 : vector<16xf32>
          %get3A_867 = arith.index_cast %add3A_857 : i32 to index
          %get3A_868 = arith.constant 32 : index
          %get3A_869 = tpu.vector_load %arg17[%get3A_867, %get3A_868] {strides = array<i32>} : memref<640x64xf32, #tpu.memory_space<vmem>>, vector<16xf32>,
          %mul3A_870 = arith.mulf %get3A_869, %get3A_380 : vector<16xf32>
          %add3A_871 = arith.addf %add3A_866, %mul3A_870 : vector<16xf32>
          %get3A_872 = arith.index_cast %add3A_857 : i32 to index
          %get3A_873 = arith.constant 48 : index
          %get3A_874 = tpu.vector_load %arg17[%get3A_872, %get3A_873] {strides = array<i32>} : memref<640x64xf32, #tpu.memory_space<vmem>>, vector<16xf32>,
          %mul3A_875 = arith.mulf %get3A_874, %get3A_383 : vector<16xf32>
          %add3A_876 = arith.addf %add3A_871, %mul3A_875 : vector<16xf32>
          %lt3A_877 = arith.constant 0 : i32
          %lt3A_878 = vector.broadcast %lt3A_877 : i32 to vector<16xi32>
          %lt3A_879 = arith.cmpi slt, %xor3A_4, %lt3A_878 : vector<16xi32>
          %add3A_880 = arith.constant 16 : i32
          %add3A_881 = vector.broadcast %add3A_880 : i32 to vector<16xi32>
          %add3A_882 = arith.addi %xor3A_4, %add3A_881 : vector<16xi32>
          %select_n3A_883 = arith.select %lt3A_879, %add3A_882, %xor3A_4 : vector<16xi1>, vector<16xi32>
          %reshape3A_884 = vector.shape_cast %select_n3A_883 : vector<16xi32> to vector<16x1xi32>
          %gather3A_885 = vector.shape_cast %reshape3A_884 : vector<16x1xi32> to vector<16xi32>
          %gather3A_886 = tpu.dynamic_gather %add3A_876[%gather3A_885] in [0] : vector<16xf32>, vector<16xi32> -> vector<16xf32>
          %add3A_887 = arith.addf %add3A_876, %gather3A_886 : vector<16xf32>
          %lt3A_888 = arith.constant 0 : i32
          %lt3A_889 = vector.broadcast %lt3A_888 : i32 to vector<16xi32>
          %lt3A_890 = arith.cmpi slt, %xor3A_7, %lt3A_889 : vector<16xi32>
          %add3A_891 = arith.constant 16 : i32
          %add3A_892 = vector.broadcast %add3A_891 : i32 to vector<16xi32>
          %add3A_893 = arith.addi %xor3A_7, %add3A_892 : vector<16xi32>
          %select_n3A_894 = arith.select %lt3A_890, %add3A_893, %xor3A_7 : vector<16xi1>, vector<16xi32>
          %reshape3A_895 = vector.shape_cast %select_n3A_894 : vector<16xi32> to vector<16x1xi32>
          %gather3A_896 = vector.shape_cast %reshape3A_895 : vector<16x1xi32> to vector<16xi32>
          %gather3A_897 = tpu.dynamic_gather %add3A_887[%gather3A_896] in [0] : vector<16xf32>, vector<16xi32> -> vector<16xf32>
          %add3A_898 = arith.addf %add3A_887, %gather3A_897 : vector<16xf32>
          %lt3A_899 = arith.constant 0 : i32
          %lt3A_900 = vector.broadcast %lt3A_899 : i32 to vector<16xi32>
          %lt3A_901 = arith.cmpi slt, %xor3A_10, %lt3A_900 : vector<16xi32>
          %add3A_902 = arith.constant 16 : i32
          %add3A_903 = vector.broadcast %add3A_902 : i32 to vector<16xi32>
          %add3A_904 = arith.addi %xor3A_10, %add3A_903 : vector<16xi32>
          %select_n3A_905 = arith.select %lt3A_901, %add3A_904, %xor3A_10 : vector<16xi1>, vector<16xi32>
          %reshape3A_906 = vector.shape_cast %select_n3A_905 : vector<16xi32> to vector<16x1xi32>
          %gather3A_907 = vector.shape_cast %reshape3A_906 : vector<16x1xi32> to vector<16xi32>
          %gather3A_908 = tpu.dynamic_gather %add3A_898[%gather3A_907] in [0] : vector<16xf32>, vector<16xi32> -> vector<16xf32>
          %add3A_909 = arith.addf %add3A_898, %gather3A_908 : vector<16xf32>
          %lt3A_910 = arith.constant 0 : i32
          %lt3A_911 = vector.broadcast %lt3A_910 : i32 to vector<16xi32>
          %lt3A_912 = arith.cmpi slt, %xor3A_13, %lt3A_911 : vector<16xi32>
          %add3A_913 = arith.constant 16 : i32
          %add3A_914 = vector.broadcast %add3A_913 : i32 to vector<16xi32>
          %add3A_915 = arith.addi %xor3A_13, %add3A_914 : vector<16xi32>
          %select_n3A_916 = arith.select %lt3A_912, %add3A_915, %xor3A_13 : vector<16xi1>, vector<16xi32>
          %reshape3A_917 = vector.shape_cast %select_n3A_916 : vector<16xi32> to vector<16x1xi32>
          %gather3A_918 = vector.shape_cast %reshape3A_917 : vector<16x1xi32> to vector<16xi32>
          %gather3A_919 = tpu.dynamic_gather %add3A_909[%gather3A_918] in [0] : vector<16xf32>, vector<16xi32> -> vector<16xf32>
          %add3A_920 = arith.addf %add3A_909, %gather3A_919 : vector<16xf32>
          %select_n3A_921 = arith.select %eq3A_404, %add3A_920, %scan3A_356 : vector<16xi1>, vector<16xf32>
          %mul3A_922 = arith.constant 20 : i32
          %mul3A_923 = arith.muli %add3A_372, %mul3A_922 : i32
          %add3A_924 = arith.constant 7 : i32
          %add3A_925 = arith.addi %mul3A_923, %add3A_924 : i32
          %get3A_926 = arith.index_cast %add3A_925 : i32 to index
          %get3A_927 = arith.constant 0 : index
          %get3A_928 = tpu.vector_load %arg17[%get3A_926, %get3A_927] {strides = array<i32>} : memref<640x64xf32, #tpu.memory_space<vmem>>, vector<16xf32>,
          %mul3A_929 = arith.mulf %get3A_928, %get3A_374 : vector<16xf32>
          %get3A_930 = arith.index_cast %add3A_925 : i32 to index
          %get3A_931 = arith.constant 16 : index
          %get3A_932 = tpu.vector_load %arg17[%get3A_930, %get3A_931] {strides = array<i32>} : memref<640x64xf32, #tpu.memory_space<vmem>>, vector<16xf32>,
          %mul3A_933 = arith.mulf %get3A_932, %get3A_377 : vector<16xf32>
          %add3A_934 = arith.addf %mul3A_929, %mul3A_933 : vector<16xf32>
          %get3A_935 = arith.index_cast %add3A_925 : i32 to index
          %get3A_936 = arith.constant 32 : index
          %get3A_937 = tpu.vector_load %arg17[%get3A_935, %get3A_936] {strides = array<i32>} : memref<640x64xf32, #tpu.memory_space<vmem>>, vector<16xf32>,
          %mul3A_938 = arith.mulf %get3A_937, %get3A_380 : vector<16xf32>
          %add3A_939 = arith.addf %add3A_934, %mul3A_938 : vector<16xf32>
          %get3A_940 = arith.index_cast %add3A_925 : i32 to index
          %get3A_941 = arith.constant 48 : index
          %get3A_942 = tpu.vector_load %arg17[%get3A_940, %get3A_941] {strides = array<i32>} : memref<640x64xf32, #tpu.memory_space<vmem>>, vector<16xf32>,
          %mul3A_943 = arith.mulf %get3A_942, %get3A_383 : vector<16xf32>
          %add3A_944 = arith.addf %add3A_939, %mul3A_943 : vector<16xf32>
          %lt3A_945 = arith.constant 0 : i32
          %lt3A_946 = vector.broadcast %lt3A_945 : i32 to vector<16xi32>
          %lt3A_947 = arith.cmpi slt, %xor3A_4, %lt3A_946 : vector<16xi32>
          %add3A_948 = arith.constant 16 : i32
          %add3A_949 = vector.broadcast %add3A_948 : i32 to vector<16xi32>
          %add3A_950 = arith.addi %xor3A_4, %add3A_949 : vector<16xi32>
          %select_n3A_951 = arith.select %lt3A_947, %add3A_950, %xor3A_4 : vector<16xi1>, vector<16xi32>
          %reshape3A_952 = vector.shape_cast %select_n3A_951 : vector<16xi32> to vector<16x1xi32>
          %gather3A_953 = vector.shape_cast %reshape3A_952 : vector<16x1xi32> to vector<16xi32>
          %gather3A_954 = tpu.dynamic_gather %add3A_944[%gather3A_953] in [0] : vector<16xf32>, vector<16xi32> -> vector<16xf32>
          %add3A_955 = arith.addf %add3A_944, %gather3A_954 : vector<16xf32>
          %lt3A_956 = arith.constant 0 : i32
          %lt3A_957 = vector.broadcast %lt3A_956 : i32 to vector<16xi32>
          %lt3A_958 = arith.cmpi slt, %xor3A_7, %lt3A_957 : vector<16xi32>
          %add3A_959 = arith.constant 16 : i32
          %add3A_960 = vector.broadcast %add3A_959 : i32 to vector<16xi32>
          %add3A_961 = arith.addi %xor3A_7, %add3A_960 : vector<16xi32>
          %select_n3A_962 = arith.select %lt3A_958, %add3A_961, %xor3A_7 : vector<16xi1>, vector<16xi32>
          %reshape3A_963 = vector.shape_cast %select_n3A_962 : vector<16xi32> to vector<16x1xi32>
          %gather3A_964 = vector.shape_cast %reshape3A_963 : vector<16x1xi32> to vector<16xi32>
          %gather3A_965 = tpu.dynamic_gather %add3A_955[%gather3A_964] in [0] : vector<16xf32>, vector<16xi32> -> vector<16xf32>
          %add3A_966 = arith.addf %add3A_955, %gather3A_965 : vector<16xf32>
          %lt3A_967 = arith.constant 0 : i32
          %lt3A_968 = vector.broadcast %lt3A_967 : i32 to vector<16xi32>
          %lt3A_969 = arith.cmpi slt, %xor3A_10, %lt3A_968 : vector<16xi32>
          %add3A_970 = arith.constant 16 : i32
          %add3A_971 = vector.broadcast %add3A_970 : i32 to vector<16xi32>
          %add3A_972 = arith.addi %xor3A_10, %add3A_971 : vector<16xi32>
          %select_n3A_973 = arith.select %lt3A_969, %add3A_972, %xor3A_10 : vector<16xi1>, vector<16xi32>
          %reshape3A_974 = vector.shape_cast %select_n3A_973 : vector<16xi32> to vector<16x1xi32>
          %gather3A_975 = vector.shape_cast %reshape3A_974 : vector<16x1xi32> to vector<16xi32>
          %gather3A_976 = tpu.dynamic_gather %add3A_966[%gather3A_975] in [0] : vector<16xf32>, vector<16xi32> -> vector<16xf32>
          %add3A_977 = arith.addf %add3A_966, %gather3A_976 : vector<16xf32>
          %lt3A_978 = arith.constant 0 : i32
          %lt3A_979 = vector.broadcast %lt3A_978 : i32 to vector<16xi32>
          %lt3A_980 = arith.cmpi slt, %xor3A_13, %lt3A_979 : vector<16xi32>
          %add3A_981 = arith.constant 16 : i32
          %add3A_982 = vector.broadcast %add3A_981 : i32 to vector<16xi32>
          %add3A_983 = arith.addi %xor3A_13, %add3A_982 : vector<16xi32>
          %select_n3A_984 = arith.select %lt3A_980, %add3A_983, %xor3A_13 : vector<16xi1>, vector<16xi32>
          %reshape3A_985 = vector.shape_cast %select_n3A_984 : vector<16xi32> to vector<16x1xi32>
          %gather3A_986 = vector.shape_cast %reshape3A_985 : vector<16x1xi32> to vector<16xi32>
          %gather3A_987 = tpu.dynamic_gather %add3A_977[%gather3A_986] in [0] : vector<16xf32>, vector<16xi32> -> vector<16xf32>
          %add3A_988 = arith.addf %add3A_977, %gather3A_987 : vector<16xf32>
          %select_n3A_989 = arith.select %eq3A_404, %add3A_988, %scan3A_357 : vector<16xi1>, vector<16xf32>
          %mul3A_990 = arith.constant 20 : i32
          %mul3A_991 = arith.muli %add3A_372, %mul3A_990 : i32
          %add3A_992 = arith.constant 8 : i32
          %add3A_993 = arith.addi %mul3A_991, %add3A_992 : i32
          %get3A_994 = arith.index_cast %add3A_993 : i32 to index
          %get3A_995 = arith.constant 0 : index
          %get3A_996 = tpu.vector_load %arg17[%get3A_994, %get3A_995] {strides = array<i32>} : memref<640x64xf32, #tpu.memory_space<vmem>>, vector<16xf32>,
          %mul3A_997 = arith.mulf %get3A_996, %get3A_374 : vector<16xf32>
          %get3A_998 = arith.index_cast %add3A_993 : i32 to index
          %get3A_999 = arith.constant 16 : index
          %get3A_1000 = tpu.vector_load %arg17[%get3A_998, %get3A_999] {strides = array<i32>} : memref<640x64xf32, #tpu.memory_space<vmem>>, vector<16xf32>,
          %mul3A_1001 = arith.mulf %get3A_1000, %get3A_377 : vector<16xf32>
          %add3A_1002 = arith.addf %mul3A_997, %mul3A_1001 : vector<16xf32>
          %get3A_1003 = arith.index_cast %add3A_993 : i32 to index
          %get3A_1004 = arith.constant 32 : index
          %get3A_1005 = tpu.vector_load %arg17[%get3A_1003, %get3A_1004] {strides = array<i32>} : memref<640x64xf32, #tpu.memory_space<vmem>>, vector<16xf32>,
          %mul3A_1006 = arith.mulf %get3A_1005, %get3A_380 : vector<16xf32>
          %add3A_1007 = arith.addf %add3A_1002, %mul3A_1006 : vector<16xf32>
          %get3A_1008 = arith.index_cast %add3A_993 : i32 to index
          %get3A_1009 = arith.constant 48 : index
          %get3A_1010 = tpu.vector_load %arg17[%get3A_1008, %get3A_1009] {strides = array<i32>} : memref<640x64xf32, #tpu.memory_space<vmem>>, vector<16xf32>,
          %mul3A_1011 = arith.mulf %get3A_1010, %get3A_383 : vector<16xf32>
          %add3A_1012 = arith.addf %add3A_1007, %mul3A_1011 : vector<16xf32>
          %lt3A_1013 = arith.constant 0 : i32
          %lt3A_1014 = vector.broadcast %lt3A_1013 : i32 to vector<16xi32>
          %lt3A_1015 = arith.cmpi slt, %xor3A_4, %lt3A_1014 : vector<16xi32>
          %add3A_1016 = arith.constant 16 : i32
          %add3A_1017 = vector.broadcast %add3A_1016 : i32 to vector<16xi32>
          %add3A_1018 = arith.addi %xor3A_4, %add3A_1017 : vector<16xi32>
          %select_n3A_1019 = arith.select %lt3A_1015, %add3A_1018, %xor3A_4 : vector<16xi1>, vector<16xi32>
          %reshape3A_1020 = vector.shape_cast %select_n3A_1019 : vector<16xi32> to vector<16x1xi32>
          %gather3A_1021 = vector.shape_cast %reshape3A_1020 : vector<16x1xi32> to vector<16xi32>
          %gather3A_1022 = tpu.dynamic_gather %add3A_1012[%gather3A_1021] in [0] : vector<16xf32>, vector<16xi32> -> vector<16xf32>
          %add3A_1023 = arith.addf %add3A_1012, %gather3A_1022 : vector<16xf32>
          %lt3A_1024 = arith.constant 0 : i32
          %lt3A_1025 = vector.broadcast %lt3A_1024 : i32 to vector<16xi32>
          %lt3A_1026 = arith.cmpi slt, %xor3A_7, %lt3A_1025 : vector<16xi32>
          %add3A_1027 = arith.constant 16 : i32
          %add3A_1028 = vector.broadcast %add3A_1027 : i32 to vector<16xi32>
          %add3A_1029 = arith.addi %xor3A_7, %add3A_1028 : vector<16xi32>
          %select_n3A_1030 = arith.select %lt3A_1026, %add3A_1029, %xor3A_7 : vector<16xi1>, vector<16xi32>
          %reshape3A_1031 = vector.shape_cast %select_n3A_1030 : vector<16xi32> to vector<16x1xi32>
          %gather3A_1032 = vector.shape_cast %reshape3A_1031 : vector<16x1xi32> to vector<16xi32>
          %gather3A_1033 = tpu.dynamic_gather %add3A_1023[%gather3A_1032] in [0] : vector<16xf32>, vector<16xi32> -> vector<16xf32>
          %add3A_1034 = arith.addf %add3A_1023, %gather3A_1033 : vector<16xf32>
          %lt3A_1035 = arith.constant 0 : i32
          %lt3A_1036 = vector.broadcast %lt3A_1035 : i32 to vector<16xi32>
          %lt3A_1037 = arith.cmpi slt, %xor3A_10, %lt3A_1036 : vector<16xi32>
          %add3A_1038 = arith.constant 16 : i32
          %add3A_1039 = vector.broadcast %add3A_1038 : i32 to vector<16xi32>
          %add3A_1040 = arith.addi %xor3A_10, %add3A_1039 : vector<16xi32>
          %select_n3A_1041 = arith.select %lt3A_1037, %add3A_1040, %xor3A_10 : vector<16xi1>, vector<16xi32>
          %reshape3A_1042 = vector.shape_cast %select_n3A_1041 : vector<16xi32> to vector<16x1xi32>
          %gather3A_1043 = vector.shape_cast %reshape3A_1042 : vector<16x1xi32> to vector<16xi32>
          %gather3A_1044 = tpu.dynamic_gather %add3A_1034[%gather3A_1043] in [0] : vector<16xf32>, vector<16xi32> -> vector<16xf32>
          %add3A_1045 = arith.addf %add3A_1034, %gather3A_1044 : vector<16xf32>
          %lt3A_1046 = arith.constant 0 : i32
          %lt3A_1047 = vector.broadcast %lt3A_1046 : i32 to vector<16xi32>
          %lt3A_1048 = arith.cmpi slt, %xor3A_13, %lt3A_1047 : vector<16xi32>
          %add3A_1049 = arith.constant 16 : i32
          %add3A_1050 = vector.broadcast %add3A_1049 : i32 to vector<16xi32>
          %add3A_1051 = arith.addi %xor3A_13, %add3A_1050 : vector<16xi32>
          %select_n3A_1052 = arith.select %lt3A_1048, %add3A_1051, %xor3A_13 : vector<16xi1>, vector<16xi32>
          %reshape3A_1053 = vector.shape_cast %select_n3A_1052 : vector<16xi32> to vector<16x1xi32>
          %gather3A_1054 = vector.shape_cast %reshape3A_1053 : vector<16x1xi32> to vector<16xi32>
          %gather3A_1055 = tpu.dynamic_gather %add3A_1045[%gather3A_1054] in [0] : vector<16xf32>, vector<16xi32> -> vector<16xf32>
          %add3A_1056 = arith.addf %add3A_1045, %gather3A_1055 : vector<16xf32>
          %select_n3A_1057 = arith.select %eq3A_404, %add3A_1056, %scan3A_358 : vector<16xi1>, vector<16xf32>
          %mul3A_1058 = arith.constant 20 : i32
          %mul3A_1059 = arith.muli %add3A_372, %mul3A_1058 : i32
          %add3A_1060 = arith.constant 9 : i32
          %add3A_1061 = arith.addi %mul3A_1059, %add3A_1060 : i32
          %get3A_1062 = arith.index_cast %add3A_1061 : i32 to index
          %get3A_1063 = arith.constant 0 : index
          %get3A_1064 = tpu.vector_load %arg17[%get3A_1062, %get3A_1063] {strides = array<i32>} : memref<640x64xf32, #tpu.memory_space<vmem>>, vector<16xf32>,
          %mul3A_1065 = arith.mulf %get3A_1064, %get3A_374 : vector<16xf32>
          %get3A_1066 = arith.index_cast %add3A_1061 : i32 to index
          %get3A_1067 = arith.constant 16 : index
          %get3A_1068 = tpu.vector_load %arg17[%get3A_1066, %get3A_1067] {strides = array<i32>} : memref<640x64xf32, #tpu.memory_space<vmem>>, vector<16xf32>,
          %mul3A_1069 = arith.mulf %get3A_1068, %get3A_377 : vector<16xf32>
          %add3A_1070 = arith.addf %mul3A_1065, %mul3A_1069 : vector<16xf32>
          %get3A_1071 = arith.index_cast %add3A_1061 : i32 to index
          %get3A_1072 = arith.constant 32 : index
          %get3A_1073 = tpu.vector_load %arg17[%get3A_1071, %get3A_1072] {strides = array<i32>} : memref<640x64xf32, #tpu.memory_space<vmem>>, vector<16xf32>,
          %mul3A_1074 = arith.mulf %get3A_1073, %get3A_380 : vector<16xf32>
          %add3A_1075 = arith.addf %add3A_1070, %mul3A_1074 : vector<16xf32>
          %get3A_1076 = arith.index_cast %add3A_1061 : i32 to index
          %get3A_1077 = arith.constant 48 : index
          %get3A_1078 = tpu.vector_load %arg17[%get3A_1076, %get3A_1077] {strides = array<i32>} : memref<640x64xf32, #tpu.memory_space<vmem>>, vector<16xf32>,
          %mul3A_1079 = arith.mulf %get3A_1078, %get3A_383 : vector<16xf32>
          %add3A_1080 = arith.addf %add3A_1075, %mul3A_1079 : vector<16xf32>
          %lt3A_1081 = arith.constant 0 : i32
          %lt3A_1082 = vector.broadcast %lt3A_1081 : i32 to vector<16xi32>
          %lt3A_1083 = arith.cmpi slt, %xor3A_4, %lt3A_1082 : vector<16xi32>
          %add3A_1084 = arith.constant 16 : i32
          %add3A_1085 = vector.broadcast %add3A_1084 : i32 to vector<16xi32>
          %add3A_1086 = arith.addi %xor3A_4, %add3A_1085 : vector<16xi32>
          %select_n3A_1087 = arith.select %lt3A_1083, %add3A_1086, %xor3A_4 : vector<16xi1>, vector<16xi32>
          %reshape3A_1088 = vector.shape_cast %select_n3A_1087 : vector<16xi32> to vector<16x1xi32>
          %gather3A_1089 = vector.shape_cast %reshape3A_1088 : vector<16x1xi32> to vector<16xi32>
          %gather3A_1090 = tpu.dynamic_gather %add3A_1080[%gather3A_1089] in [0] : vector<16xf32>, vector<16xi32> -> vector<16xf32>
          %add3A_1091 = arith.addf %add3A_1080, %gather3A_1090 : vector<16xf32>
          %lt3A_1092 = arith.constant 0 : i32
          %lt3A_1093 = vector.broadcast %lt3A_1092 : i32 to vector<16xi32>
          %lt3A_1094 = arith.cmpi slt, %xor3A_7, %lt3A_1093 : vector<16xi32>
          %add3A_1095 = arith.constant 16 : i32
          %add3A_1096 = vector.broadcast %add3A_1095 : i32 to vector<16xi32>
          %add3A_1097 = arith.addi %xor3A_7, %add3A_1096 : vector<16xi32>
          %select_n3A_1098 = arith.select %lt3A_1094, %add3A_1097, %xor3A_7 : vector<16xi1>, vector<16xi32>
          %reshape3A_1099 = vector.shape_cast %select_n3A_1098 : vector<16xi32> to vector<16x1xi32>
          %gather3A_1100 = vector.shape_cast %reshape3A_1099 : vector<16x1xi32> to vector<16xi32>
          %gather3A_1101 = tpu.dynamic_gather %add3A_1091[%gather3A_1100] in [0] : vector<16xf32>, vector<16xi32> -> vector<16xf32>
          %add3A_1102 = arith.addf %add3A_1091, %gather3A_1101 : vector<16xf32>
          %lt3A_1103 = arith.constant 0 : i32
          %lt3A_1104 = vector.broadcast %lt3A_1103 : i32 to vector<16xi32>
          %lt3A_1105 = arith.cmpi slt, %xor3A_10, %lt3A_1104 : vector<16xi32>
          %add3A_1106 = arith.constant 16 : i32
          %add3A_1107 = vector.broadcast %add3A_1106 : i32 to vector<16xi32>
          %add3A_1108 = arith.addi %xor3A_10, %add3A_1107 : vector<16xi32>
          %select_n3A_1109 = arith.select %lt3A_1105, %add3A_1108, %xor3A_10 : vector<16xi1>, vector<16xi32>
          %reshape3A_1110 = vector.shape_cast %select_n3A_1109 : vector<16xi32> to vector<16x1xi32>
          %gather3A_1111 = vector.shape_cast %reshape3A_1110 : vector<16x1xi32> to vector<16xi32>
          %gather3A_1112 = tpu.dynamic_gather %add3A_1102[%gather3A_1111] in [0] : vector<16xf32>, vector<16xi32> -> vector<16xf32>
          %add3A_1113 = arith.addf %add3A_1102, %gather3A_1112 : vector<16xf32>
          %lt3A_1114 = arith.constant 0 : i32
          %lt3A_1115 = vector.broadcast %lt3A_1114 : i32 to vector<16xi32>
          %lt3A_1116 = arith.cmpi slt, %xor3A_13, %lt3A_1115 : vector<16xi32>
          %add3A_1117 = arith.constant 16 : i32
          %add3A_1118 = vector.broadcast %add3A_1117 : i32 to vector<16xi32>
          %add3A_1119 = arith.addi %xor3A_13, %add3A_1118 : vector<16xi32>
          %select_n3A_1120 = arith.select %lt3A_1116, %add3A_1119, %xor3A_13 : vector<16xi1>, vector<16xi32>
          %reshape3A_1121 = vector.shape_cast %select_n3A_1120 : vector<16xi32> to vector<16x1xi32>
          %gather3A_1122 = vector.shape_cast %reshape3A_1121 : vector<16x1xi32> to vector<16xi32>
          %gather3A_1123 = tpu.dynamic_gather %add3A_1113[%gather3A_1122] in [0] : vector<16xf32>, vector<16xi32> -> vector<16xf32>
          %add3A_1124 = arith.addf %add3A_1113, %gather3A_1123 : vector<16xf32>
          %select_n3A_1125 = arith.select %eq3A_404, %add3A_1124, %scan3A_359 : vector<16xi1>, vector<16xf32>
          %mul3A_1126 = arith.constant 20 : i32
          %mul3A_1127 = arith.muli %add3A_372, %mul3A_1126 : i32
          %add3A_1128 = arith.constant 10 : i32
          %add3A_1129 = arith.addi %mul3A_1127, %add3A_1128 : i32
          %get3A_1130 = arith.index_cast %add3A_1129 : i32 to index
          %get3A_1131 = arith.constant 0 : index
          %get3A_1132 = tpu.vector_load %arg17[%get3A_1130, %get3A_1131] {strides = array<i32>} : memref<640x64xf32, #tpu.memory_space<vmem>>, vector<16xf32>,
          %mul3A_1133 = arith.mulf %get3A_1132, %get3A_374 : vector<16xf32>
          %get3A_1134 = arith.index_cast %add3A_1129 : i32 to index
          %get3A_1135 = arith.constant 16 : index
          %get3A_1136 = tpu.vector_load %arg17[%get3A_1134, %get3A_1135] {strides = array<i32>} : memref<640x64xf32, #tpu.memory_space<vmem>>, vector<16xf32>,
          %mul3A_1137 = arith.mulf %get3A_1136, %get3A_377 : vector<16xf32>
          %add3A_1138 = arith.addf %mul3A_1133, %mul3A_1137 : vector<16xf32>
          %get3A_1139 = arith.index_cast %add3A_1129 : i32 to index
          %get3A_1140 = arith.constant 32 : index
          %get3A_1141 = tpu.vector_load %arg17[%get3A_1139, %get3A_1140] {strides = array<i32>} : memref<640x64xf32, #tpu.memory_space<vmem>>, vector<16xf32>,
          %mul3A_1142 = arith.mulf %get3A_1141, %get3A_380 : vector<16xf32>
          %add3A_1143 = arith.addf %add3A_1138, %mul3A_1142 : vector<16xf32>
          %get3A_1144 = arith.index_cast %add3A_1129 : i32 to index
          %get3A_1145 = arith.constant 48 : index
          %get3A_1146 = tpu.vector_load %arg17[%get3A_1144, %get3A_1145] {strides = array<i32>} : memref<640x64xf32, #tpu.memory_space<vmem>>, vector<16xf32>,
          %mul3A_1147 = arith.mulf %get3A_1146, %get3A_383 : vector<16xf32>
          %add3A_1148 = arith.addf %add3A_1143, %mul3A_1147 : vector<16xf32>
          %lt3A_1149 = arith.constant 0 : i32
          %lt3A_1150 = vector.broadcast %lt3A_1149 : i32 to vector<16xi32>
          %lt3A_1151 = arith.cmpi slt, %xor3A_4, %lt3A_1150 : vector<16xi32>
          %add3A_1152 = arith.constant 16 : i32
          %add3A_1153 = vector.broadcast %add3A_1152 : i32 to vector<16xi32>
          %add3A_1154 = arith.addi %xor3A_4, %add3A_1153 : vector<16xi32>
          %select_n3A_1155 = arith.select %lt3A_1151, %add3A_1154, %xor3A_4 : vector<16xi1>, vector<16xi32>
          %reshape3A_1156 = vector.shape_cast %select_n3A_1155 : vector<16xi32> to vector<16x1xi32>
          %gather3A_1157 = vector.shape_cast %reshape3A_1156 : vector<16x1xi32> to vector<16xi32>
          %gather3A_1158 = tpu.dynamic_gather %add3A_1148[%gather3A_1157] in [0] : vector<16xf32>, vector<16xi32> -> vector<16xf32>
          %add3A_1159 = arith.addf %add3A_1148, %gather3A_1158 : vector<16xf32>
          %lt3A_1160 = arith.constant 0 : i32
          %lt3A_1161 = vector.broadcast %lt3A_1160 : i32 to vector<16xi32>
          %lt3A_1162 = arith.cmpi slt, %xor3A_7, %lt3A_1161 : vector<16xi32>
          %add3A_1163 = arith.constant 16 : i32
          %add3A_1164 = vector.broadcast %add3A_1163 : i32 to vector<16xi32>
          %add3A_1165 = arith.addi %xor3A_7, %add3A_1164 : vector<16xi32>
          %select_n3A_1166 = arith.select %lt3A_1162, %add3A_1165, %xor3A_7 : vector<16xi1>, vector<16xi32>
          %reshape3A_1167 = vector.shape_cast %select_n3A_1166 : vector<16xi32> to vector<16x1xi32>
          %gather3A_1168 = vector.shape_cast %reshape3A_1167 : vector<16x1xi32> to vector<16xi32>
          %gather3A_1169 = tpu.dynamic_gather %add3A_1159[%gather3A_1168] in [0] : vector<16xf32>, vector<16xi32> -> vector<16xf32>
          %add3A_1170 = arith.addf %add3A_1159, %gather3A_1169 : vector<16xf32>
          %lt3A_1171 = arith.constant 0 : i32
          %lt3A_1172 = vector.broadcast %lt3A_1171 : i32 to vector<16xi32>
          %lt3A_1173 = arith.cmpi slt, %xor3A_10, %lt3A_1172 : vector<16xi32>
          %add3A_1174 = arith.constant 16 : i32
          %add3A_1175 = vector.broadcast %add3A_1174 : i32 to vector<16xi32>
          %add3A_1176 = arith.addi %xor3A_10, %add3A_1175 : vector<16xi32>
          %select_n3A_1177 = arith.select %lt3A_1173, %add3A_1176, %xor3A_10 : vector<16xi1>, vector<16xi32>
          %reshape3A_1178 = vector.shape_cast %select_n3A_1177 : vector<16xi32> to vector<16x1xi32>
          %gather3A_1179 = vector.shape_cast %reshape3A_1178 : vector<16x1xi32> to vector<16xi32>
          %gather3A_1180 = tpu.dynamic_gather %add3A_1170[%gather3A_1179] in [0] : vector<16xf32>, vector<16xi32> -> vector<16xf32>
          %add3A_1181 = arith.addf %add3A_1170, %gather3A_1180 : vector<16xf32>
          %lt3A_1182 = arith.constant 0 : i32
          %lt3A_1183 = vector.broadcast %lt3A_1182 : i32 to vector<16xi32>
          %lt3A_1184 = arith.cmpi slt, %xor3A_13, %lt3A_1183 : vector<16xi32>
          %add3A_1185 = arith.constant 16 : i32
          %add3A_1186 = vector.broadcast %add3A_1185 : i32 to vector<16xi32>
          %add3A_1187 = arith.addi %xor3A_13, %add3A_1186 : vector<16xi32>
          %select_n3A_1188 = arith.select %lt3A_1184, %add3A_1187, %xor3A_13 : vector<16xi1>, vector<16xi32>
          %reshape3A_1189 = vector.shape_cast %select_n3A_1188 : vector<16xi32> to vector<16x1xi32>
          %gather3A_1190 = vector.shape_cast %reshape3A_1189 : vector<16x1xi32> to vector<16xi32>
          %gather3A_1191 = tpu.dynamic_gather %add3A_1181[%gather3A_1190] in [0] : vector<16xf32>, vector<16xi32> -> vector<16xf32>
          %add3A_1192 = arith.addf %add3A_1181, %gather3A_1191 : vector<16xf32>
          %select_n3A_1193 = arith.select %eq3A_404, %add3A_1192, %scan3A_360 : vector<16xi1>, vector<16xf32>
          %mul3A_1194 = arith.constant 20 : i32
          %mul3A_1195 = arith.muli %add3A_372, %mul3A_1194 : i32
          %add3A_1196 = arith.constant 11 : i32
          %add3A_1197 = arith.addi %mul3A_1195, %add3A_1196 : i32
          %get3A_1198 = arith.index_cast %add3A_1197 : i32 to index
          %get3A_1199 = arith.constant 0 : index
          %get3A_1200 = tpu.vector_load %arg17[%get3A_1198, %get3A_1199] {strides = array<i32>} : memref<640x64xf32, #tpu.memory_space<vmem>>, vector<16xf32>,
          %mul3A_1201 = arith.mulf %get3A_1200, %get3A_374 : vector<16xf32>
          %get3A_1202 = arith.index_cast %add3A_1197 : i32 to index
          %get3A_1203 = arith.constant 16 : index
          %get3A_1204 = tpu.vector_load %arg17[%get3A_1202, %get3A_1203] {strides = array<i32>} : memref<640x64xf32, #tpu.memory_space<vmem>>, vector<16xf32>,
          %mul3A_1205 = arith.mulf %get3A_1204, %get3A_377 : vector<16xf32>
          %add3A_1206 = arith.addf %mul3A_1201, %mul3A_1205 : vector<16xf32>
          %get3A_1207 = arith.index_cast %add3A_1197 : i32 to index
          %get3A_1208 = arith.constant 32 : index
          %get3A_1209 = tpu.vector_load %arg17[%get3A_1207, %get3A_1208] {strides = array<i32>} : memref<640x64xf32, #tpu.memory_space<vmem>>, vector<16xf32>,
          %mul3A_1210 = arith.mulf %get3A_1209, %get3A_380 : vector<16xf32>
          %add3A_1211 = arith.addf %add3A_1206, %mul3A_1210 : vector<16xf32>
          %get3A_1212 = arith.index_cast %add3A_1197 : i32 to index
          %get3A_1213 = arith.constant 48 : index
          %get3A_1214 = tpu.vector_load %arg17[%get3A_1212, %get3A_1213] {strides = array<i32>} : memref<640x64xf32, #tpu.memory_space<vmem>>, vector<16xf32>,
          %mul3A_1215 = arith.mulf %get3A_1214, %get3A_383 : vector<16xf32>
          %add3A_1216 = arith.addf %add3A_1211, %mul3A_1215 : vector<16xf32>
          %lt3A_1217 = arith.constant 0 : i32
          %lt3A_1218 = vector.broadcast %lt3A_1217 : i32 to vector<16xi32>
          %lt3A_1219 = arith.cmpi slt, %xor3A_4, %lt3A_1218 : vector<16xi32>
          %add3A_1220 = arith.constant 16 : i32
          %add3A_1221 = vector.broadcast %add3A_1220 : i32 to vector<16xi32>
          %add3A_1222 = arith.addi %xor3A_4, %add3A_1221 : vector<16xi32>
          %select_n3A_1223 = arith.select %lt3A_1219, %add3A_1222, %xor3A_4 : vector<16xi1>, vector<16xi32>
          %reshape3A_1224 = vector.shape_cast %select_n3A_1223 : vector<16xi32> to vector<16x1xi32>
          %gather3A_1225 = vector.shape_cast %reshape3A_1224 : vector<16x1xi32> to vector<16xi32>
          %gather3A_1226 = tpu.dynamic_gather %add3A_1216[%gather3A_1225] in [0] : vector<16xf32>, vector<16xi32> -> vector<16xf32>
          %add3A_1227 = arith.addf %add3A_1216, %gather3A_1226 : vector<16xf32>
          %lt3A_1228 = arith.constant 0 : i32
          %lt3A_1229 = vector.broadcast %lt3A_1228 : i32 to vector<16xi32>
          %lt3A_1230 = arith.cmpi slt, %xor3A_7, %lt3A_1229 : vector<16xi32>
          %add3A_1231 = arith.constant 16 : i32
          %add3A_1232 = vector.broadcast %add3A_1231 : i32 to vector<16xi32>
          %add3A_1233 = arith.addi %xor3A_7, %add3A_1232 : vector<16xi32>
          %select_n3A_1234 = arith.select %lt3A_1230, %add3A_1233, %xor3A_7 : vector<16xi1>, vector<16xi32>
          %reshape3A_1235 = vector.shape_cast %select_n3A_1234 : vector<16xi32> to vector<16x1xi32>
          %gather3A_1236 = vector.shape_cast %reshape3A_1235 : vector<16x1xi32> to vector<16xi32>
          %gather3A_1237 = tpu.dynamic_gather %add3A_1227[%gather3A_1236] in [0] : vector<16xf32>, vector<16xi32> -> vector<16xf32>
          %add3A_1238 = arith.addf %add3A_1227, %gather3A_1237 : vector<16xf32>
          %lt3A_1239 = arith.constant 0 : i32
          %lt3A_1240 = vector.broadcast %lt3A_1239 : i32 to vector<16xi32>
          %lt3A_1241 = arith.cmpi slt, %xor3A_10, %lt3A_1240 : vector<16xi32>
          %add3A_1242 = arith.constant 16 : i32
          %add3A_1243 = vector.broadcast %add3A_1242 : i32 to vector<16xi32>
          %add3A_1244 = arith.addi %xor3A_10, %add3A_1243 : vector<16xi32>
          %select_n3A_1245 = arith.select %lt3A_1241, %add3A_1244, %xor3A_10 : vector<16xi1>, vector<16xi32>
          %reshape3A_1246 = vector.shape_cast %select_n3A_1245 : vector<16xi32> to vector<16x1xi32>
          %gather3A_1247 = vector.shape_cast %reshape3A_1246 : vector<16x1xi32> to vector<16xi32>
          %gather3A_1248 = tpu.dynamic_gather %add3A_1238[%gather3A_1247] in [0] : vector<16xf32>, vector<16xi32> -> vector<16xf32>
          %add3A_1249 = arith.addf %add3A_1238, %gather3A_1248 : vector<16xf32>
          %lt3A_1250 = arith.constant 0 : i32
          %lt3A_1251 = vector.broadcast %lt3A_1250 : i32 to vector<16xi32>
          %lt3A_1252 = arith.cmpi slt, %xor3A_13, %lt3A_1251 : vector<16xi32>
          %add3A_1253 = arith.constant 16 : i32
          %add3A_1254 = vector.broadcast %add3A_1253 : i32 to vector<16xi32>
          %add3A_1255 = arith.addi %xor3A_13, %add3A_1254 : vector<16xi32>
          %select_n3A_1256 = arith.select %lt3A_1252, %add3A_1255, %xor3A_13 : vector<16xi1>, vector<16xi32>
          %reshape3A_1257 = vector.shape_cast %select_n3A_1256 : vector<16xi32> to vector<16x1xi32>
          %gather3A_1258 = vector.shape_cast %reshape3A_1257 : vector<16x1xi32> to vector<16xi32>
          %gather3A_1259 = tpu.dynamic_gather %add3A_1249[%gather3A_1258] in [0] : vector<16xf32>, vector<16xi32> -> vector<16xf32>
          %add3A_1260 = arith.addf %add3A_1249, %gather3A_1259 : vector<16xf32>
          %select_n3A_1261 = arith.select %eq3A_404, %add3A_1260, %scan3A_361 : vector<16xi1>, vector<16xf32>
          %mul3A_1262 = arith.constant 20 : i32
          %mul3A_1263 = arith.muli %add3A_372, %mul3A_1262 : i32
          %add3A_1264 = arith.constant 12 : i32
          %add3A_1265 = arith.addi %mul3A_1263, %add3A_1264 : i32
          %get3A_1266 = arith.index_cast %add3A_1265 : i32 to index
          %get3A_1267 = arith.constant 0 : index
          %get3A_1268 = tpu.vector_load %arg17[%get3A_1266, %get3A_1267] {strides = array<i32>} : memref<640x64xf32, #tpu.memory_space<vmem>>, vector<16xf32>,
          %mul3A_1269 = arith.mulf %get3A_1268, %get3A_374 : vector<16xf32>
          %get3A_1270 = arith.index_cast %add3A_1265 : i32 to index
          %get3A_1271 = arith.constant 16 : index
          %get3A_1272 = tpu.vector_load %arg17[%get3A_1270, %get3A_1271] {strides = array<i32>} : memref<640x64xf32, #tpu.memory_space<vmem>>, vector<16xf32>,
          %mul3A_1273 = arith.mulf %get3A_1272, %get3A_377 : vector<16xf32>
          %add3A_1274 = arith.addf %mul3A_1269, %mul3A_1273 : vector<16xf32>
          %get3A_1275 = arith.index_cast %add3A_1265 : i32 to index
          %get3A_1276 = arith.constant 32 : index
          %get3A_1277 = tpu.vector_load %arg17[%get3A_1275, %get3A_1276] {strides = array<i32>} : memref<640x64xf32, #tpu.memory_space<vmem>>, vector<16xf32>,
          %mul3A_1278 = arith.mulf %get3A_1277, %get3A_380 : vector<16xf32>
          %add3A_1279 = arith.addf %add3A_1274, %mul3A_1278 : vector<16xf32>
          %get3A_1280 = arith.index_cast %add3A_1265 : i32 to index
          %get3A_1281 = arith.constant 48 : index
          %get3A_1282 = tpu.vector_load %arg17[%get3A_1280, %get3A_1281] {strides = array<i32>} : memref<640x64xf32, #tpu.memory_space<vmem>>, vector<16xf32>,
          %mul3A_1283 = arith.mulf %get3A_1282, %get3A_383 : vector<16xf32>
          %add3A_1284 = arith.addf %add3A_1279, %mul3A_1283 : vector<16xf32>
          %lt3A_1285 = arith.constant 0 : i32
          %lt3A_1286 = vector.broadcast %lt3A_1285 : i32 to vector<16xi32>
          %lt3A_1287 = arith.cmpi slt, %xor3A_4, %lt3A_1286 : vector<16xi32>
          %add3A_1288 = arith.constant 16 : i32
          %add3A_1289 = vector.broadcast %add3A_1288 : i32 to vector<16xi32>
          %add3A_1290 = arith.addi %xor3A_4, %add3A_1289 : vector<16xi32>
          %select_n3A_1291 = arith.select %lt3A_1287, %add3A_1290, %xor3A_4 : vector<16xi1>, vector<16xi32>
          %reshape3A_1292 = vector.shape_cast %select_n3A_1291 : vector<16xi32> to vector<16x1xi32>
          %gather3A_1293 = vector.shape_cast %reshape3A_1292 : vector<16x1xi32> to vector<16xi32>
          %gather3A_1294 = tpu.dynamic_gather %add3A_1284[%gather3A_1293] in [0] : vector<16xf32>, vector<16xi32> -> vector<16xf32>
          %add3A_1295 = arith.addf %add3A_1284, %gather3A_1294 : vector<16xf32>
          %lt3A_1296 = arith.constant 0 : i32
          %lt3A_1297 = vector.broadcast %lt3A_1296 : i32 to vector<16xi32>
          %lt3A_1298 = arith.cmpi slt, %xor3A_7, %lt3A_1297 : vector<16xi32>
          %add3A_1299 = arith.constant 16 : i32
          %add3A_1300 = vector.broadcast %add3A_1299 : i32 to vector<16xi32>
          %add3A_1301 = arith.addi %xor3A_7, %add3A_1300 : vector<16xi32>
          %select_n3A_1302 = arith.select %lt3A_1298, %add3A_1301, %xor3A_7 : vector<16xi1>, vector<16xi32>
          %reshape3A_1303 = vector.shape_cast %select_n3A_1302 : vector<16xi32> to vector<16x1xi32>
          %gather3A_1304 = vector.shape_cast %reshape3A_1303 : vector<16x1xi32> to vector<16xi32>
          %gather3A_1305 = tpu.dynamic_gather %add3A_1295[%gather3A_1304] in [0] : vector<16xf32>, vector<16xi32> -> vector<16xf32>
          %add3A_1306 = arith.addf %add3A_1295, %gather3A_1305 : vector<16xf32>
          %lt3A_1307 = arith.constant 0 : i32
          %lt3A_1308 = vector.broadcast %lt3A_1307 : i32 to vector<16xi32>
          %lt3A_1309 = arith.cmpi slt, %xor3A_10, %lt3A_1308 : vector<16xi32>
          %add3A_1310 = arith.constant 16 : i32
          %add3A_1311 = vector.broadcast %add3A_1310 : i32 to vector<16xi32>
          %add3A_1312 = arith.addi %xor3A_10, %add3A_1311 : vector<16xi32>
          %select_n3A_1313 = arith.select %lt3A_1309, %add3A_1312, %xor3A_10 : vector<16xi1>, vector<16xi32>
          %reshape3A_1314 = vector.shape_cast %select_n3A_1313 : vector<16xi32> to vector<16x1xi32>
          %gather3A_1315 = vector.shape_cast %reshape3A_1314 : vector<16x1xi32> to vector<16xi32>
          %gather3A_1316 = tpu.dynamic_gather %add3A_1306[%gather3A_1315] in [0] : vector<16xf32>, vector<16xi32> -> vector<16xf32>
          %add3A_1317 = arith.addf %add3A_1306, %gather3A_1316 : vector<16xf32>
          %lt3A_1318 = arith.constant 0 : i32
          %lt3A_1319 = vector.broadcast %lt3A_1318 : i32 to vector<16xi32>
          %lt3A_1320 = arith.cmpi slt, %xor3A_13, %lt3A_1319 : vector<16xi32>
          %add3A_1321 = arith.constant 16 : i32
          %add3A_1322 = vector.broadcast %add3A_1321 : i32 to vector<16xi32>
          %add3A_1323 = arith.addi %xor3A_13, %add3A_1322 : vector<16xi32>
          %select_n3A_1324 = arith.select %lt3A_1320, %add3A_1323, %xor3A_13 : vector<16xi1>, vector<16xi32>
          %reshape3A_1325 = vector.shape_cast %select_n3A_1324 : vector<16xi32> to vector<16x1xi32>
          %gather3A_1326 = vector.shape_cast %reshape3A_1325 : vector<16x1xi32> to vector<16xi32>
          %gather3A_1327 = tpu.dynamic_gather %add3A_1317[%gather3A_1326] in [0] : vector<16xf32>, vector<16xi32> -> vector<16xf32>
          %add3A_1328 = arith.addf %add3A_1317, %gather3A_1327 : vector<16xf32>
          %select_n3A_1329 = arith.select %eq3A_404, %add3A_1328, %scan3A_362 : vector<16xi1>, vector<16xf32>
          %mul3A_1330 = arith.constant 20 : i32
          %mul3A_1331 = arith.muli %add3A_372, %mul3A_1330 : i32
          %add3A_1332 = arith.constant 13 : i32
          %add3A_1333 = arith.addi %mul3A_1331, %add3A_1332 : i32
          %get3A_1334 = arith.index_cast %add3A_1333 : i32 to index
          %get3A_1335 = arith.constant 0 : index
          %get3A_1336 = tpu.vector_load %arg17[%get3A_1334, %get3A_1335] {strides = array<i32>} : memref<640x64xf32, #tpu.memory_space<vmem>>, vector<16xf32>,
          %mul3A_1337 = arith.mulf %get3A_1336, %get3A_374 : vector<16xf32>
          %get3A_1338 = arith.index_cast %add3A_1333 : i32 to index
          %get3A_1339 = arith.constant 16 : index
          %get3A_1340 = tpu.vector_load %arg17[%get3A_1338, %get3A_1339] {strides = array<i32>} : memref<640x64xf32, #tpu.memory_space<vmem>>, vector<16xf32>,
          %mul3A_1341 = arith.mulf %get3A_1340, %get3A_377 : vector<16xf32>
          %add3A_1342 = arith.addf %mul3A_1337, %mul3A_1341 : vector<16xf32>
          %get3A_1343 = arith.index_cast %add3A_1333 : i32 to index
          %get3A_1344 = arith.constant 32 : index
          %get3A_1345 = tpu.vector_load %arg17[%get3A_1343, %get3A_1344] {strides = array<i32>} : memref<640x64xf32, #tpu.memory_space<vmem>>, vector<16xf32>,
          %mul3A_1346 = arith.mulf %get3A_1345, %get3A_380 : vector<16xf32>
          %add3A_1347 = arith.addf %add3A_1342, %mul3A_1346 : vector<16xf32>
          %get3A_1348 = arith.index_cast %add3A_1333 : i32 to index
          %get3A_1349 = arith.constant 48 : index
          %get3A_1350 = tpu.vector_load %arg17[%get3A_1348, %get3A_1349] {strides = array<i32>} : memref<640x64xf32, #tpu.memory_space<vmem>>, vector<16xf32>,
          %mul3A_1351 = arith.mulf %get3A_1350, %get3A_383 : vector<16xf32>
          %add3A_1352 = arith.addf %add3A_1347, %mul3A_1351 : vector<16xf32>
          %lt3A_1353 = arith.constant 0 : i32
          %lt3A_1354 = vector.broadcast %lt3A_1353 : i32 to vector<16xi32>
          %lt3A_1355 = arith.cmpi slt, %xor3A_4, %lt3A_1354 : vector<16xi32>
          %add3A_1356 = arith.constant 16 : i32
          %add3A_1357 = vector.broadcast %add3A_1356 : i32 to vector<16xi32>
          %add3A_1358 = arith.addi %xor3A_4, %add3A_1357 : vector<16xi32>
          %select_n3A_1359 = arith.select %lt3A_1355, %add3A_1358, %xor3A_4 : vector<16xi1>, vector<16xi32>
          %reshape3A_1360 = vector.shape_cast %select_n3A_1359 : vector<16xi32> to vector<16x1xi32>
          %gather3A_1361 = vector.shape_cast %reshape3A_1360 : vector<16x1xi32> to vector<16xi32>
          %gather3A_1362 = tpu.dynamic_gather %add3A_1352[%gather3A_1361] in [0] : vector<16xf32>, vector<16xi32> -> vector<16xf32>
          %add3A_1363 = arith.addf %add3A_1352, %gather3A_1362 : vector<16xf32>
          %lt3A_1364 = arith.constant 0 : i32
          %lt3A_1365 = vector.broadcast %lt3A_1364 : i32 to vector<16xi32>
          %lt3A_1366 = arith.cmpi slt, %xor3A_7, %lt3A_1365 : vector<16xi32>
          %add3A_1367 = arith.constant 16 : i32
          %add3A_1368 = vector.broadcast %add3A_1367 : i32 to vector<16xi32>
          %add3A_1369 = arith.addi %xor3A_7, %add3A_1368 : vector<16xi32>
          %select_n3A_1370 = arith.select %lt3A_1366, %add3A_1369, %xor3A_7 : vector<16xi1>, vector<16xi32>
          %reshape3A_1371 = vector.shape_cast %select_n3A_1370 : vector<16xi32> to vector<16x1xi32>
          %gather3A_1372 = vector.shape_cast %reshape3A_1371 : vector<16x1xi32> to vector<16xi32>
          %gather3A_1373 = tpu.dynamic_gather %add3A_1363[%gather3A_1372] in [0] : vector<16xf32>, vector<16xi32> -> vector<16xf32>
          %add3A_1374 = arith.addf %add3A_1363, %gather3A_1373 : vector<16xf32>
          %lt3A_1375 = arith.constant 0 : i32
          %lt3A_1376 = vector.broadcast %lt3A_1375 : i32 to vector<16xi32>
          %lt3A_1377 = arith.cmpi slt, %xor3A_10, %lt3A_1376 : vector<16xi32>
          %add3A_1378 = arith.constant 16 : i32
          %add3A_1379 = vector.broadcast %add3A_1378 : i32 to vector<16xi32>
          %add3A_1380 = arith.addi %xor3A_10, %add3A_1379 : vector<16xi32>
          %select_n3A_1381 = arith.select %lt3A_1377, %add3A_1380, %xor3A_10 : vector<16xi1>, vector<16xi32>
          %reshape3A_1382 = vector.shape_cast %select_n3A_1381 : vector<16xi32> to vector<16x1xi32>
          %gather3A_1383 = vector.shape_cast %reshape3A_1382 : vector<16x1xi32> to vector<16xi32>
          %gather3A_1384 = tpu.dynamic_gather %add3A_1374[%gather3A_1383] in [0] : vector<16xf32>, vector<16xi32> -> vector<16xf32>
          %add3A_1385 = arith.addf %add3A_1374, %gather3A_1384 : vector<16xf32>
          %lt3A_1386 = arith.constant 0 : i32
          %lt3A_1387 = vector.broadcast %lt3A_1386 : i32 to vector<16xi32>
          %lt3A_1388 = arith.cmpi slt, %xor3A_13, %lt3A_1387 : vector<16xi32>
          %add3A_1389 = arith.constant 16 : i32
          %add3A_1390 = vector.broadcast %add3A_1389 : i32 to vector<16xi32>
          %add3A_1391 = arith.addi %xor3A_13, %add3A_1390 : vector<16xi32>
          %select_n3A_1392 = arith.select %lt3A_1388, %add3A_1391, %xor3A_13 : vector<16xi1>, vector<16xi32>
          %reshape3A_1393 = vector.shape_cast %select_n3A_1392 : vector<16xi32> to vector<16x1xi32>
          %gather3A_1394 = vector.shape_cast %reshape3A_1393 : vector<16x1xi32> to vector<16xi32>
          %gather3A_1395 = tpu.dynamic_gather %add3A_1385[%gather3A_1394] in [0] : vector<16xf32>, vector<16xi32> -> vector<16xf32>
          %add3A_1396 = arith.addf %add3A_1385, %gather3A_1395 : vector<16xf32>
          %select_n3A_1397 = arith.select %eq3A_404, %add3A_1396, %scan3A_363 : vector<16xi1>, vector<16xf32>
          %mul3A_1398 = arith.constant 20 : i32
          %mul3A_1399 = arith.muli %add3A_372, %mul3A_1398 : i32
          %add3A_1400 = arith.constant 14 : i32
          %add3A_1401 = arith.addi %mul3A_1399, %add3A_1400 : i32
          %get3A_1402 = arith.index_cast %add3A_1401 : i32 to index
          %get3A_1403 = arith.constant 0 : index
          %get3A_1404 = tpu.vector_load %arg17[%get3A_1402, %get3A_1403] {strides = array<i32>} : memref<640x64xf32, #tpu.memory_space<vmem>>, vector<16xf32>,
          %mul3A_1405 = arith.mulf %get3A_1404, %get3A_374 : vector<16xf32>
          %get3A_1406 = arith.index_cast %add3A_1401 : i32 to index
          %get3A_1407 = arith.constant 16 : index
          %get3A_1408 = tpu.vector_load %arg17[%get3A_1406, %get3A_1407] {strides = array<i32>} : memref<640x64xf32, #tpu.memory_space<vmem>>, vector<16xf32>,
          %mul3A_1409 = arith.mulf %get3A_1408, %get3A_377 : vector<16xf32>
          %add3A_1410 = arith.addf %mul3A_1405, %mul3A_1409 : vector<16xf32>
          %get3A_1411 = arith.index_cast %add3A_1401 : i32 to index
          %get3A_1412 = arith.constant 32 : index
          %get3A_1413 = tpu.vector_load %arg17[%get3A_1411, %get3A_1412] {strides = array<i32>} : memref<640x64xf32, #tpu.memory_space<vmem>>, vector<16xf32>,
          %mul3A_1414 = arith.mulf %get3A_1413, %get3A_380 : vector<16xf32>
          %add3A_1415 = arith.addf %add3A_1410, %mul3A_1414 : vector<16xf32>
          %get3A_1416 = arith.index_cast %add3A_1401 : i32 to index
          %get3A_1417 = arith.constant 48 : index
          %get3A_1418 = tpu.vector_load %arg17[%get3A_1416, %get3A_1417] {strides = array<i32>} : memref<640x64xf32, #tpu.memory_space<vmem>>, vector<16xf32>,
          %mul3A_1419 = arith.mulf %get3A_1418, %get3A_383 : vector<16xf32>
          %add3A_1420 = arith.addf %add3A_1415, %mul3A_1419 : vector<16xf32>
          %lt3A_1421 = arith.constant 0 : i32
          %lt3A_1422 = vector.broadcast %lt3A_1421 : i32 to vector<16xi32>
          %lt3A_1423 = arith.cmpi slt, %xor3A_4, %lt3A_1422 : vector<16xi32>
          %add3A_1424 = arith.constant 16 : i32
          %add3A_1425 = vector.broadcast %add3A_1424 : i32 to vector<16xi32>
          %add3A_1426 = arith.addi %xor3A_4, %add3A_1425 : vector<16xi32>
          %select_n3A_1427 = arith.select %lt3A_1423, %add3A_1426, %xor3A_4 : vector<16xi1>, vector<16xi32>
          %reshape3A_1428 = vector.shape_cast %select_n3A_1427 : vector<16xi32> to vector<16x1xi32>
          %gather3A_1429 = vector.shape_cast %reshape3A_1428 : vector<16x1xi32> to vector<16xi32>
          %gather3A_1430 = tpu.dynamic_gather %add3A_1420[%gather3A_1429] in [0] : vector<16xf32>, vector<16xi32> -> vector<16xf32>
          %add3A_1431 = arith.addf %add3A_1420, %gather3A_1430 : vector<16xf32>
          %lt3A_1432 = arith.constant 0 : i32
          %lt3A_1433 = vector.broadcast %lt3A_1432 : i32 to vector<16xi32>
          %lt3A_1434 = arith.cmpi slt, %xor3A_7, %lt3A_1433 : vector<16xi32>
          %add3A_1435 = arith.constant 16 : i32
          %add3A_1436 = vector.broadcast %add3A_1435 : i32 to vector<16xi32>
          %add3A_1437 = arith.addi %xor3A_7, %add3A_1436 : vector<16xi32>
          %select_n3A_1438 = arith.select %lt3A_1434, %add3A_1437, %xor3A_7 : vector<16xi1>, vector<16xi32>
          %reshape3A_1439 = vector.shape_cast %select_n3A_1438 : vector<16xi32> to vector<16x1xi32>
          %gather3A_1440 = vector.shape_cast %reshape3A_1439 : vector<16x1xi32> to vector<16xi32>
          %gather3A_1441 = tpu.dynamic_gather %add3A_1431[%gather3A_1440] in [0] : vector<16xf32>, vector<16xi32> -> vector<16xf32>
          %add3A_1442 = arith.addf %add3A_1431, %gather3A_1441 : vector<16xf32>
          %lt3A_1443 = arith.constant 0 : i32
          %lt3A_1444 = vector.broadcast %lt3A_1443 : i32 to vector<16xi32>
          %lt3A_1445 = arith.cmpi slt, %xor3A_10, %lt3A_1444 : vector<16xi32>
          %add3A_1446 = arith.constant 16 : i32
          %add3A_1447 = vector.broadcast %add3A_1446 : i32 to vector<16xi32>
          %add3A_1448 = arith.addi %xor3A_10, %add3A_1447 : vector<16xi32>
          %select_n3A_1449 = arith.select %lt3A_1445, %add3A_1448, %xor3A_10 : vector<16xi1>, vector<16xi32>
          %reshape3A_1450 = vector.shape_cast %select_n3A_1449 : vector<16xi32> to vector<16x1xi32>
          %gather3A_1451 = vector.shape_cast %reshape3A_1450 : vector<16x1xi32> to vector<16xi32>
          %gather3A_1452 = tpu.dynamic_gather %add3A_1442[%gather3A_1451] in [0] : vector<16xf32>, vector<16xi32> -> vector<16xf32>
          %add3A_1453 = arith.addf %add3A_1442, %gather3A_1452 : vector<16xf32>
          %lt3A_1454 = arith.constant 0 : i32
          %lt3A_1455 = vector.broadcast %lt3A_1454 : i32 to vector<16xi32>
          %lt3A_1456 = arith.cmpi slt, %xor3A_13, %lt3A_1455 : vector<16xi32>
          %add3A_1457 = arith.constant 16 : i32
          %add3A_1458 = vector.broadcast %add3A_1457 : i32 to vector<16xi32>
          %add3A_1459 = arith.addi %xor3A_13, %add3A_1458 : vector<16xi32>
          %select_n3A_1460 = arith.select %lt3A_1456, %add3A_1459, %xor3A_13 : vector<16xi1>, vector<16xi32>
          %reshape3A_1461 = vector.shape_cast %select_n3A_1460 : vector<16xi32> to vector<16x1xi32>
          %gather3A_1462 = vector.shape_cast %reshape3A_1461 : vector<16x1xi32> to vector<16xi32>
          %gather3A_1463 = tpu.dynamic_gather %add3A_1453[%gather3A_1462] in [0] : vector<16xf32>, vector<16xi32> -> vector<16xf32>
          %add3A_1464 = arith.addf %add3A_1453, %gather3A_1463 : vector<16xf32>
          %select_n3A_1465 = arith.select %eq3A_404, %add3A_1464, %scan3A_364 : vector<16xi1>, vector<16xf32>
          %mul3A_1466 = arith.constant 20 : i32
          %mul3A_1467 = arith.muli %add3A_372, %mul3A_1466 : i32
          %add3A_1468 = arith.constant 15 : i32
          %add3A_1469 = arith.addi %mul3A_1467, %add3A_1468 : i32
          %get3A_1470 = arith.index_cast %add3A_1469 : i32 to index
          %get3A_1471 = arith.constant 0 : index
          %get3A_1472 = tpu.vector_load %arg17[%get3A_1470, %get3A_1471] {strides = array<i32>} : memref<640x64xf32, #tpu.memory_space<vmem>>, vector<16xf32>,
          %mul3A_1473 = arith.mulf %get3A_1472, %get3A_374 : vector<16xf32>
          %get3A_1474 = arith.index_cast %add3A_1469 : i32 to index
          %get3A_1475 = arith.constant 16 : index
          %get3A_1476 = tpu.vector_load %arg17[%get3A_1474, %get3A_1475] {strides = array<i32>} : memref<640x64xf32, #tpu.memory_space<vmem>>, vector<16xf32>,
          %mul3A_1477 = arith.mulf %get3A_1476, %get3A_377 : vector<16xf32>
          %add3A_1478 = arith.addf %mul3A_1473, %mul3A_1477 : vector<16xf32>
          %get3A_1479 = arith.index_cast %add3A_1469 : i32 to index
          %get3A_1480 = arith.constant 32 : index
          %get3A_1481 = tpu.vector_load %arg17[%get3A_1479, %get3A_1480] {strides = array<i32>} : memref<640x64xf32, #tpu.memory_space<vmem>>, vector<16xf32>,
          %mul3A_1482 = arith.mulf %get3A_1481, %get3A_380 : vector<16xf32>
          %add3A_1483 = arith.addf %add3A_1478, %mul3A_1482 : vector<16xf32>
          %get3A_1484 = arith.index_cast %add3A_1469 : i32 to index
          %get3A_1485 = arith.constant 48 : index
          %get3A_1486 = tpu.vector_load %arg17[%get3A_1484, %get3A_1485] {strides = array<i32>} : memref<640x64xf32, #tpu.memory_space<vmem>>, vector<16xf32>,
          %mul3A_1487 = arith.mulf %get3A_1486, %get3A_383 : vector<16xf32>
          %add3A_1488 = arith.addf %add3A_1483, %mul3A_1487 : vector<16xf32>
          %lt3A_1489 = arith.constant 0 : i32
          %lt3A_1490 = vector.broadcast %lt3A_1489 : i32 to vector<16xi32>
          %lt3A_1491 = arith.cmpi slt, %xor3A_4, %lt3A_1490 : vector<16xi32>
          %add3A_1492 = arith.constant 16 : i32
          %add3A_1493 = vector.broadcast %add3A_1492 : i32 to vector<16xi32>
          %add3A_1494 = arith.addi %xor3A_4, %add3A_1493 : vector<16xi32>
          %select_n3A_1495 = arith.select %lt3A_1491, %add3A_1494, %xor3A_4 : vector<16xi1>, vector<16xi32>
          %reshape3A_1496 = vector.shape_cast %select_n3A_1495 : vector<16xi32> to vector<16x1xi32>
          %gather3A_1497 = vector.shape_cast %reshape3A_1496 : vector<16x1xi32> to vector<16xi32>
          %gather3A_1498 = tpu.dynamic_gather %add3A_1488[%gather3A_1497] in [0] : vector<16xf32>, vector<16xi32> -> vector<16xf32>
          %add3A_1499 = arith.addf %add3A_1488, %gather3A_1498 : vector<16xf32>
          %lt3A_1500 = arith.constant 0 : i32
          %lt3A_1501 = vector.broadcast %lt3A_1500 : i32 to vector<16xi32>
          %lt3A_1502 = arith.cmpi slt, %xor3A_7, %lt3A_1501 : vector<16xi32>
          %add3A_1503 = arith.constant 16 : i32
          %add3A_1504 = vector.broadcast %add3A_1503 : i32 to vector<16xi32>
          %add3A_1505 = arith.addi %xor3A_7, %add3A_1504 : vector<16xi32>
          %select_n3A_1506 = arith.select %lt3A_1502, %add3A_1505, %xor3A_7 : vector<16xi1>, vector<16xi32>
          %reshape3A_1507 = vector.shape_cast %select_n3A_1506 : vector<16xi32> to vector<16x1xi32>
          %gather3A_1508 = vector.shape_cast %reshape3A_1507 : vector<16x1xi32> to vector<16xi32>
          %gather3A_1509 = tpu.dynamic_gather %add3A_1499[%gather3A_1508] in [0] : vector<16xf32>, vector<16xi32> -> vector<16xf32>
          %add3A_1510 = arith.addf %add3A_1499, %gather3A_1509 : vector<16xf32>
          %lt3A_1511 = arith.constant 0 : i32
          %lt3A_1512 = vector.broadcast %lt3A_1511 : i32 to vector<16xi32>
          %lt3A_1513 = arith.cmpi slt, %xor3A_10, %lt3A_1512 : vector<16xi32>
          %add3A_1514 = arith.constant 16 : i32
          %add3A_1515 = vector.broadcast %add3A_1514 : i32 to vector<16xi32>
          %add3A_1516 = arith.addi %xor3A_10, %add3A_1515 : vector<16xi32>
          %select_n3A_1517 = arith.select %lt3A_1513, %add3A_1516, %xor3A_10 : vector<16xi1>, vector<16xi32>
          %reshape3A_1518 = vector.shape_cast %select_n3A_1517 : vector<16xi32> to vector<16x1xi32>
          %gather3A_1519 = vector.shape_cast %reshape3A_1518 : vector<16x1xi32> to vector<16xi32>
          %gather3A_1520 = tpu.dynamic_gather %add3A_1510[%gather3A_1519] in [0] : vector<16xf32>, vector<16xi32> -> vector<16xf32>
          %add3A_1521 = arith.addf %add3A_1510, %gather3A_1520 : vector<16xf32>
          %lt3A_1522 = arith.constant 0 : i32
          %lt3A_1523 = vector.broadcast %lt3A_1522 : i32 to vector<16xi32>
          %lt3A_1524 = arith.cmpi slt, %xor3A_13, %lt3A_1523 : vector<16xi32>
          %add3A_1525 = arith.constant 16 : i32
          %add3A_1526 = vector.broadcast %add3A_1525 : i32 to vector<16xi32>
          %add3A_1527 = arith.addi %xor3A_13, %add3A_1526 : vector<16xi32>
          %select_n3A_1528 = arith.select %lt3A_1524, %add3A_1527, %xor3A_13 : vector<16xi1>, vector<16xi32>
          %reshape3A_1529 = vector.shape_cast %select_n3A_1528 : vector<16xi32> to vector<16x1xi32>
          %gather3A_1530 = vector.shape_cast %reshape3A_1529 : vector<16x1xi32> to vector<16xi32>
          %gather3A_1531 = tpu.dynamic_gather %add3A_1521[%gather3A_1530] in [0] : vector<16xf32>, vector<16xi32> -> vector<16xf32>
          %add3A_1532 = arith.addf %add3A_1521, %gather3A_1531 : vector<16xf32>
          %select_n3A_1533 = arith.select %eq3A_404, %add3A_1532, %scan3A_365 : vector<16xi1>, vector<16xf32>
          %mul3A_1534 = arith.constant 20 : i32
          %mul3A_1535 = arith.muli %add3A_372, %mul3A_1534 : i32
          %add3A_1536 = arith.constant 16 : i32
          %add3A_1537 = arith.addi %mul3A_1535, %add3A_1536 : i32
          %get3A_1538 = arith.index_cast %add3A_1537 : i32 to index
          %get3A_1539 = arith.constant 0 : index
          %get3A_1540 = tpu.vector_load %arg17[%get3A_1538, %get3A_1539] {strides = array<i32>} : memref<640x64xf32, #tpu.memory_space<vmem>>, vector<16xf32>,
          %mul3A_1541 = arith.mulf %get3A_1540, %get3A_374 : vector<16xf32>
          %get3A_1542 = arith.index_cast %add3A_1537 : i32 to index
          %get3A_1543 = arith.constant 16 : index
          %get3A_1544 = tpu.vector_load %arg17[%get3A_1542, %get3A_1543] {strides = array<i32>} : memref<640x64xf32, #tpu.memory_space<vmem>>, vector<16xf32>,
          %mul3A_1545 = arith.mulf %get3A_1544, %get3A_377 : vector<16xf32>
          %add3A_1546 = arith.addf %mul3A_1541, %mul3A_1545 : vector<16xf32>
          %get3A_1547 = arith.index_cast %add3A_1537 : i32 to index
          %get3A_1548 = arith.constant 32 : index
          %get3A_1549 = tpu.vector_load %arg17[%get3A_1547, %get3A_1548] {strides = array<i32>} : memref<640x64xf32, #tpu.memory_space<vmem>>, vector<16xf32>,
          %mul3A_1550 = arith.mulf %get3A_1549, %get3A_380 : vector<16xf32>
          %add3A_1551 = arith.addf %add3A_1546, %mul3A_1550 : vector<16xf32>
          %get3A_1552 = arith.index_cast %add3A_1537 : i32 to index
          %get3A_1553 = arith.constant 48 : index
          %get3A_1554 = tpu.vector_load %arg17[%get3A_1552, %get3A_1553] {strides = array<i32>} : memref<640x64xf32, #tpu.memory_space<vmem>>, vector<16xf32>,
          %mul3A_1555 = arith.mulf %get3A_1554, %get3A_383 : vector<16xf32>
          %add3A_1556 = arith.addf %add3A_1551, %mul3A_1555 : vector<16xf32>
          %lt3A_1557 = arith.constant 0 : i32
          %lt3A_1558 = vector.broadcast %lt3A_1557 : i32 to vector<16xi32>
          %lt3A_1559 = arith.cmpi slt, %xor3A_4, %lt3A_1558 : vector<16xi32>
          %add3A_1560 = arith.constant 16 : i32
          %add3A_1561 = vector.broadcast %add3A_1560 : i32 to vector<16xi32>
          %add3A_1562 = arith.addi %xor3A_4, %add3A_1561 : vector<16xi32>
          %select_n3A_1563 = arith.select %lt3A_1559, %add3A_1562, %xor3A_4 : vector<16xi1>, vector<16xi32>
          %reshape3A_1564 = vector.shape_cast %select_n3A_1563 : vector<16xi32> to vector<16x1xi32>
          %gather3A_1565 = vector.shape_cast %reshape3A_1564 : vector<16x1xi32> to vector<16xi32>
          %gather3A_1566 = tpu.dynamic_gather %add3A_1556[%gather3A_1565] in [0] : vector<16xf32>, vector<16xi32> -> vector<16xf32>
          %add3A_1567 = arith.addf %add3A_1556, %gather3A_1566 : vector<16xf32>
          %lt3A_1568 = arith.constant 0 : i32
          %lt3A_1569 = vector.broadcast %lt3A_1568 : i32 to vector<16xi32>
          %lt3A_1570 = arith.cmpi slt, %xor3A_7, %lt3A_1569 : vector<16xi32>
          %add3A_1571 = arith.constant 16 : i32
          %add3A_1572 = vector.broadcast %add3A_1571 : i32 to vector<16xi32>
          %add3A_1573 = arith.addi %xor3A_7, %add3A_1572 : vector<16xi32>
          %select_n3A_1574 = arith.select %lt3A_1570, %add3A_1573, %xor3A_7 : vector<16xi1>, vector<16xi32>
          %reshape3A_1575 = vector.shape_cast %select_n3A_1574 : vector<16xi32> to vector<16x1xi32>
          %gather3A_1576 = vector.shape_cast %reshape3A_1575 : vector<16x1xi32> to vector<16xi32>
          %gather3A_1577 = tpu.dynamic_gather %add3A_1567[%gather3A_1576] in [0] : vector<16xf32>, vector<16xi32> -> vector<16xf32>
          %add3A_1578 = arith.addf %add3A_1567, %gather3A_1577 : vector<16xf32>
          %lt3A_1579 = arith.constant 0 : i32
          %lt3A_1580 = vector.broadcast %lt3A_1579 : i32 to vector<16xi32>
          %lt3A_1581 = arith.cmpi slt, %xor3A_10, %lt3A_1580 : vector<16xi32>
          %add3A_1582 = arith.constant 16 : i32
          %add3A_1583 = vector.broadcast %add3A_1582 : i32 to vector<16xi32>
          %add3A_1584 = arith.addi %xor3A_10, %add3A_1583 : vector<16xi32>
          %select_n3A_1585 = arith.select %lt3A_1581, %add3A_1584, %xor3A_10 : vector<16xi1>, vector<16xi32>
          %reshape3A_1586 = vector.shape_cast %select_n3A_1585 : vector<16xi32> to vector<16x1xi32>
          %gather3A_1587 = vector.shape_cast %reshape3A_1586 : vector<16x1xi32> to vector<16xi32>
          %gather3A_1588 = tpu.dynamic_gather %add3A_1578[%gather3A_1587] in [0] : vector<16xf32>, vector<16xi32> -> vector<16xf32>
          %add3A_1589 = arith.addf %add3A_1578, %gather3A_1588 : vector<16xf32>
          %lt3A_1590 = arith.constant 0 : i32
          %lt3A_1591 = vector.broadcast %lt3A_1590 : i32 to vector<16xi32>
          %lt3A_1592 = arith.cmpi slt, %xor3A_13, %lt3A_1591 : vector<16xi32>
          %add3A_1593 = arith.constant 16 : i32
          %add3A_1594 = vector.broadcast %add3A_1593 : i32 to vector<16xi32>
          %add3A_1595 = arith.addi %xor3A_13, %add3A_1594 : vector<16xi32>
          %select_n3A_1596 = arith.select %lt3A_1592, %add3A_1595, %xor3A_13 : vector<16xi1>, vector<16xi32>
          %reshape3A_1597 = vector.shape_cast %select_n3A_1596 : vector<16xi32> to vector<16x1xi32>
          %gather3A_1598 = vector.shape_cast %reshape3A_1597 : vector<16x1xi32> to vector<16xi32>
          %gather3A_1599 = tpu.dynamic_gather %add3A_1589[%gather3A_1598] in [0] : vector<16xf32>, vector<16xi32> -> vector<16xf32>
          %add3A_1600 = arith.addf %add3A_1589, %gather3A_1599 : vector<16xf32>
          %select_n3A_1601 = arith.select %eq3A_404, %add3A_1600, %scan3A_366 : vector<16xi1>, vector<16xf32>
          %mul3A_1602 = arith.constant 20 : i32
          %mul3A_1603 = arith.muli %add3A_372, %mul3A_1602 : i32
          %add3A_1604 = arith.constant 17 : i32
          %add3A_1605 = arith.addi %mul3A_1603, %add3A_1604 : i32
          %get3A_1606 = arith.index_cast %add3A_1605 : i32 to index
          %get3A_1607 = arith.constant 0 : index
          %get3A_1608 = tpu.vector_load %arg17[%get3A_1606, %get3A_1607] {strides = array<i32>} : memref<640x64xf32, #tpu.memory_space<vmem>>, vector<16xf32>,
          %mul3A_1609 = arith.mulf %get3A_1608, %get3A_374 : vector<16xf32>
          %get3A_1610 = arith.index_cast %add3A_1605 : i32 to index
          %get3A_1611 = arith.constant 16 : index
          %get3A_1612 = tpu.vector_load %arg17[%get3A_1610, %get3A_1611] {strides = array<i32>} : memref<640x64xf32, #tpu.memory_space<vmem>>, vector<16xf32>,
          %mul3A_1613 = arith.mulf %get3A_1612, %get3A_377 : vector<16xf32>
          %add3A_1614 = arith.addf %mul3A_1609, %mul3A_1613 : vector<16xf32>
          %get3A_1615 = arith.index_cast %add3A_1605 : i32 to index
          %get3A_1616 = arith.constant 32 : index
          %get3A_1617 = tpu.vector_load %arg17[%get3A_1615, %get3A_1616] {strides = array<i32>} : memref<640x64xf32, #tpu.memory_space<vmem>>, vector<16xf32>,
          %mul3A_1618 = arith.mulf %get3A_1617, %get3A_380 : vector<16xf32>
          %add3A_1619 = arith.addf %add3A_1614, %mul3A_1618 : vector<16xf32>
          %get3A_1620 = arith.index_cast %add3A_1605 : i32 to index
          %get3A_1621 = arith.constant 48 : index
          %get3A_1622 = tpu.vector_load %arg17[%get3A_1620, %get3A_1621] {strides = array<i32>} : memref<640x64xf32, #tpu.memory_space<vmem>>, vector<16xf32>,
          %mul3A_1623 = arith.mulf %get3A_1622, %get3A_383 : vector<16xf32>
          %add3A_1624 = arith.addf %add3A_1619, %mul3A_1623 : vector<16xf32>
          %lt3A_1625 = arith.constant 0 : i32
          %lt3A_1626 = vector.broadcast %lt3A_1625 : i32 to vector<16xi32>
          %lt3A_1627 = arith.cmpi slt, %xor3A_4, %lt3A_1626 : vector<16xi32>
          %add3A_1628 = arith.constant 16 : i32
          %add3A_1629 = vector.broadcast %add3A_1628 : i32 to vector<16xi32>
          %add3A_1630 = arith.addi %xor3A_4, %add3A_1629 : vector<16xi32>
          %select_n3A_1631 = arith.select %lt3A_1627, %add3A_1630, %xor3A_4 : vector<16xi1>, vector<16xi32>
          %reshape3A_1632 = vector.shape_cast %select_n3A_1631 : vector<16xi32> to vector<16x1xi32>
          %gather3A_1633 = vector.shape_cast %reshape3A_1632 : vector<16x1xi32> to vector<16xi32>
          %gather3A_1634 = tpu.dynamic_gather %add3A_1624[%gather3A_1633] in [0] : vector<16xf32>, vector<16xi32> -> vector<16xf32>
          %add3A_1635 = arith.addf %add3A_1624, %gather3A_1634 : vector<16xf32>
          %lt3A_1636 = arith.constant 0 : i32
          %lt3A_1637 = vector.broadcast %lt3A_1636 : i32 to vector<16xi32>
          %lt3A_1638 = arith.cmpi slt, %xor3A_7, %lt3A_1637 : vector<16xi32>
          %add3A_1639 = arith.constant 16 : i32
          %add3A_1640 = vector.broadcast %add3A_1639 : i32 to vector<16xi32>
          %add3A_1641 = arith.addi %xor3A_7, %add3A_1640 : vector<16xi32>
          %select_n3A_1642 = arith.select %lt3A_1638, %add3A_1641, %xor3A_7 : vector<16xi1>, vector<16xi32>
          %reshape3A_1643 = vector.shape_cast %select_n3A_1642 : vector<16xi32> to vector<16x1xi32>
          %gather3A_1644 = vector.shape_cast %reshape3A_1643 : vector<16x1xi32> to vector<16xi32>
          %gather3A_1645 = tpu.dynamic_gather %add3A_1635[%gather3A_1644] in [0] : vector<16xf32>, vector<16xi32> -> vector<16xf32>
          %add3A_1646 = arith.addf %add3A_1635, %gather3A_1645 : vector<16xf32>
          %lt3A_1647 = arith.constant 0 : i32
          %lt3A_1648 = vector.broadcast %lt3A_1647 : i32 to vector<16xi32>
          %lt3A_1649 = arith.cmpi slt, %xor3A_10, %lt3A_1648 : vector<16xi32>
          %add3A_1650 = arith.constant 16 : i32
          %add3A_1651 = vector.broadcast %add3A_1650 : i32 to vector<16xi32>
          %add3A_1652 = arith.addi %xor3A_10, %add3A_1651 : vector<16xi32>
          %select_n3A_1653 = arith.select %lt3A_1649, %add3A_1652, %xor3A_10 : vector<16xi1>, vector<16xi32>
          %reshape3A_1654 = vector.shape_cast %select_n3A_1653 : vector<16xi32> to vector<16x1xi32>
          %gather3A_1655 = vector.shape_cast %reshape3A_1654 : vector<16x1xi32> to vector<16xi32>
          %gather3A_1656 = tpu.dynamic_gather %add3A_1646[%gather3A_1655] in [0] : vector<16xf32>, vector<16xi32> -> vector<16xf32>
          %add3A_1657 = arith.addf %add3A_1646, %gather3A_1656 : vector<16xf32>
          %lt3A_1658 = arith.constant 0 : i32
          %lt3A_1659 = vector.broadcast %lt3A_1658 : i32 to vector<16xi32>
          %lt3A_1660 = arith.cmpi slt, %xor3A_13, %lt3A_1659 : vector<16xi32>
          %add3A_1661 = arith.constant 16 : i32
          %add3A_1662 = vector.broadcast %add3A_1661 : i32 to vector<16xi32>
          %add3A_1663 = arith.addi %xor3A_13, %add3A_1662 : vector<16xi32>
          %select_n3A_1664 = arith.select %lt3A_1660, %add3A_1663, %xor3A_13 : vector<16xi1>, vector<16xi32>
          %reshape3A_1665 = vector.shape_cast %select_n3A_1664 : vector<16xi32> to vector<16x1xi32>
          %gather3A_1666 = vector.shape_cast %reshape3A_1665 : vector<16x1xi32> to vector<16xi32>
          %gather3A_1667 = tpu.dynamic_gather %add3A_1657[%gather3A_1666] in [0] : vector<16xf32>, vector<16xi32> -> vector<16xf32>
          %add3A_1668 = arith.addf %add3A_1657, %gather3A_1667 : vector<16xf32>
          %select_n3A_1669 = arith.select %eq3A_404, %add3A_1668, %scan3A_367 : vector<16xi1>, vector<16xf32>
          %mul3A_1670 = arith.constant 20 : i32
          %mul3A_1671 = arith.muli %add3A_372, %mul3A_1670 : i32
          %add3A_1672 = arith.constant 18 : i32
          %add3A_1673 = arith.addi %mul3A_1671, %add3A_1672 : i32
          %get3A_1674 = arith.index_cast %add3A_1673 : i32 to index
          %get3A_1675 = arith.constant 0 : index
          %get3A_1676 = tpu.vector_load %arg17[%get3A_1674, %get3A_1675] {strides = array<i32>} : memref<640x64xf32, #tpu.memory_space<vmem>>, vector<16xf32>,
          %mul3A_1677 = arith.mulf %get3A_1676, %get3A_374 : vector<16xf32>
          %get3A_1678 = arith.index_cast %add3A_1673 : i32 to index
          %get3A_1679 = arith.constant 16 : index
          %get3A_1680 = tpu.vector_load %arg17[%get3A_1678, %get3A_1679] {strides = array<i32>} : memref<640x64xf32, #tpu.memory_space<vmem>>, vector<16xf32>,
          %mul3A_1681 = arith.mulf %get3A_1680, %get3A_377 : vector<16xf32>
          %add3A_1682 = arith.addf %mul3A_1677, %mul3A_1681 : vector<16xf32>
          %get3A_1683 = arith.index_cast %add3A_1673 : i32 to index
          %get3A_1684 = arith.constant 32 : index
          %get3A_1685 = tpu.vector_load %arg17[%get3A_1683, %get3A_1684] {strides = array<i32>} : memref<640x64xf32, #tpu.memory_space<vmem>>, vector<16xf32>,
          %mul3A_1686 = arith.mulf %get3A_1685, %get3A_380 : vector<16xf32>
          %add3A_1687 = arith.addf %add3A_1682, %mul3A_1686 : vector<16xf32>
          %get3A_1688 = arith.index_cast %add3A_1673 : i32 to index
          %get3A_1689 = arith.constant 48 : index
          %get3A_1690 = tpu.vector_load %arg17[%get3A_1688, %get3A_1689] {strides = array<i32>} : memref<640x64xf32, #tpu.memory_space<vmem>>, vector<16xf32>,
          %mul3A_1691 = arith.mulf %get3A_1690, %get3A_383 : vector<16xf32>
          %add3A_1692 = arith.addf %add3A_1687, %mul3A_1691 : vector<16xf32>
          %lt3A_1693 = arith.constant 0 : i32
          %lt3A_1694 = vector.broadcast %lt3A_1693 : i32 to vector<16xi32>
          %lt3A_1695 = arith.cmpi slt, %xor3A_4, %lt3A_1694 : vector<16xi32>
          %add3A_1696 = arith.constant 16 : i32
          %add3A_1697 = vector.broadcast %add3A_1696 : i32 to vector<16xi32>
          %add3A_1698 = arith.addi %xor3A_4, %add3A_1697 : vector<16xi32>
          %select_n3A_1699 = arith.select %lt3A_1695, %add3A_1698, %xor3A_4 : vector<16xi1>, vector<16xi32>
          %reshape3A_1700 = vector.shape_cast %select_n3A_1699 : vector<16xi32> to vector<16x1xi32>
          %gather3A_1701 = vector.shape_cast %reshape3A_1700 : vector<16x1xi32> to vector<16xi32>
          %gather3A_1702 = tpu.dynamic_gather %add3A_1692[%gather3A_1701] in [0] : vector<16xf32>, vector<16xi32> -> vector<16xf32>
          %add3A_1703 = arith.addf %add3A_1692, %gather3A_1702 : vector<16xf32>
          %lt3A_1704 = arith.constant 0 : i32
          %lt3A_1705 = vector.broadcast %lt3A_1704 : i32 to vector<16xi32>
          %lt3A_1706 = arith.cmpi slt, %xor3A_7, %lt3A_1705 : vector<16xi32>
          %add3A_1707 = arith.constant 16 : i32
          %add3A_1708 = vector.broadcast %add3A_1707 : i32 to vector<16xi32>
          %add3A_1709 = arith.addi %xor3A_7, %add3A_1708 : vector<16xi32>
          %select_n3A_1710 = arith.select %lt3A_1706, %add3A_1709, %xor3A_7 : vector<16xi1>, vector<16xi32>
          %reshape3A_1711 = vector.shape_cast %select_n3A_1710 : vector<16xi32> to vector<16x1xi32>
          %gather3A_1712 = vector.shape_cast %reshape3A_1711 : vector<16x1xi32> to vector<16xi32>
          %gather3A_1713 = tpu.dynamic_gather %add3A_1703[%gather3A_1712] in [0] : vector<16xf32>, vector<16xi32> -> vector<16xf32>
          %add3A_1714 = arith.addf %add3A_1703, %gather3A_1713 : vector<16xf32>
          %lt3A_1715 = arith.constant 0 : i32
          %lt3A_1716 = vector.broadcast %lt3A_1715 : i32 to vector<16xi32>
          %lt3A_1717 = arith.cmpi slt, %xor3A_10, %lt3A_1716 : vector<16xi32>
          %add3A_1718 = arith.constant 16 : i32
          %add3A_1719 = vector.broadcast %add3A_1718 : i32 to vector<16xi32>
          %add3A_1720 = arith.addi %xor3A_10, %add3A_1719 : vector<16xi32>
          %select_n3A_1721 = arith.select %lt3A_1717, %add3A_1720, %xor3A_10 : vector<16xi1>, vector<16xi32>
          %reshape3A_1722 = vector.shape_cast %select_n3A_1721 : vector<16xi32> to vector<16x1xi32>
          %gather3A_1723 = vector.shape_cast %reshape3A_1722 : vector<16x1xi32> to vector<16xi32>
          %gather3A_1724 = tpu.dynamic_gather %add3A_1714[%gather3A_1723] in [0] : vector<16xf32>, vector<16xi32> -> vector<16xf32>
          %add3A_1725 = arith.addf %add3A_1714, %gather3A_1724 : vector<16xf32>
          %lt3A_1726 = arith.constant 0 : i32
          %lt3A_1727 = vector.broadcast %lt3A_1726 : i32 to vector<16xi32>
          %lt3A_1728 = arith.cmpi slt, %xor3A_13, %lt3A_1727 : vector<16xi32>
          %add3A_1729 = arith.constant 16 : i32
          %add3A_1730 = vector.broadcast %add3A_1729 : i32 to vector<16xi32>
          %add3A_1731 = arith.addi %xor3A_13, %add3A_1730 : vector<16xi32>
          %select_n3A_1732 = arith.select %lt3A_1728, %add3A_1731, %xor3A_13 : vector<16xi1>, vector<16xi32>
          %reshape3A_1733 = vector.shape_cast %select_n3A_1732 : vector<16xi32> to vector<16x1xi32>
          %gather3A_1734 = vector.shape_cast %reshape3A_1733 : vector<16x1xi32> to vector<16xi32>
          %gather3A_1735 = tpu.dynamic_gather %add3A_1725[%gather3A_1734] in [0] : vector<16xf32>, vector<16xi32> -> vector<16xf32>
          %add3A_1736 = arith.addf %add3A_1725, %gather3A_1735 : vector<16xf32>
          %select_n3A_1737 = arith.select %eq3A_404, %add3A_1736, %scan3A_368 : vector<16xi1>, vector<16xf32>
          %mul3A_1738 = arith.constant 20 : i32
          %mul3A_1739 = arith.muli %add3A_372, %mul3A_1738 : i32
          %add3A_1740 = arith.constant 19 : i32
          %add3A_1741 = arith.addi %mul3A_1739, %add3A_1740 : i32
          %get3A_1742 = arith.index_cast %add3A_1741 : i32 to index
          %get3A_1743 = arith.constant 0 : index
          %get3A_1744 = tpu.vector_load %arg17[%get3A_1742, %get3A_1743] {strides = array<i32>} : memref<640x64xf32, #tpu.memory_space<vmem>>, vector<16xf32>,
          %mul3A_1745 = arith.mulf %get3A_1744, %get3A_374 : vector<16xf32>
          %get3A_1746 = arith.index_cast %add3A_1741 : i32 to index
          %get3A_1747 = arith.constant 16 : index
          %get3A_1748 = tpu.vector_load %arg17[%get3A_1746, %get3A_1747] {strides = array<i32>} : memref<640x64xf32, #tpu.memory_space<vmem>>, vector<16xf32>,
          %mul3A_1749 = arith.mulf %get3A_1748, %get3A_377 : vector<16xf32>
          %add3A_1750 = arith.addf %mul3A_1745, %mul3A_1749 : vector<16xf32>
          %get3A_1751 = arith.index_cast %add3A_1741 : i32 to index
          %get3A_1752 = arith.constant 32 : index
          %get3A_1753 = tpu.vector_load %arg17[%get3A_1751, %get3A_1752] {strides = array<i32>} : memref<640x64xf32, #tpu.memory_space<vmem>>, vector<16xf32>,
          %mul3A_1754 = arith.mulf %get3A_1753, %get3A_380 : vector<16xf32>
          %add3A_1755 = arith.addf %add3A_1750, %mul3A_1754 : vector<16xf32>
          %get3A_1756 = arith.index_cast %add3A_1741 : i32 to index
          %get3A_1757 = arith.constant 48 : index
          %get3A_1758 = tpu.vector_load %arg17[%get3A_1756, %get3A_1757] {strides = array<i32>} : memref<640x64xf32, #tpu.memory_space<vmem>>, vector<16xf32>,
          %mul3A_1759 = arith.mulf %get3A_1758, %get3A_383 : vector<16xf32>
          %add3A_1760 = arith.addf %add3A_1755, %mul3A_1759 : vector<16xf32>
          %lt3A_1761 = arith.constant 0 : i32
          %lt3A_1762 = vector.broadcast %lt3A_1761 : i32 to vector<16xi32>
          %lt3A_1763 = arith.cmpi slt, %xor3A_4, %lt3A_1762 : vector<16xi32>
          %add3A_1764 = arith.constant 16 : i32
          %add3A_1765 = vector.broadcast %add3A_1764 : i32 to vector<16xi32>
          %add3A_1766 = arith.addi %xor3A_4, %add3A_1765 : vector<16xi32>
          %select_n3A_1767 = arith.select %lt3A_1763, %add3A_1766, %xor3A_4 : vector<16xi1>, vector<16xi32>
          %reshape3A_1768 = vector.shape_cast %select_n3A_1767 : vector<16xi32> to vector<16x1xi32>
          %gather3A_1769 = vector.shape_cast %reshape3A_1768 : vector<16x1xi32> to vector<16xi32>
          %gather3A_1770 = tpu.dynamic_gather %add3A_1760[%gather3A_1769] in [0] : vector<16xf32>, vector<16xi32> -> vector<16xf32>
          %add3A_1771 = arith.addf %add3A_1760, %gather3A_1770 : vector<16xf32>
          %lt3A_1772 = arith.constant 0 : i32
          %lt3A_1773 = vector.broadcast %lt3A_1772 : i32 to vector<16xi32>
          %lt3A_1774 = arith.cmpi slt, %xor3A_7, %lt3A_1773 : vector<16xi32>
          %add3A_1775 = arith.constant 16 : i32
          %add3A_1776 = vector.broadcast %add3A_1775 : i32 to vector<16xi32>
          %add3A_1777 = arith.addi %xor3A_7, %add3A_1776 : vector<16xi32>
          %select_n3A_1778 = arith.select %lt3A_1774, %add3A_1777, %xor3A_7 : vector<16xi1>, vector<16xi32>
          %reshape3A_1779 = vector.shape_cast %select_n3A_1778 : vector<16xi32> to vector<16x1xi32>
          %gather3A_1780 = vector.shape_cast %reshape3A_1779 : vector<16x1xi32> to vector<16xi32>
          %gather3A_1781 = tpu.dynamic_gather %add3A_1771[%gather3A_1780] in [0] : vector<16xf32>, vector<16xi32> -> vector<16xf32>
          %add3A_1782 = arith.addf %add3A_1771, %gather3A_1781 : vector<16xf32>
          %lt3A_1783 = arith.constant 0 : i32
          %lt3A_1784 = vector.broadcast %lt3A_1783 : i32 to vector<16xi32>
          %lt3A_1785 = arith.cmpi slt, %xor3A_10, %lt3A_1784 : vector<16xi32>
          %add3A_1786 = arith.constant 16 : i32
          %add3A_1787 = vector.broadcast %add3A_1786 : i32 to vector<16xi32>
          %add3A_1788 = arith.addi %xor3A_10, %add3A_1787 : vector<16xi32>
          %select_n3A_1789 = arith.select %lt3A_1785, %add3A_1788, %xor3A_10 : vector<16xi1>, vector<16xi32>
          %reshape3A_1790 = vector.shape_cast %select_n3A_1789 : vector<16xi32> to vector<16x1xi32>
          %gather3A_1791 = vector.shape_cast %reshape3A_1790 : vector<16x1xi32> to vector<16xi32>
          %gather3A_1792 = tpu.dynamic_gather %add3A_1782[%gather3A_1791] in [0] : vector<16xf32>, vector<16xi32> -> vector<16xf32>
          %add3A_1793 = arith.addf %add3A_1782, %gather3A_1792 : vector<16xf32>
          %lt3A_1794 = arith.constant 0 : i32
          %lt3A_1795 = vector.broadcast %lt3A_1794 : i32 to vector<16xi32>
          %lt3A_1796 = arith.cmpi slt, %xor3A_13, %lt3A_1795 : vector<16xi32>
          %add3A_1797 = arith.constant 16 : i32
          %add3A_1798 = vector.broadcast %add3A_1797 : i32 to vector<16xi32>
          %add3A_1799 = arith.addi %xor3A_13, %add3A_1798 : vector<16xi32>
          %select_n3A_1800 = arith.select %lt3A_1796, %add3A_1799, %xor3A_13 : vector<16xi1>, vector<16xi32>
          %reshape3A_1801 = vector.shape_cast %select_n3A_1800 : vector<16xi32> to vector<16x1xi32>
          %gather3A_1802 = vector.shape_cast %reshape3A_1801 : vector<16x1xi32> to vector<16xi32>
          %gather3A_1803 = tpu.dynamic_gather %add3A_1793[%gather3A_1802] in [0] : vector<16xf32>, vector<16xi32> -> vector<16xf32>
          %add3A_1804 = arith.addf %add3A_1793, %gather3A_1803 : vector<16xf32>
          %select_n3A_1805 = arith.select %eq3A_404, %add3A_1804, %scan3A_369 : vector<16xi1>, vector<16xf32>
          scf.yield %select_n3A_445, %select_n3A_513, %select_n3A_581, %select_n3A_649, %select_n3A_717, %select_n3A_785, %select_n3A_853, %select_n3A_921, %select_n3A_989, %select_n3A_1057, %select_n3A_1125, %select_n3A_1193, %select_n3A_1261, %select_n3A_1329, %select_n3A_1397, %select_n3A_1465, %select_n3A_1533, %select_n3A_1601, %select_n3A_1669, %select_n3A_1737, %select_n3A_1805 : vector<16xf32>, vector<16xf32>, vector<16xf32>, vector<16xf32>, vector<16xf32>, vector<16xf32>, vector<16xf32>, vector<16xf32>, vector<16xf32>, vector<16xf32>, vector<16xf32>, vector<16xf32>, vector<16xf32>, vector<16xf32>, vector<16xf32>, vector<16xf32>, vector<16xf32>, vector<16xf32>, vector<16xf32>, vector<16xf32>, vector<16xf32>
        }
        %scan3A_277 = arith.constant 16 : i32
        %mul3A_278 = arith.constant 16 : i32
        %mul3A_279 = arith.muli %scan3A_271, %mul3A_278 : i32
        %swap3A = arith.index_cast %mul3A_279 : i32 to index
        %swap3A_280 = tpu.vector_load %arg18[%swap3A] {strides = array<i32>} : memref<32xf32, #tpu.memory_space<vmem>>, vector<16xf32>,
        tpu.vector_store %arg18[%swap3A], %scan3A_276#0 {strides = array<i32>} : memref<32xf32, #tpu.memory_space<vmem>>, vector<16xf32>,
        %mul3A_281 = arith.constant 16 : i32
        %mul3A_282 = arith.muli %scan3A_271, %mul3A_281 : i32
        %add3A_283 = vector.broadcast %mul3A_282 : i32 to vector<16xi32>
        %add3A_284 = arith.addi %add3A_283, %iota3A : vector<16xi32>
        %mul3A_285 = arith.constant 20 : i32
        %mul3A_286 = vector.broadcast %mul3A_285 : i32 to vector<16xi32>
        %mul3A_287 = arith.muli %add3A_284, %mul3A_286 : vector<16xi32>
        %add3A_288 = arith.constant 0 : i32
        %add3A_289 = vector.broadcast %add3A_288 : i32 to vector<16xi32>
        %add3A_290 = arith.addi %mul3A_287, %add3A_289 : vector<16xi32>
        tpu.vector_store_idx %arg19[%add3A_290], %scan3A_276#1 : memref<640xf32, #tpu.memory_space<vmem>>[vector<16xi32>], vector<16xf32>,
        %add3A_291 = arith.constant 1 : i32
        %add3A_292 = vector.broadcast %add3A_291 : i32 to vector<16xi32>
        %add3A_293 = arith.addi %mul3A_287, %add3A_292 : vector<16xi32>
        tpu.vector_store_idx %arg19[%add3A_293], %scan3A_276#2 : memref<640xf32, #tpu.memory_space<vmem>>[vector<16xi32>], vector<16xf32>,
        %add3A_294 = arith.constant 2 : i32
        %add3A_295 = vector.broadcast %add3A_294 : i32 to vector<16xi32>
        %add3A_296 = arith.addi %mul3A_287, %add3A_295 : vector<16xi32>
        tpu.vector_store_idx %arg19[%add3A_296], %scan3A_276#3 : memref<640xf32, #tpu.memory_space<vmem>>[vector<16xi32>], vector<16xf32>,
        %add3A_297 = arith.constant 3 : i32
        %add3A_298 = vector.broadcast %add3A_297 : i32 to vector<16xi32>
        %add3A_299 = arith.addi %mul3A_287, %add3A_298 : vector<16xi32>
        tpu.vector_store_idx %arg19[%add3A_299], %scan3A_276#4 : memref<640xf32, #tpu.memory_space<vmem>>[vector<16xi32>], vector<16xf32>,
        %add3A_300 = arith.constant 4 : i32
        %add3A_301 = vector.broadcast %add3A_300 : i32 to vector<16xi32>
        %add3A_302 = arith.addi %mul3A_287, %add3A_301 : vector<16xi32>
        tpu.vector_store_idx %arg19[%add3A_302], %scan3A_276#5 : memref<640xf32, #tpu.memory_space<vmem>>[vector<16xi32>], vector<16xf32>,
        %add3A_303 = arith.constant 5 : i32
        %add3A_304 = vector.broadcast %add3A_303 : i32 to vector<16xi32>
        %add3A_305 = arith.addi %mul3A_287, %add3A_304 : vector<16xi32>
        tpu.vector_store_idx %arg19[%add3A_305], %scan3A_276#6 : memref<640xf32, #tpu.memory_space<vmem>>[vector<16xi32>], vector<16xf32>,
        %add3A_306 = arith.constant 6 : i32
        %add3A_307 = vector.broadcast %add3A_306 : i32 to vector<16xi32>
        %add3A_308 = arith.addi %mul3A_287, %add3A_307 : vector<16xi32>
        tpu.vector_store_idx %arg19[%add3A_308], %scan3A_276#7 : memref<640xf32, #tpu.memory_space<vmem>>[vector<16xi32>], vector<16xf32>,
        %add3A_309 = arith.constant 7 : i32
        %add3A_310 = vector.broadcast %add3A_309 : i32 to vector<16xi32>
        %add3A_311 = arith.addi %mul3A_287, %add3A_310 : vector<16xi32>
        tpu.vector_store_idx %arg19[%add3A_311], %scan3A_276#8 : memref<640xf32, #tpu.memory_space<vmem>>[vector<16xi32>], vector<16xf32>,
        %add3A_312 = arith.constant 8 : i32
        %add3A_313 = vector.broadcast %add3A_312 : i32 to vector<16xi32>
        %add3A_314 = arith.addi %mul3A_287, %add3A_313 : vector<16xi32>
        tpu.vector_store_idx %arg19[%add3A_314], %scan3A_276#9 : memref<640xf32, #tpu.memory_space<vmem>>[vector<16xi32>], vector<16xf32>,
        %add3A_315 = arith.constant 9 : i32
        %add3A_316 = vector.broadcast %add3A_315 : i32 to vector<16xi32>
        %add3A_317 = arith.addi %mul3A_287, %add3A_316 : vector<16xi32>
        tpu.vector_store_idx %arg19[%add3A_317], %scan3A_276#10 : memref<640xf32, #tpu.memory_space<vmem>>[vector<16xi32>], vector<16xf32>,
        %add3A_318 = arith.constant 10 : i32
        %add3A_319 = vector.broadcast %add3A_318 : i32 to vector<16xi32>
        %add3A_320 = arith.addi %mul3A_287, %add3A_319 : vector<16xi32>
        tpu.vector_store_idx %arg19[%add3A_320], %scan3A_276#11 : memref<640xf32, #tpu.memory_space<vmem>>[vector<16xi32>], vector<16xf32>,
        %add3A_321 = arith.constant 11 : i32
        %add3A_322 = vector.broadcast %add3A_321 : i32 to vector<16xi32>
        %add3A_323 = arith.addi %mul3A_287, %add3A_322 : vector<16xi32>
        tpu.vector_store_idx %arg19[%add3A_323], %scan3A_276#12 : memref<640xf32, #tpu.memory_space<vmem>>[vector<16xi32>], vector<16xf32>,
        %add3A_324 = arith.constant 12 : i32
        %add3A_325 = vector.broadcast %add3A_324 : i32 to vector<16xi32>
        %add3A_326 = arith.addi %mul3A_287, %add3A_325 : vector<16xi32>
        tpu.vector_store_idx %arg19[%add3A_326], %scan3A_276#13 : memref<640xf32, #tpu.memory_space<vmem>>[vector<16xi32>], vector<16xf32>,
        %add3A_327 = arith.constant 13 : i32
        %add3A_328 = vector.broadcast %add3A_327 : i32 to vector<16xi32>
        %add3A_329 = arith.addi %mul3A_287, %add3A_328 : vector<16xi32>
        tpu.vector_store_idx %arg19[%add3A_329], %scan3A_276#14 : memref<640xf32, #tpu.memory_space<vmem>>[vector<16xi32>], vector<16xf32>,
        %add3A_330 = arith.constant 14 : i32
        %add3A_331 = vector.broadcast %add3A_330 : i32 to vector<16xi32>
        %add3A_332 = arith.addi %mul3A_287, %add3A_331 : vector<16xi32>
        tpu.vector_store_idx %arg19[%add3A_332], %scan3A_276#15 : memref<640xf32, #tpu.memory_space<vmem>>[vector<16xi32>], vector<16xf32>,
        %add3A_333 = arith.constant 15 : i32
        %add3A_334 = vector.broadcast %add3A_333 : i32 to vector<16xi32>
        %add3A_335 = arith.addi %mul3A_287, %add3A_334 : vector<16xi32>
        tpu.vector_store_idx %arg19[%add3A_335], %scan3A_276#16 : memref<640xf32, #tpu.memory_space<vmem>>[vector<16xi32>], vector<16xf32>,
        %add3A_336 = arith.constant 16 : i32
        %add3A_337 = vector.broadcast %add3A_336 : i32 to vector<16xi32>
        %add3A_338 = arith.addi %mul3A_287, %add3A_337 : vector<16xi32>
        tpu.vector_store_idx %arg19[%add3A_338], %scan3A_276#17 : memref<640xf32, #tpu.memory_space<vmem>>[vector<16xi32>], vector<16xf32>,
        %add3A_339 = arith.constant 17 : i32
        %add3A_340 = vector.broadcast %add3A_339 : i32 to vector<16xi32>
        %add3A_341 = arith.addi %mul3A_287, %add3A_340 : vector<16xi32>
        tpu.vector_store_idx %arg19[%add3A_341], %scan3A_276#18 : memref<640xf32, #tpu.memory_space<vmem>>[vector<16xi32>], vector<16xf32>,
        %add3A_342 = arith.constant 18 : i32
        %add3A_343 = vector.broadcast %add3A_342 : i32 to vector<16xi32>
        %add3A_344 = arith.addi %mul3A_287, %add3A_343 : vector<16xi32>
        tpu.vector_store_idx %arg19[%add3A_344], %scan3A_276#19 : memref<640xf32, #tpu.memory_space<vmem>>[vector<16xi32>], vector<16xf32>,
        %add3A_345 = arith.constant 19 : i32
        %add3A_346 = vector.broadcast %add3A_345 : i32 to vector<16xi32>
        %add3A_347 = arith.addi %mul3A_287, %add3A_346 : vector<16xi32>
        tpu.vector_store_idx %arg19[%add3A_347], %scan3A_276#20 : memref<640xf32, #tpu.memory_space<vmem>>[vector<16xi32>], vector<16xf32>,
      }
      %scan3A_268 = arith.constant 2 : i32
      "tpu.region"() ({
        %run_scoped3A = tpu.sem_alloc : memref<!tpu.dma_semaphore, #tpu.memory_space<semaphore_mem>>
        %dma_start3A_271 = tpu.memref_slice %arg6[%add3A_260] : memref<16384xf32, #tpu.memory_space<hbm>> -> memref<32xf32, #tpu.memory_space<hbm>>
        %dma_start3A_272 = tpu.memref_slice %arg6[%add3A_260] : memref<16384xf32, #tpu.memory_space<hbm>> -> memref<32xf32, #tpu.memory_space<hbm>>
        tpu.enqueue_dma source(%arg18 : memref<32xf32, #tpu.memory_space<vmem>>) target(%dma_start3A_272 : memref<32xf32, #tpu.memory_space<hbm>>) target_semaphore(%run_scoped3A : memref<!tpu.dma_semaphore, #tpu.memory_space<semaphore_mem>>)
        %dma_wait3A_273 = tpu.memref_slice %arg6[%add3A_260] : memref<16384xf32, #tpu.memory_space<hbm>> -> memref<32xf32, #tpu.memory_space<hbm>>
        %dma_wait3A_274 = tpu.memref_slice %arg6[%add3A_260] : memref<16384xf32, #tpu.memory_space<hbm>> -> memref<32xf32, #tpu.memory_space<hbm>>
        tpu.wait_dma2 semaphore(%run_scoped3A : memref<!tpu.dma_semaphore, #tpu.memory_space<semaphore_mem>>) src(%arg18 : memref<32xf32, #tpu.memory_space<vmem>>) dst(%dma_wait3A_274 : memref<32xf32, #tpu.memory_space<hbm>>)
        tpu.yield
      }) : () -> ()
      %mul3A_269 = arith.constant 20 : i32
      %mul3A_270 = arith.muli %add3A_260, %mul3A_269 : i32
      "tpu.region"() ({
        %run_scoped3A = tpu.sem_alloc : memref<!tpu.dma_semaphore, #tpu.memory_space<semaphore_mem>>
        %dma_start3A_271 = tpu.memref_slice %arg7[%mul3A_270] : memref<327680xf32, #tpu.memory_space<hbm>> -> memref<640xf32, #tpu.memory_space<hbm>>
        %dma_start3A_272 = tpu.memref_slice %arg7[%mul3A_270] : memref<327680xf32, #tpu.memory_space<hbm>> -> memref<640xf32, #tpu.memory_space<hbm>>
        tpu.enqueue_dma source(%arg19 : memref<640xf32, #tpu.memory_space<vmem>>) target(%dma_start3A_272 : memref<640xf32, #tpu.memory_space<hbm>>) target_semaphore(%run_scoped3A : memref<!tpu.dma_semaphore, #tpu.memory_space<semaphore_mem>>)
        %dma_wait3A_273 = tpu.memref_slice %arg7[%mul3A_270] : memref<327680xf32, #tpu.memory_space<hbm>> -> memref<640xf32, #tpu.memory_space<hbm>>
        %dma_wait3A_274 = tpu.memref_slice %arg7[%mul3A_270] : memref<327680xf32, #tpu.memory_space<hbm>> -> memref<640xf32, #tpu.memory_space<hbm>>
        tpu.wait_dma2 semaphore(%run_scoped3A : memref<!tpu.dma_semaphore, #tpu.memory_space<semaphore_mem>>) src(%arg19 : memref<640xf32, #tpu.memory_space<vmem>>) dst(%dma_wait3A_274 : memref<640xf32, #tpu.memory_space<hbm>>)
        tpu.yield
      }) : () -> ()
    }
    %scan3A_70 = arith.constant 8 : i32
    %dma_wait3A = arith.constant 0 : i32
    %dma_wait3A_71 = arith.constant 0 : i32
    %dma_wait3A_72 = tpu.memref_slice %arg3[%dma_wait3A, %dma_wait3A_71] : memref<16384x64xf32, #tpu.memory_space<hbm>> -> memref<32x64xf32, #tpu.memory_space<hbm>>
    %dma_wait3A_73 = arith.constant 0 : i32
    %dma_wait3A_74 = arith.constant 0 : i32
    %dma_wait3A_75 = tpu.memref_slice %arg3[%dma_wait3A_73, %dma_wait3A_74] : memref<16384x64xf32, #tpu.memory_space<hbm>> -> memref<32x64xf32, #tpu.memory_space<hbm>>
    tpu.wait_dma2 semaphore(%arg20 : memref<!tpu.dma_semaphore, #tpu.memory_space<semaphore_mem>>) src(%dma_wait3A_75 : memref<32x64xf32, #tpu.memory_space<hbm>>) dst(%arg10 : memref<32x64xf32, #tpu.memory_space<vmem>>)
    %dma_wait3A_76 = arith.constant 0 : i32
    %dma_wait3A_77 = arith.constant 0 : i32
    %dma_wait3A_78 = tpu.memref_slice %arg3[%dma_wait3A_76, %dma_wait3A_77] : memref<16384x64xf32, #tpu.memory_space<hbm>> -> memref<32x64xf32, #tpu.memory_space<hbm>>
    %dma_wait3A_79 = arith.constant 0 : i32
    %dma_wait3A_80 = arith.constant 0 : i32
    %dma_wait3A_81 = tpu.memref_slice %arg3[%dma_wait3A_79, %dma_wait3A_80] : memref<16384x64xf32, #tpu.memory_space<hbm>> -> memref<32x64xf32, #tpu.memory_space<hbm>>
    tpu.wait_dma2 semaphore(%arg20 : memref<!tpu.dma_semaphore, #tpu.memory_space<semaphore_mem>>) src(%dma_wait3A_81 : memref<32x64xf32, #tpu.memory_space<hbm>>) dst(%arg11 : memref<32x64xf32, #tpu.memory_space<vmem>>)
    %dma_wait3A_82 = arith.constant 0 : i32
    %dma_wait3A_83 = arith.constant 0 : i32
    %dma_wait3A_84 = tpu.memref_slice %arg3[%dma_wait3A_82, %dma_wait3A_83] : memref<16384x64xf32, #tpu.memory_space<hbm>> -> memref<640x64xf32, #tpu.memory_space<hbm>>
    %dma_wait3A_85 = arith.constant 0 : i32
    %dma_wait3A_86 = arith.constant 0 : i32
    %dma_wait3A_87 = tpu.memref_slice %arg3[%dma_wait3A_85, %dma_wait3A_86] : memref<16384x64xf32, #tpu.memory_space<hbm>> -> memref<640x64xf32, #tpu.memory_space<hbm>>
    tpu.wait_dma2 semaphore(%arg20 : memref<!tpu.dma_semaphore, #tpu.memory_space<semaphore_mem>>) src(%dma_wait3A_87 : memref<640x64xf32, #tpu.memory_space<hbm>>) dst(%arg12 : memref<640x64xf32, #tpu.memory_space<vmem>>)
    return
  }
}

module attributes {stable_mosaic.version = 14 : i64} {
  func.func @_loss_body(%arg0: memref<128x128xf32, #tpu.memory_space<vmem>>, %arg1: memref<2560x128xf32, #tpu.memory_space<vmem>>, %arg2: memref<1x1xf32, #tpu.memory_space<smem>>) attributes {dimension_semantics = [], scalar_prefetch = 0 : i64, scratch_operands = 0 : i64, tpu.core_type = #tpu.core_type<tc>} {
    %get3A = arith.constant 0 : index
    %get3A_0 = arith.constant 0 : index
    %get3A_1 = vector.load %arg0[%get3A, %get3A_0] : memref<128x128xf32, #tpu.memory_space<vmem>>, vector<128x128xf32>
    %get3A_2 = arith.constant 0 : index
    %get3A_3 = arith.constant 0 : index
    %get3A_4 = vector.load %arg1[%get3A_2, %get3A_3] : memref<2560x128xf32, #tpu.memory_space<vmem>>, vector<2560x128xf32>
    %logistic3A = arith.negf %get3A_1 : vector<128x128xf32>
    %logistic3A_5 = math.exp %logistic3A : vector<128x128xf32>
    %logistic3A_6 = arith.constant 1.000000e+00 : f32
    %logistic3A_7 = vector.broadcast %logistic3A_6 : f32 to vector<128x128xf32>
    %logistic3A_8 = arith.addf %logistic3A_7, %logistic3A_5 : vector<128x128xf32>
    %logistic3A_9 = arith.divf %logistic3A_7, %logistic3A_8 : vector<128x128xf32>
    %add3A = arith.constant 1.000000e-07 : f32
    %add3A_10 = vector.broadcast %add3A : f32 to vector<128x128xf32>
    %add3A_11 = arith.addf %logistic3A_9, %add3A_10 : vector<128x128xf32>
    %log3A = math.log %add3A_11 : vector<128x128xf32>
    %neg3A = arith.constant 0.000000e+00 : f32
    %neg3A_12 = vector.broadcast %neg3A : f32 to vector<128x128xf32>
    %neg3A_13 = arith.subf %neg3A_12, %log3A : vector<128x128xf32>
    %neg3A_14 = arith.constant 0.000000e+00 : f32
    %neg3A_15 = vector.broadcast %neg3A_14 : f32 to vector<2560x128xf32>
    %neg3A_16 = arith.subf %neg3A_15, %get3A_4 : vector<2560x128xf32>
    %logistic3A_17 = arith.negf %neg3A_16 : vector<2560x128xf32>
    %logistic3A_18 = math.exp %logistic3A_17 : vector<2560x128xf32>
    %logistic3A_19 = arith.constant 1.000000e+00 : f32
    %logistic3A_20 = vector.broadcast %logistic3A_19 : f32 to vector<2560x128xf32>
    %logistic3A_21 = arith.addf %logistic3A_20, %logistic3A_18 : vector<2560x128xf32>
    %logistic3A_22 = arith.divf %logistic3A_20, %logistic3A_21 : vector<2560x128xf32>
    %add3A_23 = arith.constant 1.000000e-07 : f32
    %add3A_24 = vector.broadcast %add3A_23 : f32 to vector<2560x128xf32>
    %add3A_25 = arith.addf %logistic3A_22, %add3A_24 : vector<2560x128xf32>
    %log3A_26 = math.log %add3A_25 : vector<2560x128xf32>
    %neg3A_27 = arith.constant 0.000000e+00 : f32
    %neg3A_28 = vector.broadcast %neg3A_27 : f32 to vector<2560x128xf32>
    %neg3A_29 = arith.subf %neg3A_28, %log3A_26 : vector<2560x128xf32>
    %reduce_sum3A = vector.shape_cast %neg3A_13 : vector<128x128xf32> to vector<1x128x128xf32>
    %reduce_sum3A_30 = arith.constant dense<0.000000e+00> : vector<1xf32>
    %reduce_sum3A_31 = vector.multi_reduction <add>, %reduce_sum3A, %reduce_sum3A_30 [1, 2] : vector<1x128x128xf32> to vector<1xf32>
    %reduce_sum3A_32 = vector.shape_cast %reduce_sum3A_31 : vector<1xf32> to vector<1x1x1xf32>
    %reduce_sum3A_33 = vector.extract %reduce_sum3A_32[0, 0, 0] : f32 from vector<1x1x1xf32>
    %div3A = arith.constant 1.638400e+04 : f32
    %div3A_34 = arith.divf %reduce_sum3A_33, %div3A : f32
    %reduce_sum3A_35 = vector.shape_cast %neg3A_29 : vector<2560x128xf32> to vector<1x2560x128xf32>
    %reduce_sum3A_36 = arith.constant dense<0.000000e+00> : vector<1xf32>
    %reduce_sum3A_37 = vector.multi_reduction <add>, %reduce_sum3A_35, %reduce_sum3A_36 [1, 2] : vector<1x2560x128xf32> to vector<1xf32>
    %reduce_sum3A_38 = vector.shape_cast %reduce_sum3A_37 : vector<1xf32> to vector<1x1x1xf32>
    %reduce_sum3A_39 = vector.extract %reduce_sum3A_38[0, 0, 0] : f32 from vector<1x1x1xf32>
    %div3A_40 = arith.constant 3.276800e+05 : f32
    %div3A_41 = arith.divf %reduce_sum3A_39, %div3A_40 : f32
    %add3A_42 = arith.addf %div3A_34, %div3A_41 : f32
    %swap3A = arith.constant 0 : index
    %swap3A_43 = arith.constant 0 : index
    %swap3A_44 = memref.load %arg2[%swap3A, %swap3A_43] : memref<1x1xf32, #tpu.memory_space<smem>>
    memref.store %add3A_42, %arg2[%swap3A, %swap3A_43] : memref<1x1xf32, #tpu.memory_space<smem>>
    return
  }
}

</mosaic_0001>

<sc_bundles>
// kernel: gather_offload_async_start
scs
__scs_entry_jumppad:
0x0: {  	(pc) =	sbr.rel $0x88, $3  }
0x1: {  	(tag) =	ssettag $0x0;
	lr =	simm.s32 $0x1  }
0x2: {  	[smem:$0x3F9C] =	sst lr;
	_ =	strace $0xD0000000  }
0x3: {  	_ = 	snop  }
0x4: {  	_ = 	snop  }
0x5: {  	_ = 	snop  }
0x6: {  	_ = 	snop  }
0x7: {  	_ = 	snop  }
__scs_overlays_trampoline_lowered:
0x8: {  	[smem:$0x3FAB] =	sst s0  }
0x9: {  	[smem:$0x3FAC] =	sst s1  }
0xa: {  	[smem:$0x3FAD] =	sst s2  }
0xb: {  	[smem:$0x3FAE] =	sst s3  }
0xc: {  	[smem:$0x3FAF] =	sst s4  }
0xd: {  	[smem:$0x3FB0] =	sst s5  }
0xe: {  	[smem:$0x3FB1] =	sst s6  }
0xf: {  	[smem:$0x3FB2] =	sst s7  }
0x10: {  	[smem:$0x3FB3] =	sst s8  }
0x11: {  	[smem:$0x3FB4] =	sst s9;
	s0 =	simm.s32 @!p0 $0x0  }
0x12: {  	s1 =	sld [smem:$0x3F9A];
	s0 =	simm.s32 @p0 $0x1  }
0x13: {  	[smem:$0x3FB5] =	sst s0;
	s0 =	simm.s32 @!p1 $0x0  }
0x14: {  	s2 =	sld [smem:$0x3F99];
	s0 =	simm.s32 @p1 $0x1  }
0x15: {  	[smem:$0x3FB6] =	sst s0;
	s0 =	simm.s32 @!p2 $0x0  }
0x16: {  	s3 =	sld [smem:$0x3FDB];
	s0 =	simm.s32 @p2 $0x1  }
0x17: {  	s4 =	simm.s32 $0x1BF5;
	[smem:$0x3FB8] =	sst s0  }
0x18: {  	s0 =	sld [smem:$0x3F9B];
	_ =	swait.ge [sflag:s4], $0x0  }
0x19: {  	s7 =	sld [smem:$0x3F9C]  }
0x1a: {  	s8 =	sadd.s32 $0xFFFFE003, lr  }
0x1b: {  	s9 =	sadd.s32 $0xFFFFFEF7, lr;
	s5 =	simm.s32 $0xFFFFFFFF;
	p2 =	slt.u32 s8, $0xFFFFF086  }
0x1c: {  	p1 =	slt.u32 s9, $0xF7A;
	s5 =	simm.s32 @!p2 $0x0  }
0x1d: {  	s5 =	simm.s32 @p1 $0x1;
	p0 =	seq.s32 s7, s2  }
0x1e: {  	s7 =	smul.u32 @!p0 $0xF7A, s2;
	p2 =	seq.s32 @!p0 s5, $0x0  }
0x1f: {  	s9 =	smul.u32 $0xF7A, s1;
	s8 =	simm.s32 @!p0 $0x1BF5;
	p2 =	por !p2, p0  }
0x20: {  	[sflag:s8] =	ssyncset.s32 @!p0 $0xFFFFF086;
	s6 =	sadd.s32 @!p0 s3, s7;
	s7 =	simm.s32 @!p0 $0x108  }
0x21: {  	s3 =	sadd.s32 s3, s9;
	s6 =	sadd.s32 @!p0 $0x88, s6;
	s7 =	simm.s32 @p2 $0x1082  }
0x22: {  	[simem:s7], [sflag:s8] =	dma.local @!p0 [hbm:s6], $0xF7A  }
0x23: {  	s9 =	sor.u32 $0xD0000000, s2;
	s6 =	simm.s32 $0x108;
	_ =	swait.ge @!p0 [sflag:s8], $0x0  }
0x24: {  	s3 =	sadd.s32 $0x88, s3;
	s6 =	simm.s32 @!p1 $0x1082;
	[sflag:s4] =	ssyncset.s32 $0xFFFFF086  }
0x25: {  	[simem:s6], [sflag:s4] =	dma.local [hbm:s3], $0xF7A  }
0x26: {  	[smem:$0x3F9C] =	sst s1;
	(tag) =	ssettag s2;
	_ =	strace s9  }
0x27: {  	s1 =	sld [smem:$0x3FAC]  }
0x28: {  	s2 =	sld [smem:$0x3FAD]  }
0x29: {  	s4 =	sld [smem:$0x3FAF]  }
0x2a: {  	p0 =	seq.s32 s5, $0x0;
	s5 =	sld [smem:$0x3FB0]  }
0x2b: {  	s6 =	sld [smem:$0x3FB1]  }
0x2c: {  	s7 =	sld [smem:$0x3FB2]  }
0x2d: {  	s3 =	simm.s32 $0x108;
	s8 =	sld [smem:$0x3FB3]  }
0x2e: {  	s3 =	simm.s32 @!p0 $0x1082;
	s9 =	sld [smem:$0x3FB4]  }
0x2f: {  	lr =	sadd.s32 s0, s3;
	s0 =	sld [smem:$0x3FAB]  }
0x30: {  	s3 =	sld [smem:$0x3FAE]  }
0x31: {  	[smem:$0x3FB7] =	sst s10  }
0x32: {  	s10 =	sld [smem:$0x3FB5];
	_ =	sdelay $0x3  }
0x33: {  	p0 =	seq.s32 s10, $0x1;
	s10 =	sld [smem:$0x3FB7];
	_ =	sdelay $0x3  }
0x34: {  	[smem:$0x3FB7] =	sst s10  }
0x35: {  	s10 =	sld [smem:$0x3FB6];
	_ =	sdelay $0x3  }
0x36: {  	p1 =	seq.s32 s10, $0x1;
	s10 =	sld [smem:$0x3FB7];
	_ =	sdelay $0x3  }
0x37: {  	[smem:$0x3FB7] =	sst s10  }
0x38: {  	s10 =	sld [smem:$0x3FB8]  }
0x39: {  	_ = 	snop;
	(pc) =	sbr.ind lr, $3  }
0x3a: {  	_ = 	snop  }
0x3b: {  	_ = 	snop  }
0x3c: {  	p2 =	seq.s32 s10, $0x1;
	s10 =	sld [smem:$0x3FB7]  }
0x3d: {  	_ =	shalt  }
0x3e: {  	_ =	shalt  }
0x3f: {  	_ =	shalt  }
0x40: {  	_ =	shalt  }
0x41: {  	_ =	shalt  }
0x42: {  	_ =	shalt  }
0x43: {  	_ =	shalt  }
0x44: {  	_ =	shalt  }
0x45: {  	_ =	shalt  }
0x46: {  	_ =	shalt  }
0x47: {  	_ =	shalt  }
0x48: {  	_ =	shalt  }
0x49: {  	_ =	shalt  }
0x4a: {  	_ =	shalt  }
0x4b: {  	_ =	shalt  }
0x4c: {  	_ =	shalt  }
0x4d: {  	_ =	shalt  }
0x4e: {  	_ =	shalt  }
0x4f: {  	_ =	shalt  }
0x50: {  	_ =	shalt  }
0x51: {  	_ =	shalt  }
0x52: {  	_ =	shalt  }
0x53: {  	_ =	shalt  }
0x54: {  	_ =	shalt  }
0x55: {  	_ =	shalt  }
0x56: {  	_ =	shalt  }
0x57: {  	_ =	shalt  }
0x58: {  	_ =	shalt  }
0x59: {  	_ =	shalt  }
0x5a: {  	_ =	shalt  }
0x5b: {  	_ =	shalt  }
0x5c: {  	_ =	shalt  }
0x5d: {  	_ =	shalt  }
0x5e: {  	_ =	shalt  }
0x5f: {  	_ =	shalt  }
0x60: {  	_ =	shalt  }
0x61: {  	_ =	shalt  }
0x62: {  	_ =	shalt  }
0x63: {  	_ =	shalt  }
0x64: {  	_ =	shalt  }
0x65: {  	_ =	shalt  }
0x66: {  	_ =	shalt  }
0x67: {  	_ =	shalt  }
0x68: {  	_ =	shalt  }
0x69: {  	_ =	shalt  }
0x6a: {  	_ =	shalt  }
0x6b: {  	_ =	shalt  }
0x6c: {  	_ =	shalt  }
0x6d: {  	_ =	shalt  }
0x6e: {  	_ =	shalt  }
0x6f: {  	_ =	shalt  }
0x70: {  	_ =	shalt  }
0x71: {  	_ =	shalt  }
0x72: {  	_ =	shalt  }
0x73: {  	_ =	shalt  }
0x74: {  	_ =	shalt  }
0x75: {  	_ =	shalt  }
0x76: {  	_ =	shalt  }
0x77: {  	_ =	shalt  }
0x78: {  	_ =	shalt  }
0x79: {  	_ =	shalt  }
0x7a: {  	_ =	shalt  }
0x7b: {  	_ =	shalt  }
0x7c: {  	_ =	shalt  }
0x7d: {  	_ =	shalt  }
0x7e: {  	_ =	shalt  }
0x7f: {  	_ =	shalt  }
0x80: {  	_ =	shalt  }
0x81: {  	_ =	shalt  }
0x82: {  	_ =	shalt  }
0x83: {  	_ =	shalt  }
0x84: {  	_ =	shalt  }
0x85: {  	_ =	shalt  }
0x86: {  	_ =	shalt  }
0x87: {  	_ =	shalt  }
.Lfunc_end0:
.L_simem_size_0:
called_computation_lowered:
.L_overlay_start_0:
0x88: {  	s2 =	sld [smem:$0x3FD9]  }
0x89: {  	s3 =	sld [smem:$0x3FFE];
	_ =	sdelay $0x1  }
0x8a: {  	s1 =	srdreg.scid  }
0x8b: {  	s0 =	sand.u32 $0x1, s1  }
0x8c: {  	s16 =	sshll.u32 s0, $0xA;
	s2 =	sadd.s32 s3, s2  }
0x8d: {  	s2 =	sadd.s32 s2, s16  }
0x8e: {  	[smem:$0x3FC3] =	sst s2  }
0x8f: {  	_ = 	snop  }
0x90: {  	(tm) =	ssettm $0x1  }
0x91: {  	s17 =	sld [smem:$0x3FFB];
	_ =	sdelay $0x3  }
0x92: {  	_ =	strace s17  }
0x93: {  	s2 =	sld [smem:$0x3FFC];
	_ =	sdelay $0x3  }
0x94: {  	_ =	strace s2  }
0x95: {  	s2 =	sld [smem:$0x3FFD];
	_ =	sdelay $0x3  }
0x96: {  	_ =	strace s2  }
0x97: {  	_ =	strace $0x8FFFFFFF  }
0x98: {  	s18 =	sld [smem:$0x3FDB];
	_ =	sdelay $0x1  }
0x99: {  	s19 =	simm.s32 $_scs_section_size  }
0x9a: {  	s4 =	simm.s32 $_size__tile_overlayer_lowered;
	s5 =	simm.s32 $_tile_overlayer_lowered  }
0x9b: {  	s22 =	simm.s32 $0x1BFF;
	s21 =	sshll.u32 s5, $0x1;
	s2 =	sadd.s32 s19, s18  }
0x9c: {  	s6 =	simm.s32 $0x0;
	s20 =	sshll.u32 s4, $0x1;
	s4 =	sadd.s32 s21, s2  }
0x9d: {  	[timem:s6], [sflag:s22] =	dma.local [hbm:s4], s20  }
0x9e: {  	_ =	swait.ge [sflag:s22], s20  }
0x9f: {  	s3 =	ssub.s32 $0x0, s20;
	[sflag:s22] =	ssyncset.done $0x0  }
0xa0: {  	[sflag:s22] =	ssyncadd.s32 s3;
	_ =	sdelay $0x1  }
0xa1: {  	s23 =	simm.s32 $0x1B8B  }
0xa2: {  	_ =	swait.ge [sflag:s23], $0x1  }
0xa3: {  	[sflag:s23] =	ssyncset.done $0x0  }
0xa4: {  	s25 =	simm.s32 $0x1B8E;
	s24 =	sld [smem:$0x3FFE];
	[sflag:s23] =	ssyncadd.s32 $0xFFFFFFFF  }
0xa5: {  	s26 =	simm.s32 $execute0_lowered;
	[smem:$0x3FD2] =	sst s25  }
0xa6: {  	s4 =	sshll.u32 s26, $0x1;
	_ =	strace $0x80000046;
	[dreg:$0x1] =	wrdreg $0xFFFFFFFF  }
0xa7: {  	s28 =	simm.s32 $_size_execute0_lowered;
	s2 =	sadd.s32 s2, s4;
	[dreg:$0x0] =	wrdreg $0x0  }
0xa8: {  	s4 =	sshll.u32 s28, $0x1;
	[dreg:$0x2] =	wrdreg s2  }
0xa9: {  	[dreg:$0x3] =	wrdreg s4  }
0xaa: {  	[dreg:$0x4] =	wrdreg $0xC0  }
0xab: {  	_ =	task [dreg:s6], $0x5FFFF  }
0xac: {  	[dreg:$0x1] =	wrdreg $0xFFFFFFFF  }
0xad: {  	[dreg:$0x0] =	wrdreg $0x60  }
0xae: {  	[dreg:$0x2] =	wrdreg s24  }
0xaf: {  	[dreg:$0x3] =	wrdreg $0x9  }
0xb0: {  	_ =	task.clear_ibuf [dreg:s6], $0x4FFFF;
	_ =	strace $0x90000046  }
0xb1: {  	s29 =	simm.s32 $0x9;
	_ =	strace $0x80000048  }
0xb2: {  	_ =	swait.ge [sflag:s29], $0x1  }
0xb3: {  	[sflag:s29] =	ssyncadd.s32 $0xFFFFFFFF  }
0xb4: {  	_ =	strace $0x90000048  }
0xb5: {  	_ =	sfence  }
0xb6: {  	s30 =	sld [smem:$0x0];
	_ =	sdelay $0x2  }
0xb7: {  	s31 =	sshll.u32 s1, $0xD;
	s1 =	sshrl.u32 s1, $0x2  }
0xb8: {  	s3 =	sand.u32 $0x4000, s31;
	s1 =	sadd.s32 s1, s30  }
0xb9: {  	s0 =	sor.u32 s3, s0;
	s1 =	sshll.u32 s1, $0x11  }
0xba: {  	s0 =	sor.u32 s1, s0  }
0xbb: {  	s0 =	sadd.s32 $0x8F2B, s0  }
0xbc: {  	[sflag:s0] =	ssyncadd.remote.s32 $0x1  }
0xbd: {  	_ =	sfence.sel $0xFFFF  }
0xbe: {  	[dreg:$0x0] =	wrdreg $0xFFFFFFFF;
	(pc) =	sbr.abs _section_cstart, $3  }
0xbf: {  	[dreg:$0x1] =	wrdreg $0xFFFFFFFF  }
0xc0: {  	_ =	task.clear_ibuf [dreg:s6], $0x2FFFF;
	_ =	strace $0x9FFFFFFF  }
0xc1: {  	(tm) =	ssettm $0x7FFFFFFF  }
tec
execute0_lowered:
.L_overlay_start_1:
0x0: {  	(tag) =	ssettag $0x1  }
0x1: {  	s7 =	rddreg [dreg:$0x0]  }
0x2: {  	s0 =	rddreg [dreg:$0x1];
	_ =	strace $0x80000047  }
0x3: {  	s1 =	srdreg.scid;
	s4 =	simm.s32 $0x1;
	s9 =	simm.s32 $0x3  }
0x4: {  	s11 =	simm.s32 $0x0;
	p0 =	por $0x0, $0x0;
	s5 =	sshll.u32 s1, $0x4  }
.Ltmp0:
0x5: {  	s1 =	stileid.u32;
	s5 =	sand.u32 $0x10, s5;
	(pc) =	sbr.rel .LBB2_1-.Ltmp0, $4  }
0x6: {  	s2 =	sadd.s32 $0x1C00, s7;
	s3 =	sadd.s32 $0x1400, s7;
	s6 =	sor.u32 s1, s5  }
0x7: {  	[sflag:s4] =	ssyncpa.u1 $0x0;
	s5 =	simm.s32 $0x2;
	s6 =	sshll.u32 s6, $0x9  }
0x8: {  	s7 =	sadd.s32 $0xF44000, s7;
	[sflag:s5] =	ssyncpa.u1 $0x0;
	s8 =	sadd.s32 $0x200, s6  }
0x9: {  	vm0 =	vmmov $0xff;
	vm1 =	vcmask $0x3F20;
	[sflag:s9] =	ssyncpa.u1 $0x0;
	s10 =	smov.u32 s6;
	s9 =	simm.s32 $0x0  }
.LBB2_7:
0xa: {  	p1 =	slt.u32 s9, $0x2;
	s11 =	sadd.s32 $0x100, s10  }
0xb: {  	s13 =	smov.u32 s6;
	s9 =	sadd.s32 $0x1, s9;
	p2 =	slt.s32 s11, s8  }
0xc: {  	s13 =	smov.u32 @p2 s11;
	p2 =	sne.s32 s9, $0x4  }
.Ltmp1:
0xd: {  	_ = 	snop;
	(pc) =	sbr.rel @!p2 .LBB2_8-.Ltmp1, $4  }
0xe: {  	s12 =	simm.s32 @!p1 $0x3  }
0xf: {  	_ =	swait.ge @!p1 [sflag:s12], $0x8000  }
0x10: {  	p0 =	por !p0, !p0;
	[sflag:s12] =	ssyncset.done @!p1 $0x0  }
0x11: {  	s11 =	smov.u32 s10;
	s10 =	smov.u32 s13;
	[sflag:s12] =	ssyncadd.s32 @!p1 $0xFFFF8000  }
.LBB2_1:
0x12: {  	p1 =	sgt.u32 s9, $0x1  }
0x13: {  	s12 =	sshll.u32 @!p1 s9, $0x8;
	s13 =	sshrl.u32 @!p1 s10, $0x3  }
0x14: {  	s14 =	sand.u32 @!p1 $0x7, s10;
	s12 =	sxor.u32 @!p1 $0x100, s12;
	s13 =	sadd.s32 @!p1 s3, s13  }
0x15: {  	[tilespmem:s12], [sflag:$0x2] =	stream.linear.gather @!p1 [hbm4b:s13+s14], $0x100, $0x38;
	[tilespmem:$0x10200] =	vst v63  }
0x16: {  	p1 =	seq.s32 s9, $0x0  }
0x17: {  	p2 =	seq.s32 @!p1 s9, $0x3  }
0x18: {  	p1 =	por p1, p2  }
.Ltmp2:
0x19: {  	_ = 	snop;
	(pc) =	sbr.rel @p1 .LBB2_7-.Ltmp2, $1  }
0x1a: {  	_ =	sdelay $0x3  }
0x1b: {  	s12 =	simm.s32 $0x1  }
0x1c: {  	_ =	swait.ge [sflag:s5], $0x100;
	s12 =	simm.s32 @!p0 $0x0  }
0x1d: {  	[sflag:s5] =	ssyncset.done $0x0;
	s14 =	sshll.u32 s12, $0x8  }
0x1e: {  	[sflag:s5] =	ssyncadd.s32 $0xFFFFFF00;
	s13 =	sadd.s32 $0x0, s14  }
0x1f: {  	v0 =	vld.msk [tilespmem:s13+$0x0 ss:$0x1], $0xffff;
	_ =	sdelay $0x4  }
0x20: {  	vm2 =	vgt.s32 v0, $0x0  }
0x21: {  	v0 =	vnsel vm2, $0x0, v0  }
0x22: {  	v0 =	vmin.u32 v0, $0xF423F  }
0x23: {  	v0 =	vshll.u32 v0, $0x4;
	_ =	sdelay $0x2  }
0x24: {  	s12 =	sshll.u32 s12, $0xF  }
0x25: {  	s12 =	sor.u32 $0x200, s12  }
0x26: {  	[tilespmem:s12], [sflag:$0x1] =	stream.indirect_vreg.gather [hbm:s2], $0x80, v0, vm0, $0x38;
	[tilespmem:$0x10200] =	vst v63  }
0x27: {  	s15 =	sadd.s32 $0x10, s14;
	s13 =	sadd.s32 $0x400, s12  }
0x28: {  	[tilespmem:s13], [sflag:$0x1] =	stream.indirect_vreg.gather [hbm:s2], $0x80, v0, vm1, $0x38;
	[tilespmem:$0x10200] =	vst v63  }
0x29: {  	s16 =	simm.s32 $0x80;
	v0 =	vld.msk [tilespmem:s15+$0x0 ss:$0x1], $0xffff;
	s15 =	smov.u32 s12  }
.LBB2_3:
0x2a: {  	p1 =	sne.s32 s16, $0x3C0;
	_ =	sdelay $0x4  }
0x2b: {  	vm2 =	vgt.s32 v0, $0x0  }
0x2c: {  	v0 =	vnsel vm2, $0x0, v0  }
0x2d: {  	v0 =	vmin.u32 v0, $0xF423F  }
0x2e: {  	v0 =	vshll.u32 v0, $0x4;
	_ =	sdelay $0x3  }
.Ltmp3:
0x2f: {  	s17 =	sshra.s32 s16, $0x2;
	s15 =	sadd.s32 $0x800, s15;
	(pc) =	sbr.rel @p1 .LBB2_3-.Ltmp3, $4  }
0x30: {  	[tilespmem:s15], [sflag:$0x1] =	stream.indirect_vreg.gather [hbm:s2], $0x80, v0, vm0, $0x38;
	[tilespmem:$0x10200] =	vst v63  }
0x31: {  	s17 =	sadd.s32 s17, s14;
	s18 =	sadd.s32 $0x400, s15  }
0x32: {  	[tilespmem:s18], [sflag:$0x1] =	stream.indirect_vreg.gather [hbm:s2], $0x80, v0, vm1, $0x38;
	[tilespmem:$0x10200] =	vst v63  }
0x33: {  	s16 =	sadd.s32 $0x40, s16;
	v0 =	vld.msk [tilespmem:s17+$0x0 ss:$0x1], $0xffff  }
0x34: {  	_ =	sdelay $0x3  }
0x35: {  	vm2 =	vgt.s32 v0, $0x0  }
0x36: {  	v0 =	vnsel vm2, $0x0, v0  }
0x37: {  	v0 =	vmin.u32 v0, $0xF423F  }
0x38: {  	v0 =	vshll.u32 v0, $0x4;
	_ =	sdelay $0x3  }
0x39: {  	s14 =	sadd.s32 $0x800, s15  }
0x3a: {  	[tilespmem:s14], [sflag:$0x1] =	stream.indirect_vreg.gather [hbm:s2], $0x80, v0, vm0, $0x38;
	[tilespmem:$0x10200] =	vst v63  }
0x3b: {  	s14 =	sadd.s32 $0x400, s14  }
0x3c: {  	[tilespmem:s14], [sflag:$0x1] =	stream.indirect_vreg.gather [hbm:s2], $0x80, v0, vm1, $0x38;
	[tilespmem:$0x10200] =	vst v63  }
0x3d: {  	s11 =	sshll.u32 s11, $0x4;
	_ =	swait.ge [sflag:s4], $0x8000  }
0x3e: {  	s11 =	sadd.s32 s11, s7;
	[sflag:s4] =	ssyncset.done $0x0  }
0x3f: {  	s15 =	sadd.s32 $0x0, s11;
	s14 =	simm.s32 $0x80;
	[sflag:s4] =	ssyncadd.s32 $0xFFFF8000  }
.LBB2_5:
0x40: {  	[hbm:s15] =	stream.linear.scatter [tilespmem:s12], [sflag:$0x3], $0x400, $0x38;
	[tilespmem:$0x10200] =	vst v63  }
0x41: {  	s15 =	smov.u32 s14;
	s12 =	smov.u32 s13;
	p1 =	sne.s32 s14, $0xF80  }
.Ltmp4:
0x42: {  	s14 =	sadd.s32 $0x80, s14;
	(pc) =	sbr.rel @p1 .LBB2_5-.Ltmp4, $2  }
0x43: {  	_ =	sdelay $0x2  }
0x44: {  	s13 =	sadd.s32 $0x400, s13;
	s15 =	sadd.s32 s15, s11  }
.Ltmp5:
0x45: {  	(pc) =	sbr.rel .LBB2_7-.Ltmp5, $2  }
0x46: {  	_ =	sdelay $0x2  }
0x47: {  	[hbm:s15] =	stream.linear.scatter [tilespmem:s12], [sflag:$0x3], $0x400, $0x38;
	[tilespmem:$0x10200] =	vst v63  }
.LBB2_8:
0x48: {  	_ =	sfence.sel $0x180000  }
0x49: {  	s2 =	simm.s32 $0x2;
	[bflag:$0x0] =	sbarrier.arrive $0xFFFF  }
0x4a: {  	s30 =	simm.s32 $0x3;
	[sflag:s2] =	ssyncpa.u1 $0x1  }
0x4b: {  	s31 =	simm.s32 $0x1;
	[sflag:s30] =	ssyncpa.u1 $0x1  }
0x4c: {  	[sflag:s31] =	ssyncpa.u1 $0x1  }
0x4d: {  	p0 =	sne.s32 s1, $0x0;
	_ =	strace $0x90000047  }
0x4e: {  	s0 =	sadd.s32 @!p0 $0x100000, s0;
	[bflag:$0x2] =	sbarrier.arrive $0xFFFF  }
0x4f: {  	[sflag:s0] =	ssyncadd.tile.s32 @!p0 $0x1;
	_ =	shalt  }
.Lfunc_end2:
_tile_overlayer_lowered:
.L_overlay_start_2:
0x50: {  	(tag) =	ssettag $0x2  }
0x51: {  	s0 =	rddreg [dreg:$0x0];
	s2 =	stileid.u32  }
0x52: {  	s1 =	rddreg [dreg:$0x1];
	p0 =	sne.s32 s2, $0x0  }
0x53: {  	s3 =	rddreg [dreg:$0x2];
	[bflag:$0x3] =	sbarrier.arrive $0xFFFF;
	s2 =	simm.s32 @!p0 $0x1C01  }
0x54: {  	[timem:s3], [sflag:s2] =	dma.local @!p0 [hbm:s0], s1  }
0x55: {  	s0 =	simm.s32 @!p0 $0x1  }
0x56: {  	_ =	swait.ge @!p0 [sflag:s0], s1  }
0x57: {  	s1 =	ssub.s32 @!p0 $0x0, s1;
	[sflag:s0] =	ssyncset.done @!p0 $0x0  }
0x58: {  	[sflag:s0] =	ssyncadd.s32 @!p0 s1  }
0x59: {  	[bflag:$0x3] =	sbarrier.arrive $0xFFFF  }
0x5a: {  	_ =	shalt  }

// kernel: kernel.4.cloned.1.call-start
scs
__scs_entry_jumppad:
0x0: {  	(pc) =	sbr.rel $0x88, $3  }
0x1: {  	(tag) =	ssettag $0x0;
	lr =	simm.s32 $0x1  }
0x2: {  	[smem:$0x3F9C] =	sst lr;
	_ =	strace $0xD0000000  }
0x3: {  	_ = 	snop  }
0x4: {  	_ = 	snop  }
0x5: {  	_ = 	snop  }
0x6: {  	_ = 	snop  }
0x7: {  	_ = 	snop  }
__scs_overlays_trampoline_lowered:
0x8: {  	[smem:$0x3FAB] =	sst s0  }
0x9: {  	[smem:$0x3FAC] =	sst s1  }
0xa: {  	[smem:$0x3FAD] =	sst s2  }
0xb: {  	[smem:$0x3FAE] =	sst s3  }
0xc: {  	[smem:$0x3FAF] =	sst s4  }
0xd: {  	[smem:$0x3FB0] =	sst s5  }
0xe: {  	[smem:$0x3FB1] =	sst s6  }
0xf: {  	[smem:$0x3FB2] =	sst s7  }
0x10: {  	[smem:$0x3FB3] =	sst s8  }
0x11: {  	[smem:$0x3FB4] =	sst s9;
	s0 =	simm.s32 @!p0 $0x0  }
0x12: {  	s1 =	sld [smem:$0x3F9A];
	s0 =	simm.s32 @p0 $0x1  }
0x13: {  	[smem:$0x3FB5] =	sst s0;
	s0 =	simm.s32 @!p1 $0x0  }
0x14: {  	s2 =	sld [smem:$0x3F99];
	s0 =	simm.s32 @p1 $0x1  }
0x15: {  	[smem:$0x3FB6] =	sst s0;
	s0 =	simm.s32 @!p2 $0x0  }
0x16: {  	s3 =	sld [smem:$0x3FDB];
	s0 =	simm.s32 @p2 $0x1  }
0x17: {  	s4 =	simm.s32 $0x1BF5;
	[smem:$0x3FB8] =	sst s0  }
0x18: {  	s0 =	sld [smem:$0x3F9B];
	_ =	swait.ge [sflag:s4], $0x0  }
0x19: {  	s7 =	sld [smem:$0x3F9C]  }
0x1a: {  	s8 =	sadd.s32 $0xFFFFE003, lr  }
0x1b: {  	s9 =	sadd.s32 $0xFFFFFEF7, lr;
	s5 =	simm.s32 $0xFFFFFFFF;
	p2 =	slt.u32 s8, $0xFFFFF086  }
0x1c: {  	p1 =	slt.u32 s9, $0xF7A;
	s5 =	simm.s32 @!p2 $0x0  }
0x1d: {  	s5 =	simm.s32 @p1 $0x1;
	p0 =	seq.s32 s7, s2  }
0x1e: {  	s7 =	smul.u32 @!p0 $0xF7A, s2;
	p2 =	seq.s32 @!p0 s5, $0x0  }
0x1f: {  	s9 =	smul.u32 $0xF7A, s1;
	s8 =	simm.s32 @!p0 $0x1BF5;
	p2 =	por !p2, p0  }
0x20: {  	[sflag:s8] =	ssyncset.s32 @!p0 $0xFFFFF086;
	s6 =	sadd.s32 @!p0 s3, s7;
	s7 =	simm.s32 @!p0 $0x108  }
0x21: {  	s3 =	sadd.s32 s3, s9;
	s6 =	sadd.s32 @!p0 $0x88, s6;
	s7 =	simm.s32 @p2 $0x1082  }
0x22: {  	[simem:s7], [sflag:s8] =	dma.local @!p0 [hbm:s6], $0xF7A  }
0x23: {  	s9 =	sor.u32 $0xD0000000, s2;
	s6 =	simm.s32 $0x108;
	_ =	swait.ge @!p0 [sflag:s8], $0x0  }
0x24: {  	s3 =	sadd.s32 $0x88, s3;
	s6 =	simm.s32 @!p1 $0x1082;
	[sflag:s4] =	ssyncset.s32 $0xFFFFF086  }
0x25: {  	[simem:s6], [sflag:s4] =	dma.local [hbm:s3], $0xF7A  }
0x26: {  	[smem:$0x3F9C] =	sst s1;
	(tag) =	ssettag s2;
	_ =	strace s9  }
0x27: {  	s1 =	sld [smem:$0x3FAC]  }
0x28: {  	s2 =	sld [smem:$0x3FAD]  }
0x29: {  	s4 =	sld [smem:$0x3FAF]  }
0x2a: {  	p0 =	seq.s32 s5, $0x0;
	s5 =	sld [smem:$0x3FB0]  }
0x2b: {  	s6 =	sld [smem:$0x3FB1]  }
0x2c: {  	s7 =	sld [smem:$0x3FB2]  }
0x2d: {  	s3 =	simm.s32 $0x108;
	s8 =	sld [smem:$0x3FB3]  }
0x2e: {  	s3 =	simm.s32 @!p0 $0x1082;
	s9 =	sld [smem:$0x3FB4]  }
0x2f: {  	lr =	sadd.s32 s0, s3;
	s0 =	sld [smem:$0x3FAB]  }
0x30: {  	s3 =	sld [smem:$0x3FAE]  }
0x31: {  	[smem:$0x3FB7] =	sst s10  }
0x32: {  	s10 =	sld [smem:$0x3FB5];
	_ =	sdelay $0x3  }
0x33: {  	p0 =	seq.s32 s10, $0x1;
	s10 =	sld [smem:$0x3FB7];
	_ =	sdelay $0x3  }
0x34: {  	[smem:$0x3FB7] =	sst s10  }
0x35: {  	s10 =	sld [smem:$0x3FB6];
	_ =	sdelay $0x3  }
0x36: {  	p1 =	seq.s32 s10, $0x1;
	s10 =	sld [smem:$0x3FB7];
	_ =	sdelay $0x3  }
0x37: {  	[smem:$0x3FB7] =	sst s10  }
0x38: {  	s10 =	sld [smem:$0x3FB8]  }
0x39: {  	_ = 	snop;
	(pc) =	sbr.ind lr, $3  }
0x3a: {  	_ = 	snop  }
0x3b: {  	_ = 	snop  }
0x3c: {  	p2 =	seq.s32 s10, $0x1;
	s10 =	sld [smem:$0x3FB7]  }
0x3d: {  	_ =	shalt  }
0x3e: {  	_ =	shalt  }
0x3f: {  	_ =	shalt  }
0x40: {  	_ =	shalt  }
0x41: {  	_ =	shalt  }
0x42: {  	_ =	shalt  }
0x43: {  	_ =	shalt  }
0x44: {  	_ =	shalt  }
0x45: {  	_ =	shalt  }
0x46: {  	_ =	shalt  }
0x47: {  	_ =	shalt  }
0x48: {  	_ =	shalt  }
0x49: {  	_ =	shalt  }
0x4a: {  	_ =	shalt  }
0x4b: {  	_ =	shalt  }
0x4c: {  	_ =	shalt  }
0x4d: {  	_ =	shalt  }
0x4e: {  	_ =	shalt  }
0x4f: {  	_ =	shalt  }
0x50: {  	_ =	shalt  }
0x51: {  	_ =	shalt  }
0x52: {  	_ =	shalt  }
0x53: {  	_ =	shalt  }
0x54: {  	_ =	shalt  }
0x55: {  	_ =	shalt  }
0x56: {  	_ =	shalt  }
0x57: {  	_ =	shalt  }
0x58: {  	_ =	shalt  }
0x59: {  	_ =	shalt  }
0x5a: {  	_ =	shalt  }
0x5b: {  	_ =	shalt  }
0x5c: {  	_ =	shalt  }
0x5d: {  	_ =	shalt  }
0x5e: {  	_ =	shalt  }
0x5f: {  	_ =	shalt  }
0x60: {  	_ =	shalt  }
0x61: {  	_ =	shalt  }
0x62: {  	_ =	shalt  }
0x63: {  	_ =	shalt  }
0x64: {  	_ =	shalt  }
0x65: {  	_ =	shalt  }
0x66: {  	_ =	shalt  }
0x67: {  	_ =	shalt  }
0x68: {  	_ =	shalt  }
0x69: {  	_ =	shalt  }
0x6a: {  	_ =	shalt  }
0x6b: {  	_ =	shalt  }
0x6c: {  	_ =	shalt  }
0x6d: {  	_ =	shalt  }
0x6e: {  	_ =	shalt  }
0x6f: {  	_ =	shalt  }
0x70: {  	_ =	shalt  }
0x71: {  	_ =	shalt  }
0x72: {  	_ =	shalt  }
0x73: {  	_ =	shalt  }
0x74: {  	_ =	shalt  }
0x75: {  	_ =	shalt  }
0x76: {  	_ =	shalt  }
0x77: {  	_ =	shalt  }
0x78: {  	_ =	shalt  }
0x79: {  	_ =	shalt  }
0x7a: {  	_ =	shalt  }
0x7b: {  	_ =	shalt  }
0x7c: {  	_ =	shalt  }
0x7d: {  	_ =	shalt  }
0x7e: {  	_ =	shalt  }
0x7f: {  	_ =	shalt  }
0x80: {  	_ =	shalt  }
0x81: {  	_ =	shalt  }
0x82: {  	_ =	shalt  }
0x83: {  	_ =	shalt  }
0x84: {  	_ =	shalt  }
0x85: {  	_ =	shalt  }
0x86: {  	_ =	shalt  }
0x87: {  	_ =	shalt  }
.Lfunc_end0:
.L_simem_size_0:
called_computation.1_lowered:
.L_overlay_start_0:
0x88: {  	s2 =	sld [smem:$0x3FD9]  }
0x89: {  	s3 =	sld [smem:$0x3FFE];
	_ =	sdelay $0x1  }
0x8a: {  	s1 =	srdreg.scid  }
0x8b: {  	s0 =	sand.u32 $0x1, s1  }
0x8c: {  	s17 =	sshll.u32 s0, $0xA;
	s2 =	sadd.s32 s3, s2  }
0x8d: {  	s2 =	sadd.s32 s2, s17  }
0x8e: {  	[smem:$0x3FC3] =	sst s2  }
0x8f: {  	_ = 	snop  }
0x90: {  	s2 =	sld [smem:$0x3FC8];
	(tm) =	ssettm $0x1  }
0x91: {  	s18 =	sld [smem:$0x3FFB];
	_ =	sdelay $0x3  }
0x92: {  	_ =	strace s18  }
0x93: {  	s3 =	sld [smem:$0x3FFC];
	_ =	sdelay $0x3  }
0x94: {  	_ =	strace s3  }
0x95: {  	s3 =	sld [smem:$0x3FFD];
	_ =	sdelay $0x3  }
0x96: {  	_ =	strace s3  }
0x97: {  	_ =	strace $0x8FFFFFFF  }
0x98: {  	s19 =	sld [smem:$0x3FDB];
	_ =	sdelay $0x1  }
0x99: {  	s4 =	simm.s32 $_scs_section_size  }
0x9a: {  	s5 =	simm.s32 $_size__tile_overlayer_lowered;
	s6 =	simm.s32 $_tile_overlayer_lowered  }
0x9b: {  	s22 =	simm.s32 $0x1BFF;
	s21 =	sshll.u32 s6, $0x1;
	s3 =	sadd.s32 s4, s19  }
0x9c: {  	s7 =	simm.s32 $0x0;
	s20 =	sshll.u32 s5, $0x1;
	s5 =	sadd.s32 s21, s3  }
0x9d: {  	[timem:s7], [sflag:s22] =	dma.local [hbm:s5], s20  }
0x9e: {  	_ =	swait.ge [sflag:s22], s20  }
0x9f: {  	s4 =	ssub.s32 $0x0, s20;
	[sflag:s22] =	ssyncset.done $0x0  }
0xa0: {  	[sflag:s22] =	ssyncadd.s32 s4;
	_ =	sdelay $0x1  }
0xa1: {  	s23 =	simm.s32 $0x1B8B  }
0xa2: {  	_ =	swait.ge [sflag:s23], $0x1  }
0xa3: {  	[sflag:s23] =	ssyncset.done $0x0  }
0xa4: {  	s25 =	simm.s32 $0x1B8E;
	s24 =	sld [smem:$0x3FFE];
	[sflag:s23] =	ssyncadd.s32 $0xFFFFFFFF  }
0xa5: {  	s26 =	simm.s32 $execute0_lowered;
	[smem:$0x3FD2] =	sst s25  }
0xa6: {  	s5 =	sshll.u32 s26, $0x1;
	_ =	strace $0x80000049;
	[dreg:$0x1] =	wrdreg $0xFFFFFFFF  }
0xa7: {  	s28 =	simm.s32 $_size_execute0_lowered;
	s3 =	sadd.s32 s3, s5;
	[dreg:$0x0] =	wrdreg $0x0  }
0xa8: {  	s5 =	sshll.u32 s28, $0x1;
	[dreg:$0x2] =	wrdreg s3  }
0xa9: {  	[dreg:$0x3] =	wrdreg s5  }
0xaa: {  	[dreg:$0x4] =	wrdreg $0xC0  }
0xab: {  	_ =	task [dreg:s7], $0x5FFFF  }
0xac: {  	[dreg:$0x1] =	wrdreg $0xFFFFFFFF  }
0xad: {  	[dreg:$0x0] =	wrdreg $0x60  }
0xae: {  	[dreg:$0x2] =	wrdreg s24  }
0xaf: {  	[dreg:$0x3] =	wrdreg s2  }
0xb0: {  	[dreg:$0x4] =	wrdreg $0x9  }
0xb1: {  	_ =	task.clear_ibuf [dreg:s7], $0x5FFFF;
	_ =	strace $0x90000049  }
0xb2: {  	s29 =	simm.s32 $0x9;
	_ =	strace $0x8000004B  }
0xb3: {  	_ =	swait.ge [sflag:s29], $0x1  }
0xb4: {  	[sflag:s29] =	ssyncadd.s32 $0xFFFFFFFF  }
0xb5: {  	_ =	strace $0x9000004B  }
0xb6: {  	_ =	sfence  }
0xb7: {  	s30 =	sld [smem:$0x0];
	_ =	sdelay $0x2  }
0xb8: {  	s31 =	sshll.u32 s1, $0xD;
	s1 =	sshrl.u32 s1, $0x2  }
0xb9: {  	s3 =	sand.u32 $0x4000, s31;
	s1 =	sadd.s32 s1, s30  }
0xba: {  	s0 =	sor.u32 s3, s0;
	s1 =	sshll.u32 s1, $0x11  }
0xbb: {  	s0 =	sor.u32 s1, s0  }
0xbc: {  	s0 =	sadd.s32 $0x8F2B, s0  }
0xbd: {  	[sflag:s0] =	ssyncadd.remote.s32 $0x1  }
0xbe: {  	_ =	sfence.sel $0xFFFF  }
0xbf: {  	[dreg:$0x0] =	wrdreg $0xFFFFFFFF;
	(pc) =	sbr.abs _section_cstart, $3  }
0xc0: {  	[dreg:$0x1] =	wrdreg $0xFFFFFFFF  }
0xc1: {  	_ =	task.clear_ibuf [dreg:s7], $0x2FFFF;
	_ =	strace $0x9FFFFFFF  }
0xc2: {  	(tm) =	ssettm $0x7FFFFFFF  }
0xc3: {  	_ =	shalt  }
tec
execute0_lowered:
.L_overlay_start_1:
0x0: {  	(tag) =	ssettag $0x1  }
0x1: {  	s0 =	rddreg [dreg:$0x0]  }
0x2: {  	s1 =	rddreg [dreg:$0x1];
	s2 =	simm.s32 $0x0;
	s3 =	srdreg.scid;
	v0 =	vimm.s32 $0xFEDCBA98;
	v1 =	vimm.s32 $0x76543210  }
0x3: {  	s6 =	stileid.u32;
	v2 =	vimm.s32 $0xBA98FEDC;
	v3 =	vimm.s32 $0x32107654;
	s23 =	simm.s32 $0x3;
	s28 =	simm.s32 $0x220  }
0x4: {  	v4 =	vimm.s32 $0xDCFE98BA;
	s29 =	simm.s32 $0x92A0;
	s30 =	simm.s32 $0xB2A0;
	s31 =	simm.s32 $0xB2C0  }
0x5: {  	v5 =	vimm.s32 $0x54761032;
	v6 =	vimm.s32 $0xEFCDAB89;
	s19 =	simm.s32 $0x1;
	s12 =	simm.s32 $0x0;
	[smem:$0x7FF] =	sst s2  }
0x6: {  	v7 =	vimm.s32 $0x67452301;
	s4 =	sadd.s32 $0x1ED0400, s0;
	s5 =	sadd.s32 $0xF8E000, s0;
	s3 =	sand.u32 $0x1, s3  }
0x7: {  	s7 =	sshll.u32 s6, $0x1;
	s6 =	sadd.s32 $0xF84000, s0;
	s8 =	sadd.s32 $0xFAE000, s0;
	v0 =	vunpack.c.l.s4.s8 v0;
	v1 =	vunpack.c.l.s4.s8 v1;
	v2 =	vunpack.c.l.s4.s8 v2  }
0x8: {  	v3 =	vunpack.c.l.s4.s8 v3;
	v4 =	vunpack.c.l.s4.s8 v4;
	v5 =	vunpack.c.l.s4.s8 v5;
	_ =	strace $0x8000004A;
	s9 =	ssub.s32 $0x2, s3;
	s3 =	sor.u32 s3, s7  }
0x9: {  	v6 =	vunpack.c.l.s4.s8 v6;
	v7 =	vunpack.c.l.s4.s8 v7;
	s7 =	sadd.s32 $0xFB8000, s0;
	s10 =	sshrl.u32 s9, $0x1;
	s11 =	smul.u32 $0x500, s3;
	v0 =	vunpack.c.0.s8.s32 v0  }
0xa: {  	s25 =	sshll.u32 s3, $0x6;
	v2 =	vunpack.c.0.s8.s32 v2;
	v3 =	vunpack.c.0.s8.s32 v3;
	v4 =	vunpack.c.0.s8.s32 v4;
	s24 =	ssub.s32 s9, s10;
	s9 =	sshll.u32 s3, $0x9  }
0xb: {  	v5 =	vunpack.c.0.s8.s32 v5;
	v6 =	vunpack.c.0.s8.s32 v6;
	v7 =	vunpack.c.0.s8.s32 v7;
	s10 =	sadd.s32 s1, s25;
	s3 =	sshll.u32 s3, $0xC;
	s25 =	simm.s32 $0x80  }
0xc: {  	v1 =	vunpack.c.0.s8.s32 v1;
	[dreg:$0x3] =	wrdreg s10;
	s26 =	sadd.s32 s6, s11;
	s3 =	sadd.s32 s5, s3;
	v2 =	vcombine.low v3, v2  }
0xd: {  	s18 =	sor.u32 $0x40, s9;
	s0 =	smax.u32 s24, $0x1;
	v3 =	vcombine.low v5, v4;
	v0 =	vand.u32 $0xF, v0;
	v4 =	vcombine.low v7, v6;
	[dreg:$0x4] =	wrdreg s26  }
0xe: {  	v45 =	vlaneseq.u32;
	s24 =	simm.s32 $0x20;
	s10 =	simm.s32 $0x2;
	[dreg:$0x5] =	wrdreg s3;
	v1 =	vcombine.low v0, v1  }
0xf: {  	[dreg:$0x6] =	wrdreg s0;
	s0 =	simm.s32 $0x16560;
	s3 =	simm.s32 $0x16540;
	v2 =	vand.u32 $0xF, v2;
	v3 =	vand.u32 $0xF, v3;
	v4 =	vand.u32 $0xF, v4  }
.LBB2_1:
0x10: {  	[dreg:$0x7] =	wrdreg s12  }
0x11: {  	s11 =	rddreg [dreg:$0x3]  }
0x12: {  	[tilespmem:s2], [sflag:$0x3] =	stream.linear.gather [hbm4b:s11+s2], $0x20, $0x38;
	[tilespmem:$0x167E0] =	vst v63  }
0x13: {  	_ =	swait.ge [sflag:s23], $0x20  }
0x14: {  	[sflag:s23] =	ssyncset.done $0x0  }
0x15: {  	s26 =	rddreg [dreg:$0x4];
	[sflag:s23] =	ssyncadd.s32 $0xFFFFFFE0  }
0x16: {  	[tilespmem:s24], [sflag:$0x3] =	stream.linear.gather [hbm4b:s26+s2], $0x280, $0x38;
	[tilespmem:$0x167E0] =	vst v63  }
0x17: {  	_ =	swait.ge [sflag:s23], $0x280  }
0x18: {  	[sflag:s23] =	ssyncset.done $0x0  }
0x19: {  	s12 =	simm.s32 $0x2A0;
	s13 =	rddreg [dreg:$0x5];
	[sflag:s23] =	ssyncadd.s32 $0xFFFFFD80  }
0x1a: {  	[tilespmem:s12], [sflag:$0x1] =	stream.linear.gather [hbm4b:s13+s2], $0x800, $0x38;
	[tilespmem:$0x167E0] =	vst v63  }
0x1b: {  	s14 =	simm.s32 $0xAA0  }
0x1c: {  	[tilespmem:s14], [sflag:$0x1] =	stream.indirect.gather [hbm4b:s4+s24], $0x40, s2, s24, $0xb8;
	[tilespmem:$0x167E0] =	vst v63  }
0x1d: {  	s15 =	simm.s32 $0x12A0  }
0x1e: {  	[tilespmem:s15], [sflag:$0x1] =	stream.indirect.gather [hbm4b:s4+s25], $0x40, s24, s25, $0xb8;
	[tilespmem:$0x167E0] =	vst v63  }
0x1f: {  	s16 =	simm.s32 $0xA0;
	s17 =	simm.s32 $0x32A0  }
0x20: {  	[tilespmem:s17], [sflag:$0x1] =	stream.indirect.gather [hbm4b:s4+s25], $0x40, s16, s25, $0xb8;
	[tilespmem:$0x167E0] =	vst v63  }
0x21: {  	s20 =	simm.s32 $0x120;
	s21 =	simm.s32 $0x52A0  }
0x22: {  	[tilespmem:s21], [sflag:$0x1] =	stream.indirect.gather [hbm4b:s4+s25], $0x40, s20, s25, $0xb8;
	[tilespmem:$0x167E0] =	vst v63  }
0x23: {  	s22 =	simm.s32 $0x1A0;
	s26 =	simm.s32 $0x72A0  }
0x24: {  	[tilespmem:s26], [sflag:$0x1] =	stream.indirect.gather [hbm4b:s4+s25], $0x40, s22, s25, $0xb8;
	[tilespmem:$0x167E0] =	vst v63  }
0x25: {  	s11 =	simm.s32 $0x0  }
0x26: {  	[tilespmem:s29], [sflag:$0x1] =	stream.indirect.gather [hbm4b:s4+s25], $0x40, s28, s25, $0xb8;
	[tilespmem:$0x167E0] =	vst v63  }
.LBB2_2:
0x27: {  	s12 =	sshll.u32 s11, $0x6  }
0x28: {  	s13 =	sor.u32 s12, s9  }
0x29: {  	s15 =	sor.u32 $0x20, s13  }
0x2a: {  	s17 =	sshrl.u32 s15, $0x3  }
0x2b: {  	s14 =	simm.s32 $0x0;
	s21 =	smul.u32 $0x14, s15;
	s20 =	sadd.s32 s1, s17  }
0x2c: {  	[tilespmem:s30], [sflag:$0x3] =	stream.linear.gather [hbm4b:s20+s14], $0x20, $0x38;
	[tilespmem:$0x167E0] =	vst v63  }
0x2d: {  	_ =	swait.ge [sflag:s23], $0x20  }
0x2e: {  	s12 =	sshrl.u32 s21, $0x3;
	[sflag:s23] =	ssyncset.done $0x0  }
0x2f: {  	s16 =	sadd.s32 s6, s12;
	[sflag:s23] =	ssyncadd.s32 $0xFFFFFFE0  }
0x30: {  	[tilespmem:s31], [sflag:$0x3] =	stream.linear.gather [hbm4b:s16+s14], $0x280, $0x38;
	[tilespmem:$0x167E0] =	vst v63  }
0x31: {  	s15 =	sshll.u32 s15, $0x3;
	_ =	swait.ge [sflag:s23], $0x280  }
0x32: {  	s15 =	sand.u32 $0x1FFFFF00, s15;
	[sflag:s23] =	ssyncset.done $0x0  }
0x33: {  	s22 =	simm.s32 $0xB540;
	s15 =	sadd.s32 s5, s15;
	[sflag:s23] =	ssyncadd.s32 $0xFFFFFD80  }
0x34: {  	[tilespmem:s22], [sflag:$0x2] =	stream.linear.gather [hbm4b:s15+s14], $0x800, $0x38;
	[tilespmem:$0x167E0] =	vst v63  }
0x35: {  	s26 =	simm.s32 $0xBD40  }
0x36: {  	[tilespmem:s26], [sflag:$0x2] =	stream.indirect.gather [hbm4b:s4+s24], $0x40, s30, s24, $0xb8;
	[tilespmem:$0x167E0] =	vst v63  }
0x37: {  	s16 =	simm.s32 $0xC540  }
0x38: {  	[tilespmem:s16], [sflag:$0x2] =	stream.indirect.gather [hbm4b:s4+s25], $0x40, s31, s25, $0xb8;
	[tilespmem:$0x167E0] =	vst v63  }
0x39: {  	s20 =	simm.s32 $0xB340;
	s21 =	simm.s32 $0xE540  }
0x3a: {  	[tilespmem:s21], [sflag:$0x2] =	stream.indirect.gather [hbm4b:s4+s25], $0x40, s20, s25, $0xb8;
	[tilespmem:$0x167E0] =	vst v63  }
0x3b: {  	s22 =	simm.s32 $0xB3C0;
	s26 =	simm.s32 $0x10540  }
0x3c: {  	[tilespmem:s26], [sflag:$0x2] =	stream.indirect.gather [hbm4b:s4+s25], $0x40, s22, s25, $0xb8;
	[tilespmem:$0x167E0] =	vst v63  }
0x3d: {  	s20 =	simm.s32 $0xB440;
	s21 =	simm.s32 $0x12540  }
0x3e: {  	[tilespmem:s21], [sflag:$0x2] =	stream.indirect.gather [hbm4b:s4+s25], $0x40, s20, s25, $0xb8;
	[tilespmem:$0x167E0] =	vst v63  }
0x3f: {  	s22 =	simm.s32 $0xB4C0;
	s26 =	simm.s32 $0x14540  }
0x40: {  	[tilespmem:s26], [sflag:$0x2] =	stream.indirect.gather [hbm4b:s4+s25], $0x40, s22, s25, $0xb8;
	[tilespmem:$0x167E0] =	vst v63  }
0x41: {  	_ =	swait.ge [sflag:s19], $0x800  }
0x42: {  	[sflag:s19] =	ssyncset.done $0x0  }
0x43: {  	[sflag:s19] =	ssyncadd.s32 $0xFFFFF800  }
0x44: {  	_ =	swait.ge [sflag:s19], $0x800  }
0x45: {  	[sflag:s19] =	ssyncset.done $0x0  }
0x46: {  	[sflag:s19] =	ssyncadd.s32 $0xFFFFF800  }
0x47: {  	_ =	swait.ge [sflag:s19], $0xA000  }
0x48: {  	[sflag:s19] =	ssyncset.done $0x0  }
0x49: {  	p1 =	por $0x1, $0x1;
	s15 =	simm.s32 $0x0;
	[sflag:s19] =	ssyncadd.s32 $0xFFFF6000  }
.LBB2_3:
0x4a: {  	s16 =	sshll.u32 s15, $0x6  }
0x4b: {  	s16 =	sand.u32 $0x3FFFFFC0, s16  }
0x4c: {  	s21 =	sadd.s32 $0xAC0, s16  }
0x4d: {  	v0 =	vld [tilespmem:s21+$0x10]  }
0x4e: {  	v5 =	vld [tilespmem:s21+$0x0]  }
0x4f: {  	v10 =	vld [tilespmem:s21+$0xFFFFFFE0]  }
0x50: {  	s20 =	sadd.s32 $0x2C0, s16;
	v11 =	vld [tilespmem:s21+$0xFFFFFFF0]  }
0x51: {  	s22 =	smul.u32 $0x1400, s15;
	v6 =	vld [tilespmem:s20+$0xFFFFFFE0]  }
0x52: {  	v9 =	vld [tilespmem:s20+$0xFFFFFFF0]  }
0x53: {  	s26 =	sshra.s32 s22, $0x2;
	v8 =	vld [tilespmem:s20+$0x0]  }
0x54: {  	s16 =	sadd.s32 $0x1520, s26;
	v7 =	vld [tilespmem:s20+$0x10]  }
0x55: {  	v12 =	vld [tilespmem:s16+$0x240]  }
0x56: {  	v13 =	vld [tilespmem:s16+$0x250]  }
0x57: {  	v14 =	vld [tilespmem:s16+$0x260]  }
0x58: {  	v15 =	vld [tilespmem:s16+$0x270]  }
0x59: {  	v16 =	vld [tilespmem:s16+$0xFFFFFD80]  }
0x5a: {  	v17 =	vld [tilespmem:s16+$0xFFFFFD90]  }
0x5b: {  	v18 =	vld [tilespmem:s16+$0xFFFFFDC0]  }
0x5c: {  	v19 =	vld [tilespmem:s16+$0xFFFFFDD0]  }
0x5d: {  	v20 =	vld [tilespmem:s16+$0xFFFFFE00]  }
0x5e: {  	v21 =	vld [tilespmem:s16+$0xFFFFFE10]  }
0x5f: {  	v22 =	vld [tilespmem:s16+$0xFFFFFE40]  }
0x60: {  	v23 =	vld [tilespmem:s16+$0xFFFFFE50]  }
0x61: {  	v24 =	vld [tilespmem:s16+$0xFFFFFE80]  }
0x62: {  	v25 =	vld [tilespmem:s16+$0xFFFFFE90]  }
0x63: {  	v26 =	vld [tilespmem:s16+$0xFFFFFEC0]  }
0x64: {  	v27 =	vld [tilespmem:s16+$0xFFFFFED0]  }
0x65: {  	v28 =	vld [tilespmem:s16+$0xFFFFFF00]  }
0x66: {  	v32 =	vld [tilespmem:s16+$0xFFFFFF80]  }
0x67: {  	v33 =	vld [tilespmem:s16+$0x0];
	v10 =	vmul.f32 v10, v6;
	v11 =	vmul.f32 v11, v9  }
0x68: {  	v56 =	vld [tilespmem:s16+$0x10];
	v5 =	vmul.f32 v5, v8;
	v0 =	vmul.f32 v0, v7  }
0x69: {  	v34 =	vld [tilespmem:s16+$0x40];
	v12 =	vmul.f32 v12, v6;
	v13 =	vmul.f32 v13, v9  }
0x6a: {  	v35 =	vld [tilespmem:s16+$0x80];
	v14 =	vmul.f32 v14, v8;
	v55 =	vmul.f32 v15, v7  }
0x6b: {  	v37 =	vld [tilespmem:s16+$0x90];
	v16 =	vmul.f32 v16, v6;
	v17 =	vmul.f32 v17, v9  }
0x6c: {  	v60 =	vld [tilespmem:s16+$0x110];
	v18 =	vmul.f32 v18, v6;
	v59 =	vmul.f32 v19, v9  }
0x6d: {  	v62 =	vld [tilespmem:s16+$0x190];
	v19 =	vmul.f32 v20, v6;
	v21 =	vmul.f32 v21, v9  }
0x6e: {  	v43 =	vmov s14;
	v63 =	vld [tilespmem:s16+$0x1D0];
	v24 =	vmul.f32 v24, v6;
	v27 =	vmul.f32 v27, v9  }
0x6f: {  	vm0 =	veq.s32 v43, v45;
	v52 =	vld [tilespmem:s16+$0xFFFFFF90];
	v32 =	vmul.f32 v32, v6;
	v45 =	vmul.f32 v33, v6  }
0x70: {  	v29 =	vld [tilespmem:s16+$0xFFFFFF10];
	v15 =	vmul.f32 v56, v9;
	v48 =	vmul.f32 v34, v6  }
0x71: {  	v53 =	vld [tilespmem:s16+$0xFFFFFFC0];
	v50 =	vmul.f32 v35, v6;
	v51 =	vmul.f32 v37, v9  }
0x72: {  	v46 =	vimm.f32 $0.0e+00;
	v54 =	vld [tilespmem:s16+$0xFFFFFFD0];
	v56 =	vmul.f32 v60, v9;
	v60 =	vmul.f32 v62, v9  }
0x73: {  	v38 =	vld [tilespmem:s16+$0xC0];
	v62 =	vmul.f32 v63, v9;
	v10 =	vadd.f32 v11, v10;
	v12 =	vadd.f32 v13, v12  }
0x74: {  	v39 =	vld [tilespmem:s16+$0xD0];
	v11 =	vmul.f32 v52, v9;
	v16 =	vadd.f32 v17, v16;
	v17 =	vadd.f32 v59, v18  }
0x75: {  	v30 =	vld [tilespmem:s16+$0xFFFFFF40];
	v18 =	vmul.f32 v22, v6;
	v22 =	vmul.f32 v23, v9;
	v5 =	vadd.f32 v5, v10  }
0x76: {  	v31 =	vld [tilespmem:s16+$0xFFFFFF50];
	v19 =	vadd.f32 v21, v19;
	v21 =	vmul.f32 v25, v9;
	v12 =	vadd.f32 v14, v12  }
0x77: {  	v57 =	vld [tilespmem:s16+$0x50];
	v25 =	vmul.f32 v26, v6;
	v13 =	vmul.f32 v53, v6;
	v0 =	vadd.f32 v0, v5  }
0x78: {  	v41 =	vld [tilespmem:s16+$0x150];
	v53 =	vmul.f32 v38, v6;
	v10 =	vmul.f32 v54, v9;
	v12 =	vadd.f32 v55, v12  }
0x79: {  	v20 =	vld [tilespmem:s16+$0x100];
	v11 =	vadd.f32 v11, v32;
	v54 =	vmul.f32 v39, v9;
	v5 =	vperm.xlane v0, v1  }
0x7a: {  	v23 =	vld [tilespmem:s16+$0x140];
	v18 =	vadd.f32 v22, v18;
	v22 =	vmul.f32 v28, v6;
	v36 =	vperm.xlane v12, v1  }
0x7b: {  	v26 =	vld [tilespmem:s16+$0x180];
	v28 =	vmul.f32 v29, v9;
	v25 =	vadd.f32 v27, v25;
	v0 =	vadd.f32 v0, v5  }
0x7c: {  	v29 =	vld [tilespmem:s16+$0x1C0];
	v27 =	vmul.f32 v30, v6;
	v30 =	vmul.f32 v31, v9;
	v12 =	vadd.f32 v12, v36  }
0x7d: {  	v21 =	vadd.f32 v21, v24;
	v14 =	vmul.f32 v57, v9;
	v57 =	vld [tilespmem:s16+$0xFFFFFF60];
	v58 =	vperm.xlane v0, v2  }
0x7e: {  	v10 =	vadd.f32 v10, v13;
	v22 =	vadd.f32 v28, v22;
	v28 =	vld [tilespmem:s16+$0x200];
	v40 =	vperm.xlane v12, v2  }
0x7f: {  	v44 =	vld [tilespmem:s16+$0xFFFFFDA0];
	v20 =	vmul.f32 v20, v6;
	v27 =	vadd.f32 v30, v27;
	v0 =	vadd.f32 v0, v58  }
0x80: {  	v30 =	vld [tilespmem:s16+$0xFFFFFDE0];
	v13 =	vadd.f32 v14, v48;
	v23 =	vmul.f32 v23, v6;
	v12 =	vadd.f32 v12, v40  }
0x81: {  	v47 =	vld [tilespmem:s16+$0xFFFFFE60];
	v14 =	vadd.f32 v54, v53;
	v26 =	vmul.f32 v26, v6;
	v61 =	vperm.xlane v0, v3  }
0x82: {  	v49 =	vld [tilespmem:s16+$0xFFFFFEA0];
	v20 =	vadd.f32 v56, v20;
	v29 =	vmul.f32 v29, v6;
	v42 =	vperm.xlane v12, v3  }
0x83: {  	v55 =	vld [tilespmem:s16+$0xFFFFFF20];
	v48 =	vmul.f32 v57, v8;
	v6 =	vmul.f32 v28, v6;
	v0 =	vadd.f32 v0, v61  }
0x84: {  	v52 =	vld [tilespmem:s16+$0xFFFFFEE0];
	v28 =	vadd.f32 v62, v29;
	v29 =	vmul.f32 v44, v8;
	v12 =	vadd.f32 v12, v42  }
0x85: {  	v54 =	vld [tilespmem:s16+$0xFFFFFEB0];
	v26 =	vadd.f32 v60, v26;
	v30 =	vmul.f32 v30, v8;
	v24 =	vperm.xlane v0, v4  }
0x86: {  	v16 =	vadd.f32 v29, v16;
	v29 =	vmul.f32 v47, v8;
	v61 =	vld [tilespmem:s16+$0xFFFFFFE0];
	v31 =	vperm.xlane v12, v4  }
0x87: {  	v27 =	vadd.f32 v48, v27;
	v58 =	vmul.f32 v41, v9;
	v0 =	vadd.f32 v0, v24;
	v24 =	vld [tilespmem:s16+$0x210]  }
0x88: {  	v18 =	vadd.f32 v29, v18;
	v29 =	vmul.f32 v55, v8;
	v12 =	vadd.f32 v12, v31;
	v31 =	vld [tilespmem:s16+$0xFFFFFE20]  }
0x89: {  	v63 =	vld [tilespmem:s16+$0x20];
	v17 =	vadd.f32 v30, v17;
	v23 =	vadd.f32 v58, v23;
	v0 =	vsel vm0, v0, v46  }
0x8a: {  	v59 =	vld [tilespmem:s16+$0xFFFFFFA0];
	v58 =	vmul.f32 v54, v7;
	v22 =	vadd.f32 v29, v22;
	v5 =	vsel vm0, v12, v46;
	[tilespmem:$0x1FF00] =	vst v0  }
0x8b: {  	v29 =	vmul.f32 v61, v8;
	v12 =	vadd.f32 v15, v45;
	v45 =	vld [tilespmem:s16+$0xA0];
	[tilespmem:$0x1FEE0] =	vst v5;
	v5 =	vimm.f32 $0.0e+00  }
0x8c: {  	v47 =	vld [tilespmem:s16+$0x160];
	v15 =	vadd.f32 v51, v50;
	v46 =	vmul.f32 v52, v8;
	[tilespmem:$0x1FEF0] =	vst v5;
	v5 =	vimm.f32 $0.0e+00  }
0x8d: {  	v9 =	vmul.f32 v24, v9;
	v24 =	vld [tilespmem:s16+$0x60];
	v0 =	vmul.f32 v31, v8;
	[tilespmem:$0x1FF10] =	vst v5;
	v5 =	vimm.f32 $0.0e+00  }
0x8e: {  	v10 =	vadd.f32 v29, v10;
	vm0 =	vmmov vm0;
	v31 =	vld [tilespmem:s16+$0xE0];
	[tilespmem:$0x1FF20] =	vst v5;
	v5 =	vimm.f32 $0.0e+00  }
0x8f: {  	v30 =	vld [tilespmem:s16+$0x120];
	v0 =	vadd.f32 v0, v19;
	v19 =	vmul.f32 v49, v8;
	[tilespmem:$0x1FF30] =	vst v5;
	v5 =	vimm.f32 $0.0e+00  }
0x90: {  	v52 =	vld [tilespmem:s16+$0xFFFFFDB0];
	v9 =	vadd.f32 v9, v6;
	v29 =	vmul.f32 v45, v8;
	[tilespmem:$0x1FF40] =	vst v5;
	v5 =	vimm.f32 $0.0e+00  }
0x91: {  	v50 =	vld [tilespmem:s16+$0x1E0];
	v19 =	vadd.f32 v19, v21;
	v21 =	vadd.f32 v46, v25;
	v25 =	vmul.f32 v59, v8  }
0x92: {  	v51 =	vld [tilespmem:s16+$0x220];
	v24 =	vmul.f32 v24, v8;
	v15 =	vadd.f32 v29, v15;
	[tilespmem:$0x1FF50] =	vst v5;
	v5 =	vimm.f32 $0.0e+00  }
0x93: {  	v49 =	vld [tilespmem:s16+$0x1A0];
	v29 =	vmul.f32 v47, v8;
	v31 =	vmul.f32 v31, v8;
	[tilespmem:$0x1FF60] =	vst v5;
	v5 =	vimm.f32 $0.0e+00  }
0x94: {  	v11 =	vadd.f32 v25, v11;
	v25 =	vmul.f32 v63, v8;
	v13 =	vadd.f32 v24, v13  }
0x95: {  	v53 =	vld [tilespmem:s16+$0xFFFFFDF0];
	v24 =	vmul.f32 v30, v8;
	v23 =	vadd.f32 v29, v23;
	v29 =	vmul.f32 v52, v7  }
0x96: {  	[tilespmem:$0x1FF70] =	vst v5;
	v5 =	vimm.f32 $0.0e+00;
	v14 =	vadd.f32 v31, v14;
	v31 =	vmul.f32 v50, v8  }
0x97: {  	v30 =	vld [tilespmem:s16+$0xFFFFFE70];
	[tilespmem:$0x1FF80] =	vst v5;
	v5 =	vimm.f32 $0.0e+00;
	v12 =	vadd.f32 v25, v12;
	v20 =	vadd.f32 v24, v20  }
0x98: {  	v24 =	vmul.f32 v49, v8;
	v8 =	vmul.f32 v51, v8;
	[tilespmem:$0x1FF90] =	vst v5;
	v5 =	vimm.f32 $0.0e+00  }
0x99: {  	v25 =	vld [tilespmem:s16+$0xFFFFFE30];
	v56 =	vadd.f32 v29, v16;
	v16 =	vadd.f32 v58, v19;
	[tilespmem:$0x1FFA0] =	vst v5;
	v5 =	vimm.f32 $0.0e+00  }
0x9a: {  	v55 =	vld [tilespmem:s16+$0xFFFFFEF0];
	v24 =	vadd.f32 v24, v26;
	v26 =	vadd.f32 v31, v28;
	v28 =	vmul.f32 v53, v7  }
0x9b: {  	v31 =	vld [tilespmem:s16+$0xFFFFFF30];
	v8 =	vadd.f32 v8, v9;
	v45 =	vperm.xlane v16, v1;
	[tilespmem:$0x1FFB0] =	vst v5;
	v5 =	vimm.f32 $0.0e+00  }
0x9c: {  	[tilespmem:$0x1FFC0] =	vst v5;
	v5 =	vimm.f32 $0.0e+00;
	v17 =	vadd.f32 v28, v17;
	v28 =	vmul.f32 v30, v7  }
0x9d: {  	v29 =	vld [tilespmem:s16+$0xFFFFFFB0];
	v30 =	vperm.xlane v56, v1;
	v16 =	vadd.f32 v16, v45;
	[tilespmem:$0x1FFD0] =	vst v5;
	v5 =	vimm.f32 $0.0e+00  }
0x9e: {  	v57 =	vmul.f32 v25, v7;
	v25 =	vld [tilespmem:s16+$0xFFFFFF70];
	[tilespmem:$0x1FFE0] =	vst v5;
	v5 =	vimm.f32 $0.0e+00;
	v18 =	vadd.f32 v28, v18  }
0x9f: {  	v60 =	vperm.xlane v17, v1;
	v28 =	vmul.f32 v55, v7;
	v9 =	vadd.f32 v56, v30  }
0xa0: {  	v61 =	vld [tilespmem:s16+$0x30];
	v0 =	vadd.f32 v57, v0;
	v19 =	vmul.f32 v31, v7;
	v63 =	vperm.xlane v18, v1  }
0xa1: {  	v59 =	vld [tilespmem:s16+$0xFFFFFFF0];
	v21 =	vadd.f32 v28, v21;
	v17 =	vadd.f32 v17, v60;
	v30 =	vperm.xlane v9, v2  }
0xa2: {  	v62 =	vperm.xlane v0, v1;
	v19 =	vadd.f32 v19, v22;
	v22 =	vmul.f32 v29, v7  }
0xa3: {  	v28 =	vld [tilespmem:s16+$0xB0];
	v25 =	vmul.f32 v25, v7;
	v46 =	vperm.xlane v21, v1;
	v56 =	vadd.f32 v18, v63  }
0xa4: {  	v34 =	vperm.xlane v17, v2;
	v9 =	vadd.f32 v9, v30;
	v48 =	vperm.xlane v19, v1  }
0xa5: {  	v31 =	vld [tilespmem:s16+$0x70];
	v11 =	vadd.f32 v22, v11;
	v22 =	vmul.f32 v61, v7;
	v0 =	vadd.f32 v0, v62  }
0xa6: {  	v47 =	vld [tilespmem:s16+$0x130];
	v25 =	vadd.f32 v25, v27;
	v27 =	vmul.f32 v59, v7;
	v21 =	vadd.f32 v21, v46  }
0xa7: {  	v29 =	vld [tilespmem:s16+$0xF0];
	v57 =	vperm.xlane v56, v2;
	v17 =	vadd.f32 v17, v34;
	v51 =	vperm.xlane v11, v1  }
0xa8: {  	v12 =	vadd.f32 v22, v12;
	v22 =	vmul.f32 v28, v7;
	v19 =	vadd.f32 v19, v48  }
0xa9: {  	v49 =	vld [tilespmem:s16+$0x170];
	v35 =	vperm.xlane v0, v2;
	v50 =	vperm.xlane v25, v1;
	v10 =	vadd.f32 v27, v10  }
0xaa: {  	v27 =	vmul.f32 v31, v7;
	v31 =	vld [tilespmem:s16+$0x1B0];
	v53 =	vperm.xlane v12, v1;
	v15 =	vadd.f32 v22, v15  }
0xab: {  	v22 =	vmul.f32 v47, v7;
	v11 =	vadd.f32 v11, v51;
	v0 =	vadd.f32 v0, v35  }
0xac: {  	v28 =	vld [tilespmem:s16+$0x1F0];
	v52 =	vperm.xlane v10, v1;
	v13 =	vadd.f32 v27, v13;
	v27 =	vmul.f32 v29, v7  }
0xad: {  	v25 =	vadd.f32 v25, v50;
	v55 =	vperm.xlane v15, v1;
	v20 =	vadd.f32 v22, v20  }
0xae: {  	v29 =	vld [tilespmem:s16+$0x230];
	v12 =	vadd.f32 v12, v53;
	v54 =	vperm.xlane v13, v1;
	v14 =	vadd.f32 v27, v14  }
0xaf: {  	v27 =	vmul.f32 v49, v7;
	v10 =	vadd.f32 v10, v52;
	v22 =	vmul.f32 v31, v7  }
0xb0: {  	v15 =	vadd.f32 v15, v55;
	v30 =	vperm.xlane v12, v2;
	v55 =	vperm.xlane v0, v3  }
0xb1: {  	v31 =	vperm.xlane v14, v1;
	v23 =	vadd.f32 v27, v23;
	v27 =	vmul.f32 v28, v7  }
0xb2: {  	v28 =	vperm.xlane v20, v1;
	v13 =	vadd.f32 v13, v54;
	v54 =	vperm.xlane v17, v3  }
0xb3: {  	v22 =	vadd.f32 v22, v24;
	v7 =	vmul.f32 v29, v7;
	v59 =	vperm.xlane v15, v2  }
0xb4: {  	v32 =	vadd.f32 v12, v30;
	v24 =	vperm.xlane v23, v1;
	v26 =	vadd.f32 v27, v26  }
0xb5: {  	v14 =	vadd.f32 v14, v31;
	v31 =	vperm.xlane v16, v2;
	v20 =	vadd.f32 v20, v28  }
0xb6: {  	v28 =	vperm.xlane v11, v2;
	v58 =	vperm.xlane v13, v2;
	v30 =	vadd.f32 v17, v54  }
0xb7: {  	v27 =	vperm.xlane v22, v1;
	v7 =	vadd.f32 v7, v8;
	v8 =	vadd.f32 v56, v57  }
0xb8: {  	v36 =	vadd.f32 v15, v59;
	v18 =	vperm.xlane v26, v1;
	v23 =	vadd.f32 v23, v24  }
0xb9: {  	v24 =	vperm.xlane v21, v2;
	v60 =	vperm.xlane v14, v2;
	v16 =	vadd.f32 v16, v31  }
0xba: {  	v61 =	vperm.xlane v20, v2;
	v46 =	vadd.f32 v11, v28;
	v38 =	vadd.f32 v13, v58  }
0xbb: {  	v29 =	vperm.xlane v7, v1;
	v22 =	vadd.f32 v22, v27;
	v27 =	vperm.xlane v25, v2  }
0xbc: {  	v34 =	vperm.xlane v8, v3;
	v57 =	vperm.xlane v36, v3;
	v18 =	vadd.f32 v26, v18  }
0xbd: {  	v26 =	vperm.xlane v19, v2;
	v62 =	vperm.xlane v23, v2;
	v49 =	vadd.f32 v21, v24  }
0xbe: {  	v21 =	vperm.xlane v9, v3;
	v37 =	vadd.f32 v14, v60;
	v35 =	vperm.xlane v16, v3  }
0xbf: {  	v41 =	vadd.f32 v20, v61;
	v61 =	vperm.xlane v46, v3;
	v60 =	vperm.xlane v32, v3  }
0xc0: {  	s21 =	sadd.s32 $0x40, s21;
	v58 =	vperm.xlane v38, v3;
	v20 =	vimm.f32 $0.0e+00;
	v7 =	vadd.f32 v7, v29  }
0xc1: {  	v45 =	vld [tilespmem:s21+$0x10];
	v29 =	vperm.xlane v10, v2;
	v31 =	vperm.xlane v22, v2;
	v48 =	vadd.f32 v25, v27  }
0xc2: {  	s16 =	sadd.s32 $0x500, s16;
	v53 =	vld [tilespmem:s21+$0x0];
	v28 =	vadd.f32 v8, v34;
	v63 =	vperm.xlane v18, v2;
	v47 =	vadd.f32 v19, v26  }
0xc3: {  	s22 =	sadd.s32 $0x40, s20;
	v33 =	vld [tilespmem:s16+$0x240];
	v42 =	vadd.f32 v23, v62;
	v51 =	vperm.xlane v49, v3;
	v56 =	vperm.xlane v37, v3  }
0xc4: {  	v24 =	vld [tilespmem:s22+$0xFFFFFFE0];
	v27 =	vadd.f32 v16, v35;
	v19 =	vperm.xlane v7, v2;
	v40 =	vadd.f32 v10, v29  }
0xc5: {  	v34 =	vld [tilespmem:s16+$0x250];
	v43 =	vadd.f32 v22, v31;
	v31 =	vadd.f32 v9, v21;
	v50 =	vperm.xlane v48, v3  }
0xc6: {  	v23 =	vld [tilespmem:s22+$0xFFFFFFF0];
	v29 =	vadd.f32 v0, v55;
	v55 =	vperm.xlane v41, v3;
	v22 =	vimm.f32 $0.0e+00  }
0xc7: {  	v21 =	vimm.f32 $0.0e+00;
	v0 =	vld [tilespmem:s21+$0xFFFFFFF0];
	v44 =	vadd.f32 v18, v63;
	v62 =	vperm.xlane v47, v3  }
0xc8: {  	p0 =	por p1, p1;
	s20 =	simm.s32 $0x1;
	s26 =	simm.s32 $0x2;
	[tilespmem:$0x1FFF0] =	vst v5;
	v54 =	vperm.xlane v42, v3;
	v63 =	vld [tilespmem:s21+$0xFFFFFFE0];
	v39 =	vadd.f32 v7, v19;
	v59 =	vperm.xlane v40, v3  }
.LBB2_4:
0xc9: {  	v26 =	vld [tilespmem:s22+$0x0]  }
0xca: {  	v6 =	vld [tilespmem:s16+$0x260]  }
0xcb: {  	v25 =	vld [tilespmem:s22+$0x10]  }
0xcc: {  	v9 =	vld [tilespmem:s16+$0x270]  }
0xcd: {  	v10 =	vld [tilespmem:s16+$0xFFFFFD80]  }
0xce: {  	v11 =	vld [tilespmem:s16+$0xFFFFFD90]  }
0xcf: {  	v12 =	vld [tilespmem:s16+$0xFFFFFDC0]  }
0xd0: {  	v14 =	vld [tilespmem:s16+$0xFFFFFDD0];
	v52 =	vadd.f32 v49, v51;
	v35 =	vperm.xlane v43, v3;
	v51 =	vadd.f32 v47, v62  }
0xd1: {  	v15 =	vld [tilespmem:s16+$0xFFFFFE00];
	v5 =	vperm.xlane v44, v3;
	v49 =	vadd.f32 v48, v50;
	v46 =	vadd.f32 v46, v61  }
0xd2: {  	v7 =	vld [tilespmem:s16+$0x40];
	v47 =	vperm.xlane v39, v3;
	v40 =	vadd.f32 v40, v59;
	v32 =	vadd.f32 v32, v60  }
0xd3: {  	v18 =	vld [tilespmem:s16+$0xFFFFFDA0];
	v36 =	vadd.f32 v36, v57;
	v57 =	vperm.xlane v30, v4;
	v63 =	vmul.f32 v63, v24  }
0xd4: {  	v19 =	vld [tilespmem:s16+$0xFFFFFDE0];
	v38 =	vadd.f32 v38, v58;
	v0 =	vmul.f32 v0, v23;
	v33 =	vmul.f32 v33, v24  }
0xd5: {  	v41 =	vadd.f32 v41, v55;
	v61 =	vld [tilespmem:s16+$0xFFFFFE10];
	v34 =	vmul.f32 v34, v23;
	v53 =	vmul.f32 v53, v26  }
0xd6: {  	v42 =	vadd.f32 v42, v54;
	v17 =	vmul.f32 v10, v24;
	v62 =	vmul.f32 v11, v23;
	v11 =	vld [tilespmem:s16+$0xFFFFFE50]  }
0xd7: {  	v10 =	vmul.f32 v12, v24;
	v12 =	vmul.f32 v14, v23;
	v0 =	vadd.f32 v0, v63;
	v63 =	vld [tilespmem:s16+$0xFFFFFE40]  }
0xd8: {  	v13 =	vmul.f32 v45, v25;
	v45 =	vadd.f32 v39, v47;
	v39 =	vadd.f32 v62, v17;
	v17 =	vld [tilespmem:s16+$0xFFFFFEC0]  }
0xd9: {  	v6 =	vmul.f32 v6, v26;
	v33 =	vadd.f32 v34, v33;
	v47 =	vadd.f32 v12, v10;
	v10 =	vld [tilespmem:s16+$0xFFFFFED0]  }
0xda: {  	v44 =	vadd.f32 v44, v5;
	v19 =	vmul.f32 v19, v26;
	v12 =	vld [tilespmem:s16+$0xFFFFFF10];
	v0 =	vadd.f32 v53, v0  }
0xdb: {  	v16 =	vmul.f32 v9, v25;
	v62 =	vld [tilespmem:s16+$0x180];
	v6 =	vadd.f32 v6, v33;
	v53 =	vadd.f32 v30, v57  }
0xdc: {  	v50 =	vperm.xlane v31, v4;
	v19 =	vadd.f32 v19, v47;
	v0 =	vadd.f32 v13, v0;
	v13 =	vld [tilespmem:s16+$0xFFFFFE80]  }
0xdd: {  	v47 =	vld [tilespmem:$0x1FEF0];
	v6 =	vadd.f32 v16, v6;
	v16 =	vmul.f32 v61, v23;
	v61 =	vperm.xlane v28, v4  }
0xde: {  	v22 =	vsel vm0, v53, v22;
	v53 =	vld [tilespmem:s16+$0x60];
	v54 =	vmul.f32 v63, v24;
	v5 =	vperm.xlane v0, v1  }
0xdf: {  	v43 =	vadd.f32 v43, v35;
	v14 =	vperm.xlane v6, v1;
	v34 =	vmul.f32 v17, v24;
	v17 =	vld [tilespmem:s16+$0xFFFFFF50]  }
0xe0: {  	v59 =	vadd.f32 v28, v61;
	v0 =	vadd.f32 v0, v5;
	v5 =	vmul.f32 v15, v24;
	v15 =	vld [tilespmem:s16+$0xFFFFFE90]  }
0xe1: {  	v6 =	vadd.f32 v6, v14;
	v14 =	vld [tilespmem:s16+$0xFFFFFF00];
	v35 =	vmul.f32 v13, v24;
	v13 =	vperm.xlane v29, v4  }
0xe2: {  	v20 =	vsel vm0, v59, v20;
	v59 =	vld [tilespmem:$0x1FF20];
	v9 =	vperm.xlane v0, v2;
	v48 =	vadd.f32 v16, v5  }
0xe3: {  	v5 =	vmul.f32 v11, v23;
	v11 =	vperm.xlane v6, v2;
	v55 =	vadd.f32 v29, v13;
	v13 =	vld [tilespmem:s16+$0x10]  }
0xe4: {  	v8 =	vlaneseq.u32;
	v31 =	vadd.f32 v31, v50;
	v0 =	vadd.f32 v0, v9;
	v9 =	vld [tilespmem:s16+$0xFFFFFF80]  }
0xe5: {  	v50 =	vadd.f32 v5, v54;
	v6 =	vadd.f32 v6, v11;
	v11 =	vld [tilespmem:s16+$0xFFFFFF90];
	v5 =	vmul.f32 v15, v23  }
0xe6: {  	v37 =	vadd.f32 v37, v56;
	v60 =	vperm.xlane v38, v4;
	v15 =	vld [tilespmem:s16+$0xFFFFFF40];
	v16 =	vperm.xlane v0, v3  }
0xe7: {  	v21 =	vsel vm0, v55, v21;
	v55 =	vld [tilespmem:$0x1FF10];
	v30 =	vadd.f32 v5, v35;
	v5 =	vmul.f32 v10, v23  }
0xe8: {  	v63 =	vperm.xlane v27, v4;
	v33 =	vmul.f32 v14, v24;
	v0 =	vadd.f32 v0, v16;
	v16 =	vld [tilespmem:s16+$0xFFFFFFD0]  }
0xe9: {  	v10 =	vperm.xlane v6, v3;
	v54 =	vadd.f32 v5, v34;
	v5 =	vmul.f32 v12, v23;
	v34 =	vld [tilespmem:s16+$0xFFFFFFC0]  }
0xea: {  	v63 =	vadd.f32 v27, v63;
	v35 =	vmul.f32 v9, v24;
	v58 =	vmul.f32 v11, v23;
	v9 =	vld [tilespmem:s16+$0x110]  }
0xeb: {  	v6 =	vadd.f32 v6, v10;
	v10 =	vperm.xlane v40, v4;
	v11 =	vld [tilespmem:s16+$0x150];
	v14 =	vperm.xlane v0, v4  }
0xec: {  	v15 =	vmul.f32 v15, v24;
	v29 =	vadd.f32 v5, v33;
	v5 =	vmul.f32 v17, v23;
	v17 =	vld [tilespmem:s16+$0x0]  }
0xed: {  	v56 =	vadd.f32 v58, v35;
	v58 =	vld [tilespmem:s16+$0x80];
	v33 =	vperm.xlane v32, v4;
	v10 =	vadd.f32 v40, v10  }
0xee: {  	v40 =	vperm.xlane v44, v4;
	v57 =	vadd.f32 v5, v15;
	v15 =	vmul.f32 v16, v23;
	v16 =	vld [tilespmem:$0x1FEE0]  }
0xef: {  	v12 =	vperm.xlane v6, v4;
	v32 =	vadd.f32 v32, v33;
	v33 =	vadd.f32 v38, v60;
	v60 =	vld [tilespmem:s16+$0xFFFFFE20]  }
0xf0: {  	v40 =	vadd.f32 v44, v40;
	v44 =	vsel vm0, v63, v55;
	v63 =	vld [tilespmem:$0x1FF40];
	v5 =	vmul.f32 v34, v24  }
0xf1: {  	v0 =	vadd.f32 v0, v14;
	v6 =	vadd.f32 v6, v12;
	v12 =	vperm.xlane v52, v4;
	v34 =	vld [tilespmem:s16+$0x50]  }
0xf2: {  	v14 =	vmov s20;
	v28 =	vadd.f32 v15, v5;
	v5 =	vmul.f32 v13, v23;
	v13 =	vld [tilespmem:s16+$0xC0]  }
0xf3: {  	vm1 =	veq.s32 v14, v8;
	v61 =	vadd.f32 v52, v12;
	v15 =	vld [tilespmem:s16+$0xD0]  }
0xf4: {  	v8 =	vsel vm1, v6, v16;
	v6 =	vmul.f32 v17, v24;
	v17 =	vld [tilespmem:s16+$0x90]  }
0xf5: {  	[tilespmem:$0x1FF10] =	vst v44;
	v44 =	vsel vm0, v61, v59;
	v61 =	vld [tilespmem:$0x1FF30]  }
0xf6: {  	v7 =	vmul.f32 v7, v24;
	v27 =	vadd.f32 v5, v6;
	v5 =	vmul.f32 v34, v23;
	v6 =	vld [tilespmem:s16+$0x100]  }
0xf7: {  	v62 =	vmul.f32 v62, v24;
	v14 =	vperm.xlane v51, v4;
	v59 =	vld [tilespmem:$0x1FF90]  }
0xf8: {  	v9 =	vmul.f32 v9, v23;
	v35 =	vmul.f32 v13, v24;
	v52 =	vadd.f32 v5, v7;
	v7 =	vld [tilespmem:s16+$0x140]  }
0xf9: {  	v13 =	vld [tilespmem:s16+$0x190];
	v5 =	vmul.f32 v17, v23;
	v17 =	vmul.f32 v15, v23  }
0xfa: {  	v51 =	vadd.f32 v51, v14;
	v58 =	vmul.f32 v58, v24;
	v16 =	vperm.xlane v49, v4;
	v15 =	vld [tilespmem:s16+$0x1D0]  }
0xfb: {  	v34 =	vperm.xlane v46, v4;
	v6 =	vmul.f32 v6, v24;
	v35 =	vadd.f32 v17, v35;
	v17 =	vld [tilespmem:s16+$0x210]  }
0xfc: {  	[tilespmem:$0x1FEE0] =	vst v8;
	v8 =	vadd.f32 v49, v16;
	v16 =	vperm.xlane v43, v4;
	v5 =	vadd.f32 v5, v58;
	v58 =	vld [tilespmem:s16+$0x1C0]  }
0xfd: {  	[tilespmem:$0x1FF20] =	vst v44;
	v44 =	vld [tilespmem:s16+$0xFFFFFEF0];
	v7 =	vmul.f32 v7, v24;
	v6 =	vadd.f32 v9, v6;
	v9 =	vmul.f32 v11, v23  }
0xfe: {  	v34 =	vadd.f32 v46, v34;
	v46 =	vperm.xlane v42, v4;
	v16 =	vadd.f32 v43, v16;
	v43 =	vld [tilespmem:$0x1FFC0]  }
0xff: {  	v11 =	vld [tilespmem:s16+$0x200];
	v15 =	vmul.f32 v15, v23;
	v7 =	vadd.f32 v9, v7;
	v9 =	vmul.f32 v13, v23  }
0x100: {  	v13 =	vperm.xlane v45, v4;
	v17 =	vmul.f32 v17, v23;
	v23 =	vadd.f32 v42, v46;
	v46 =	vld [tilespmem:s16+$0xFFFFFF20]  }
0x101: {  	v58 =	vmul.f32 v58, v24;
	v9 =	vadd.f32 v9, v62;
	v62 =	vld [tilespmem:s16+$0xFFFFFE60]  }
0x102: {  	v49 =	vperm.xlane v37, v4;
	v13 =	vadd.f32 v45, v13;
	v45 =	vsel vm0, v51, v61;
	v51 =	vld [tilespmem:$0x1FF60]  }
0x103: {  	v15 =	vadd.f32 v15, v58;
	v58 =	vld [tilespmem:$0x1FF00]  }
0x104: {  	v11 =	vmul.f32 v11, v24;
	v24 =	vadd.f32 v37, v49;
	v37 =	vld [tilespmem:s16+$0xFFFFFEA0]  }
0x105: {  	v12 =	vperm.xlane v36, v4;
	v49 =	vld [tilespmem:s16+$0xFFFFFEE0]  }
0x106: {  	v18 =	vmul.f32 v18, v26;
	[tilespmem:$0x1FF30] =	vst v45;
	v45 =	vld [tilespmem:$0x1FFD0]  }
0x107: {  	v12 =	vadd.f32 v36, v12;
	v36 =	vmul.f32 v62, v26;
	v62 =	vld [tilespmem:s16+$0xFFFFFFA0]  }
0x108: {  	v11 =	vadd.f32 v17, v11;
	v17 =	vsel vm1, v0, v58;
	v0 =	vadd.f32 v18, v39;
	v18 =	vld [tilespmem:s16+$0xFFFFFF60]  }
0x109: {  	v60 =	vmul.f32 v60, v26;
	v58 =	vld [tilespmem:s16+$0xE0]  }
0x10a: {  	v39 =	vsel vm0, v31, v47;
	v47 =	vld [tilespmem:s16+$0x1A0]  }
0x10b: {  	v31 =	vmul.f32 v37, v26;
	[tilespmem:$0x1FF00] =	vst v17;
	v17 =	vadd.f32 v60, v48;
	v48 =	vld [tilespmem:s16+$0xFFFFFFE0]  }
0x10c: {  	v49 =	vmul.f32 v49, v26;
	v36 =	vadd.f32 v36, v50;
	v50 =	vld [tilespmem:s16+$0x20]  }
0x10d: {  	v60 =	vld [tilespmem:s16+$0x120];
	v30 =	vadd.f32 v31, v30;
	v31 =	vmul.f32 v46, v26  }
0x10e: {  	[tilespmem:$0x1FEF0] =	vst v39;
	v39 =	vadd.f32 v49, v54;
	v54 =	vld [tilespmem:s16+$0xA0]  }
0x10f: {  	v14 =	vperm.xlane v41, v4;
	v29 =	vadd.f32 v31, v29;
	v31 =	vmul.f32 v62, v26;
	v62 =	vld [tilespmem:s16+$0x160]  }
0x110: {  	v37 =	vmul.f32 v48, v26;
	v48 =	vld [tilespmem:$0x1FF50]  }
0x111: {  	v14 =	vadd.f32 v41, v14;
	v41 =	vmul.f32 v50, v26;
	v50 =	vld [tilespmem:s16+$0x1E0]  }
0x112: {  	v31 =	vadd.f32 v31, v56;
	v56 =	vld [tilespmem:$0x1FF80]  }
0x113: {  	v46 =	vsel vm0, v8, v63;
	v49 =	vmul.f32 v54, v26;
	v54 =	vld [tilespmem:s16+$0xFFFFFDB0]  }
0x114: {  	v18 =	vmul.f32 v18, v26;
	v8 =	vadd.f32 v37, v28;
	v28 =	vmul.f32 v53, v26;
	v53 =	vld [tilespmem:$0x1FF70]  }
0x115: {  	v55 =	vmul.f32 v60, v26;
	v60 =	vld [tilespmem:s16+$0xFFFFFE30]  }
0x116: {  	v18 =	vadd.f32 v18, v57;
	v57 =	vld [tilespmem:s16+$0xFFFFFDF0];
	v42 =	vsel vm0, v34, v48  }
0x117: {  	[tilespmem:$0x1FF50] =	vst v42;
	v42 =	vsel vm0, v10, v51;
	v10 =	vadd.f32 v28, v52;
	v52 =	vld [tilespmem:s16+$0x220]  }
0x118: {  	[tilespmem:$0x1FF40] =	vst v46;
	v61 =	vmul.f32 v47, v26;
	v27 =	vadd.f32 v41, v27;
	v41 =	vld [tilespmem:$0x1FFB0];
	v5 =	vadd.f32 v49, v5  }
0x119: {  	v49 =	vld [tilespmem:s16+$0xFFFFFFF0];
	v34 =	vsel vm0, v23, v43;
	v23 =	vmul.f32 v54, v25;
	[tilespmem:$0x1FF60] =	vst v42;
	v42 =	vsel vm0, v32, v53  }
0x11a: {  	v28 =	vmul.f32 v58, v26;
	v58 =	vmul.f32 v62, v26;
	v62 =	vld [tilespmem:$0x1FFA0];
	[tilespmem:$0x1FF70] =	vst v42;
	v42 =	vsel vm0, v33, v56  }
0x11b: {  	v0 =	vadd.f32 v23, v0;
	v23 =	vld [tilespmem:s16+$0xFFFFFF70];
	[tilespmem:$0x1FF80] =	vst v42;
	v42 =	vsel vm0, v12, v59  }
0x11c: {  	v9 =	vadd.f32 v61, v9;
	v63 =	vmul.f32 v50, v26;
	[tilespmem:$0x1FF90] =	vst v42;
	v42 =	vld [tilespmem:s16+$0xFFFFFEB0];
	v26 =	vmul.f32 v52, v26  }
0x11d: {  	v47 =	vld [tilespmem:s16+$0xFFFFFF30];
	v6 =	vadd.f32 v55, v6;
	[tilespmem:$0x1FFC0] =	vst v34;
	v34 =	vsel vm0, v16, v45;
	v46 =	vmul.f32 v57, v25  }
0x11e: {  	v15 =	vadd.f32 v63, v15;
	v12 =	vmul.f32 v60, v25;
	v11 =	vadd.f32 v26, v11;
	v26 =	vld [tilespmem:$0x1FFE0]  }
0x11f: {  	v51 =	vld [tilespmem:s16+$0x70];
	v32 =	vmul.f32 v44, v25;
	v28 =	vadd.f32 v28, v35;
	v37 =	vsel vm0, v24, v62  }
0x120: {  	v12 =	vadd.f32 v12, v17;
	v17 =	vmul.f32 v49, v25;
	v23 =	vmul.f32 v23, v25  }
0x121: {  	v32 =	vadd.f32 v32, v39;
	v24 =	vld [tilespmem:s16+$0xFFFFFE70];
	[tilespmem:$0x1FFA0] =	vst v37;
	v37 =	vsel vm0, v14, v41;
	v14 =	vmul.f32 v42, v25  }
0x122: {  	v35 =	vperm.xlane v12, v1;
	v8 =	vadd.f32 v17, v8;
	v18 =	vadd.f32 v23, v18  }
0x123: {  	v23 =	vld [tilespmem:s16+$0x130];
	v14 =	vadd.f32 v14, v30;
	v30 =	vmul.f32 v47, v25;
	v26 =	vsel vm0, v40, v26  }
0x124: {  	v7 =	vadd.f32 v58, v7;
	v39 =	vperm.xlane v32, v1;
	v57 =	vmul.f32 v51, v25;
	[tilespmem:$0x1FFE0] =	vst v26;
	v26 =	vld [tilespmem:$0x1FFF0]  }
0x125: {  	v61 =	vperm.xlane v8, v1;
	v12 =	vadd.f32 v12, v35;
	v29 =	vadd.f32 v30, v29;
	v30 =	vld [tilespmem:s16+$0xF0]  }
0x126: {  	v10 =	vadd.f32 v57, v10;
	v48 =	vmul.f32 v24, v25;
	v24 =	vperm.xlane v0, v1  }
0x127: {  	v58 =	vld [tilespmem:s16+$0x1B0];
	v56 =	vperm.xlane v18, v1;
	v8 =	vadd.f32 v8, v61;
	v35 =	vperm.xlane v12, v2  }
0x128: {  	v55 =	vld [tilespmem:s16+$0x170];
	v16 =	vadd.f32 v48, v36;
	v0 =	vadd.f32 v0, v24;
	v53 =	vperm.xlane v14, v1  }
0x129: {  	v60 =	vld [tilespmem:s16+$0x1F0];
	v18 =	vadd.f32 v18, v56;
	v12 =	vadd.f32 v12, v35;
	v23 =	vmul.f32 v23, v25  }
0x12a: {  	v26 =	vsel vm0, v13, v26;
	v13 =	vadd.f32 v46, v19;
	v19 =	vld [tilespmem:s16+$0xFFFFFFB0];
	v62 =	vmul.f32 v30, v25  }
0x12b: {  	v36 =	vperm.xlane v16, v1;
	v54 =	vperm.xlane v29, v1;
	v14 =	vadd.f32 v14, v53;
	v30 =	vld [tilespmem:s16+$0x230]  }
0x12c: {  	v6 =	vadd.f32 v23, v6;
	v23 =	vmul.f32 v58, v25;
	v17 =	vadd.f32 v62, v28  }
0x12d: {  	v16 =	vadd.f32 v16, v36;
	[tilespmem:$0x1FFF0] =	vst v26;
	v26 =	vperm.xlane v13, v1;
	v28 =	vmul.f32 v55, v25  }
0x12e: {  	v50 =	vld [tilespmem:s16+$0x30];
	v29 =	vadd.f32 v29, v54;
	v9 =	vadd.f32 v23, v9;
	v49 =	vperm.xlane v17, v1  }
0x12f: {  	v7 =	vadd.f32 v28, v7;
	v28 =	vmul.f32 v60, v25;
	v13 =	vadd.f32 v13, v26  }
0x130: {  	v26 =	vadd.f32 v32, v39;
	v19 =	vmul.f32 v19, v25;
	v23 =	vmul.f32 v30, v25  }
0x131: {  	v52 =	vld [tilespmem:s16+$0xB0];
	v30 =	vperm.xlane v0, v2;
	v24 =	vperm.xlane v7, v1;
	v15 =	vadd.f32 v28, v15  }
0x132: {  	v51 =	vperm.xlane v13, v2;
	v17 =	vadd.f32 v17, v49;
	v19 =	vadd.f32 v19, v31  }
0x133: {  	v31 =	vmul.f32 v50, v25;
	v50 =	vperm.xlane v6, v1;
	v11 =	vadd.f32 v23, v11  }
0x134: {  	v23 =	vperm.xlane v15, v1;
	v7 =	vadd.f32 v7, v24;
	v24 =	vperm.xlane v26, v2  }
0x135: {  	vm0 =	vmmov vm1;
	v56 =	vperm.xlane v17, v2;
	v59 =	vperm.xlane v19, v1  }
0x136: {  	v27 =	vadd.f32 v31, v27;
	v31 =	vmul.f32 v52, v25;
	v25 =	vperm.xlane v9, v1  }
0x137: {  	v13 =	vadd.f32 v13, v51;
	v28 =	vperm.xlane v11, v1;
	v52 =	vperm.xlane v14, v2  }
0x138: {  	v6 =	vadd.f32 v6, v50;
	v15 =	vadd.f32 v15, v23;
	v23 =	vperm.xlane v29, v2  }
0x139: {  	[tilespmem:$0x1FFB0] =	vst v37;
	v57 =	vperm.xlane v7, v2;
	v49 =	vadd.f32 v26, v24;
	v37 =	vadd.f32 v17, v56  }
0x13a: {  	v63 =	vperm.xlane v27, v1;
	v5 =	vadd.f32 v31, v5;
	v31 =	vperm.xlane v10, v1  }
0x13b: {  	v19 =	vadd.f32 v19, v59;
	v9 =	vadd.f32 v9, v25;
	v25 =	vperm.xlane v18, v2  }
0x13c: {  	v11 =	vadd.f32 v11, v28;
	v28 =	vadd.f32 v0, v30;
	v30 =	vperm.xlane v8, v2  }
0x13d: {  	v14 =	vadd.f32 v14, v52;
	v59 =	vperm.xlane v15, v2;
	v47 =	vadd.f32 v29, v23  }
0x13e: {  	v42 =	vadd.f32 v7, v57;
	v51 =	vperm.xlane v49, v3;
	v56 =	vperm.xlane v37, v3  }
0x13f: {  	v48 =	vperm.xlane v5, v1;
	v10 =	vadd.f32 v10, v31;
	v31 =	vperm.xlane v16, v2  }
0x140: {  	v27 =	vadd.f32 v27, v63;
	v0 =	vperm.xlane v19, v2;
	v58 =	vperm.xlane v9, v2  }
0x141: {  	v23 =	vperm.xlane v11, v2;
	v24 =	vperm.xlane v28, v3;
	v40 =	vadd.f32 v8, v30  }
0x142: {  	v8 =	vperm.xlane v12, v3;
	v44 =	vadd.f32 v15, v59;
	v62 =	vperm.xlane v47, v3  }
0x143: {  	v5 =	vadd.f32 v5, v48;
	v53 =	vperm.xlane v27, v2;
	v54 =	vperm.xlane v10, v2  }
0x144: {  	s21 =	sadd.s32 $0x40, s21;
	v16 =	vadd.f32 v16, v31;
	v31 =	vperm.xlane v6, v2;
	v48 =	vadd.f32 v18, v25  }
0x145: {  	v45 =	vld [tilespmem:s21+$0x10];
	s16 =	sadd.s32 $0x500, s16;
	v46 =	vadd.f32 v19, v0;
	v18 =	vperm.xlane v13, v3;
	v43 =	vadd.f32 v9, v58  }
0x146: {  	v33 =	vld [tilespmem:s16+$0x240];
	v39 =	vadd.f32 v11, v23;
	v59 =	vperm.xlane v40, v3;
	v29 =	vadd.f32 v12, v8  }
0x147: {  	p1 =	sne.s32 s26, $0xF;
	[tilespmem:$0x1FFD0] =	vst v34;
	v34 =	vld [tilespmem:s16+$0x250];
	v55 =	vperm.xlane v5, v2;
	v32 =	vadd.f32 v27, v53;
	v38 =	vadd.f32 v10, v54  }
.Ltmp0:
0x148: {  	v63 =	vld [tilespmem:s21+$0xFFFFFFE0];
	v41 =	vadd.f32 v6, v31;
	v6 =	vperm.xlane v14, v3;
	v31 =	vadd.f32 v28, v24;
	(pc) =	sbr.rel @p1 .LBB2_4-.Ltmp0, $4  }
0x149: {  	s22 =	sadd.s32 $0x40, s22;
	v0 =	vld [tilespmem:s21+$0xFFFFFFF0];
	v50 =	vperm.xlane v48, v3;
	v30 =	vadd.f32 v13, v18;
	v61 =	vperm.xlane v46, v3  }
0x14a: {  	v23 =	vld [tilespmem:s22+$0xFFFFFFF0];
	v54 =	vperm.xlane v42, v3;
	v36 =	vadd.f32 v5, v55;
	v5 =	vperm.xlane v16, v3  }
0x14b: {  	v53 =	vld [tilespmem:s21+$0x0];
	v60 =	vperm.xlane v32, v3;
	v58 =	vperm.xlane v38, v3;
	v27 =	vadd.f32 v14, v6  }
0x14c: {  	s20 =	smov.u32 s26;
	s26 =	sadd.s32 $0x1, s26;
	v24 =	vld [tilespmem:s22+$0xFFFFFFE0];
	v55 =	vperm.xlane v41, v3;
	v28 =	vadd.f32 v16, v5;
	v57 =	vperm.xlane v36, v3  }
0x14d: {  	v26 =	vld [tilespmem:s22+$0x0]  }
0x14e: {  	v5 =	vld [tilespmem:s16+$0x260]  }
0x14f: {  	v25 =	vld [tilespmem:s22+$0x10]  }
0x150: {  	v6 =	vld [tilespmem:s16+$0x270]  }
0x151: {  	v7 =	vadd.f32 v49, v51;
	v9 =	vld [tilespmem:s16+$0xFFFFFD80]  }
0x152: {  	v8 =	vperm.xlane v43, v3;
	v10 =	vadd.f32 v47, v62;
	v51 =	vadd.f32 v48, v50;
	v12 =	vld [tilespmem:s16+$0xFFFFFD90]  }
0x153: {  	v11 =	vperm.xlane v44, v3;
	v50 =	vadd.f32 v46, v61;
	v14 =	vld [tilespmem:s16+$0xFFFFFDC0];
	v46 =	vadd.f32 v40, v59  }
0x154: {  	v17 =	vld [tilespmem:s16+$0xFFFFFDD0];
	v40 =	vadd.f32 v32, v60;
	v19 =	vperm.xlane v39, v3;
	v47 =	vadd.f32 v38, v58  }
0x155: {  	v18 =	vld [tilespmem:s16+$0xFFFFFE00];
	v32 =	vadd.f32 v42, v54;
	v0 =	vmul.f32 v0, v23;
	v16 =	vmul.f32 v34, v23  }
0x156: {  	v35 =	vld [tilespmem:s16+$0xFFFFFE50];
	v49 =	vadd.f32 v36, v57;
	v34 =	vperm.xlane v31, v4;
	v13 =	vmul.f32 v63, v24  }
0x157: {  	v58 =	vld [tilespmem:s16+$0xFFFFFE80];
	v48 =	vadd.f32 v41, v55;
	v15 =	vmul.f32 v33, v24;
	v61 =	vmul.f32 v53, v26  }
0x158: {  	v52 =	vld [tilespmem:s16+$0xFFFFFF40];
	v41 =	vadd.f32 v44, v11;
	v5 =	vmul.f32 v5, v26;
	v62 =	vmul.f32 v45, v25  }
0x159: {  	v54 =	vld [tilespmem:s16+$0xFFFFFF90];
	v45 =	vadd.f32 v37, v56;
	v6 =	vmul.f32 v6, v25;
	v9 =	vmul.f32 v9, v24  }
0x15a: {  	v63 =	vld [tilespmem:s16+$0xFFFFFE40];
	v12 =	vmul.f32 v12, v23;
	v0 =	vadd.f32 v0, v13;
	v15 =	vadd.f32 v16, v15  }
0x15b: {  	v37 =	vadd.f32 v43, v8;
	v8 =	vld [tilespmem:s16+$0xFFFFFEC0];
	v44 =	vmul.f32 v14, v24;
	v59 =	vmul.f32 v17, v23  }
0x15c: {  	v56 =	vld [tilespmem:s16+$0xFFFFFED0];
	v60 =	vmul.f32 v18, v24;
	v0 =	vadd.f32 v61, v0;
	v5 =	vadd.f32 v5, v15  }
0x15d: {  	v38 =	vadd.f32 v39, v19;
	v17 =	vld [tilespmem:s16+$0xFFFFFF10];
	v18 =	vperm.xlane v30, v4;
	v53 =	vmul.f32 v58, v24  }
0x15e: {  	v58 =	vperm.xlane v29, v4;
	v16 =	vld [tilespmem:s16+$0xFFFFFE10];
	v0 =	vadd.f32 v62, v0;
	v5 =	vadd.f32 v6, v5  }
0x15f: {  	v11 =	vld [tilespmem:s16+$0x0];
	v39 =	vadd.f32 v12, v9;
	v12 =	vmul.f32 v54, v23;
	v62 =	vmul.f32 v63, v24  }
0x160: {  	v33 =	vld [tilespmem:s16+$0x90];
	v42 =	vadd.f32 v59, v44;
	v6 =	vperm.xlane v0, v1;
	v19 =	vperm.xlane v5, v1  }
0x161: {  	v44 =	vadd.f32 v31, v34;
	v15 =	vld [tilespmem:s16+$0xFFFFFE90];
	v63 =	vmul.f32 v35, v23;
	v8 =	vmul.f32 v8, v24  }
0x162: {  	v14 =	vmul.f32 v56, v23;
	v0 =	vadd.f32 v0, v6;
	v6 =	vld [tilespmem:s16+$0xFFFFFF00];
	v5 =	vadd.f32 v5, v19  }
0x163: {  	v18 =	vadd.f32 v30, v18;
	v34 =	vld [tilespmem:s16+$0x10];
	v55 =	vmul.f32 v17, v23;
	v61 =	vmul.f32 v16, v23  }
0x164: {  	v56 =	vmov s20;
	v16 =	vld [tilespmem:s16+$0xFFFFFF50];
	v19 =	vperm.xlane v0, v2;
	v36 =	vperm.xlane v5, v2  }
0x165: {  	v59 =	vld [tilespmem:s16+$0xFFFFFFD0];
	v31 =	vadd.f32 v63, v62;
	v8 =	vadd.f32 v14, v8;
	v62 =	vlaneseq.u32  }
0x166: {  	v35 =	vld [tilespmem:s16+$0x40];
	v15 =	vmul.f32 v15, v23;
	v0 =	vadd.f32 v0, v19;
	v5 =	vadd.f32 v5, v36  }
0x167: {  	v13 =	vld [tilespmem:s16+$0xFFFFFFC0];
	v43 =	vadd.f32 v61, v60;
	vm1 =	veq.s32 v56, v62;
	v6 =	vmul.f32 v6, v24  }
0x168: {  	v9 =	vadd.f32 v15, v53;
	v19 =	vld [tilespmem:s16+$0xFFFFFF80];
	v57 =	vperm.xlane v0, v3;
	v15 =	vperm.xlane v5, v3  }
0x169: {  	v30 =	vld [tilespmem:s16+$0xD0];
	v60 =	vmul.f32 v34, v23;
	v16 =	vmul.f32 v16, v23;
	v14 =	vadd.f32 v55, v6  }
0x16a: {  	v6 =	vmul.f32 v52, v24;
	v0 =	vadd.f32 v0, v57;
	v36 =	vadd.f32 v5, v15;
	v5 =	vld [tilespmem:s16+$0x50]  }
0x16b: {  	v61 =	vld [tilespmem:s16+$0x110];
	v63 =	vmul.f32 v35, v24;
	v15 =	vadd.f32 v29, v58;
	v58 =	vmul.f32 v59, v23  }
0x16c: {  	v56 =	vld [tilespmem:s16+$0x210];
	v16 =	vadd.f32 v16, v6;
	v6 =	vmul.f32 v13, v24;
	v17 =	vperm.xlane v0, v4  }
0x16d: {  	v35 =	vld [tilespmem:s16+$0x180];
	v57 =	vperm.xlane v28, v4;
	v19 =	vmul.f32 v19, v24  }
0x16e: {  	v13 =	vadd.f32 v58, v6;
	v6 =	vmul.f32 v11, v24;
	v0 =	vadd.f32 v0, v17;
	v17 =	vld [tilespmem:s16+$0x80]  }
0x16f: {  	v33 =	vmul.f32 v33, v23;
	v29 =	vld [tilespmem:s16+$0x100];
	v12 =	vadd.f32 v12, v19;
	v5 =	vmul.f32 v5, v23  }
0x170: {  	v52 =	vld [tilespmem:s16+$0xC0];
	v59 =	vperm.xlane v27, v4;
	v19 =	vadd.f32 v28, v57;
	v11 =	vadd.f32 v60, v6  }
0x171: {  	v53 =	vld [tilespmem:s16+$0x200];
	v6 =	vperm.xlane v10, v4;
	v28 =	vadd.f32 v5, v63;
	v5 =	vperm.xlane v51, v4  }
0x172: {  	v30 =	vmul.f32 v30, v23;
	v27 =	vadd.f32 v27, v59;
	v59 =	vld [tilespmem:s16+$0x150];
	v60 =	vperm.xlane v50, v4  }
0x173: {  	v58 =	vld [tilespmem:s16+$0x140];
	v10 =	vadd.f32 v10, v6;
	v17 =	vmul.f32 v17, v24;
	v51 =	vadd.f32 v51, v5  }
0x174: {  	v6 =	vld [tilespmem:s16+$0x190];
	v5 =	vmul.f32 v29, v24;
	v29 =	vadd.f32 v50, v60;
	v60 =	vperm.xlane v47, v4  }
0x175: {  	v55 =	vld [tilespmem:s16+$0x1D0];
	v57 =	vperm.xlane v7, v4;
	v33 =	vadd.f32 v33, v17;
	v17 =	vmul.f32 v52, v24  }
0x176: {  	v21 =	vsel vm0, v15, v21;
	v63 =	vperm.xlane v46, v4;
	v47 =	vadd.f32 v47, v60;
	v60 =	vld [tilespmem:s16+$0xFFFFFF20]  }
0x177: {  	v7 =	vadd.f32 v7, v57;
	v52 =	vld [tilespmem:s16+$0x1C0];
	v30 =	vadd.f32 v30, v17;
	v17 =	vmul.f32 v61, v23  }
0x178: {  	v34 =	vmul.f32 v58, v24;
	v46 =	vadd.f32 v46, v63;
	v61 =	vmul.f32 v59, v23;
	v59 =	vld [tilespmem:s16+$0xFFFFFEA0]  }
0x179: {  	v58 =	vld [tilespmem:s16+$0xFFFFFDE0];
	v6 =	vmul.f32 v6, v23;
	v57 =	vadd.f32 v17, v5;
	v17 =	vperm.xlane v40, v4  }
0x17a: {  	v50 =	vld [tilespmem:s16+$0xFFFFFE20];
	v5 =	vmul.f32 v35, v24;
	v34 =	vadd.f32 v61, v34;
	v61 =	vperm.xlane v48, v4  }
0x17b: {  	v35 =	vld [tilespmem:s16+$0xFFFFFDA0];
	v15 =	vmul.f32 v60, v26;
	v40 =	vadd.f32 v40, v17;
	v17 =	vperm.xlane v49, v4  }
0x17c: {  	v60 =	vld [tilespmem:$0x1FF20];
	v54 =	vadd.f32 v6, v5;
	v5 =	vperm.xlane v45, v4;
	v48 =	vadd.f32 v48, v61  }
0x17d: {  	v6 =	vld [tilespmem:s16+$0xFFFFFE60];
	v59 =	vmul.f32 v59, v26;
	v49 =	vadd.f32 v49, v17;
	v17 =	vmul.f32 v52, v24  }
0x17e: {  	v24 =	vmul.f32 v53, v24;
	v45 =	vadd.f32 v45, v5;
	v5 =	vmul.f32 v55, v23;
	v53 =	vld [tilespmem:s16+$0xFFFFFEE0]  }
0x17f: {  	v52 =	vperm.xlane v32, v4;
	v55 =	vperm.xlane v37, v4;
	v9 =	vadd.f32 v59, v9;
	v59 =	vld [tilespmem:s16+$0x220]  }
0x180: {  	v61 =	vadd.f32 v5, v17;
	v5 =	vmul.f32 v56, v23;
	v17 =	vperm.xlane v41, v4;
	v56 =	vld [tilespmem:s16+$0xFFFFFF60]  }
0x181: {  	v63 =	vmul.f32 v58, v26;
	v32 =	vadd.f32 v32, v52;
	v52 =	vadd.f32 v37, v55;
	v55 =	vld [tilespmem:s16+$0xFFFFFFA0]  }
0x182: {  	v37 =	vadd.f32 v41, v17;
	v17 =	vmul.f32 v35, v26;
	v41 =	vld [tilespmem:s16+$0xFFFFFFE0]  }
0x183: {  	v24 =	vadd.f32 v5, v24;
	v5 =	vld [tilespmem:$0x1FF00];
	v35 =	vadd.f32 v63, v42;
	v63 =	vmul.f32 v6, v26  }
0x184: {  	v6 =	vsel vm0, v18, v22;
	v22 =	vld [tilespmem:s16+$0xE0];
	v58 =	vadd.f32 v17, v39;
	v17 =	vmul.f32 v50, v26  }
0x185: {  	v18 =	vsel vm0, v7, v60;
	v60 =	vld [tilespmem:$0x1FF60]  }
0x186: {  	v39 =	vld [tilespmem:s16+$0x60];
	v43 =	vadd.f32 v17, v43;
	v17 =	vmul.f32 v53, v26  }
0x187: {  	v50 =	vld [tilespmem:s16+$0xA0]  }
0x188: {  	v8 =	vadd.f32 v17, v8;
	v17 =	vld [tilespmem:$0x1FF10]  }
0x189: {  	v42 =	vadd.f32 v63, v31;
	v31 =	vld [tilespmem:s16+$0x120]  }
0x18a: {  	v23 =	vperm.xlane v38, v4;
	v63 =	vld [tilespmem:$0x1FF30]  }
0x18b: {  	v53 =	vld [tilespmem:s16+$0x1A0]  }
0x18c: {  	v38 =	vadd.f32 v38, v23;
	v23 =	vsel vm1, v0, v5;
	v0 =	vld [tilespmem:s16+$0x20]  }
0x18d: {  	v20 =	vsel vm0, v19, v20;
	v5 =	vld [tilespmem:$0x1FEF0];
	v19 =	vsel vm0, v27, v17  }
0x18e: {  	v17 =	vmul.f32 v56, v26;
	v27 =	vmul.f32 v55, v26;
	v55 =	vadd.f32 v15, v14;
	v14 =	vld [tilespmem:$0x1FF40]  }
0x18f: {  	v7 =	vmul.f32 v41, v26;
	v41 =	vld [tilespmem:s16+$0x1E0]  }
0x190: {  	v56 =	vadd.f32 v17, v16;
	v17 =	vsel vm0, v10, v63;
	v10 =	vmul.f32 v39, v26;
	v39 =	vld [tilespmem:$0x1FF50]  }
0x191: {  	v63 =	vmul.f32 v22, v26;
	v22 =	vld [tilespmem:s16+$0xFFFFFE30]  }
0x192: {  	v5 =	vsel vm0, v44, v5;
	v44 =	vld [tilespmem:s16+$0x160]  }
0x193: {  	v16 =	vsel vm0, v51, v14;
	v51 =	vld [tilespmem:s16+$0xFFFFFDB0]  }
0x194: {  	v14 =	vsel vm0, v46, v60;
	v46 =	vld [tilespmem:$0x1FF80]  }
0x195: {  	v60 =	vld [tilespmem:$0x1FF90]  }
0x196: {  	v50 =	vmul.f32 v50, v26;
	v15 =	vsel vm0, v29, v39;
	v29 =	vld [tilespmem:s16+$0xFFFFFDF0];
	v22 =	vmul.f32 v22, v25  }
0x197: {  	v39 =	vld [tilespmem:$0x1FF70]  }
0x198: {  	v33 =	vadd.f32 v50, v33;
	v50 =	vmul.f32 v31, v26;
	v22 =	vadd.f32 v22, v43;
	v43 =	vld [tilespmem:s16+$0xB0]  }
0x199: {  	v0 =	vmul.f32 v0, v26;
	v27 =	vadd.f32 v27, v12;
	v12 =	vsel vm0, v47, v46;
	v47 =	vld [tilespmem:s16+$0xFFFFFEB0]  }
0x19a: {  	v46 =	vadd.f32 v63, v30;
	v30 =	vmul.f32 v44, v26;
	v44 =	vld [tilespmem:s16+$0xFFFFFEF0]  }
0x19b: {  	v0 =	vadd.f32 v0, v11;
	v11 =	vsel vm0, v49, v60;
	v49 =	vadd.f32 v50, v57;
	v57 =	vld [tilespmem:$0x1FFB0]  }
0x19c: {  	v50 =	vld [tilespmem:$0x1FFA0]  }
0x19d: {  	v63 =	vmul.f32 v53, v26;
	v53 =	vmul.f32 v41, v26;
	v41 =	vld [tilespmem:s16+$0xFFFFFF30]  }
0x19e: {  	v7 =	vadd.f32 v7, v13;
	v60 =	vld [tilespmem:$0x1FFC0]  }
0x19f: {  	v28 =	vadd.f32 v10, v28;
	v26 =	vmul.f32 v59, v26;
	v13 =	vsel vm0, v40, v39;
	v40 =	vld [tilespmem:s16+$0xFFFFFE70]  }
0x1a0: {  	v51 =	vmul.f32 v51, v25;
	v34 =	vadd.f32 v30, v34;
	v30 =	vsel vm0, v48, v57;
	v48 =	vld [tilespmem:s16+$0xFFFFFF70]  }
0x1a1: {  	v29 =	vmul.f32 v29, v25;
	v10 =	vsel vm0, v45, v50;
	v45 =	vadd.f32 v63, v54;
	v63 =	vld [tilespmem:s16+$0xFFFFFFB0]  }
0x1a2: {  	v24 =	vadd.f32 v26, v24;
	v51 =	vadd.f32 v51, v58;
	v54 =	vld [tilespmem:$0x1FFD0]  }
0x1a3: {  	v29 =	vadd.f32 v29, v35;
	v43 =	vmul.f32 v43, v25;
	v57 =	vmul.f32 v47, v25;
	v47 =	vld [tilespmem:s16+$0x70]  }
0x1a4: {  	v31 =	vsel vm0, v32, v60;
	v32 =	vadd.f32 v53, v61;
	v58 =	vmul.f32 v44, v25;
	v61 =	vld [tilespmem:s16+$0xF0]  }
0x1a5: {  	v59 =	vmul.f32 v41, v25;
	v26 =	vmul.f32 v40, v25;
	v40 =	vld [tilespmem:s16+$0x30];
	v9 =	vadd.f32 v57, v9  }
0x1a6: {  	vm2 =	vmmov vm1;
	v33 =	vadd.f32 v43, v33;
	v8 =	vadd.f32 v58, v8;
	v57 =	vld [tilespmem:s16+$0x130]  }
0x1a7: {  	v35 =	vadd.f32 v59, v55;
	v58 =	vld [tilespmem:s16+$0x170];
	v53 =	vperm.xlane v9, v1;
	v60 =	vmul.f32 v48, v25  }
0x1a8: {  	v59 =	vld [tilespmem:s16+$0x1B0];
	v26 =	vadd.f32 v26, v42;
	v48 =	vperm.xlane v51, v1;
	v63 =	vmul.f32 v63, v25  }
0x1a9: {  	v39 =	vsel vm0, v52, v54;
	v54 =	vperm.xlane v29, v1;
	v47 =	vmul.f32 v47, v25  }
0x1aa: {  	v44 =	vmul.f32 v61, v25;
	v50 =	vperm.xlane v26, v1;
	v9 =	vadd.f32 v9, v53  }
0x1ab: {  	v41 =	vadd.f32 v60, v56;
	v27 =	vadd.f32 v63, v27;
	v40 =	vmul.f32 v40, v25  }
0x1ac: {  	v52 =	vld [tilespmem:s16+$0xFFFFFFF0];
	v28 =	vadd.f32 v47, v28;
	v63 =	vmul.f32 v57, v25;
	v44 =	vadd.f32 v44, v46  }
0x1ad: {  	v56 =	vmul.f32 v58, v25;
	v42 =	vmul.f32 v59, v25;
	v48 =	vadd.f32 v51, v48  }
0x1ae: {  	v57 =	vperm.xlane v8, v1;
	v29 =	vadd.f32 v29, v54;
	v26 =	vadd.f32 v26, v50  }
0x1af: {  	v61 =	vld [tilespmem:s16+$0x230];
	v58 =	vperm.xlane v35, v1;
	v0 =	vadd.f32 v40, v0;
	v43 =	vadd.f32 v63, v49  }
0x1b0: {  	v60 =	vld [tilespmem:s16+$0x1F0];
	v34 =	vadd.f32 v56, v34;
	v42 =	vadd.f32 v42, v45;
	v59 =	vperm.xlane v41, v1  }
0x1b1: {  	v54 =	vperm.xlane v28, v1;
	v8 =	vadd.f32 v8, v57;
	v52 =	vmul.f32 v52, v25  }
0x1b2: {  	v35 =	vadd.f32 v35, v58;
	v63 =	vperm.xlane v0, v1;
	v50 =	vperm.xlane v43, v1  }
0x1b3: {  	v53 =	vperm.xlane v34, v1;
	v57 =	vperm.xlane v42, v1;
	v28 =	vadd.f32 v28, v54  }
0x1b4: {  	v54 =	vperm.xlane v26, v2;
	v7 =	vadd.f32 v52, v7;
	v52 =	vperm.xlane v22, v1  }
0x1b5: {  	v41 =	vadd.f32 v41, v59;
	v40 =	vmul.f32 v60, v25;
	v25 =	vmul.f32 v61, v25  }
0x1b6: {  	v60 =	vperm.xlane v27, v1;
	v0 =	vadd.f32 v0, v63;
	v43 =	vadd.f32 v43, v50  }
0x1b7: {  	v34 =	vadd.f32 v34, v53;
	v50 =	vperm.xlane v8, v2;
	v42 =	vadd.f32 v42, v57  }
0x1b8: {  	v57 =	vperm.xlane v35, v2;
	v26 =	vadd.f32 v26, v54;
	v61 =	vperm.xlane v7, v1  }
0x1b9: {  	v24 =	vadd.f32 v25, v24;
	v25 =	vperm.xlane v33, v1;
	v22 =	vadd.f32 v22, v52  }
0x1ba: {  	v52 =	vperm.xlane v44, v1;
	v27 =	vadd.f32 v27, v60;
	v60 =	vperm.xlane v48, v2  }
0x1bb: {  	v32 =	vadd.f32 v40, v32;
	v51 =	vperm.xlane v0, v2;
	v54 =	vperm.xlane v43, v2  }
0x1bc: {  	v55 =	vperm.xlane v34, v2;
	v8 =	vadd.f32 v8, v50;
	v56 =	vperm.xlane v42, v2  }
0x1bd: {  	v35 =	vadd.f32 v35, v57;
	v58 =	vperm.xlane v32, v1;
	v59 =	vperm.xlane v24, v1  }
0x1be: {  	v7 =	vadd.f32 v7, v61;
	v61 =	vperm.xlane v29, v2;
	v25 =	vadd.f32 v33, v25  }
0x1bf: {  	v63 =	vperm.xlane v22, v2;
	v33 =	vadd.f32 v44, v52;
	v45 =	vadd.f32 v48, v60  }
0x1c0: {  	v44 =	vperm.xlane v9, v2;
	v0 =	vadd.f32 v0, v51;
	v43 =	vadd.f32 v43, v54  }
0x1c1: {  	v34 =	vadd.f32 v34, v55;
	v42 =	vadd.f32 v42, v56;
	v56 =	vperm.xlane v8, v3  }
0x1c2: {  	v32 =	vadd.f32 v32, v58;
	v58 =	vperm.xlane v41, v2;
	v24 =	vadd.f32 v24, v59  }
0x1c3: {  	v59 =	vperm.xlane v27, v2;
	v60 =	vperm.xlane v7, v2;
	v29 =	vadd.f32 v29, v61  }
0x1c4: {  	v61 =	vperm.xlane v28, v2;
	v22 =	vadd.f32 v22, v63;
	v40 =	vperm.xlane v25, v2  }
0x1c5: {  	v63 =	vperm.xlane v33, v2;
	v9 =	vadd.f32 v9, v44;
	v55 =	vperm.xlane v43, v3  }
0x1c6: {  	v8 =	vadd.f32 v8, v56;
	v56 =	vperm.xlane v34, v3;
	v57 =	vperm.xlane v32, v2  }
0x1c7: {  	v41 =	vadd.f32 v41, v58;
	v58 =	vperm.xlane v24, v2;
	v27 =	vadd.f32 v27, v59  }
0x1c8: {  	v59 =	vperm.xlane v45, v3;
	v7 =	vadd.f32 v7, v60;
	v60 =	vperm.xlane v29, v3  }
0x1c9: {  	v28 =	vadd.f32 v28, v61;
	v61 =	vperm.xlane v22, v3;
	v25 =	vadd.f32 v25, v40  }
0x1ca: {  	v33 =	vadd.f32 v33, v63;
	v63 =	vperm.xlane v26, v3;
	v43 =	vadd.f32 v43, v55  }
0x1cb: {  	v44 =	vperm.xlane v9, v3;
	v34 =	vadd.f32 v34, v56;
	v32 =	vadd.f32 v32, v57  }
0x1cc: {  	v50 =	vperm.xlane v8, v4;
	v24 =	vadd.f32 v24, v58;
	v45 =	vadd.f32 v45, v59  }
0x1cd: {  	v57 =	vperm.xlane v35, v3;
	v58 =	vperm.xlane v41, v3;
	v29 =	vadd.f32 v29, v60  }
0x1ce: {  	v59 =	vperm.xlane v27, v3;
	v60 =	vperm.xlane v7, v3;
	v22 =	vadd.f32 v22, v61  }
0x1cf: {  	v61 =	vperm.xlane v0, v3;
	v52 =	vperm.xlane v28, v3;
	v26 =	vadd.f32 v26, v63  }
0x1d0: {  	v63 =	vperm.xlane v25, v3;
	v9 =	vadd.f32 v9, v44;
	v40 =	vadd.f32 v8, v50  }
0x1d1: {  	v53 =	vperm.xlane v33, v3;
	v35 =	vadd.f32 v35, v57;
	v41 =	vadd.f32 v41, v58  }
0x1d2: {  	v27 =	vadd.f32 v27, v59;
	v57 =	vperm.xlane v42, v3;
	v48 =	vadd.f32 v7, v60  }
0x1d3: {  	v0 =	vadd.f32 v0, v61;
	v7 =	vperm.xlane v32, v3;
	v28 =	vadd.f32 v28, v52  }
0x1d4: {  	v25 =	vadd.f32 v25, v63;
	v58 =	vperm.xlane v24, v3;
	v59 =	vperm.xlane v45, v4  }
0x1d5: {  	v33 =	vadd.f32 v33, v53;
	v60 =	vperm.xlane v29, v4;
	v61 =	vperm.xlane v22, v4  }
0x1d6: {  	v63 =	vperm.xlane v26, v4;
	v49 =	vperm.xlane v9, v4;
	v42 =	vadd.f32 v42, v57  }
0x1d7: {  	v18 =	vsel vm2, v40, v18;
	v32 =	vadd.f32 v32, v7;
	v7 =	vadd.f32 v24, v58  }
0x1d8: {  	v24 =	vadd.f32 v45, v59;
	v29 =	vadd.f32 v29, v60;
	v51 =	vperm.xlane v35, v4  }
0x1d9: {  	v22 =	vadd.f32 v22, v61;
	v52 =	vperm.xlane v41, v4;
	v53 =	vperm.xlane v27, v4  }
0x1da: {  	v26 =	vadd.f32 v26, v63;
	v54 =	vperm.xlane v48, v4;
	v55 =	vperm.xlane v0, v4  }
0x1db: {  	v9 =	vadd.f32 v9, v49;
	v56 =	vperm.xlane v28, v4;
	v57 =	vperm.xlane v25, v4  }
0x1dc: {  	v58 =	vperm.xlane v33, v4;
	v35 =	vadd.f32 v35, v51;
	v41 =	vadd.f32 v41, v52  }
0x1dd: {  	v59 =	vperm.xlane v43, v4;
	v27 =	vadd.f32 v27, v53;
	v48 =	vadd.f32 v48, v54  }
0x1de: {  	v60 =	vperm.xlane v34, v4;
	v0 =	vadd.f32 v0, v55;
	v28 =	vadd.f32 v28, v56  }
0x1df: {  	v61 =	vperm.xlane v42, v4;
	v25 =	vadd.f32 v25, v57;
	v33 =	vadd.f32 v33, v58  }
0x1e0: {  	v63 =	vperm.xlane v32, v4;
	v43 =	vadd.f32 v43, v59;
	v34 =	vadd.f32 v34, v60  }
0x1e1: {  	v5 =	vsel vm2, v24, v5;
	v6 =	vsel vm2, v29, v6;
	v21 =	vsel vm2, v22, v21  }
0x1e2: {  	v20 =	vsel vm2, v26, v20;
	v9 =	vsel vm2, v9, v19;
	v19 =	vmov s15  }
0x1e3: {  	v19 =	vmul.u32 $0x14, v19;
	v42 =	vadd.f32 v42, v61;
	v8 =	vadd.f32 v32, v63  }
0x1e4: {  	v17 =	vsel vm2, v35, v17;
	v16 =	vsel vm2, v41, v16;
	v15 =	vsel vm2, v27, v15  }
0x1e5: {  	v14 =	vsel vm2, v48, v14;
	v0 =	vsel vm2, v0, v13;
	v12 =	vsel vm2, v28, v12  }
0x1e6: {  	v35 =	vmul.u32 $0x14, v62;
	v13 =	vbroadcast v19, $0x0;
	v19 =	vand.u32 $0x1, v62  }
0x1e7: {  	v11 =	vsel vm2, v25, v11;
	v10 =	vsel vm2, v33, v10;
	v41 =	vmul.u32 $0x4, v19  }
0x1e8: {  	v50 =	vor.u32 $0x1, v35;
	v55 =	vor.u32 $0x2, v35;
	v60 =	vor.u32 $0x3, v35  }
0x1e9: {  	v58 =	vadd.s32 $0x4, v35;
	v19 =	vmul.u32 $0xFFFFFFFC, v19;
	v52 =	vadd.s32 $0x5, v35  }
0x1ea: {  	v53 =	vadd.s32 $0x6, v35;
	v61 =	vadd.s32 $0x7, v35;
	v32 =	vadd.s32 $0x8, v35  }
0x1eb: {  	v48 =	vadd.s32 $0x9, v35;
	v22 =	vadd.s32 v35, v13;
	v24 =	vadd.s32 v50, v13  }
0x1ec: {  	v25 =	vadd.s32 v55, v13;
	v26 =	vadd.s32 v60, v13;
	v27 =	vadd.s32 v58, v13  }
0x1ed: {  	v44 =	vadd.s32 v52, v13;
	v45 =	vadd.s32 v53, v13;
	v46 =	vadd.s32 v61, v13  }
0x1ee: {  	v22 =	vand.u32 $0xFFFFFFF8, v22;
	v24 =	vand.u32 $0xFFFFFFF8, v24;
	v56 =	vor.u32 $0x1, v41  }
0x1ef: {  	v25 =	vand.u32 $0xFFFFFFF8, v25;
	v57 =	vor.u32 $0x2, v41;
	v22 =	vor.u32 v41, v22  }
0x1f0: {  	v26 =	vand.u32 $0xFFFFFFF8, v26;
	v59 =	vor.u32 $0x3, v41;
	v24 =	vor.u32 v56, v24  }
0x1f1: {  	v27 =	vand.u32 $0xFFFFFFF8, v27;
	v33 =	vadd.s32 $0x4, v19;
	v25 =	vor.u32 v57, v25  }
0x1f2: {  	v28 =	vand.u32 $0xFFFFFFF8, v44;
	v51 =	vadd.s32 $0x5, v19;
	v26 =	vor.u32 v59, v26  }
0x1f3: {  	[tilespmem:s15+$0x16540] =	vst v23;
	v29 =	vand.u32 $0xFFFFFFF8, v45;
	v62 =	vadd.s32 $0x6, v19;
	v27 =	vor.u32 v33, v27  }
0x1f4: {  	v63 =	vadd.s32 $0x7, v19;
	v19 =	vadd.s32 v48, v13;
	v28 =	vor.u32 v51, v28;
	[tilespmem:v22+s0+$0x0] =	vst.idx.msk $0xffff, v5  }
0x1f5: {  	v47 =	vand.u32 $0xFFFFFFF8, v46;
	v23 =	vor.u32 v62, v29;
	v5 =	vadd.s32 v32, v13;
	[tilespmem:v24+s0+$0x0] =	vst.idx.msk $0xffff, v6  }
0x1f6: {  	v19 =	vand.u32 $0xFFFFFFF8, v19;
	v6 =	vor.u32 v63, v47;
	v5 =	vand.u32 $0xFFFFFFF8, v5;
	[tilespmem:v25+s0+$0x0] =	vst.idx.msk $0xffff, v21  }
0x1f7: {  	v19 =	vor.u32 v56, v19;
	v24 =	vadd.s32 $0xA, v35;
	v5 =	vor.u32 v41, v5;
	[tilespmem:v26+s0+$0x0] =	vst.idx.msk $0xffff, v20  }
0x1f8: {  	v25 =	vadd.s32 $0xC, v35;
	v20 =	vadd.s32 v24, v13;
	v26 =	vadd.s32 $0xB, v35;
	[tilespmem:v27+s0+$0x0] =	vst.idx.msk $0xffff, v9  }
0x1f9: {  	v21 =	vadd.s32 $0xD, v35;
	v54 =	vand.u32 $0xFFFFFFF8, v20;
	v20 =	vadd.s32 v26, v13;
	[tilespmem:v28+s0+$0x0] =	vst.idx.msk $0xffff, v18  }
0x1fa: {  	v9 =	vor.u32 v57, v54;
	v18 =	vand.u32 $0xFFFFFFF8, v20;
	v20 =	vadd.s32 v25, v13;
	[tilespmem:v23+s0+$0x0] =	vst.idx.msk $0xffff, v17  }
0x1fb: {  	v17 =	vor.u32 v59, v18;
	v18 =	vand.u32 $0xFFFFFFF8, v20;
	[tilespmem:v6+s0+$0x0] =	vst.idx.msk $0xffff, v16;
	v16 =	vadd.s32 v21, v13  }
0x1fc: {  	v22 =	vadd.s32 $0xE, v35;
	v6 =	vor.u32 v33, v18;
	[tilespmem:v5+s0+$0x0] =	vst.idx.msk $0xffff, v15;
	v5 =	vand.u32 $0xFFFFFFF8, v16  }
0x1fd: {  	v23 =	vadd.s32 $0xF, v35;
	v15 =	vadd.s32 v22, v13;
	v5 =	vor.u32 v51, v5  }
0x1fe: {  	[tilespmem:v19+s0+$0x0] =	vst.idx.msk $0xffff, v14;
	v28 =	vand.u32 $0xFFFFFFF8, v15;
	v15 =	vadd.s32 v23, v13;
	v19 =	vadd.s32 $0x10, v35  }
0x1ff: {  	[tilespmem:v9+s0+$0x0] =	vst.idx.msk $0xffff, v0;
	v0 =	vor.u32 v62, v28;
	v29 =	vand.u32 $0xFFFFFFF8, v15;
	v15 =	vadd.s32 v19, v13  }
0x200: {  	v9 =	vor.u32 v63, v29;
	[tilespmem:v17+s0+$0x0] =	vst.idx.msk $0xffff, v12;
	v15 =	vand.u32 $0xFFFFFFF8, v15  }
0x201: {  	[tilespmem:v6+s0+$0x0] =	vst.idx.msk $0xffff, v11;
	v6 =	vor.u32 v41, v15;
	_ =	sdelay $0x1  }
0x202: {  	v30 =	vsel vm2, v43, v30;
	[tilespmem:v5+s0+$0x0] =	vst.idx.msk $0xffff, v10  }
0x203: {  	v34 =	vsel vm2, v34, v31;
	[tilespmem:v0+s0+$0x0] =	vst.idx.msk $0xffff, v30  }
0x204: {  	v46 =	vsel vm2, v42, v39;
	v16 =	vadd.s32 $0x11, v35;
	[tilespmem:v9+s0+$0x0] =	vst.idx.msk $0xffff, v34  }
0x205: {  	v40 =	vadd.s32 v16, v13;
	v17 =	vadd.s32 $0x12, v35;
	[tilespmem:v6+s0+$0x0] =	vst.idx.msk $0xffff, v46;
	v6 =	vld [tilespmem:$0x1FFE0]  }
0x206: {  	v49 =	vld [tilespmem:$0x1FFF0];
	v43 =	vadd.s32 v17, v13;
	v5 =	vand.u32 $0xFFFFFFF8, v40  }
0x207: {  	v0 =	vor.u32 v56, v5;
	v5 =	vand.u32 $0xFFFFFFF8, v43  }
0x208: {  	v45 =	vperm.xlane v7, v4;
	v5 =	vor.u32 v57, v5;
	_ =	sdelay $0x1  }
0x209: {  	v7 =	vadd.f32 v7, v45;
	v6 =	vsel vm0, v37, v6  }
0x20a: {  	v20 =	vadd.s32 $0x13, v35;
	v9 =	vsel vm0, v38, v49;
	v6 =	vsel vm2, v8, v6  }
0x20b: {  	v44 =	vadd.s32 v20, v13;
	[tilespmem:v0+s0+$0x0] =	vst.idx.msk $0xffff, v6;
	v0 =	vsel vm2, v7, v9  }
0x20c: {  	v10 =	vand.u32 $0xFFFFFFF8, v44;
	[tilespmem:v5+s0+$0x0] =	vst.idx.msk $0xffff, v0;
	v0 =	vld [tilespmem:$0x1FEE0]  }
0x20d: {  	v47 =	vperm.xlane v36, v4;
	v10 =	vor.u32 v59, v10  }
.Ltmp1:
0x20e: {  	_ = 	snop;
	(pc) =	sbr.rel @p0 .LBB2_3-.Ltmp1, $3  }
0x20f: {  	v54 =	vadd.f32 v36, v47;
	_ =	sdelay $0x1  }
0x210: {  	v0 =	vsel vm1, v54, v0  }
0x211: {  	p1 =	por $0x0, $0x0;
	s15 =	simm.s32 $0x10;
	v45 =	vlaneseq.u32;
	[tilespmem:v10+s0+$0x0] =	vst.idx.msk $0xffff, v0  }
0x212: {  	s14 =	sshrl.u32 s13, $0x3  }
0x213: {  	s22 =	smul.u32 $0x14, s13;
	s15 =	sadd.s32 s7, s14;
	s14 =	simm.s32 $0x0  }
0x214: {  	[hbm4b:s15+s14] =	stream.linear.scatter [tilespmem:s3], [sflag:$0x3], $0x20, $0x38;
	[tilespmem:$0x167E0] =	vst v63  }
0x215: {  	_ =	swait.ge [sflag:s23], $0x20  }
0x216: {  	s26 =	sshll.u32 s11, $0x1;
	s13 =	sshrl.u32 s22, $0x3;
	[sflag:s23] =	ssyncset.done $0x0  }
0x217: {  	s15 =	smin.u32 s26, $0xD;
	s13 =	sadd.s32 s8, s13;
	[sflag:s23] =	ssyncadd.s32 $0xFFFFFFE0  }
0x218: {  	[hbm4b:s13+s14] =	stream.linear.scatter [tilespmem:s0], [sflag:$0x3], $0x280, $0x38;
	[tilespmem:$0x167E0] =	vst v63  }
0x219: {  	s13 =	sshll.u32 s15, $0x5  }
0x21a: {  	_ =	swait.ge [sflag:s23], $0x280;
	s13 =	sadd.s32 s13, s18  }
0x21b: {  	[sflag:s23] =	ssyncset.done $0x0;
	s16 =	sshrl.u32 s13, $0x3  }
0x21c: {  	s20 =	smul.u32 $0x14, s13;
	[sflag:s23] =	ssyncadd.s32 $0xFFFFFD80;
	s15 =	sadd.s32 s1, s16  }
0x21d: {  	[tilespmem:s14], [sflag:$0x3] =	stream.linear.gather [hbm4b:s15+s14], $0x20, $0x38;
	[tilespmem:$0x167E0] =	vst v63  }
0x21e: {  	_ =	swait.ge [sflag:s23], $0x20  }
0x21f: {  	s15 =	sshrl.u32 s20, $0x3;
	[sflag:s23] =	ssyncset.done $0x0  }
0x220: {  	s15 =	sadd.s32 s6, s15;
	[sflag:s23] =	ssyncadd.s32 $0xFFFFFFE0  }
0x221: {  	[tilespmem:s24], [sflag:$0x3] =	stream.linear.gather [hbm4b:s15+s14], $0x280, $0x38;
	[tilespmem:$0x167E0] =	vst v63  }
0x222: {  	s13 =	sshll.u32 s13, $0x3;
	_ =	swait.ge [sflag:s23], $0x280  }
0x223: {  	s13 =	sand.u32 $0x3FF00, s13;
	[sflag:s23] =	ssyncset.done $0x0  }
0x224: {  	s21 =	simm.s32 $0x2A0;
	s13 =	sadd.s32 s5, s13;
	[sflag:s23] =	ssyncadd.s32 $0xFFFFFD80  }
0x225: {  	[tilespmem:s21], [sflag:$0x1] =	stream.linear.gather [hbm4b:s13+s14], $0x800, $0x38;
	[tilespmem:$0x167E0] =	vst v63  }
0x226: {  	s22 =	simm.s32 $0xAA0  }
0x227: {  	[tilespmem:s22], [sflag:$0x1] =	stream.indirect.gather [hbm4b:s4+s24], $0x40, s14, s24, $0xb8;
	[tilespmem:$0x167E0] =	vst v63  }
0x228: {  	s26 =	simm.s32 $0x12A0  }
0x229: {  	[tilespmem:s26], [sflag:$0x1] =	stream.indirect.gather [hbm4b:s4+s25], $0x40, s24, s25, $0xb8;
	[tilespmem:$0x167E0] =	vst v63  }
0x22a: {  	s16 =	simm.s32 $0x32A0;
	s15 =	simm.s32 $0xA0  }
0x22b: {  	[tilespmem:s16], [sflag:$0x1] =	stream.indirect.gather [hbm4b:s4+s25], $0x40, s15, s25, $0xb8;
	[tilespmem:$0x167E0] =	vst v63  }
0x22c: {  	s20 =	simm.s32 $0x120;
	s21 =	simm.s32 $0x52A0  }
0x22d: {  	[tilespmem:s21], [sflag:$0x1] =	stream.indirect.gather [hbm4b:s4+s25], $0x40, s20, s25, $0xb8;
	[tilespmem:$0x167E0] =	vst v63  }
0x22e: {  	s22 =	simm.s32 $0x1A0;
	s26 =	simm.s32 $0x72A0  }
0x22f: {  	[tilespmem:s26], [sflag:$0x1] =	stream.indirect.gather [hbm4b:s4+s25], $0x40, s22, s25, $0xb8;
	[tilespmem:$0x167E0] =	vst v63  }
0x230: {  	_ = 	snop  }
0x231: {  	[tilespmem:s29], [sflag:$0x1] =	stream.indirect.gather [hbm4b:s4+s25], $0x40, s28, s25, $0xb8;
	[tilespmem:$0x167E0] =	vst v63  }
0x232: {  	_ =	swait.ge [sflag:s10], $0x800  }
0x233: {  	[sflag:s10] =	ssyncset.done $0x0  }
0x234: {  	[sflag:s10] =	ssyncadd.s32 $0xFFFFF800  }
0x235: {  	_ =	swait.ge [sflag:s10], $0x800  }
0x236: {  	[sflag:s10] =	ssyncset.done $0x0  }
0x237: {  	[sflag:s10] =	ssyncadd.s32 $0xFFFFF800  }
0x238: {  	_ =	swait.ge [sflag:s10], $0xA000  }
0x239: {  	[tilespmem:$0x1FD20] =	vst v35  }
0x23a: {  	[tilespmem:$0x1FD30] =	vst v41  }
0x23b: {  	[tilespmem:$0x1FD40] =	vst v50  }
0x23c: {  	[tilespmem:$0x1FD50] =	vst v55  }
0x23d: {  	[tilespmem:$0x1FD60] =	vst v56  }
0x23e: {  	[tilespmem:$0x1FD70] =	vst v57  }
0x23f: {  	[tilespmem:$0x1FD80] =	vst v60  }
0x240: {  	[tilespmem:$0x1FD90] =	vst v58  }
0x241: {  	[tilespmem:$0x1FDA0] =	vst v59  }
0x242: {  	[tilespmem:$0x1FDB0] =	vst v33  }
0x243: {  	[tilespmem:$0x1FDC0] =	vst v52  }
0x244: {  	[tilespmem:$0x1FDD0] =	vst v51  }
0x245: {  	[tilespmem:$0x1FDE0] =	vst v53  }
0x246: {  	[tilespmem:$0x1FDF0] =	vst v61  }
0x247: {  	[tilespmem:$0x1FE00] =	vst v62  }
0x248: {  	[tilespmem:$0x1FE10] =	vst v32  }
0x249: {  	[tilespmem:$0x1FE20] =	vst v63  }
0x24a: {  	[tilespmem:$0x1FE30] =	vst v48  }
0x24b: {  	[tilespmem:$0x1FE40] =	vst v24  }
0x24c: {  	[tilespmem:$0x1FE50] =	vst v26  }
0x24d: {  	[tilespmem:$0x1FE60] =	vst v25  }
0x24e: {  	[tilespmem:$0x1FE70] =	vst v21  }
0x24f: {  	[tilespmem:$0x1FE80] =	vst v22  }
0x250: {  	[tilespmem:$0x1FE90] =	vst v23  }
0x251: {  	[tilespmem:$0x1FEA0] =	vst v19  }
0x252: {  	[tilespmem:$0x1FEB0] =	vst v16  }
0x253: {  	[sflag:s10] =	ssyncset.done $0x0;
	[tilespmem:$0x1FEC0] =	vst v17  }
0x254: {  	p1 =	por $0x1, $0x1;
	s13 =	simm.s32 $0x0;
	[tilespmem:$0x1FED0] =	vst v20;
	[sflag:s10] =	ssyncadd.s32 $0xFFFF6000  }
.LBB2_7:
0x255: {  	s15 =	sshll.u32 s13, $0x6  }
0x256: {  	s15 =	sand.u32 $0x3FFFFFC0, s15  }
0x257: {  	s20 =	sadd.s32 $0xBD60, s15  }
0x258: {  	v0 =	vld [tilespmem:s20+$0x10]  }
0x259: {  	v5 =	vld [tilespmem:s20+$0x0]  }
0x25a: {  	v6 =	vld [tilespmem:s20+$0xFFFFFFE0]  }
0x25b: {  	s16 =	sadd.s32 $0xB560, s15;
	v9 =	vld [tilespmem:s20+$0xFFFFFFF0]  }
0x25c: {  	s21 =	smul.u32 $0x1400, s13;
	v8 =	vld [tilespmem:s16+$0xFFFFFFE0]  }
0x25d: {  	v11 =	vld [tilespmem:s16+$0xFFFFFFF0]  }
0x25e: {  	s26 =	sshra.s32 s21, $0x2;
	v7 =	vld [tilespmem:s16+$0x0]  }
0x25f: {  	s15 =	sadd.s32 $0xC7C0, s26;
	v34 =	vld [tilespmem:s16+$0x10]  }
0x260: {  	v10 =	vld [tilespmem:s15+$0x240]  }
0x261: {  	v12 =	vld [tilespmem:s15+$0x250]  }
0x262: {  	v13 =	vld [tilespmem:s15+$0x260]  }
0x263: {  	v14 =	vld [tilespmem:s15+$0x270]  }
0x264: {  	v15 =	vld [tilespmem:s15+$0xFFFFFD80]  }
0x265: {  	v16 =	vld [tilespmem:s15+$0xFFFFFD90]  }
0x266: {  	v17 =	vld [tilespmem:s15+$0xFFFFFDC0]  }
0x267: {  	v18 =	vld [tilespmem:s15+$0xFFFFFDD0]  }
0x268: {  	v19 =	vld [tilespmem:s15+$0xFFFFFE00]  }
0x269: {  	v20 =	vld [tilespmem:s15+$0xFFFFFE10]  }
0x26a: {  	v21 =	vld [tilespmem:s15+$0xFFFFFE40]  }
0x26b: {  	v22 =	vld [tilespmem:s15+$0xFFFFFE50]  }
0x26c: {  	v23 =	vld [tilespmem:s15+$0xFFFFFE80]  }
0x26d: {  	v24 =	vld [tilespmem:s15+$0xFFFFFE90]  }
0x26e: {  	v25 =	vld [tilespmem:s15+$0xFFFFFEC0]  }
0x26f: {  	v26 =	vld [tilespmem:s15+$0xFFFFFED0]  }
0x270: {  	v27 =	vld [tilespmem:s15+$0xFFFFFF00]  }
0x271: {  	v28 =	vld [tilespmem:s15+$0xFFFFFF10]  }
0x272: {  	v29 =	vld [tilespmem:s15+$0xFFFFFF40]  }
0x273: {  	v30 =	vld [tilespmem:s15+$0xFFFFFF50]  }
0x274: {  	v31 =	vld [tilespmem:s15+$0xFFFFFF80]  }
0x275: {  	v32 =	vld [tilespmem:s15+$0x0];
	v10 =	vmul.f32 v10, v8;
	v12 =	vmul.f32 v12, v11  }
0x276: {  	v33 =	vld [tilespmem:s15+$0x50]  }
0x277: {  	v35 =	vld [tilespmem:s15+$0x80];
	v13 =	vmul.f32 v13, v7;
	v10 =	vadd.f32 v12, v10  }
0x278: {  	v38 =	vld [tilespmem:s15+$0xC0]  }
0x279: {  	v39 =	vld [tilespmem:s15+$0xD0];
	v6 =	vmul.f32 v6, v8;
	v10 =	vadd.f32 v13, v10;
	v13 =	vmul.f32 v14, v34  }
0x27a: {  	v43 =	vmov s14;
	v41 =	vld [tilespmem:s15+$0x150];
	v9 =	vmul.f32 v9, v11;
	v5 =	vmul.f32 v5, v7  }
0x27b: {  	v61 =	vld [tilespmem:s15+$0x1D0];
	v0 =	vmul.f32 v0, v34;
	v15 =	vmul.f32 v15, v8;
	v10 =	vadd.f32 v13, v10  }
0x27c: {  	v58 =	vld [tilespmem:s15+$0x110];
	v16 =	vmul.f32 v16, v11;
	v17 =	vmul.f32 v17, v8;
	v6 =	vadd.f32 v9, v6  }
0x27d: {  	vm0 =	veq.s32 v43, v45;
	v47 =	vld [tilespmem:s15+$0xFFFFFF60];
	v20 =	vmul.f32 v20, v11;
	v37 =	vperm.xlane v10, v1  }
0x27e: {  	v60 =	vld [tilespmem:s15+$0x190];
	v23 =	vmul.f32 v23, v8;
	v26 =	vmul.f32 v26, v11;
	v5 =	vadd.f32 v5, v6  }
0x27f: {  	v44 =	vld [tilespmem:s15+$0xFFFFFDA0];
	v31 =	vmul.f32 v31, v8;
	v43 =	vmul.f32 v39, v11;
	v10 =	vadd.f32 v10, v37  }
0x280: {  	v62 =	vld [tilespmem:s15+$0xFFFFFEA0];
	v48 =	vmul.f32 v41, v11;
	v51 =	vmul.f32 v61, v11;
	v0 =	vadd.f32 v0, v5  }
0x281: {  	v63 =	vld [tilespmem:s15+$0xFFFFFEE0];
	v15 =	vadd.f32 v16, v15;
	v16 =	vmul.f32 v18, v11;
	v40 =	vperm.xlane v10, v2  }
0x282: {  	v46 =	vld [tilespmem:s15+$0xFFFFFF20];
	v53 =	vmul.f32 v47, v7;
	v13 =	vperm.xlane v0, v1  }
0x283: {  	v49 =	vld [tilespmem:s15+$0xFFFFFFA0];
	v18 =	vmul.f32 v19, v8;
	v16 =	vadd.f32 v16, v17;
	v10 =	vadd.f32 v10, v40  }
0x284: {  	v9 =	vld [tilespmem:s15+$0xFFFFFF90];
	v17 =	vmul.f32 v21, v8;
	v21 =	vmul.f32 v22, v11;
	v0 =	vadd.f32 v0, v13  }
0x285: {  	v12 =	vld [tilespmem:s15+$0xFFFFFFC0];
	v18 =	vadd.f32 v20, v18;
	v20 =	vmul.f32 v24, v11;
	v42 =	vperm.xlane v10, v3  }
0x286: {  	v6 =	vld [tilespmem:s15+$0xFFFFFFD0];
	v24 =	vmul.f32 v25, v8;
	v17 =	vadd.f32 v21, v17;
	v57 =	vperm.xlane v0, v2  }
0x287: {  	v22 =	vld [tilespmem:s15+$0x140];
	v21 =	vmul.f32 v27, v8;
	v27 =	vmul.f32 v28, v11;
	v10 =	vadd.f32 v10, v42  }
0x288: {  	v5 =	vld [tilespmem:s15+$0x10];
	v24 =	vadd.f32 v26, v24;
	v26 =	vmul.f32 v29, v8;
	v0 =	vadd.f32 v0, v57  }
0x289: {  	v36 =	vimm.f32 $0.0e+00;
	v14 =	vld [tilespmem:s15+$0x40];
	v29 =	vmul.f32 v30, v11;
	v30 =	vperm.xlane v10, v4  }
0x28a: {  	v20 =	vadd.f32 v20, v23;
	v9 =	vmul.f32 v9, v11;
	v13 =	vld [tilespmem:s15+$0x90];
	v59 =	vperm.xlane v0, v3  }
0x28b: {  	v50 =	vld [tilespmem:s15+$0xFFFFFFE0];
	v12 =	vmul.f32 v12, v8;
	v21 =	vadd.f32 v27, v21;
	v10 =	vadd.f32 v10, v30  }
0x28c: {  	v19 =	vld [tilespmem:s15+$0x100];
	v26 =	vadd.f32 v29, v26;
	v6 =	vmul.f32 v6, v11;
	v0 =	vadd.f32 v0, v59  }
0x28d: {  	v25 =	vld [tilespmem:s15+$0x180];
	v22 =	vmul.f32 v22, v8;
	v5 =	vmul.f32 v5, v11;
	v10 =	vsel vm0, v10, v36  }
0x28e: {  	v28 =	vld [tilespmem:s15+$0x1C0];
	v9 =	vadd.f32 v9, v31;
	v23 =	vperm.xlane v0, v4;
	[tilespmem:$0x1FC00] =	vst v10;
	v10 =	vmul.f32 v32, v8  }
0x28f: {  	v27 =	vld [tilespmem:s15+$0x200];
	v6 =	vadd.f32 v6, v12;
	v12 =	vmul.f32 v14, v8;
	v13 =	vmul.f32 v13, v11  }
0x290: {  	v0 =	vadd.f32 v0, v23;
	v23 =	vld [tilespmem:s15+$0x210];
	v5 =	vadd.f32 v5, v10;
	v10 =	vmul.f32 v35, v8  }
0x291: {  	v14 =	vmul.f32 v33, v11;
	v26 =	vadd.f32 v53, v26;
	v22 =	vadd.f32 v48, v22;
	v30 =	vld [tilespmem:s15+$0xFFFFFE20]  }
0x292: {  	v29 =	vld [tilespmem:s15+$0xFFFFFDE0];
	v10 =	vadd.f32 v13, v10;
	v13 =	vmul.f32 v19, v8;
	v19 =	vmul.f32 v58, v11  }
0x293: {  	v31 =	vld [tilespmem:s15+$0xFFFFFE60];
	v28 =	vmul.f32 v28, v8;
	v12 =	vadd.f32 v14, v12;
	v14 =	vmul.f32 v38, v8  }
0x294: {  	v52 =	vld [tilespmem:s15+$0x20];
	v13 =	vadd.f32 v19, v13;
	v19 =	vmul.f32 v25, v8;
	v25 =	vmul.f32 v60, v11  }
0x295: {  	v54 =	vld [tilespmem:s15+$0x1A0];
	v0 =	vsel vm0, v0, v36;
	v8 =	vmul.f32 v27, v8;
	v11 =	vmul.f32 v23, v11  }
0x296: {  	v55 =	vld [tilespmem:s15+$0x220];
	[tilespmem:$0x1FC20] =	vst v0;
	v0 =	vmul.f32 v30, v7;
	v27 =	vmul.f32 v44, v7;
	v19 =	vadd.f32 v25, v19  }
0x297: {  	v23 =	vld [tilespmem:s15+$0x60];
	v25 =	vadd.f32 v51, v28;
	v28 =	vmul.f32 v29, v7;
	v8 =	vadd.f32 v11, v8  }
0x298: {  	v29 =	vld [tilespmem:s15+$0xA0];
	v11 =	vimm.f32 $0.0e+00;
	v15 =	vadd.f32 v27, v15;
	v27 =	vmul.f32 v31, v7  }
0x299: {  	v30 =	vmul.f32 v63, v7;
	v0 =	vadd.f32 v0, v18;
	v18 =	vmul.f32 v62, v7;
	[tilespmem:$0x1FC10] =	vst v11;
	v11 =	vld [tilespmem:s15+$0xE0]  }
0x29a: {  	v16 =	vadd.f32 v28, v16;
	v28 =	vld [tilespmem:s15+$0x120];
	v17 =	vadd.f32 v27, v17;
	v27 =	vmul.f32 v46, v7  }
0x29b: {  	v18 =	vadd.f32 v18, v20;
	v20 =	vadd.f32 v30, v24;
	v24 =	vmul.f32 v49, v7;
	v31 =	vld [tilespmem:s15+$0x160]  }
0x29c: {  	v14 =	vadd.f32 v43, v14;
	v30 =	vld [tilespmem:s15+$0x1E0];
	v21 =	vadd.f32 v27, v21;
	v27 =	vmul.f32 v50, v7  }
0x29d: {  	v56 =	vld [tilespmem:s15+$0xFFFFFDB0];
	v9 =	vadd.f32 v24, v9;
	v24 =	vmul.f32 v52, v7;
	v23 =	vmul.f32 v23, v7  }
0x29e: {  	v6 =	vadd.f32 v27, v6;
	v27 =	vmul.f32 v29, v7;
	v11 =	vmul.f32 v11, v7;
	v29 =	vld [tilespmem:s15+$0xFFFFFDF0]  }
0x29f: {  	v5 =	vadd.f32 v24, v5;
	v24 =	vld [tilespmem:s15+$0xFFFFFE30];
	v12 =	vadd.f32 v23, v12;
	v23 =	vmul.f32 v28, v7  }
0x2a0: {  	v10 =	vadd.f32 v27, v10;
	v11 =	vadd.f32 v11, v14;
	v14 =	vmul.f32 v31, v7;
	v27 =	vld [tilespmem:s15+$0xFFFFFE70]  }
0x2a1: {  	v28 =	vmul.f32 v30, v7;
	v30 =	vld [tilespmem:s15+$0xFFFFFEB0];
	v13 =	vadd.f32 v23, v13;
	v23 =	vmul.f32 v54, v7  }
0x2a2: {  	v31 =	vld [tilespmem:s15+$0xFFFFFEF0];
	v7 =	vmul.f32 v55, v7;
	v14 =	vadd.f32 v14, v22;
	v22 =	vmul.f32 v56, v34  }
0x2a3: {  	v19 =	vadd.f32 v23, v19;
	v23 =	vadd.f32 v28, v25;
	v25 =	vmul.f32 v29, v34;
	v28 =	vld [tilespmem:s15+$0xFFFFFF30]  }
0x2a4: {  	v7 =	vadd.f32 v7, v8;
	v8 =	vadd.f32 v22, v15;
	v15 =	vmul.f32 v24, v34  }
0x2a5: {  	vm0 =	vmmov vm0;
	v22 =	vld [tilespmem:s15+$0xFFFFFF70];
	v16 =	vadd.f32 v25, v16;
	v24 =	vmul.f32 v27, v34  }
0x2a6: {  	v25 =	vld [tilespmem:s15+$0xFFFFFFB0];
	v27 =	vperm.xlane v8, v1;
	v0 =	vadd.f32 v15, v0;
	v15 =	vmul.f32 v30, v34  }
0x2a7: {  	v30 =	vperm.xlane v16, v1;
	v17 =	vadd.f32 v24, v17;
	v24 =	vmul.f32 v31, v34  }
0x2a8: {  	v29 =	vld [tilespmem:s15+$0xFFFFFFF0];
	v57 =	vperm.xlane v0, v1;
	v15 =	vadd.f32 v15, v18;
	v18 =	vmul.f32 v28, v34  }
0x2a9: {  	v31 =	vld [tilespmem:s15+$0x30];
	v8 =	vadd.f32 v8, v27;
	v58 =	vperm.xlane v17, v1;
	v20 =	vadd.f32 v24, v20  }
0x2aa: {  	v22 =	vmul.f32 v22, v34;
	v16 =	vadd.f32 v16, v30;
	v59 =	vperm.xlane v15, v1  }
0x2ab: {  	v28 =	vld [tilespmem:s15+$0x70];
	v18 =	vadd.f32 v18, v21;
	v21 =	vmul.f32 v25, v34;
	v0 =	vadd.f32 v0, v57  }
0x2ac: {  	v30 =	vperm.xlane v8, v2;
	v60 =	vperm.xlane v20, v1;
	v22 =	vadd.f32 v22, v26  }
0x2ad: {  	v24 =	vld [tilespmem:s15+$0xB0];
	v26 =	vmul.f32 v29, v34;
	v17 =	vadd.f32 v17, v58;
	v44 =	vperm.xlane v16, v2  }
0x2ae: {  	v61 =	vperm.xlane v18, v1;
	v9 =	vadd.f32 v21, v9;
	v21 =	vmul.f32 v31, v34  }
0x2af: {  	v25 =	vld [tilespmem:s15+$0xF0];
	v15 =	vadd.f32 v15, v59;
	v46 =	vperm.xlane v0, v2;
	v30 =	vadd.f32 v8, v30  }
0x2b0: {  	v29 =	vld [tilespmem:s15+$0x130];
	v62 =	vperm.xlane v22, v1;
	v6 =	vadd.f32 v26, v6;
	v26 =	vmul.f32 v28, v34  }
0x2b1: {  	v20 =	vadd.f32 v20, v60;
	v32 =	vadd.f32 v16, v44;
	v63 =	vperm.xlane v9, v1  }
0x2b2: {  	v5 =	vadd.f32 v21, v5;
	v21 =	vmul.f32 v24, v34;
	v18 =	vadd.f32 v18, v61  }
0x2b3: {  	v31 =	vld [tilespmem:s15+$0x170];
	v0 =	vadd.f32 v0, v46;
	v53 =	vperm.xlane v30, v3;
	v36 =	vperm.xlane v6, v1  }
0x2b4: {  	v28 =	vld [tilespmem:s15+$0x1B0];
	v12 =	vadd.f32 v26, v12;
	v25 =	vmul.f32 v25, v34;
	v22 =	vadd.f32 v22, v62  }
0x2b5: {  	v37 =	vperm.xlane v5, v1;
	v10 =	vadd.f32 v21, v10;
	v21 =	vmul.f32 v29, v34  }
0x2b6: {  	v24 =	vld [tilespmem:s15+$0x1F0];
	v9 =	vadd.f32 v9, v63;
	v63 =	vadd.f32 v30, v53;
	v53 =	vimm.f32 $0.0e+00  }
0x2b7: {  	v30 =	vimm.f32 $0.0e+00;
	v29 =	vperm.xlane v12, v1;
	v11 =	vadd.f32 v25, v11  }
0x2b8: {  	v26 =	vld [tilespmem:s15+$0x230];
	v25 =	vmul.f32 v31, v34;
	v6 =	vadd.f32 v6, v36;
	[tilespmem:$0x1FCC0] =	vst v30;
	v30 =	vimm.f32 $0.0e+00  }
0x2b9: {  	v31 =	vperm.xlane v10, v1;
	v13 =	vadd.f32 v21, v13;
	v21 =	vmul.f32 v28, v34  }
0x2ba: {  	v5 =	vadd.f32 v5, v37;
	[tilespmem:$0x1FCD0] =	vst v30;
	v30 =	vimm.f32 $0.0e+00;
	v28 =	vperm.xlane v11, v1  }
0x2bb: {  	v14 =	vadd.f32 v25, v14;
	v24 =	vmul.f32 v24, v34;
	v12 =	vadd.f32 v12, v29  }
0x2bc: {  	v29 =	vperm.xlane v17, v2;
	v8 =	vperm.xlane v6, v2;
	[tilespmem:$0x1FCE0] =	vst v30;
	v30 =	vimm.f32 $0.0e+00  }
0x2bd: {  	v25 =	vperm.xlane v13, v1;
	v19 =	vadd.f32 v21, v19;
	v21 =	vmul.f32 v26, v34  }
0x2be: {  	v10 =	vadd.f32 v10, v31;
	[tilespmem:$0x1FCF0] =	vst v30;
	v30 =	vimm.f32 $0.0e+00;
	v26 =	vperm.xlane v14, v1  }
0x2bf: {  	v23 =	vadd.f32 v24, v23;
	v11 =	vadd.f32 v11, v28;
	v28 =	vperm.xlane v15, v2  }
0x2c0: {  	v50 =	vadd.f32 v17, v29;
	[tilespmem:$0x1FD00] =	vst v30;
	v30 =	vimm.f32 $0.0e+00;
	v24 =	vperm.xlane v19, v1  }
0x2c1: {  	v7 =	vadd.f32 v21, v7;
	v13 =	vadd.f32 v13, v25;
	v25 =	vperm.xlane v5, v2  }
0x2c2: {  	v48 =	vperm.xlane v10, v2;
	v21 =	vperm.xlane v23, v1;
	v26 =	vadd.f32 v14, v26  }
0x2c3: {  	v14 =	vperm.xlane v20, v2;
	v49 =	vperm.xlane v11, v2;
	v51 =	vadd.f32 v15, v28  }
0x2c4: {  	v15 =	vadd.f32 v6, v8;
	v54 =	vperm.xlane v50, v3;
	v27 =	vperm.xlane v7, v1  }
0x2c5: {  	v31 =	vadd.f32 v19, v24;
	v24 =	vperm.xlane v22, v2;
	v17 =	vperm.xlane v13, v2  }
0x2c6: {  	v25 =	vadd.f32 v5, v25;
	v5 =	vperm.xlane v0, v3;
	v21 =	vadd.f32 v23, v21  }
0x2c7: {  	v23 =	vperm.xlane v18, v2;
	v29 =	vperm.xlane v26, v2;
	v19 =	vadd.f32 v20, v14  }
0x2c8: {  	v8 =	vadd.f32 v11, v49;
	v55 =	vperm.xlane v51, v3;
	v6 =	vperm.xlane v15, v3  }
0x2c9: {  	v59 =	vadd.f32 v50, v54;
	v47 =	vadd.f32 v7, v27;
	v7 =	vperm.xlane v9, v2  }
0x2ca: {  	v27 =	vperm.xlane v12, v2;
	v28 =	vperm.xlane v31, v2;
	v24 =	vadd.f32 v22, v24  }
0x2cb: {  	v17 =	vadd.f32 v13, v17;
	v60 =	vadd.f32 v0, v5;
	v5 =	vperm.xlane v25, v3  }
0x2cc: {  	v0 =	vimm.f32 $0.0e+00;
	v52 =	vperm.xlane v21, v2;
	v16 =	vadd.f32 v18, v23  }
0x2cd: {  	[tilespmem:$0x1FD10] =	vst v30;
	v18 =	vadd.f32 v26, v29;
	v58 =	vadd.f32 v51, v55;
	v51 =	vimm.f32 $0.0e+00  }
0x2ce: {  	s21 =	sadd.s32 $0x40, s16;
	[tilespmem:$0x1FC30] =	vst v0;
	v0 =	vimm.f32 $0.0e+00;
	v23 =	vperm.xlane v47, v2;
	v14 =	vadd.f32 v9, v7  }
0x2cf: {  	s20 =	sadd.s32 $0x40, s20;
	v56 =	vld [tilespmem:s21+$0xFFFFFFE0];
	v9 =	vperm.xlane v32, v3;
	v12 =	vadd.f32 v12, v27;
	[tilespmem:$0x1FC40] =	vst v0;
	v0 =	vimm.f32 $0.0e+00  }
0x2d0: {  	v61 =	vld [tilespmem:s20+$0xFFFFFFF0];
	s15 =	sadd.s32 $0x500, s15;
	v7 =	vadd.f32 v10, v48;
	v20 =	vadd.f32 v31, v28;
	[tilespmem:$0x1FC50] =	vst v0;
	v0 =	vimm.f32 $0.0e+00  }
0x2d1: {  	v33 =	vld [tilespmem:s15+$0x250];
	v27 =	vperm.xlane v19, v3;
	v26 =	vperm.xlane v24, v3;
	[tilespmem:$0x1FC60] =	vst v0;
	v0 =	vimm.f32 $0.0e+00  }
0x2d2: {  	v54 =	vld [tilespmem:s20+$0xFFFFFFE0];
	v22 =	vadd.f32 v21, v52;
	v29 =	vperm.xlane v16, v3;
	[tilespmem:$0x1FC70] =	vst v0;
	v0 =	vimm.f32 $0.0e+00  }
0x2d3: {  	v55 =	vld [tilespmem:s21+$0xFFFFFFF0];
	v21 =	vperm.xlane v17, v3;
	v52 =	vimm.f32 $0.0e+00;
	[tilespmem:$0x1FC80] =	vst v0;
	v0 =	vimm.f32 $0.0e+00  }
0x2d4: {  	v31 =	vld [tilespmem:s20+$0x0];
	v11 =	vadd.f32 v47, v23;
	v28 =	vperm.xlane v14, v3;
	[tilespmem:$0x1FC90] =	vst v0;
	v0 =	vimm.f32 $0.0e+00  }
0x2d5: {  	v10 =	vperm.xlane v12, v3;
	v23 =	vld [tilespmem:s20+$0x10];
	v13 =	vperm.xlane v7, v3;
	[tilespmem:$0x1FCA0] =	vst v0;
	v0 =	vimm.f32 $0.0e+00  }
0x2d6: {  	p0 =	por p1, p1;
	s22 =	simm.s32 $0x2;
	s16 =	simm.s32 $0x1;
	v62 =	vadd.f32 v32, v9;
	v9 =	vperm.xlane v8, v3;
	v32 =	vperm.xlane v18, v3;
	[tilespmem:$0x1FCB0] =	vst v0;
	v0 =	vld [tilespmem:s15+$0x240]  }
.LBB2_8:
0x2d7: {  	v57 =	vld [tilespmem:s21+$0x0]  }
0x2d8: {  	v36 =	vld [tilespmem:s15+$0x260]  }
0x2d9: {  	v50 =	vld [tilespmem:s15+$0xFFFFFF50]  }
0x2da: {  	v41 =	vld [tilespmem:s15+$0xFFFFFFD0]  }
0x2db: {  	v43 =	vld [tilespmem:s15+$0x10];
	v30 =	vadd.f32 v19, v27;
	v19 =	vperm.xlane v20, v3;
	v29 =	vadd.f32 v16, v29  }
0x2dc: {  	v38 =	vld [tilespmem:s15+$0x40];
	v34 =	vperm.xlane v22, v3;
	v27 =	vadd.f32 v24, v26;
	v24 =	vadd.f32 v14, v28  }
0x2dd: {  	v16 =	vperm.xlane v11, v3;
	v14 =	vld [tilespmem:s15+$0x270];
	v15 =	vadd.f32 v15, v6;
	v12 =	vadd.f32 v12, v10  }
0x2de: {  	v26 =	vperm.xlane v63, v4;
	v6 =	vld [tilespmem:s15+$0xFFFFFD80];
	v7 =	vadd.f32 v7, v13;
	v8 =	vadd.f32 v8, v9  }
0x2df: {  	v10 =	vld [tilespmem:s15+$0xFFFFFDC0];
	v17 =	vadd.f32 v17, v21;
	v18 =	vadd.f32 v18, v32;
	v44 =	vperm.xlane v58, v4  }
0x2e0: {  	v21 =	vld [tilespmem:s15+$0xFFFFFE00];
	v20 =	vadd.f32 v20, v19;
	v46 =	vperm.xlane v30, v4;
	v39 =	vperm.xlane v27, v4  }
0x2e1: {  	v22 =	vadd.f32 v22, v34;
	v34 =	vperm.xlane v12, v4;
	v35 =	vmul.f32 v54, v56;
	v54 =	vld [tilespmem:s21+$0x10]  }
0x2e2: {  	v19 =	vld [tilespmem:s15+$0xFFFFFE40];
	v37 =	vmul.f32 v61, v55;
	v61 =	vadd.f32 v25, v5;
	v0 =	vmul.f32 v0, v56  }
0x2e3: {  	v25 =	vmul.f32 v33, v55;
	v28 =	vmul.f32 v31, v57;
	v31 =	vld [tilespmem:s15+$0xFFFFFD90];
	v27 =	vadd.f32 v27, v39  }
0x2e4: {  	v13 =	vmul.f32 v36, v57;
	v12 =	vadd.f32 v12, v34;
	v34 =	vld [tilespmem:s15+$0xFFFFFE20];
	v5 =	vadd.f32 v37, v35  }
0x2e5: {  	v39 =	vperm.xlane v8, v4;
	v0 =	vadd.f32 v25, v0;
	v25 =	vld [tilespmem:s15+$0xFFFFFDD0];
	v6 =	vmul.f32 v6, v56  }
0x2e6: {  	v37 =	vadd.f32 v58, v44;
	v44 =	vld [tilespmem:s15+$0x190];
	v5 =	vadd.f32 v28, v5;
	v9 =	vmul.f32 v23, v54  }
0x2e7: {  	v35 =	vadd.f32 v30, v46;
	v46 =	vld [tilespmem:s15+$0x1D0];
	v0 =	vadd.f32 v13, v0;
	v13 =	vmul.f32 v14, v54  }
0x2e8: {  	v8 =	vadd.f32 v8, v39;
	v14 =	vmul.f32 v31, v55;
	v5 =	vadd.f32 v9, v5;
	v9 =	vld [tilespmem:s15+$0xFFFFFE10]  }
0x2e9: {  	v10 =	vmul.f32 v10, v56;
	v39 =	vld [tilespmem:s15+$0xFFFFFEA0];
	v23 =	vadd.f32 v11, v16;
	v0 =	vadd.f32 v13, v0  }
0x2ea: {  	v28 =	vld [tilespmem:s15+$0xFFFFFE50];
	v11 =	vadd.f32 v14, v6;
	v6 =	vmul.f32 v25, v55;
	v13 =	vperm.xlane v5, v1  }
0x2eb: {  	v63 =	vadd.f32 v63, v26;
	v47 =	vperm.xlane v29, v4;
	v14 =	vld [tilespmem:s15+$0xFFFFFE80];
	v16 =	vperm.xlane v0, v1  }
0x2ec: {  	v25 =	vadd.f32 v6, v10;
	v5 =	vadd.f32 v5, v13;
	v13 =	vmul.f32 v21, v56;
	v21 =	vld [tilespmem:s15+$0xFFFFFE90]  }
0x2ed: {  	v0 =	vadd.f32 v0, v16;
	v16 =	vmul.f32 v19, v56;
	v19 =	vld [tilespmem:s15+$0xFFFFFED0];
	v6 =	vmul.f32 v9, v55  }
0x2ee: {  	v29 =	vadd.f32 v29, v47;
	v47 =	vperm.xlane v20, v4;
	v9 =	vld [tilespmem:s15+$0xFFFFFEC0];
	v10 =	vperm.xlane v5, v2  }
0x2ef: {  	v31 =	vperm.xlane v62, v4;
	v26 =	vadd.f32 v6, v13;
	v6 =	vmul.f32 v28, v55;
	v13 =	vld [tilespmem:s15+$0xFFFFFF00]  }
0x2f0: {  	v48 =	vperm.xlane v0, v2;
	v5 =	vadd.f32 v5, v10;
	v10 =	vmul.f32 v14, v56;
	v14 =	vld [tilespmem:s15+$0xFFFFFF10]  }
0x2f1: {  	v20 =	vadd.f32 v20, v47;
	v47 =	vld [tilespmem:$0x1FC40];
	v28 =	vadd.f32 v6, v16;
	v6 =	vmul.f32 v21, v55  }
0x2f2: {  	v31 =	vadd.f32 v62, v31;
	v0 =	vadd.f32 v0, v48;
	v16 =	vld [tilespmem:s15+$0xFFFFFF40];
	v21 =	vperm.xlane v5, v3  }
0x2f3: {  	v9 =	vmul.f32 v9, v56;
	v62 =	vadd.f32 v6, v10;
	v6 =	vmul.f32 v19, v55;
	v10 =	vld [tilespmem:s15+$0xFFFFFF80]  }
0x2f4: {  	v49 =	vperm.xlane v60, v4;
	v19 =	vperm.xlane v0, v3;
	v5 =	vadd.f32 v5, v21;
	v21 =	vld [tilespmem:s15+$0xFFFFFF90]  }
0x2f5: {  	v13 =	vmul.f32 v13, v56;
	v32 =	vadd.f32 v6, v9;
	v6 =	vmul.f32 v14, v55;
	v9 =	vld [tilespmem:s15+$0xFFFFFFC0]  }
0x2f6: {  	v0 =	vadd.f32 v0, v19;
	v14 =	vadd.f32 v60, v49;
	v49 =	vld [tilespmem:s15+$0xD0];
	v19 =	vperm.xlane v5, v4  }
0x2f7: {  	v60 =	vadd.f32 v6, v13;
	v6 =	vmul.f32 v50, v55;
	v13 =	vld [tilespmem:s15+$0x0]  }
0x2f8: {  	v42 =	vperm.xlane v0, v4;
	v50 =	vld [tilespmem:s15+$0x180];
	v5 =	vadd.f32 v5, v19;
	v19 =	vmov s16  }
0x2f9: {  	v16 =	vmul.f32 v16, v56;
	vm1 =	veq.s32 v19, v45;
	v45 =	vld [tilespmem:$0x1FC00]  }
0x2fa: {  	v10 =	vmul.f32 v10, v56;
	v21 =	vmul.f32 v21, v55;
	v0 =	vadd.f32 v0, v42;
	v42 =	vld [tilespmem:s15+$0x150]  }
0x2fb: {  	v40 =	vperm.xlane v59, v4;
	v19 =	vadd.f32 v6, v16;
	v6 =	vmul.f32 v9, v56;
	v9 =	vld [tilespmem:s15+$0x50]  }
0x2fc: {  	v16 =	vadd.f32 v21, v10;
	v10 =	vmul.f32 v41, v55;
	v21 =	vld [tilespmem:s15+$0x80];
	v41 =	vperm.xlane v15, v4  }
0x2fd: {  	v48 =	vmul.f32 v38, v56;
	v38 =	vmul.f32 v50, v56;
	v50 =	vld [tilespmem:s15+$0xFFFFFDE0]  }
0x2fe: {  	v15 =	vadd.f32 v15, v41;
	v33 =	vsel vm1, v0, v45;
	v0 =	vmul.f32 v13, v56;
	v13 =	vld [tilespmem:s15+$0x90]  }
0x2ff: {  	v41 =	vperm.xlane v22, v4;
	[tilespmem:$0x1FC00] =	vst v33;
	v33 =	vadd.f32 v59, v40;
	v59 =	vadd.f32 v10, v6;
	v10 =	vld [tilespmem:s15+$0xC0]  }
0x300: {  	v6 =	vmul.f32 v43, v55;
	v40 =	vld [tilespmem:s15+$0x110]  }
0x301: {  	v43 =	vperm.xlane v7, v4;
	v22 =	vadd.f32 v22, v41;
	v41 =	vld [tilespmem:s15+$0xFFFFFFA0]  }
0x302: {  	v45 =	vperm.xlane v17, v4;
	v58 =	vadd.f32 v6, v0;
	v0 =	vmul.f32 v9, v55;
	v6 =	vld [tilespmem:s15+$0x100]  }
0x303: {  	v21 =	vmul.f32 v21, v56;
	v7 =	vadd.f32 v7, v43;
	v43 =	vld [tilespmem:s15+$0xFFFFFE60]  }
0x304: {  	v17 =	vadd.f32 v17, v45;
	v45 =	vld [tilespmem:s15+$0xFFFFFEE0];
	v30 =	vadd.f32 v0, v48;
	v0 =	vmul.f32 v13, v55  }
0x305: {  	v36 =	vperm.xlane v61, v4;
	v9 =	vperm.xlane v24, v4;
	v13 =	vld [tilespmem:s15+$0x140]  }
0x306: {  	v48 =	vld [tilespmem:s15+$0x210];
	v10 =	vmul.f32 v10, v56;
	v0 =	vadd.f32 v0, v21;
	v21 =	vmul.f32 v49, v55  }
0x307: {  	v36 =	vadd.f32 v61, v36;
	v61 =	vmul.f32 v50, v57;
	v49 =	vld [tilespmem:s15+$0xFFFFFDA0];
	v6 =	vmul.f32 v6, v56  }
0x308: {  	v50 =	vmul.f32 v43, v57;
	v43 =	vld [tilespmem:$0x1FC30];
	v10 =	vadd.f32 v21, v10;
	v21 =	vmul.f32 v40, v55  }
0x309: {  	v9 =	vadd.f32 v24, v9;
	v40 =	vld [tilespmem:s15+$0x1C0]  }
0x30a: {  	v24 =	vperm.xlane v18, v4;
	v6 =	vadd.f32 v21, v6;
	v21 =	vmul.f32 v42, v55;
	v42 =	vld [tilespmem:s15+$0x200]  }
0x30b: {  	v46 =	vmul.f32 v46, v55;
	v25 =	vadd.f32 v61, v25;
	v61 =	vld [tilespmem:s15+$0x20];
	v13 =	vmul.f32 v13, v56  }
0x30c: {  	v51 =	vsel vm0, v33, v51;
	v18 =	vadd.f32 v18, v24;
	v28 =	vadd.f32 v50, v28;
	v50 =	vld [tilespmem:s15+$0x160]  }
0x30d: {  	v24 =	vmul.f32 v49, v57;
	v49 =	vld [tilespmem:$0x1FC20];
	v13 =	vadd.f32 v21, v13;
	v21 =	vmul.f32 v44, v55  }
0x30e: {  	v44 =	vperm.xlane v23, v4;
	v33 =	vsel vm0, v37, v43;
	v43 =	vld [tilespmem:$0x1FCF0];
	v40 =	vmul.f32 v40, v56  }
0x30f: {  	v42 =	vmul.f32 v42, v56;
	v56 =	vmul.f32 v48, v55;
	v48 =	vld [tilespmem:s15+$0xFFFFFF20]  }
0x310: {  	v23 =	vadd.f32 v23, v44;
	v44 =	vmul.f32 v41, v57;
	v55 =	vld [tilespmem:$0x1FC10]  }
0x311: {  	v21 =	vadd.f32 v21, v38;
	v41 =	vsel vm0, v35, v47;
	v38 =	vadd.f32 v46, v40;
	v46 =	vld [tilespmem:s15+$0xE0]  }
0x312: {  	[tilespmem:$0x1FC40] =	vst v41;
	v41 =	vld [tilespmem:$0x1FCC0];
	v16 =	vadd.f32 v44, v16;
	v40 =	vadd.f32 v56, v42  }
0x313: {  	v44 =	vld [tilespmem:$0x1FD00];
	v42 =	vsel vm1, v5, v49;
	v5 =	vadd.f32 v24, v11;
	v11 =	vmul.f32 v34, v57  }
0x314: {  	v24 =	vld [tilespmem:s15+$0xFFFFFF60]  }
0x315: {  	v56 =	vld [tilespmem:s15+$0xFFFFFFE0];
	v11 =	vadd.f32 v11, v26;
	v26 =	vmul.f32 v39, v57  }
0x316: {  	[tilespmem:$0x1FC20] =	vst v42;
	v42 =	vsel vm0, v63, v55;
	v55 =	vld [tilespmem:$0x1FC60]  }
0x317: {  	v52 =	vsel vm0, v14, v52;
	v14 =	vadd.f32 v26, v62;
	v62 =	vld [tilespmem:s15+$0x60]  }
0x318: {  	[tilespmem:$0x1FC10] =	vst v42;
	v42 =	vld [tilespmem:$0x1FCD0]  }
0x319: {  	v49 =	vld [tilespmem:$0x1FC50];
	v24 =	vmul.f32 v24, v57  }
0x31a: {  	v53 =	vsel vm0, v31, v53;
	v31 =	vmul.f32 v45, v57;
	v63 =	vld [tilespmem:s15+$0xA0]  }
0x31b: {  	v26 =	vmul.f32 v48, v57;
	v48 =	vld [tilespmem:s15+$0x120];
	v19 =	vadd.f32 v24, v19;
	v24 =	vmul.f32 v56, v57  }
0x31c: {  	v34 =	vsel vm0, v27, v55;
	v27 =	vmul.f32 v62, v57;
	v62 =	vld [tilespmem:$0x1FC90]  }
0x31d: {  	v31 =	vadd.f32 v31, v32;
	v24 =	vadd.f32 v24, v59;
	v59 =	vld [tilespmem:$0x1FC70];
	v32 =	vsel vm0, v17, v42  }
0x31e: {  	v39 =	vsel vm0, v29, v49;
	v29 =	vmul.f32 v61, v57;
	v61 =	vld [tilespmem:$0x1FC80];
	[tilespmem:$0x1FCD0] =	vst v32;
	v32 =	vsel vm0, v20, v43  }
0x31f: {  	[tilespmem:$0x1FCF0] =	vst v32;
	v32 =	vsel vm0, v22, v44;
	v22 =	vld [tilespmem:$0x1FD10]  }
0x320: {  	v26 =	vadd.f32 v26, v60;
	v60 =	vld [tilespmem:s15+$0x1E0]  }
0x321: {  	[tilespmem:$0x1FC50] =	vst v39;
	v56 =	vld [tilespmem:s15+$0x1A0];
	v37 =	vsel vm0, v36, v62  }
0x322: {  	v39 =	vsel vm0, v9, v59;
	v9 =	vadd.f32 v29, v58;
	v29 =	vmul.f32 v63, v57;
	[tilespmem:$0x1FC90] =	vst v37;
	v37 =	vld [tilespmem:$0x1FCA0]  }
0x323: {  	[tilespmem:$0x1FC70] =	vst v39;
	v39 =	vsel vm0, v15, v61;
	v15 =	vadd.f32 v27, v30;
	v30 =	vld [tilespmem:s15+$0x220]  }
0x324: {  	[tilespmem:$0x1FC80] =	vst v39;
	v0 =	vadd.f32 v29, v0;
	v29 =	vmul.f32 v48, v57;
	v39 =	vld [tilespmem:$0x1FCB0];
	v22 =	vsel vm0, v23, v22  }
0x325: {  	v27 =	vmul.f32 v46, v57;
	[tilespmem:$0x1FD10] =	vst v22;
	v22 =	vld [tilespmem:s15+$0xFFFFFFB0]  }
0x326: {  	v63 =	vld [tilespmem:s15+$0xFFFFFDB0];
	v6 =	vadd.f32 v29, v6;
	v29 =	vmul.f32 v56, v57  }
0x327: {  	v10 =	vadd.f32 v27, v10;
	v27 =	vmul.f32 v50, v57;
	v35 =	vsel vm0, v12, v37;
	v12 =	vld [tilespmem:s15+$0xFFFFFDF0]  }
0x328: {  	v21 =	vadd.f32 v29, v21;
	v29 =	vmul.f32 v30, v57;
	v30 =	vld [tilespmem:$0x1FCE0]  }
0x329: {  	[tilespmem:$0x1FC30] =	vst v33;
	v13 =	vadd.f32 v27, v13;
	v27 =	vmul.f32 v60, v57;
	v33 =	vsel vm0, v7, v39;
	v7 =	vld [tilespmem:s15+$0xFFFFFE30]  }
0x32a: {  	[tilespmem:$0x1FCB0] =	vst v33;
	v33 =	vsel vm0, v8, v41;
	v8 =	vld [tilespmem:s15+$0xFFFFFE70];
	v22 =	vmul.f32 v22, v54  }
0x32b: {  	v17 =	vld [tilespmem:s15+$0xFFFFFEB0];
	v27 =	vadd.f32 v27, v38  }
0x32c: {  	v45 =	vlaneseq.u32;
	v29 =	vadd.f32 v29, v40;
	v16 =	vadd.f32 v22, v16  }
0x32d: {  	v20 =	vld [tilespmem:s15+$0xFFFFFF30];
	v30 =	vsel vm0, v18, v30;
	v18 =	vmul.f32 v63, v54;
	v12 =	vmul.f32 v12, v54  }
0x32e: {  	vm0 =	vmmov vm1;
	[tilespmem:$0x1FCE0] =	vst v30;
	v30 =	vld [tilespmem:s15+$0xFFFFFEF0];
	v7 =	vmul.f32 v7, v54;
	v56 =	vperm.xlane v16, v1  }
0x32f: {  	v5 =	vadd.f32 v18, v5;
	v18 =	vld [tilespmem:s15+$0xFFFFFF70];
	v12 =	vadd.f32 v12, v25;
	v8 =	vmul.f32 v8, v54  }
0x330: {  	v7 =	vadd.f32 v7, v11;
	v11 =	vmul.f32 v17, v54;
	v60 =	vadd.f32 v16, v56  }
0x331: {  	v17 =	vld [tilespmem:s15+$0xFFFFFFF0];
	v23 =	vperm.xlane v5, v1;
	v25 =	vperm.xlane v12, v1;
	v8 =	vadd.f32 v8, v28  }
0x332: {  	v46 =	vperm.xlane v7, v1;
	v11 =	vadd.f32 v11, v14;
	v14 =	vmul.f32 v20, v54  }
0x333: {  	v20 =	vld [tilespmem:s15+$0x70];
	v28 =	vmul.f32 v30, v54;
	v47 =	vperm.xlane v8, v1;
	v5 =	vadd.f32 v5, v23  }
0x334: {  	v30 =	vld [tilespmem:s15+$0x30];
	v12 =	vadd.f32 v12, v25;
	v18 =	vmul.f32 v18, v54;
	v14 =	vadd.f32 v14, v26  }
0x335: {  	v48 =	vperm.xlane v11, v1;
	v7 =	vadd.f32 v7, v46;
	v28 =	vadd.f32 v28, v31  }
0x336: {  	v26 =	vld [tilespmem:s15+$0xF0];
	v17 =	vmul.f32 v17, v54;
	v8 =	vadd.f32 v8, v47;
	v59 =	vperm.xlane v12, v2  }
0x337: {  	v31 =	vld [tilespmem:s15+$0xB0];
	v18 =	vadd.f32 v18, v19;
	v50 =	vperm.xlane v14, v1;
	v11 =	vadd.f32 v11, v48  }
0x338: {  	v19 =	vld [tilespmem:s15+$0x130];
	v16 =	vperm.xlane v7, v2;
	v49 =	vperm.xlane v28, v1;
	v17 =	vadd.f32 v17, v24  }
0x339: {  	[tilespmem:$0x1FD00] =	vst v32;
	v20 =	vmul.f32 v20, v54;
	v24 =	vld [tilespmem:s15+$0x1B0];
	v32 =	vadd.f32 v12, v59;
	v22 =	vmul.f32 v30, v54  }
0x33a: {  	[tilespmem:$0x1FC60] =	vst v34;
	v30 =	vld [tilespmem:s15+$0x170];
	v55 =	vperm.xlane v18, v1;
	v14 =	vadd.f32 v14, v50;
	v34 =	vadd.f32 v7, v16  }
0x33b: {  	v57 =	vperm.xlane v17, v1;
	v15 =	vadd.f32 v20, v15;
	v20 =	vmul.f32 v26, v54  }
0x33c: {  	v9 =	vadd.f32 v22, v9;
	v22 =	vmul.f32 v31, v54;
	v18 =	vadd.f32 v18, v55  }
0x33d: {  	v31 =	vld [tilespmem:s15+$0x1F0];
	v19 =	vmul.f32 v19, v54;
	v10 =	vadd.f32 v20, v10;
	v17 =	vadd.f32 v17, v57  }
0x33e: {  	v26 =	vld [tilespmem:s15+$0x230];
	v58 =	vperm.xlane v9, v1;
	v0 =	vadd.f32 v22, v0;
	v22 =	vperm.xlane v15, v1  }
0x33f: {  	v20 =	vmul.f32 v30, v54;
	v6 =	vadd.f32 v19, v6;
	v19 =	vmul.f32 v24, v54  }
0x340: {  	v24 =	vperm.xlane v10, v1;
	v30 =	vperm.xlane v0, v1;
	v9 =	vadd.f32 v9, v58  }
0x341: {  	v22 =	vadd.f32 v15, v22;
	v15 =	vperm.xlane v8, v2;
	v13 =	vadd.f32 v20, v13  }
0x342: {  	v20 =	vmul.f32 v31, v54;
	v31 =	vperm.xlane v6, v1;
	v19 =	vadd.f32 v19, v21  }
0x343: {  	v21 =	vmul.f32 v26, v54;
	v10 =	vadd.f32 v10, v24;
	v24 =	vperm.xlane v11, v2  }
0x344: {  	v0 =	vadd.f32 v0, v30;
	v12 =	vperm.xlane v9, v2;
	v36 =	vadd.f32 v8, v15  }
0x345: {  	v23 =	vperm.xlane v13, v1;
	v20 =	vadd.f32 v20, v27;
	v25 =	vperm.xlane v19, v1  }
0x346: {  	v21 =	vadd.f32 v21, v29;
	v27 =	vadd.f32 v28, v49;
	v29 =	vperm.xlane v5, v2  }
0x347: {  	v6 =	vadd.f32 v6, v31;
	v31 =	vperm.xlane v22, v2;
	v61 =	vperm.xlane v10, v2  }
0x348: {  	v39 =	vadd.f32 v11, v24;
	v7 =	vperm.xlane v0, v2;
	v49 =	vperm.xlane v36, v3  }
0x349: {  	v26 =	vperm.xlane v20, v1;
	v28 =	vperm.xlane v21, v1;
	v13 =	vadd.f32 v13, v23  }
0x34a: {  	v23 =	vperm.xlane v27, v2;
	v30 =	vadd.f32 v19, v25;
	v25 =	vperm.xlane v18, v2  }
0x34b: {  	v5 =	vadd.f32 v5, v29;
	v29 =	vperm.xlane v17, v2;
	v62 =	vperm.xlane v6, v2  }
0x34c: {  	v8 =	vadd.f32 v10, v61;
	v50 =	vperm.xlane v39, v3;
	v7 =	vadd.f32 v0, v7  }
0x34d: {  	v59 =	vadd.f32 v36, v49;
	v26 =	vadd.f32 v20, v26;
	v20 =	vperm.xlane v14, v2  }
0x34e: {  	v21 =	vadd.f32 v21, v28;
	v28 =	vperm.xlane v60, v2;
	v63 =	vperm.xlane v13, v2  }
0x34f: {  	v11 =	vperm.xlane v30, v2;
	v19 =	vadd.f32 v27, v23;
	v24 =	vadd.f32 v18, v25  }
0x350: {  	v48 =	vperm.xlane v5, v3;
	v15 =	vadd.f32 v17, v29;
	v25 =	vadd.f32 v9, v12  }
0x351: {  	s21 =	sadd.s32 $0x40, s21;
	v9 =	vperm.xlane v34, v3;
	v12 =	vadd.f32 v22, v31;
	v17 =	vadd.f32 v6, v62  }
0x352: {  	v56 =	vld [tilespmem:s21+$0xFFFFFFE0];
	v58 =	vadd.f32 v39, v50;
	v46 =	vperm.xlane v26, v2;
	v16 =	vadd.f32 v14, v20  }
0x353: {  	v55 =	vld [tilespmem:s21+$0xFFFFFFF0];
	s15 =	sadd.s32 $0x500, s15;
	v47 =	vperm.xlane v21, v2;
	v14 =	vadd.f32 v60, v28;
	v28 =	vperm.xlane v32, v3  }
0x354: {  	p1 =	sne.s32 s22, $0xF;
	s20 =	sadd.s32 $0x40, s20;
	[tilespmem:$0x1FCC0] =	vst v33;
	v33 =	vld [tilespmem:s15+$0x250];
	v18 =	vadd.f32 v13, v63;
	v20 =	vadd.f32 v30, v11;
	v27 =	vperm.xlane v19, v3  }
.Ltmp2:
0x355: {  	v54 =	vld [tilespmem:s20+$0xFFFFFFE0];
	v63 =	vadd.f32 v5, v48;
	v6 =	vperm.xlane v15, v3;
	v5 =	vperm.xlane v25, v3;
	(pc) =	sbr.rel @p1 .LBB2_8-.Ltmp2, $4  }
0x356: {  	v61 =	vld [tilespmem:s20+$0xFFFFFFF0];
	v60 =	vadd.f32 v34, v9;
	v10 =	vperm.xlane v12, v3;
	v13 =	vperm.xlane v7, v3  }
0x357: {  	v0 =	vld [tilespmem:s15+$0x240];
	v9 =	vperm.xlane v8, v3;
	v22 =	vadd.f32 v26, v46;
	v29 =	vperm.xlane v16, v3  }
0x358: {  	v23 =	vld [tilespmem:s20+$0x10];
	v26 =	vperm.xlane v24, v3;
	v62 =	vadd.f32 v32, v28;
	v28 =	vperm.xlane v14, v3  }
0x359: {  	s16 =	smov.u32 s22;
	s22 =	sadd.s32 $0x1, s22;
	[tilespmem:$0x1FCA0] =	vst v35;
	v31 =	vld [tilespmem:s20+$0x0];
	v11 =	vadd.f32 v21, v47;
	v21 =	vperm.xlane v17, v3;
	v32 =	vperm.xlane v18, v3  }
0x35a: {  	v30 =	vld [tilespmem:s21+$0x0]  }
0x35b: {  	v34 =	vld [tilespmem:s15+$0x260]  }
0x35c: {  	v57 =	vld [tilespmem:s21+$0x10]  }
0x35d: {  	v35 =	vld [tilespmem:s15+$0x270]  }
0x35e: {  	v36 =	vld [tilespmem:s15+$0xFFFFFD80]  }
0x35f: {  	v37 =	vld [tilespmem:s15+$0xFFFFFD90]  }
0x360: {  	v38 =	vadd.f32 v19, v27;
	v27 =	vld [tilespmem:s15+$0xFFFFFDC0]  }
0x361: {  	v26 =	vadd.f32 v24, v26;
	v24 =	vadd.f32 v14, v28;
	v28 =	vld [tilespmem:s15+$0xFFFFFDD0]  }
0x362: {  	v14 =	vadd.f32 v15, v6;
	v6 =	vld [tilespmem:s15+$0xFFFFFE00]  }
0x363: {  	v39 =	vperm.xlane v20, v3;
	v50 =	vmul.f32 v54, v56;
	v15 =	vadd.f32 v25, v5;
	v25 =	vld [tilespmem:s15+$0xFFFFFE10]  }
0x364: {  	v5 =	vmul.f32 v33, v55;
	v12 =	vadd.f32 v12, v10;
	v10 =	vld [tilespmem:s15+$0xFFFFFE40];
	v54 =	vmul.f32 v61, v55  }
0x365: {  	v29 =	vadd.f32 v16, v29;
	v46 =	vperm.xlane v63, v4;
	v41 =	vld [tilespmem:s15+$0xFFFFFEC0];
	v0 =	vmul.f32 v0, v56  }
0x366: {  	v61 =	vperm.xlane v22, v3;
	v40 =	vperm.xlane v11, v3;
	v19 =	vadd.f32 v54, v50;
	v54 =	vld [tilespmem:s15+$0xFFFFFF10]  }
0x367: {  	v0 =	vadd.f32 v5, v0;
	v31 =	vmul.f32 v31, v30;
	v5 =	vmul.f32 v34, v30;
	v34 =	vld [tilespmem:s15+$0xFFFFFE50]  }
0x368: {  	v44 =	vmul.f32 v23, v57;
	v35 =	vmul.f32 v35, v57;
	v23 =	vadd.f32 v17, v21;
	v21 =	vld [tilespmem:s15+$0xFFFFFED0]  }
0x369: {  	v16 =	vadd.f32 v7, v13;
	v47 =	vmul.f32 v36, v56;
	v49 =	vmul.f32 v37, v55;
	v36 =	vld [tilespmem:s15+$0xFFFFFF40]  }
0x36a: {  	v11 =	vadd.f32 v11, v40;
	v50 =	vmul.f32 v27, v56;
	v40 =	vmul.f32 v28, v55;
	v28 =	vld [tilespmem:s15+$0xFFFFFF50]  }
0x36b: {  	v42 =	vmul.f32 v25, v55;
	v37 =	vld [tilespmem:s15+$0xFFFFFF80];
	v25 =	vadd.f32 v63, v46;
	v7 =	vadd.f32 v31, v19  }
0x36c: {  	v6 =	vmul.f32 v6, v56;
	v31 =	vld [tilespmem:s15+$0xFFFFFE80];
	v19 =	vadd.f32 v8, v9;
	v0 =	vadd.f32 v5, v0  }
0x36d: {  	v10 =	vmul.f32 v10, v56;
	v5 =	vld [tilespmem:s15+$0xFFFFFE90];
	v8 =	vadd.f32 v20, v39;
	v17 =	vadd.f32 v49, v47  }
0x36e: {  	v39 =	vld [tilespmem:s15+$0xFFFFFFC0];
	v27 =	vadd.f32 v42, v6;
	v6 =	vperm.xlane v62, v4;
	v33 =	vmul.f32 v54, v55  }
0x36f: {  	v13 =	vadd.f32 v44, v7;
	v7 =	vadd.f32 v18, v32;
	v32 =	vld [tilespmem:s15+$0xFFFFFF00];
	v44 =	vmul.f32 v34, v55  }
0x370: {  	v0 =	vadd.f32 v35, v0;
	v35 =	vld [tilespmem:s15+$0x0];
	v49 =	vmul.f32 v21, v55;
	v63 =	vmul.f32 v36, v56  }
0x371: {  	v18 =	vadd.f32 v22, v61;
	v34 =	vld [tilespmem:s15+$0xFFFFFF90];
	v28 =	vmul.f32 v28, v55;
	v48 =	vperm.xlane v13, v1  }
0x372: {  	v22 =	vadd.f32 v40, v50;
	v36 =	vld [tilespmem:s15+$0xC0];
	v37 =	vmul.f32 v37, v56;
	v61 =	vperm.xlane v0, v1  }
0x373: {  	v20 =	vadd.f32 v44, v10;
	v10 =	vld [tilespmem:s15+$0xFFFFFFD0];
	v31 =	vmul.f32 v31, v56;
	v13 =	vadd.f32 v13, v48  }
0x374: {  	v5 =	vmul.f32 v5, v55;
	v44 =	vld [tilespmem:s15+$0x80];
	v0 =	vadd.f32 v0, v61;
	v48 =	vmul.f32 v41, v56  }
0x375: {  	v6 =	vadd.f32 v62, v6;
	v41 =	vld [tilespmem:s15+$0x10];
	v50 =	vmul.f32 v32, v56;
	v43 =	vperm.xlane v13, v2  }
0x376: {  	v61 =	vperm.xlane v60, v4;
	v5 =	vadd.f32 v5, v31;
	v31 =	vld [tilespmem:s15+$0x90];
	v46 =	vperm.xlane v0, v2  }
0x377: {  	v32 =	vld [tilespmem:s15+$0x40];
	v34 =	vmul.f32 v34, v55;
	v21 =	vadd.f32 v33, v50;
	v13 =	vadd.f32 v13, v43  }
0x378: {  	v50 =	vmul.f32 v39, v56;
	v39 =	vld [tilespmem:s15+$0x110];
	v0 =	vadd.f32 v0, v46;
	v10 =	vmul.f32 v10, v55  }
0x379: {  	v53 =	vsel vm0, v6, v53;
	v36 =	vmul.f32 v36, v56;
	v43 =	vld [tilespmem:s15+$0x50];
	v47 =	vperm.xlane v13, v3  }
0x37a: {  	v46 =	vld [tilespmem:s15+$0x140];
	v44 =	vmul.f32 v44, v56;
	v42 =	vperm.xlane v0, v3;
	v10 =	vadd.f32 v10, v50  }
0x37b: {  	v31 =	vmul.f32 v31, v55;
	v50 =	vld [tilespmem:s15+$0x210];
	v9 =	vadd.f32 v13, v47;
	v13 =	vadd.f32 v49, v48  }
0x37c: {  	v32 =	vmul.f32 v32, v56;
	v54 =	vadd.f32 v0, v42;
	v0 =	vadd.f32 v60, v61;
	v42 =	vld [tilespmem:s15+$0xD0]  }
0x37d: {  	v48 =	vmov s16;
	v49 =	vperm.xlane v59, v4;
	v31 =	vadd.f32 v31, v44;
	v44 =	vld [tilespmem:s15+$0x200]  }
0x37e: {  	v60 =	vmul.f32 v35, v56;
	v61 =	vmul.f32 v41, v55;
	vm1 =	veq.s32 v48, v45;
	v45 =	vld [tilespmem:s15+$0x100]  }
0x37f: {  	v28 =	vadd.f32 v28, v63;
	v47 =	vperm.xlane v38, v4;
	v39 =	vmul.f32 v39, v55;
	v48 =	vld [tilespmem:s15+$0x180]  }
0x380: {  	v34 =	vadd.f32 v34, v37;
	v63 =	vmul.f32 v43, v55;
	v43 =	vld [tilespmem:s15+$0x1D0];
	v62 =	vperm.xlane v9, v4  }
0x381: {  	v37 =	vadd.f32 v59, v49;
	v59 =	vperm.xlane v58, v4;
	v33 =	vadd.f32 v61, v60;
	v49 =	vld [tilespmem:s15+$0x190]  }
0x382: {  	v38 =	vadd.f32 v38, v47;
	v47 =	vld [tilespmem:s15+$0x1C0];
	v61 =	vperm.xlane v24, v4;
	v52 =	vsel vm0, v0, v52  }
0x383: {  	v0 =	vld [tilespmem:$0x1FC30];
	v32 =	vadd.f32 v63, v32;
	v63 =	vperm.xlane v16, v4;
	v9 =	vadd.f32 v9, v62  }
0x384: {  	v62 =	vld [tilespmem:s15+$0x150];
	v40 =	vadd.f32 v58, v59;
	v58 =	vperm.xlane v29, v4;
	v59 =	vperm.xlane v26, v4  }
0x385: {  	v24 =	vadd.f32 v24, v61;
	v61 =	vld [tilespmem:s15+$0xFFFFFF20];
	v42 =	vmul.f32 v42, v55;
	v60 =	vmul.f32 v45, v56  }
0x386: {  	v29 =	vadd.f32 v29, v58;
	v58 =	vld [tilespmem:s15+$0xFFFFFDE0];
	v45 =	vmul.f32 v49, v55;
	v49 =	vperm.xlane v12, v4  }
0x387: {  	v44 =	vmul.f32 v44, v56;
	v26 =	vadd.f32 v26, v59;
	v59 =	vld [tilespmem:s15+$0xFFFFFE20];
	v43 =	vmul.f32 v43, v55  }
0x388: {  	v36 =	vadd.f32 v42, v36;
	v42 =	vmul.f32 v46, v56;
	v12 =	vadd.f32 v12, v49;
	v49 =	vld [tilespmem:s15+$0xFFFFFEE0]  }
0x389: {  	v46 =	vld [tilespmem:s15+$0xFFFFFDA0];
	v35 =	vadd.f32 v39, v60;
	v39 =	vmul.f32 v48, v56;
	v48 =	vperm.xlane v15, v4  }
0x38a: {  	v16 =	vadd.f32 v16, v63;
	v60 =	vld [tilespmem:s15+$0xFFFFFE60];
	v41 =	vmul.f32 v62, v55;
	v62 =	vperm.xlane v14, v4  }
0x38b: {  	v15 =	vadd.f32 v15, v48;
	v48 =	vld [tilespmem:s15+$0xFFFFFEA0];
	v39 =	vadd.f32 v45, v39;
	v45 =	vperm.xlane v19, v4  }
0x38c: {  	v14 =	vadd.f32 v14, v62;
	v41 =	vadd.f32 v41, v42;
	v42 =	vmul.f32 v47, v56;
	v62 =	vld [tilespmem:s15+$0xFFFFFFA0]  }
0x38d: {  	v56 =	vperm.xlane v8, v4;
	v19 =	vadd.f32 v19, v45;
	v45 =	vld [tilespmem:s15+$0xFFFFFF60];
	v6 =	vmul.f32 v49, v30  }
0x38e: {  	v63 =	vadd.f32 v43, v42;
	v42 =	vmul.f32 v50, v55;
	v50 =	vperm.xlane v18, v4;
	v55 =	vld [tilespmem:s15+$0xFFFFFFE0]  }
0x38f: {  	v8 =	vadd.f32 v8, v56;
	v56 =	vld [tilespmem:s15+$0x20];
	v13 =	vadd.f32 v6, v13;
	v6 =	vmul.f32 v61, v30  }
0x390: {  	v43 =	vmul.f32 v46, v30;
	v46 =	vmul.f32 v58, v30;
	v58 =	vld [tilespmem:$0x1FC20]  }
0x391: {  	v47 =	vperm.xlane v23, v4;
	v21 =	vadd.f32 v6, v21;
	v6 =	vld [tilespmem:$0x1FC40]  }
0x392: {  	v18 =	vadd.f32 v18, v50;
	v50 =	vld [tilespmem:s15+$0x60]  }
0x393: {  	v23 =	vadd.f32 v23, v47;
	v47 =	vperm.xlane v7, v4;
	v42 =	vadd.f32 v42, v44;
	v44 =	vld [tilespmem:s15+$0xE0]  }
0x394: {  	v17 =	vadd.f32 v43, v17;
	v43 =	vmul.f32 v59, v30;
	v59 =	vld [tilespmem:$0x1FC10]  }
0x395: {  	v7 =	vadd.f32 v7, v47;
	v47 =	vperm.xlane v11, v4;
	v22 =	vadd.f32 v46, v22;
	v46 =	vld [tilespmem:$0x1FC50]  }
0x396: {  	v61 =	vld [tilespmem:s15+$0x1E0];
	v49 =	vsel vm0, v38, v6;
	v6 =	vmul.f32 v55, v30  }
0x397: {  	v11 =	vadd.f32 v11, v47;
	v27 =	vadd.f32 v43, v27;
	v43 =	vld [tilespmem:s15+$0x160];
	v47 =	vmul.f32 v45, v30  }
0x398: {  	v45 =	vmul.f32 v62, v30;
	v62 =	vld [tilespmem:s15+$0x220];
	v10 =	vadd.f32 v6, v10;
	v6 =	vmul.f32 v56, v30  }
0x399: {  	v58 =	vsel vm1, v9, v58;
	v9 =	vld [tilespmem:s15+$0xA0]  }
0x39a: {  	v48 =	vmul.f32 v48, v30;
	v33 =	vadd.f32 v6, v33;
	v6 =	vld [tilespmem:$0x1FC80]  }
0x39b: {  	v28 =	vadd.f32 v47, v28;
	v47 =	vld [tilespmem:$0x1FC60];
	v59 =	vsel vm0, v25, v59;
	v25 =	vmul.f32 v60, v30  }
0x39c: {  	v60 =	vld [tilespmem:s15+$0x120]  }
0x39d: {  	v20 =	vadd.f32 v25, v20;
	v25 =	vadd.f32 v48, v5;
	v5 =	vld [tilespmem:s15+$0x1A0]  }
0x39e: {  	v48 =	vsel vm0, v29, v46;
	v29 =	vadd.f32 v45, v34;
	v34 =	vld [tilespmem:s15+$0xFFFFFDF0]  }
0x39f: {  	v45 =	vsel vm0, v14, v6;
	v6 =	vld [tilespmem:$0x1FC90]  }
0x3a0: {  	v55 =	vld [tilespmem:s15+$0xFFFFFDB0]  }
0x3a1: {  	v0 =	vsel vm0, v40, v0;
	v40 =	vmul.f32 v44, v30;
	v56 =	vld [tilespmem:$0x1FC70]  }
0x3a2: {  	v38 =	vmul.f32 v50, v30;
	v50 =	vld [tilespmem:s15+$0xFFFFFE70]  }
0x3a3: {  	v14 =	vadd.f32 v40, v36;
	v40 =	vmul.f32 v43, v30;
	v43 =	vld [tilespmem:$0x1FCB0]  }
0x3a4: {  	v44 =	vsel vm0, v15, v6;
	v6 =	vld [tilespmem:$0x1FCA0]  }
0x3a5: {  	v61 =	vmul.f32 v61, v30;
	v47 =	vsel vm0, v26, v47;
	v26 =	vld [tilespmem:s15+$0xFFFFFE30]  }
0x3a6: {  	v9 =	vmul.f32 v9, v30;
	v60 =	vmul.f32 v60, v30;
	v46 =	vsel vm0, v24, v56;
	v56 =	vld [tilespmem:s15+$0xFFFFFEB0]  }
0x3a7: {  	v5 =	vmul.f32 v5, v30;
	v30 =	vmul.f32 v62, v30;
	v62 =	vld [tilespmem:$0x1FCF0]  }
0x3a8: {  	v15 =	vadd.f32 v9, v31;
	v9 =	vsel vm0, v16, v43;
	v43 =	vld [tilespmem:$0x1FCD0]  }
0x3a9: {  	v6 =	vsel vm0, v12, v6;
	v12 =	vadd.f32 v60, v35;
	v60 =	vld [tilespmem:$0x1FCC0]  }
0x3aa: {  	v31 =	vld [tilespmem:s15+$0xFFFFFEF0]  }
0x3ab: {  	v16 =	vld [tilespmem:s15+$0xFFFFFF70]  }
0x3ac: {  	v35 =	vld [tilespmem:s15+$0xFFFFFFB0]  }
0x3ad: {  	v41 =	vadd.f32 v40, v41;
	v40 =	vsel vm0, v23, v43;
	v23 =	vld [tilespmem:s15+$0xFFFFFFF0]  }
0x3ae: {  	v51 =	vsel vm0, v37, v51;
	v37 =	vsel vm0, v19, v60;
	v60 =	vld [tilespmem:$0x1FCE0]  }
0x3af: {  	vm2 =	vmmov vm1;
	v26 =	vmul.f32 v26, v57;
	v24 =	vadd.f32 v38, v32;
	v32 =	vld [tilespmem:s15+$0xFFFFFF30]  }
0x3b0: {  	v5 =	vadd.f32 v5, v39;
	v36 =	vsel vm0, v8, v62;
	v62 =	vmul.f32 v31, v57;
	v19 =	vld [tilespmem:s15+$0x30]  }
0x3b1: {  	v26 =	vadd.f32 v26, v27;
	v30 =	vadd.f32 v30, v42;
	v43 =	vld [tilespmem:s15+$0xB0];
	v16 =	vmul.f32 v16, v57  }
0x3b2: {  	v31 =	vld [tilespmem:s15+$0x130];
	v13 =	vadd.f32 v62, v13;
	v42 =	vmul.f32 v35, v57;
	v23 =	vmul.f32 v23, v57  }
0x3b3: {  	v62 =	vld [tilespmem:s15+$0x230];
	v38 =	vsel vm0, v7, v60;
	v7 =	vadd.f32 v61, v63;
	v61 =	vmul.f32 v55, v57  }
0x3b4: {  	v16 =	vadd.f32 v16, v28;
	v63 =	vmul.f32 v34, v57;
	v34 =	vld [tilespmem:s15+$0x70];
	v55 =	vmul.f32 v50, v57  }
0x3b5: {  	v10 =	vadd.f32 v23, v10;
	v60 =	vmul.f32 v56, v57;
	v50 =	vld [tilespmem:s15+$0x1B0];
	v19 =	vmul.f32 v19, v57  }
0x3b6: {  	v56 =	vld [tilespmem:s15+$0x1F0];
	v17 =	vadd.f32 v61, v17;
	v8 =	vadd.f32 v63, v22;
	v63 =	vmul.f32 v32, v57  }
0x3b7: {  	v20 =	vadd.f32 v55, v20;
	v22 =	vadd.f32 v60, v25;
	v60 =	vmul.f32 v43, v57  }
0x3b8: {  	v43 =	vperm.xlane v26, v1;
	v21 =	vadd.f32 v63, v21;
	v63 =	vmul.f32 v31, v57  }
0x3b9: {  	v25 =	vadd.f32 v42, v29;
	v39 =	vperm.xlane v17, v1;
	v42 =	vperm.xlane v8, v1  }
0x3ba: {  	v61 =	vld [tilespmem:s15+$0xF0];
	v19 =	vadd.f32 v19, v33;
	v55 =	vmul.f32 v34, v57;
	v35 =	vmul.f32 v50, v57  }
0x3bb: {  	v32 =	vld [tilespmem:s15+$0x170];
	v15 =	vadd.f32 v60, v15;
	v27 =	vmul.f32 v56, v57;
	v50 =	vmul.f32 v62, v57  }
0x3bc: {  	v26 =	vadd.f32 v26, v43;
	v56 =	vperm.xlane v22, v1;
	v62 =	vperm.xlane v25, v1  }
0x3bd: {  	v12 =	vadd.f32 v63, v12;
	v17 =	vadd.f32 v17, v39;
	v60 =	vperm.xlane v21, v1  }
0x3be: {  	v8 =	vadd.f32 v8, v42;
	v63 =	vperm.xlane v10, v1;
	v39 =	vperm.xlane v19, v1  }
0x3bf: {  	v42 =	vperm.xlane v15, v1;
	v61 =	vmul.f32 v61, v57;
	v23 =	vadd.f32 v55, v24  }
0x3c0: {  	v34 =	vmul.f32 v32, v57;
	v5 =	vadd.f32 v35, v5;
	v7 =	vadd.f32 v27, v7  }
0x3c1: {  	v55 =	vperm.xlane v20, v1;
	v30 =	vadd.f32 v50, v30;
	v22 =	vadd.f32 v22, v56  }
0x3c2: {  	v57 =	vperm.xlane v13, v1;
	v25 =	vadd.f32 v25, v62;
	v21 =	vadd.f32 v21, v60  }
0x3c3: {  	v50 =	vperm.xlane v12, v1;
	v10 =	vadd.f32 v10, v63;
	v19 =	vadd.f32 v19, v39  }
0x3c4: {  	v15 =	vadd.f32 v15, v42;
	v62 =	vperm.xlane v8, v2;
	v63 =	vperm.xlane v26, v2  }
0x3c5: {  	v14 =	vadd.f32 v61, v14;
	v29 =	vadd.f32 v34, v41;
	v61 =	vperm.xlane v16, v1  }
0x3c6: {  	v20 =	vadd.f32 v20, v55;
	v13 =	vadd.f32 v13, v57;
	v41 =	vperm.xlane v23, v1  }
0x3c7: {  	v56 =	vperm.xlane v5, v1;
	v57 =	vperm.xlane v7, v1;
	v12 =	vadd.f32 v12, v50  }
0x3c8: {  	v60 =	vperm.xlane v30, v1;
	v8 =	vadd.f32 v8, v62;
	v26 =	vadd.f32 v26, v63  }
0x3c9: {  	v16 =	vadd.f32 v16, v61;
	v43 =	vperm.xlane v14, v1;
	v55 =	vperm.xlane v29, v1  }
0x3ca: {  	v23 =	vadd.f32 v23, v41;
	v61 =	vperm.xlane v17, v2;
	v5 =	vadd.f32 v5, v56  }
0x3cb: {  	v39 =	vperm.xlane v20, v2;
	v7 =	vadd.f32 v7, v57;
	v41 =	vperm.xlane v22, v2  }
0x3cc: {  	v30 =	vadd.f32 v30, v60;
	v42 =	vperm.xlane v13, v2;
	v56 =	vperm.xlane v10, v2  }
0x3cd: {  	v57 =	vperm.xlane v19, v2;
	v63 =	vperm.xlane v12, v2;
	v14 =	vadd.f32 v14, v43  }
0x3ce: {  	v29 =	vadd.f32 v29, v55;
	v17 =	vadd.f32 v17, v61;
	v43 =	vperm.xlane v21, v2  }
0x3cf: {  	v50 =	vperm.xlane v16, v2;
	v55 =	vperm.xlane v25, v2;
	v20 =	vadd.f32 v20, v39  }
0x3d0: {  	v22 =	vadd.f32 v22, v41;
	v13 =	vadd.f32 v13, v42;
	v60 =	vperm.xlane v23, v2  }
0x3d1: {  	v61 =	vperm.xlane v15, v2;
	v10 =	vadd.f32 v10, v56;
	v19 =	vadd.f32 v19, v57  }
0x3d2: {  	v41 =	vperm.xlane v5, v2;
	v42 =	vperm.xlane v7, v2;
	v12 =	vadd.f32 v12, v63  }
0x3d3: {  	v56 =	vperm.xlane v26, v3;
	v21 =	vadd.f32 v21, v43;
	v16 =	vadd.f32 v16, v50  }
0x3d4: {  	v62 =	vperm.xlane v14, v2;
	v25 =	vadd.f32 v25, v55;
	v39 =	vperm.xlane v29, v2  }
0x3d5: {  	v23 =	vadd.f32 v23, v60;
	v15 =	vadd.f32 v15, v61;
	v43 =	vperm.xlane v30, v2  }
0x3d6: {  	v50 =	vperm.xlane v17, v3;
	v55 =	vperm.xlane v8, v3;
	v5 =	vadd.f32 v5, v41  }
0x3d7: {  	v57 =	vperm.xlane v20, v3;
	v7 =	vadd.f32 v7, v42;
	v60 =	vperm.xlane v22, v3  }
0x3d8: {  	v61 =	vperm.xlane v13, v3;
	v26 =	vadd.f32 v26, v56;
	v41 =	vperm.xlane v10, v3  }
0x3d9: {  	v42 =	vperm.xlane v19, v3;
	v14 =	vadd.f32 v14, v62;
	v24 =	vadd.f32 v29, v39  }
0x3da: {  	v56 =	vperm.xlane v12, v3;
	v30 =	vadd.f32 v30, v43;
	v17 =	vadd.f32 v17, v50  }
0x3db: {  	v62 =	vperm.xlane v21, v3;
	v8 =	vadd.f32 v8, v55;
	v63 =	vperm.xlane v16, v3  }
0x3dc: {  	v39 =	vperm.xlane v25, v3;
	v20 =	vadd.f32 v20, v57;
	v22 =	vadd.f32 v22, v60  }
0x3dd: {  	v13 =	vadd.f32 v13, v61;
	v43 =	vperm.xlane v23, v3;
	v50 =	vperm.xlane v15, v3  }
0x3de: {  	v10 =	vadd.f32 v10, v41;
	v19 =	vadd.f32 v19, v42;
	v60 =	vperm.xlane v5, v3  }
0x3df: {  	v61 =	vperm.xlane v7, v3;
	v35 =	vperm.xlane v26, v4;
	v12 =	vadd.f32 v12, v56  }
0x3e0: {  	v21 =	vadd.f32 v21, v62;
	v16 =	vadd.f32 v16, v63;
	v55 =	vperm.xlane v14, v3  }
0x3e1: {  	v25 =	vadd.f32 v25, v39;
	v57 =	vperm.xlane v24, v3;
	v23 =	vadd.f32 v23, v43  }
0x3e2: {  	v15 =	vadd.f32 v15, v50;
	v62 =	vperm.xlane v30, v3;
	v63 =	vperm.xlane v17, v4  }
0x3e3: {  	v5 =	vadd.f32 v5, v60;
	v27 =	vadd.f32 v7, v61;
	v34 =	vperm.xlane v8, v4  }
0x3e4: {  	v28 =	vld [tilespmem:$0x1FD20];
	v39 =	vperm.xlane v20, v4;
	v41 =	vperm.xlane v22, v4;
	v50 =	vmov s13  }
0x3e5: {  	v33 =	vld [tilespmem:$0x1FDB0];
	v26 =	vadd.f32 v26, v35;
	v42 =	vperm.xlane v13, v4;
	v29 =	vmul.u32 $0x14, v50  }
0x3e6: {  	v60 =	vperm.xlane v19, v4;
	v14 =	vadd.f32 v14, v55;
	v22 =	vadd.f32 v22, v41;
	v41 =	vld [tilespmem:$0x1FD30]  }
0x3e7: {  	v35 =	vld [tilespmem:$0x1FD40];
	v24 =	vadd.f32 v24, v57;
	v7 =	vadd.f32 v30, v62;
	v29 =	vbroadcast v29, $0x0  }
0x3e8: {  	v50 =	vld [tilespmem:$0x1FD80];
	v17 =	vadd.f32 v17, v63;
	v8 =	vadd.f32 v8, v34;
	v61 =	vperm.xlane v23, v4  }
0x3e9: {  	v56 =	vperm.xlane v25, v4;
	v13 =	vadd.f32 v13, v42;
	v42 =	vld [tilespmem:$0x1FD50];
	v34 =	vadd.s32 v28, v29  }
0x3ea: {  	v57 =	vperm.xlane v10, v4;
	v23 =	vadd.f32 v23, v61;
	v61 =	vld [tilespmem:$0x1FD90];
	v28 =	vand.u32 $0xFFFFFFF8, v34  }
0x3eb: {  	v43 =	vperm.xlane v21, v4;
	v25 =	vadd.f32 v25, v56;
	v56 =	vld [tilespmem:$0x1FD60];
	v28 =	vor.u32 v41, v28  }
0x3ec: {  	v20 =	vadd.f32 v20, v39;
	v55 =	vperm.xlane v16, v4;
	v10 =	vadd.f32 v10, v57;
	v57 =	vld [tilespmem:$0x1FD70]  }
0x3ed: {  	v62 =	vperm.xlane v15, v4;
	v21 =	vadd.f32 v21, v43;
	v17 =	vsel vm2, v17, v59;
	v59 =	vld [tilespmem:$0x1FDA0]  }
0x3ee: {  	v16 =	vadd.f32 v16, v55;
	v63 =	vperm.xlane v14, v4;
	v8 =	vsel vm2, v8, v53;
	v53 =	vld [tilespmem:$0x1FDF0]  }
0x3ef: {  	[tilespmem:s13+$0x16540] =	vst v58;
	v15 =	vadd.f32 v15, v62;
	v43 =	vadd.s32 v42, v29;
	v42 =	vld [tilespmem:$0x1FDE0];
	v62 =	vadd.s32 v61, v29  }
0x3f0: {  	v39 =	vadd.s32 v35, v29;
	v14 =	vadd.f32 v14, v63;
	v63 =	vand.u32 $0xFFFFFFF8, v62;
	[tilespmem:v28+s0+$0x0] =	vst.idx.msk $0xffff, v17;
	v28 =	vld [tilespmem:$0x1FDC0]  }
0x3f1: {  	v35 =	vsel vm2, v20, v51;
	v30 =	vand.u32 $0xFFFFFFF8, v39;
	v17 =	vor.u32 v33, v63;
	v63 =	vld [tilespmem:$0x1FE20]  }
0x3f2: {  	v51 =	vld [tilespmem:$0x1FDD0];
	v55 =	vadd.s32 v50, v29;
	v31 =	vand.u32 $0xFFFFFFF8, v43;
	v30 =	vor.u32 v56, v30  }
0x3f3: {  	v19 =	vadd.f32 v19, v60;
	v50 =	vld [tilespmem:$0x1FE40];
	v32 =	vand.u32 $0xFFFFFFF8, v55;
	v31 =	vor.u32 v57, v31  }
0x3f4: {  	v60 =	vperm.xlane v12, v4;
	v32 =	vor.u32 v59, v32;
	v55 =	vadd.s32 v53, v29;
	v62 =	vld [tilespmem:$0x1FE00]  }
0x3f5: {  	v43 =	vadd.s32 v42, v29;
	v42 =	vld [tilespmem:$0x1FE30];
	v34 =	vadd.s32 v28, v29;
	v28 =	vand.u32 $0xFFFFFFF8, v55  }
0x3f6: {  	v61 =	vor.u32 v63, v28;
	v28 =	vld [tilespmem:$0x1FE10]  }
0x3f7: {  	v26 =	vsel vm2, v26, v52;
	v12 =	vadd.f32 v12, v60;
	[tilespmem:v30+s0+$0x0] =	vst.idx.msk $0xffff, v8  }
0x3f8: {  	v58 =	vperm.xlane v24, v4;
	v0 =	vsel vm2, v22, v0;
	[tilespmem:v31+s0+$0x0] =	vst.idx.msk $0xffff, v26;
	v39 =	vand.u32 $0xFFFFFFF8, v34  }
0x3f9: {  	v6 =	vsel vm2, v23, v6;
	v52 =	vand.u32 $0xFFFFFFF8, v43;
	[tilespmem:v32+s0+$0x0] =	vst.idx.msk $0xffff, v35;
	v55 =	vld [tilespmem:$0x1FE50];
	v20 =	vor.u32 v51, v39  }
0x3fa: {  	v22 =	vld [tilespmem:$0x1FE60];
	v26 =	vor.u32 v62, v52;
	v52 =	vadd.s32 v50, v29;
	[tilespmem:v17+s0+$0x0] =	vst.idx.msk $0xffff, v0  }
0x3fb: {  	v0 =	vadd.f32 v24, v58;
	v43 =	vadd.s32 v42, v29;
	v32 =	vadd.s32 v28, v29  }
0x3fc: {  	v34 =	vsel vm2, v13, v49;
	v49 =	vand.u32 $0xFFFFFFF8, v43;
	v35 =	vand.u32 $0xFFFFFFF8, v32;
	v32 =	vld [tilespmem:$0x1FE70]  }
0x3fd: {  	v39 =	vsel vm2, v21, v48;
	v48 =	vsel vm2, v16, v47;
	v13 =	vor.u32 v41, v35;
	v35 =	vld [tilespmem:$0x1FE80]  }
0x3fe: {  	v53 =	vand.u32 $0xFFFFFFF8, v52;
	v43 =	vld [tilespmem:$0x1FE90];
	v16 =	vor.u32 v56, v49;
	v58 =	vadd.s32 v55, v29;
	[tilespmem:v20+s0+$0x0] =	vst.idx.msk $0xffff, v34  }
0x3ff: {  	v17 =	vor.u32 v57, v53;
	v47 =	vld [tilespmem:$0x1FEA0];
	v20 =	vand.u32 $0xFFFFFFF8, v58;
	[tilespmem:v26+s0+$0x0] =	vst.idx.msk $0xffff, v39;
	v26 =	vadd.s32 v22, v29  }
0x400: {  	v28 =	vsel vm2, v10, v45;
	v20 =	vor.u32 v59, v20;
	[tilespmem:v61+s0+$0x0] =	vst.idx.msk $0xffff, v48;
	v30 =	vand.u32 $0xFFFFFFF8, v26  }
0x401: {  	v61 =	vsel vm2, v25, v46;
	v10 =	vor.u32 v33, v30;
	v33 =	vadd.s32 v32, v29  }
0x402: {  	v31 =	vsel vm2, v19, v44;
	[tilespmem:v13+s0+$0x0] =	vst.idx.msk $0xffff, v61;
	v34 =	vand.u32 $0xFFFFFFF8, v33;
	v39 =	vadd.s32 v35, v29  }
0x403: {  	v44 =	vadd.s32 v43, v29;
	[tilespmem:v16+s0+$0x0] =	vst.idx.msk $0xffff, v28;
	v8 =	vor.u32 v51, v34;
	v42 =	vand.u32 $0xFFFFFFF8, v39  }
0x404: {  	v48 =	vadd.s32 v47, v29;
	v16 =	vand.u32 $0xFFFFFFF8, v44;
	[tilespmem:v17+s0+$0x0] =	vst.idx.msk $0xffff, v31;
	v13 =	vor.u32 v62, v42  }
0x405: {  	v9 =	vsel vm2, v15, v9;
	v50 =	vand.u32 $0xFFFFFFF8, v48;
	v46 =	vor.u32 v63, v16;
	[tilespmem:v20+s0+$0x0] =	vst.idx.msk $0xffff, v6  }
0x406: {  	v60 =	vperm.xlane v5, v4;
	v51 =	vld [tilespmem:$0x1FEB0];
	[tilespmem:v10+s0+$0x0] =	vst.idx.msk $0xffff, v9;
	v10 =	vor.u32 v41, v50  }
0x407: {  	v49 =	vsel vm2, v14, v37;
	v55 =	vld [tilespmem:$0x1FEC0]  }
0x408: {  	v5 =	vadd.f32 v5, v60;
	v12 =	vsel vm2, v12, v40;
	[tilespmem:v8+s0+$0x0] =	vst.idx.msk $0xffff, v49  }
0x409: {  	v0 =	vsel vm2, v0, v38;
	[tilespmem:v13+s0+$0x0] =	vst.idx.msk $0xffff, v12  }
0x40a: {  	v5 =	vsel vm2, v5, v36;
	[tilespmem:v46+s0+$0x0] =	vst.idx.msk $0xffff, v0;
	v0 =	vperm.xlane v7, v4  }
0x40b: {  	v52 =	vadd.s32 v51, v29;
	[tilespmem:v10+s0+$0x0] =	vst.idx.msk $0xffff, v5;
	v5 =	vld [tilespmem:$0x1FD00]  }
0x40c: {  	v58 =	vadd.s32 v55, v29;
	v53 =	vand.u32 $0xFFFFFFF8, v52;
	v0 =	vadd.f32 v7, v0;
	v7 =	vld [tilespmem:$0x1FD10]  }
0x40d: {  	v60 =	vld [tilespmem:$0x1FED0];
	v6 =	vperm.xlane v27, v4;
	v9 =	vand.u32 $0xFFFFFFF8, v58;
	v8 =	vor.u32 v56, v53  }
0x40e: {  	v9 =	vor.u32 v57, v9  }
0x40f: {  	v6 =	vadd.f32 v27, v6  }
0x410: {  	v5 =	vsel vm0, v18, v5  }
0x411: {  	v7 =	vsel vm0, v11, v7;
	v5 =	vsel vm2, v6, v5  }
0x412: {  	v61 =	vadd.s32 v60, v29;
	[tilespmem:v8+s0+$0x0] =	vst.idx.msk $0xffff, v5;
	v0 =	vsel vm2, v0, v7  }
0x413: {  	v12 =	vand.u32 $0xFFFFFFF8, v61;
	[tilespmem:v9+s0+$0x0] =	vst.idx.msk $0xffff, v0;
	v0 =	vld [tilespmem:$0x1FC00]  }
0x414: {  	v62 =	vperm.xlane v54, v4;
	v12 =	vor.u32 v59, v12  }
.Ltmp3:
0x415: {  	_ = 	snop;
	(pc) =	sbr.rel @p0 .LBB2_7-.Ltmp3, $3  }
0x416: {  	v63 =	vadd.f32 v54, v62;
	_ =	sdelay $0x1  }
0x417: {  	v0 =	vsel vm1, v63, v0  }
0x418: {  	p1 =	por $0x0, $0x0;
	s13 =	simm.s32 $0x10;
	v45 =	vlaneseq.u32;
	[tilespmem:v12+s0+$0x0] =	vst.idx.msk $0xffff, v0  }
0x419: {  	s13 =	sadd.s32 s7, s17  }
0x41a: {  	[hbm4b:s13+s2] =	stream.linear.scatter [tilespmem:s3], [sflag:$0x3], $0x20, $0x38;
	[tilespmem:$0x167E0] =	vst v63  }
0x41b: {  	s11 =	sadd.s32 $0x1, s11;
	_ =	swait.ge [sflag:s23], $0x20  }
0x41c: {  	p0 =	sne.s32 s11, $0x8;
	[sflag:s23] =	ssyncset.done $0x0  }
.Ltmp4:
0x41d: {  	s12 =	sadd.s32 s8, s12;
	[sflag:s23] =	ssyncadd.s32 $0xFFFFFFE0;
	(pc) =	sbr.rel @p0 .LBB2_2-.Ltmp4, $4  }
0x41e: {  	[hbm4b:s12+s2] =	stream.linear.scatter [tilespmem:s0], [sflag:$0x3], $0x280, $0x38;
	[tilespmem:$0x167E0] =	vst v63  }
0x41f: {  	_ =	swait.ge [sflag:s23], $0x280  }
0x420: {  	[sflag:s23] =	ssyncset.done $0x0  }
0x421: {  	[sflag:s23] =	ssyncadd.s32 $0xFFFFFD80  }
0x422: {  	_ =	swait.ge [sflag:s19], $0x800  }
0x423: {  	[sflag:s19] =	ssyncset.done $0x0  }
0x424: {  	[sflag:s19] =	ssyncadd.s32 $0xFFFFF800  }
0x425: {  	_ =	swait.ge [sflag:s19], $0x800  }
0x426: {  	[sflag:s19] =	ssyncset.done $0x0  }
0x427: {  	[sflag:s19] =	ssyncadd.s32 $0xFFFFF800  }
0x428: {  	_ =	swait.ge [sflag:s19], $0xA000  }
0x429: {  	s12 =	rddreg [dreg:$0x7]  }
0x42a: {  	s11 =	rddreg [dreg:$0x6];
	s12 =	sadd.s32 $0x1, s12  }
0x42b: {  	p0 =	sne.s32 s12, s11  }
.Ltmp5:
0x42c: {  	_ = 	snop;
	(pc) =	sbr.rel @p0 .LBB2_1-.Ltmp5, $3  }
0x42d: {  	_ =	sdelay $0x1  }
0x42e: {  	[sflag:s19] =	ssyncset.done $0x0  }
0x42f: {  	[sflag:s19] =	ssyncadd.s32 $0xFFFF6000  }
0x430: {  	_ =	sfence.sel $0x180000  }
0x431: {  	[bflag:$0x0] =	sbarrier.arrive $0xFFFF  }
0x432: {  	_ =	strace $0x9000004A  }
0x433: {  	s0 =	stileid.u32;
	[bflag:$0x2] =	sbarrier.arrive $0xFFFF  }
0x434: {  	p0 =	sne.s32 s0, $0x0;
	s0 =	rddreg [dreg:$0x2]  }
0x435: {  	s0 =	sadd.s32 @!p0 $0x100000, s0  }
0x436: {  	[sflag:s0] =	ssyncadd.tile.s32 @!p0 $0x1;
	_ =	shalt  }
.Lfunc_end2:
_tile_overlayer_lowered:
.L_overlay_start_2:
0x437: {  	(tag) =	ssettag $0x2  }
0x438: {  	s0 =	rddreg [dreg:$0x0];
	s2 =	stileid.u32  }
0x439: {  	s1 =	rddreg [dreg:$0x1];
	p0 =	sne.s32 s2, $0x0  }
0x43a: {  	s3 =	rddreg [dreg:$0x2];
	[bflag:$0x3] =	sbarrier.arrive $0xFFFF;
	s2 =	simm.s32 @!p0 $0x1C03  }
0x43b: {  	[timem:s3], [sflag:s2] =	dma.local @!p0 [hbm:s0], s1  }
0x43c: {  	s0 =	simm.s32 @!p0 $0x3  }
0x43d: {  	_ =	swait.ge @!p0 [sflag:s0], s1  }
0x43e: {  	s1 =	ssub.s32 @!p0 $0x0, s1;
	[sflag:s0] =	ssyncset.done @!p0 $0x0  }
0x43f: {  	[sflag:s0] =	ssyncadd.s32 @!p0 s1  }
0x440: {  	[bflag:$0x3] =	sbarrier.arrive $0xFFFF  }
0x441: {  	_ =	shalt  }

</sc_bundles>
